<compile_context>
chip_gen: v7x
topology: tpu7x:2x2x1
jax: 0.10.2.dev20260603
libtpu: 0.0.44.dev20260713+nightly
codegen_flags: <defaults>
</compile_context>

<pallas_src>
import functools

import jax
import jax.numpy as jnp
from jax import lax
from jax.experimental import pallas as pl
from jax.experimental.pallas import tpu as pltpu
from jax.experimental.pallas import tpu_sc as plsc

N = 10000
E = 320000
D = 128
NC = 2
NS = 16
NW = NC * NS
EPT = E // NW
CH = 80
NQ = 16
NCHP = NQ * 8
EPTP = NCHP * CH
NPAD = 10112
RPT = NPAD // NS

_mesh = plsc.VectorSubcoreMesh(
    core_axis_name="c", subcore_axis_name="s", num_cores=NC, num_subcores=NS
)


@functools.partial(
    pl.kernel,
    out_type=jax.ShapeDtypeStruct((NW, N), jnp.float32),
    mesh=_mesh,
    scratch_types=[
        pltpu.VMEM((EPT,), jnp.int32),
        pltpu.VMEM((N,), jnp.float32),
    ],
    compiler_params=pltpu.CompilerParams(needs_layout_passes=False),
)
def _deg_kernel(dst_hbm, zn_hbm, deg_hbm, dstv, degv):
    cid = lax.axis_index("c")
    sid = lax.axis_index("s")
    w = sid * NC + cid
    pltpu.sync_copy(dst_hbm.at[w], dstv)
    pltpu.sync_copy(zn_hbm, degv)
    ones = jnp.ones((16,), jnp.float32)

    @pl.loop(0, EPT // 16)
    def _(i):
        idx = dstv[pl.ds(i * 16, 16)]
        plsc.addupdate_scatter(degv, [idx], ones)

    pltpu.sync_copy(degv, deg_hbm.at[w])


@functools.partial(
    pl.kernel,
    out_type=[
        jax.ShapeDtypeStruct((NPAD, D), jnp.float32),
        jax.ShapeDtypeStruct((NPAD, D), jnp.float32),
    ],
    mesh=_mesh,
    scratch_types=[
        pltpu.VMEM((2, 8, CH), jnp.int32),
        pltpu.VMEM((NCHP, CH), jnp.int32),
        pltpu.VMEM((2 * CH, D), jnp.float32),
        pltpu.VMEM_SHARED((NPAD, D), jnp.float32),
        [pltpu.SemaphoreType.DMA] * 2,
        [pltpu.SemaphoreType.DMA] * 2,
    ],
    compiler_params=pltpu.CompilerParams(needs_layout_passes=False),
)
def _edge_kernel(src_hbm, dst_hbm, p_hbm, zr_hbm, acc0_hbm, acc1_hbm,
                 srcv, dstv, rows, acc_sh, isems, gsems):
    cid = lax.axis_index("c")
    sid = lax.axis_index("s")
    w = sid * NC + cid
    pltpu.sync_copy(dst_hbm.at[w], dstv)
    pltpu.sync_copy(zr_hbm, acc_sh.at[pl.ds(sid * RPT, RPT)])
    plsc.subcore_barrier()

    bufs = [rows.at[pl.ds(b * CH, CH)] for b in range(2)]

    def idx_start(q, s):
        pltpu.async_copy(src_hbm.at[w, q], srcv.at[s], isems[s])

    def idx_wait(q, s):
        pltpu.make_async_copy(src_hbm.at[w, q], srcv.at[s], isems[s]).wait()

    def g_start(s, j):
        pltpu.async_copy(p_hbm.at[srcv.at[s, j]], bufs[j % 2], gsems[j % 2])

    def g_wait(s, j):
        pltpu.make_async_copy(p_hbm.at[srcv.at[s, j]], bufs[j % 2],
                              gsems[j % 2]).wait()

    def scat(c, j):
        pltpu.sync_copy(bufs[j % 2], acc_sh.at[dstv.at[c]], add=True)

    idx_start(0, 0)
    idx_wait(0, 0)
    idx_start(1, 1)
    g_start(0, 0)

    def super_chunk(qbase, s, pf_wait, start_next):
        for j in range(8):
            c = qbase * 8 + j
            if j == 7:
                if pf_wait is not None:
                    idx_wait(pf_wait, s ^ 1)
                    g_start(s ^ 1, 0)
            else:
                g_start(s, j + 1)
            g_wait(s, j)
            scat(c, j)
            if j == 7 and start_next:
                idx_start(pf_wait + 1, s)

    @pl.loop(0, NQ // 2 - 1)
    def _(g):
        q = g * 2
        super_chunk(q, 0, q + 1, True)
        super_chunk(q + 1, 1, q + 2, True)

    q = NQ - 2
    super_chunk(q, 0, q + 1, False)
    super_chunk(q + 1, 1, None, False)

    plsc.subcore_barrier()

    @pl.when(cid == 0)
    def _():
        pltpu.sync_copy(acc_sh.at[pl.ds(sid * RPT, RPT)],
                        acc0_hbm.at[pl.ds(sid * RPT, RPT)])

    @pl.when(cid == 1)
    def _():
        pltpu.sync_copy(acc_sh.at[pl.ds(sid * RPT, RPT)],
                        acc1_hbm.at[pl.ds(sid * RPT, RPT)])


BR = 1024
GRID = (N + BR - 1) // BR


def _row_mask():
    i = pl.program_id(0)
    rid = lax.broadcasted_iota(jnp.int32, (BR, 1), 0) + i * BR
    return rid < N


def _tc_first_body(degp_ref, x_ref, w_ref, p_ref, dinv_ref):
    deg = jnp.sum(degp_ref[...], axis=0) + 1.0
    dinv = lax.rsqrt(deg)[:, None]
    h = jnp.dot(x_ref[...], w_ref[...], preferred_element_type=jnp.float32)
    p_ref[...] = jnp.where(_row_mask(), h * dinv, 0.0)
    dinv_ref[...] = dinv


_tc_first = pl.pallas_call(
    _tc_first_body,
    grid=(GRID,),
    in_specs=[
        pl.BlockSpec((NW, BR), lambda i: (0, i)),
        pl.BlockSpec((BR, D), lambda i: (i, 0)),
        pl.BlockSpec((D, D), lambda i: (0, 0)),
    ],
    out_specs=[
        pl.BlockSpec((BR, D), lambda i: (i, 0)),
        pl.BlockSpec((BR, 1), lambda i: (i, 0)),
    ],
    out_shape=[
        jax.ShapeDtypeStruct((NPAD, D), jnp.float32),
        jax.ShapeDtypeStruct((N, 1), jnp.float32),
    ],
)


def _tc_mid_body(a0_ref, a1_ref, p_ref, dinv_ref, b_ref, w_ref, out_ref):
    dinv = dinv_ref[...]
    z = dinv * (a0_ref[...] + a1_ref[...] + p_ref[...]) + b_ref[...]
    h = jnp.maximum(z, 0.0)
    out_ref[...] = jnp.where(
        _row_mask(),
        jnp.dot(h, w_ref[...], preferred_element_type=jnp.float32) * dinv,
        0.0)


_tc_mid = pl.pallas_call(
    _tc_mid_body,
    grid=(GRID,),
    in_specs=[
        pl.BlockSpec((BR, D), lambda i: (i, 0)),
        pl.BlockSpec((BR, D), lambda i: (i, 0)),
        pl.BlockSpec((BR, D), lambda i: (i, 0)),
        pl.BlockSpec((BR, 1), lambda i: (i, 0)),
        pl.BlockSpec((1, D), lambda i: (0, 0)),
        pl.BlockSpec((D, D), lambda i: (0, 0)),
    ],
    out_specs=pl.BlockSpec((BR, D), lambda i: (i, 0)),
    out_shape=jax.ShapeDtypeStruct((NPAD, D), jnp.float32),
)


def _tc_last_body(a0_ref, a1_ref, p_ref, dinv_ref, b_ref, out_ref):
    z = dinv_ref[...] * (a0_ref[...] + a1_ref[...] + p_ref[...]) + b_ref[...]
    out_ref[...] = z


_tc_last = pl.pallas_call(
    _tc_last_body,
    grid=(GRID,),
    in_specs=[
        pl.BlockSpec((BR, D), lambda i: (i, 0)),
        pl.BlockSpec((BR, D), lambda i: (i, 0)),
        pl.BlockSpec((BR, D), lambda i: (i, 0)),
        pl.BlockSpec((BR, 1), lambda i: (i, 0)),
        pl.BlockSpec((1, D), lambda i: (0, 0)),
    ],
    out_specs=pl.BlockSpec((BR, D), lambda i: (i, 0)),
    out_shape=jax.ShapeDtypeStruct((N, D), jnp.float32),
)


def kernel(x, edge_index, W1, b1, W2, b2):
    src2 = edge_index[0].reshape(NW, EPT)
    dst2 = edge_index[1].reshape(NW, EPT)
    npd = NW * (EPTP - EPT)
    k = jnp.arange(npd, dtype=jnp.int32)
    pad_s = (N + k % (NPAD - N)).reshape(NW, EPTP - EPT)
    pad_d = ((k * 131) % NPAD).reshape(NW, EPTP - EPT)
    src4 = jnp.concatenate([src2, pad_s], axis=1).reshape(NW, NQ, 8, CH)
    dst3 = jnp.concatenate([dst2, pad_d], axis=1).reshape(NW, NCHP, CH)
    zn = jnp.zeros((N,), jnp.float32)
    zr = jnp.zeros((RPT, D), jnp.float32)
    b1r = b1.reshape(1, D)
    b2r = b2.reshape(1, D)

    degp = _deg_kernel(dst2, zn)
    p1, dinv = _tc_first(degp, x, W1)
    a0, a1 = _edge_kernel(src4, dst3, p1, zr)
    p2 = _tc_mid(a0, a1, p1, dinv, b1r, W2)
    c0, c1 = _edge_kernel(src4, dst3, p2, zr)
    out = _tc_last(c0, c1, p2, dinv, b2r)
    return out

# --- scband reference (transcript-rebuilt; emitter-appended) ---
"""Pipeline reference for scband-gnn-multi-layer-54494545052310 (READ-ONLY COPY).

The authoritative reference and input builder live on the scoring server;
editing this copy changes nothing except your own understanding.
"""

import jax, jax.numpy as jnp
import numpy as np

N = 10000
E = 320000
D = 128


def gcn_layer(x, edge_index, W, b):
    # GCNConv with normalize=True: add self-loops, symmetric normalization
    src = edge_index[0]
    dst = edge_index[1]
    loop = jnp.arange(N, dtype=edge_index.dtype)
    src = jnp.concatenate([src, loop])
    dst = jnp.concatenate([dst, loop])
    ew = jnp.ones(src.shape[0], dtype=x.dtype)
    deg = jnp.zeros(N, dtype=x.dtype).at[dst].add(ew)
    deg_inv_sqrt = jnp.where(deg > 0, deg ** -0.5, 0.0)
    norm = deg_inv_sqrt[src] * ew * deg_inv_sqrt[dst]
    h = x @ W
    out = jnp.zeros((N, W.shape[1]), dtype=x.dtype).at[dst].add(norm[:, None] * h[src])
    return out + b


def setup_inputs(seed: int = 0) -> dict:
    key = jax.random.key(seed)
    k1, k2, k3, k4, k5, k6 = jax.random.split(key, 6)
    x = jax.random.normal(k1, (N, D), dtype=jnp.float32)
    edge_index = jax.random.randint(k2, (2, E), 0, N, dtype=jnp.int32)
    s = 1.0 / np.sqrt(D)
    W1 = jax.random.uniform(k3, (D, D), dtype=jnp.float32, minval=-s, maxval=s)
    b1 = jax.random.uniform(k4, (D,), dtype=jnp.float32, minval=-s, maxval=s)
    W2 = jax.random.uniform(k5, (D, D), dtype=jnp.float32, minval=-s, maxval=s)
    b2 = jax.random.uniform(k6, (D,), dtype=jnp.float32, minval=-s, maxval=s)
    return {"x": x, "edge_index": edge_index, "W1": W1, "b1": b1, "W2": W2, "b2": b2}


def reference(x, edge_index, W1, b1, W2, b2):
    # Eval mode: dropout is identity. Two GCN layers, relu between.
    h = jax.nn.relu(gcn_layer(x, edge_index, W1, b1))
    out = gcn_layer(h, edge_index, W2, b2)
    return out

if __name__ == "__main__":
    import jax
    _d = setup_inputs()
    print(jax.jit(kernel)(*tuple(_d.values())))

</pallas_src>

<mosaic_0001>
#map = affine_map<(d0, d1) -> (0, 0)>
#map1 = affine_map<(d0, d1) -> (0)>
module attributes {stable_mosaic.version = 14 : i64} {
  func.func @_deg_kernel(%arg0: i32, %arg1: i32, %arg2: memref<32x10000xi32, #tpu.memory_space<hbm>>, %arg3: memref<10000xf32, #tpu.memory_space<hbm>>, %arg4: memref<32x10000xf32, #tpu.memory_space<hbm>>, %arg5: memref<10000xi32, #tpu.memory_space<vmem>>, %arg6: memref<10000xf32, #tpu.memory_space<vmem>>) attributes {dimension_semantics = [#tpu.dimension_semantics<core_parallel>, #tpu.dimension_semantics<subcore_parallel>], iteration_bounds = array<i64: 2, 16>, scalar_prefetch = 0 : i64, scratch_operands = 2 : i64, tpu.core_type = #tpu.core_type<sc_vector_subcore>, window_params = [{transform_indices = #map}, {transform_indices = #map1}, {transform_indices = #map}]} {
    %mul3A = arith.constant 2 : i32
    %mul3A_0 = arith.muli %arg1, %mul3A : i32
    %add3A = arith.addi %mul3A_0, %arg0 : i32
    "tpu.region"() ({
      %run_scoped3A = tpu.sem_alloc : memref<!tpu.dma_semaphore, #tpu.memory_space<semaphore_mem>>
      %dma_start3A = arith.constant 0 : i32
      %dma_start3A_6 = tpu.memref_slice %arg2[%add3A, %dma_start3A] : memref<32x10000xi32, #tpu.memory_space<hbm>> -> memref<1x10000xi32, #tpu.memory_space<hbm>>
      %dma_start3A_7 = tpu.memref_squeeze %dma_start3A_6 : memref<1x10000xi32, #tpu.memory_space<hbm>> -> memref<10000xi32, #tpu.memory_space<hbm>>
      %dma_start3A_8 = arith.constant 0 : i32
      %dma_start3A_9 = tpu.memref_slice %arg2[%add3A, %dma_start3A_8] : memref<32x10000xi32, #tpu.memory_space<hbm>> -> memref<1x10000xi32, #tpu.memory_space<hbm>>
      %dma_start3A_10 = tpu.memref_squeeze %dma_start3A_9 : memref<1x10000xi32, #tpu.memory_space<hbm>> -> memref<10000xi32, #tpu.memory_space<hbm>>
      tpu.enqueue_dma source(%dma_start3A_10 : memref<10000xi32, #tpu.memory_space<hbm>>) target(%arg5 : memref<10000xi32, #tpu.memory_space<vmem>>) target_semaphore(%run_scoped3A : memref<!tpu.dma_semaphore, #tpu.memory_space<semaphore_mem>>)
      %dma_wait3A = arith.constant 0 : i32
      %dma_wait3A_11 = tpu.memref_slice %arg2[%add3A, %dma_wait3A] : memref<32x10000xi32, #tpu.memory_space<hbm>> -> memref<1x10000xi32, #tpu.memory_space<hbm>>
      %dma_wait3A_12 = tpu.memref_squeeze %dma_wait3A_11 : memref<1x10000xi32, #tpu.memory_space<hbm>> -> memref<10000xi32, #tpu.memory_space<hbm>>
      %dma_wait3A_13 = arith.constant 0 : i32
      %dma_wait3A_14 = tpu.memref_slice %arg2[%add3A, %dma_wait3A_13] : memref<32x10000xi32, #tpu.memory_space<hbm>> -> memref<1x10000xi32, #tpu.memory_space<hbm>>
      %dma_wait3A_15 = tpu.memref_squeeze %dma_wait3A_14 : memref<1x10000xi32, #tpu.memory_space<hbm>> -> memref<10000xi32, #tpu.memory_space<hbm>>
      tpu.wait_dma2 semaphore(%run_scoped3A : memref<!tpu.dma_semaphore, #tpu.memory_space<semaphore_mem>>) src(%dma_wait3A_15 : memref<10000xi32, #tpu.memory_space<hbm>>) dst(%arg5 : memref<10000xi32, #tpu.memory_space<vmem>>)
      tpu.yield
    }) : () -> ()
    "tpu.region"() ({
      %run_scoped3A = tpu.sem_alloc : memref<!tpu.dma_semaphore, #tpu.memory_space<semaphore_mem>>
      tpu.enqueue_dma source(%arg3 : memref<10000xf32, #tpu.memory_space<hbm>>) target(%arg6 : memref<10000xf32, #tpu.memory_space<vmem>>) target_semaphore(%run_scoped3A : memref<!tpu.dma_semaphore, #tpu.memory_space<semaphore_mem>>)
      tpu.wait_dma2 semaphore(%run_scoped3A : memref<!tpu.dma_semaphore, #tpu.memory_space<semaphore_mem>>) src(%arg3 : memref<10000xf32, #tpu.memory_space<hbm>>) dst(%arg6 : memref<10000xf32, #tpu.memory_space<vmem>>)
      tpu.yield
    }) : () -> ()
    %broadcast_in_dim3A = arith.constant 1.000000e+00 : f32
    %broadcast_in_dim3A_1 = vector.broadcast %broadcast_in_dim3A : f32 to vector<16xf32>
    %scan3A = arith.constant 0 : i32
    %scan3A_2 = arith.constant 625 : i32
    %scan3A_3 = arith.addi %scan3A, %scan3A_2 : i32
    %scan3A_4 = arith.constant 1 : i32
    scf.for %scan3A_6 = %scan3A to %scan3A_3 step %scan3A_4  : i32 {
      %mul3A_7 = arith.constant 1 : i32
      %mul3A_8 = arith.muli %scan3A_6, %mul3A_7 : i32
      %add3A_9 = arith.constant 0 : i32
      %add3A_10 = arith.addi %add3A_9, %mul3A_8 : i32
      %mul3A_11 = arith.constant 16 : i32
      %mul3A_12 = arith.muli %add3A_10, %mul3A_11 : i32
      %get3A = arith.index_cast %mul3A_12 : i32 to index
      %get3A_13 = tpu.vector_load %arg5[%get3A] {strides = array<i32>} : memref<10000xi32, #tpu.memory_space<vmem>>, vector<16xi32>,
      tpu.vector_store_idx %arg6[%get3A_13], %broadcast_in_dim3A_1 {add = true} : memref<10000xf32, #tpu.memory_space<vmem>>[vector<16xi32>], vector<16xf32>,
    }
    %scan3A_5 = arith.constant 625 : i32
    "tpu.region"() ({
      %run_scoped3A = tpu.sem_alloc : memref<!tpu.dma_semaphore, #tpu.memory_space<semaphore_mem>>
      %dma_start3A = arith.constant 0 : i32
      %dma_start3A_6 = tpu.memref_slice %arg4[%add3A, %dma_start3A] : memref<32x10000xf32, #tpu.memory_space<hbm>> -> memref<1x10000xf32, #tpu.memory_space<hbm>>
      %dma_start3A_7 = tpu.memref_squeeze %dma_start3A_6 : memref<1x10000xf32, #tpu.memory_space<hbm>> -> memref<10000xf32, #tpu.memory_space<hbm>>
      %dma_start3A_8 = arith.constant 0 : i32
      %dma_start3A_9 = tpu.memref_slice %arg4[%add3A, %dma_start3A_8] : memref<32x10000xf32, #tpu.memory_space<hbm>> -> memref<1x10000xf32, #tpu.memory_space<hbm>>
      %dma_start3A_10 = tpu.memref_squeeze %dma_start3A_9 : memref<1x10000xf32, #tpu.memory_space<hbm>> -> memref<10000xf32, #tpu.memory_space<hbm>>
      tpu.enqueue_dma source(%arg6 : memref<10000xf32, #tpu.memory_space<vmem>>) target(%dma_start3A_10 : memref<10000xf32, #tpu.memory_space<hbm>>) target_semaphore(%run_scoped3A : memref<!tpu.dma_semaphore, #tpu.memory_space<semaphore_mem>>)
      %dma_wait3A = arith.constant 0 : i32
      %dma_wait3A_11 = tpu.memref_slice %arg4[%add3A, %dma_wait3A] : memref<32x10000xf32, #tpu.memory_space<hbm>> -> memref<1x10000xf32, #tpu.memory_space<hbm>>
      %dma_wait3A_12 = tpu.memref_squeeze %dma_wait3A_11 : memref<1x10000xf32, #tpu.memory_space<hbm>> -> memref<10000xf32, #tpu.memory_space<hbm>>
      %dma_wait3A_13 = arith.constant 0 : i32
      %dma_wait3A_14 = tpu.memref_slice %arg4[%add3A, %dma_wait3A_13] : memref<32x10000xf32, #tpu.memory_space<hbm>> -> memref<1x10000xf32, #tpu.memory_space<hbm>>
      %dma_wait3A_15 = tpu.memref_squeeze %dma_wait3A_14 : memref<1x10000xf32, #tpu.memory_space<hbm>> -> memref<10000xf32, #tpu.memory_space<hbm>>
      tpu.wait_dma2 semaphore(%run_scoped3A : memref<!tpu.dma_semaphore, #tpu.memory_space<semaphore_mem>>) src(%arg6 : memref<10000xf32, #tpu.memory_space<vmem>>) dst(%dma_wait3A_15 : memref<10000xf32, #tpu.memory_space<hbm>>)
      tpu.yield
    }) : () -> ()
    return
  }
}

#map = affine_map<(d0, d1) -> (0, 0, 0, 0)>
#map1 = affine_map<(d0, d1) -> (0, 0, 0)>
#map2 = affine_map<(d0, d1) -> (0, 0)>
module attributes {stable_mosaic.version = 14 : i64} {
  func.func @_edge_kernel(%arg0: i32, %arg1: i32, %arg2: memref<32x16x8x80xi32, #tpu.memory_space<hbm>>, %arg3: memref<32x128x80xi32, #tpu.memory_space<hbm>>, %arg4: memref<10112x128xf32, #tpu.memory_space<hbm>>, %arg5: memref<632x128xf32, #tpu.memory_space<hbm>>, %arg6: memref<10112x128xf32, #tpu.memory_space<hbm>>, %arg7: memref<10112x128xf32, #tpu.memory_space<hbm>>, %arg8: memref<2x8x80xi32, #tpu.memory_space<vmem>>, %arg9: memref<128x80xi32, #tpu.memory_space<vmem>>, %arg10: memref<160x128xf32, #tpu.memory_space<vmem>>, %arg11: memref<10112x128xf32, #tpu.memory_space<vmem_shared>>, %arg12: memref<!tpu.dma_semaphore, #tpu.memory_space<semaphore_mem>>, %arg13: memref<!tpu.dma_semaphore, #tpu.memory_space<semaphore_mem>>, %arg14: memref<!tpu.dma_semaphore, #tpu.memory_space<semaphore_mem>>, %arg15: memref<!tpu.dma_semaphore, #tpu.memory_space<semaphore_mem>>) attributes {dimension_semantics = [#tpu.dimension_semantics<core_parallel>, #tpu.dimension_semantics<subcore_parallel>], iteration_bounds = array<i64: 2, 16>, scalar_prefetch = 0 : i64, scratch_operands = 8 : i64, tpu.core_type = #tpu.core_type<sc_vector_subcore>, window_params = [{transform_indices = #map}, {transform_indices = #map1}, {transform_indices = #map2}, {transform_indices = #map2}, {transform_indices = #map2}, {transform_indices = #map2}]} {
    %mul3A = arith.constant 2 : i32
    %mul3A_0 = arith.muli %arg1, %mul3A : i32
    %add3A = arith.addi %mul3A_0, %arg0 : i32
    "tpu.region"() ({
      %run_scoped3A_452 = tpu.sem_alloc : memref<!tpu.dma_semaphore, #tpu.memory_space<semaphore_mem>>
      %dma_start3A_453 = arith.constant 0 : i32
      %dma_start3A_454 = arith.constant 0 : i32
      %dma_start3A_455 = tpu.memref_slice %arg3[%add3A, %dma_start3A_453, %dma_start3A_454] : memref<32x128x80xi32, #tpu.memory_space<hbm>> -> memref<1x128x80xi32, #tpu.memory_space<hbm>>
      %dma_start3A_456 = tpu.memref_squeeze %dma_start3A_455 : memref<1x128x80xi32, #tpu.memory_space<hbm>> -> memref<128x80xi32, #tpu.memory_space<hbm>>
      %dma_start3A_457 = arith.constant 0 : i32
      %dma_start3A_458 = arith.constant 0 : i32
      %dma_start3A_459 = tpu.memref_slice %arg3[%add3A, %dma_start3A_457, %dma_start3A_458] : memref<32x128x80xi32, #tpu.memory_space<hbm>> -> memref<1x128x80xi32, #tpu.memory_space<hbm>>
      %dma_start3A_460 = tpu.memref_squeeze %dma_start3A_459 : memref<1x128x80xi32, #tpu.memory_space<hbm>> -> memref<128x80xi32, #tpu.memory_space<hbm>>
      tpu.enqueue_dma source(%dma_start3A_460 : memref<128x80xi32, #tpu.memory_space<hbm>>) target(%arg9 : memref<128x80xi32, #tpu.memory_space<vmem>>) target_semaphore(%run_scoped3A_452 : memref<!tpu.dma_semaphore, #tpu.memory_space<semaphore_mem>>)
      %dma_wait3A_461 = arith.constant 0 : i32
      %dma_wait3A_462 = arith.constant 0 : i32
      %dma_wait3A_463 = tpu.memref_slice %arg3[%add3A, %dma_wait3A_461, %dma_wait3A_462] : memref<32x128x80xi32, #tpu.memory_space<hbm>> -> memref<1x128x80xi32, #tpu.memory_space<hbm>>
      %dma_wait3A_464 = tpu.memref_squeeze %dma_wait3A_463 : memref<1x128x80xi32, #tpu.memory_space<hbm>> -> memref<128x80xi32, #tpu.memory_space<hbm>>
      %dma_wait3A_465 = arith.constant 0 : i32
      %dma_wait3A_466 = arith.constant 0 : i32
      %dma_wait3A_467 = tpu.memref_slice %arg3[%add3A, %dma_wait3A_465, %dma_wait3A_466] : memref<32x128x80xi32, #tpu.memory_space<hbm>> -> memref<1x128x80xi32, #tpu.memory_space<hbm>>
      %dma_wait3A_468 = tpu.memref_squeeze %dma_wait3A_467 : memref<1x128x80xi32, #tpu.memory_space<hbm>> -> memref<128x80xi32, #tpu.memory_space<hbm>>
      tpu.wait_dma2 semaphore(%run_scoped3A_452 : memref<!tpu.dma_semaphore, #tpu.memory_space<semaphore_mem>>) src(%dma_wait3A_468 : memref<128x80xi32, #tpu.memory_space<hbm>>) dst(%arg9 : memref<128x80xi32, #tpu.memory_space<vmem>>)
      tpu.yield
    }) : () -> ()
    %mul3A_1 = arith.constant 632 : i32
    %mul3A_2 = arith.muli %arg1, %mul3A_1 : i32
    "tpu.region"() ({
      %run_scoped3A_452 = tpu.sem_alloc : memref<!tpu.dma_semaphore, #tpu.memory_space<semaphore_mem>>
      %dma_start3A_453 = arith.constant 0 : i32
      %dma_start3A_454 = tpu.memref_slice %arg11[%mul3A_2, %dma_start3A_453] : memref<10112x128xf32, #tpu.memory_space<vmem_shared>> -> memref<632x128xf32, #tpu.memory_space<vmem_shared>>
      tpu.enqueue_dma source(%arg5 : memref<632x128xf32, #tpu.memory_space<hbm>>) target(%dma_start3A_454 : memref<632x128xf32, #tpu.memory_space<vmem_shared>>) target_semaphore(%run_scoped3A_452 : memref<!tpu.dma_semaphore, #tpu.memory_space<semaphore_mem>>)
      %dma_wait3A_455 = arith.constant 0 : i32
      %dma_wait3A_456 = tpu.memref_slice %arg11[%mul3A_2, %dma_wait3A_455] : memref<10112x128xf32, #tpu.memory_space<vmem_shared>> -> memref<632x128xf32, #tpu.memory_space<vmem_shared>>
      tpu.wait_dma2 semaphore(%run_scoped3A_452 : memref<!tpu.dma_semaphore, #tpu.memory_space<semaphore_mem>>) src(%arg5 : memref<632x128xf32, #tpu.memory_space<hbm>>) dst(%dma_wait3A_456 : memref<632x128xf32, #tpu.memory_space<vmem_shared>>)
      tpu.yield
    }) : () -> ()
    %barrier3A = arith.constant 0 : index
    tpu.barrier barrier_id(%barrier3A)
    %dma_start3A = arith.constant 0 : i32
    %dma_start3A_3 = arith.constant 0 : i32
    %dma_start3A_4 = arith.constant 0 : i32
    %dma_start3A_5 = arith.constant 0 : i32
    %dma_start3A_6 = tpu.memref_slice %arg8[%dma_start3A_3, %dma_start3A_4, %dma_start3A_5] : memref<2x8x80xi32, #tpu.memory_space<vmem>> -> memref<1x8x80xi32, #tpu.memory_space<vmem>>
    %dma_start3A_7 = tpu.memref_squeeze %dma_start3A_6 : memref<1x8x80xi32, #tpu.memory_space<vmem>> -> memref<8x80xi32, #tpu.memory_space<vmem>>
    %dma_start3A_8 = arith.constant 0 : i32
    %dma_start3A_9 = arith.constant 0 : i32
    %dma_start3A_10 = tpu.memref_slice %arg2[%add3A, %dma_start3A, %dma_start3A_8, %dma_start3A_9] : memref<32x16x8x80xi32, #tpu.memory_space<hbm>> -> memref<1x1x8x80xi32, #tpu.memory_space<hbm>>
    %dma_start3A_11 = tpu.memref_squeeze %dma_start3A_10 : memref<1x1x8x80xi32, #tpu.memory_space<hbm>> -> memref<8x80xi32, #tpu.memory_space<hbm>>
    %dma_start3A_12 = arith.constant 0 : i32
    %dma_start3A_13 = arith.constant 0 : i32
    %dma_start3A_14 = tpu.memref_slice %arg8[%dma_start3A_3, %dma_start3A_12, %dma_start3A_13] : memref<2x8x80xi32, #tpu.memory_space<vmem>> -> memref<1x8x80xi32, #tpu.memory_space<vmem>>
    %dma_start3A_15 = tpu.memref_squeeze %dma_start3A_14 : memref<1x8x80xi32, #tpu.memory_space<vmem>> -> memref<8x80xi32, #tpu.memory_space<vmem>>
    %dma_start3A_16 = arith.constant 0 : i32
    %dma_start3A_17 = arith.constant 0 : i32
    %dma_start3A_18 = tpu.memref_slice %arg2[%add3A, %dma_start3A, %dma_start3A_16, %dma_start3A_17] : memref<32x16x8x80xi32, #tpu.memory_space<hbm>> -> memref<1x1x8x80xi32, #tpu.memory_space<hbm>>
    %dma_start3A_19 = tpu.memref_squeeze %dma_start3A_18 : memref<1x1x8x80xi32, #tpu.memory_space<hbm>> -> memref<8x80xi32, #tpu.memory_space<hbm>>
    tpu.enqueue_dma source(%dma_start3A_19 : memref<8x80xi32, #tpu.memory_space<hbm>>) target(%dma_start3A_15 : memref<8x80xi32, #tpu.memory_space<vmem>>) target_semaphore(%arg12 : memref<!tpu.dma_semaphore, #tpu.memory_space<semaphore_mem>>)
    %dma_wait3A = arith.constant 0 : i32
    %dma_wait3A_20 = arith.constant 0 : i32
    %dma_wait3A_21 = arith.constant 0 : i32
    %dma_wait3A_22 = arith.constant 0 : i32
    %dma_wait3A_23 = tpu.memref_slice %arg8[%dma_wait3A_20, %dma_wait3A_21, %dma_wait3A_22] : memref<2x8x80xi32, #tpu.memory_space<vmem>> -> memref<1x8x80xi32, #tpu.memory_space<vmem>>
    %dma_wait3A_24 = tpu.memref_squeeze %dma_wait3A_23 : memref<1x8x80xi32, #tpu.memory_space<vmem>> -> memref<8x80xi32, #tpu.memory_space<vmem>>
    %dma_wait3A_25 = arith.constant 0 : i32
    %dma_wait3A_26 = arith.constant 0 : i32
    %dma_wait3A_27 = tpu.memref_slice %arg2[%add3A, %dma_wait3A, %dma_wait3A_25, %dma_wait3A_26] : memref<32x16x8x80xi32, #tpu.memory_space<hbm>> -> memref<1x1x8x80xi32, #tpu.memory_space<hbm>>
    %dma_wait3A_28 = tpu.memref_squeeze %dma_wait3A_27 : memref<1x1x8x80xi32, #tpu.memory_space<hbm>> -> memref<8x80xi32, #tpu.memory_space<hbm>>
    %dma_wait3A_29 = arith.constant 0 : i32
    %dma_wait3A_30 = arith.constant 0 : i32
    %dma_wait3A_31 = tpu.memref_slice %arg8[%dma_wait3A_20, %dma_wait3A_29, %dma_wait3A_30] : memref<2x8x80xi32, #tpu.memory_space<vmem>> -> memref<1x8x80xi32, #tpu.memory_space<vmem>>
    %dma_wait3A_32 = tpu.memref_squeeze %dma_wait3A_31 : memref<1x8x80xi32, #tpu.memory_space<vmem>> -> memref<8x80xi32, #tpu.memory_space<vmem>>
    %dma_wait3A_33 = arith.constant 0 : i32
    %dma_wait3A_34 = arith.constant 0 : i32
    %dma_wait3A_35 = tpu.memref_slice %arg2[%add3A, %dma_wait3A, %dma_wait3A_33, %dma_wait3A_34] : memref<32x16x8x80xi32, #tpu.memory_space<hbm>> -> memref<1x1x8x80xi32, #tpu.memory_space<hbm>>
    %dma_wait3A_36 = tpu.memref_squeeze %dma_wait3A_35 : memref<1x1x8x80xi32, #tpu.memory_space<hbm>> -> memref<8x80xi32, #tpu.memory_space<hbm>>
    tpu.wait_dma2 semaphore(%arg12 : memref<!tpu.dma_semaphore, #tpu.memory_space<semaphore_mem>>) src(%dma_wait3A_36 : memref<8x80xi32, #tpu.memory_space<hbm>>) dst(%dma_wait3A_32 : memref<8x80xi32, #tpu.memory_space<vmem>>)
    %dma_start3A_37 = arith.constant 1 : i32
    %dma_start3A_38 = arith.constant 1 : i32
    %dma_start3A_39 = arith.constant 0 : i32
    %dma_start3A_40 = arith.constant 0 : i32
    %dma_start3A_41 = tpu.memref_slice %arg8[%dma_start3A_38, %dma_start3A_39, %dma_start3A_40] : memref<2x8x80xi32, #tpu.memory_space<vmem>> -> memref<1x8x80xi32, #tpu.memory_space<vmem>>
    %dma_start3A_42 = tpu.memref_squeeze %dma_start3A_41 : memref<1x8x80xi32, #tpu.memory_space<vmem>> -> memref<8x80xi32, #tpu.memory_space<vmem>>
    %dma_start3A_43 = arith.constant 0 : i32
    %dma_start3A_44 = arith.constant 0 : i32
    %dma_start3A_45 = tpu.memref_slice %arg2[%add3A, %dma_start3A_37, %dma_start3A_43, %dma_start3A_44] : memref<32x16x8x80xi32, #tpu.memory_space<hbm>> -> memref<1x1x8x80xi32, #tpu.memory_space<hbm>>
    %dma_start3A_46 = tpu.memref_squeeze %dma_start3A_45 : memref<1x1x8x80xi32, #tpu.memory_space<hbm>> -> memref<8x80xi32, #tpu.memory_space<hbm>>
    %dma_start3A_47 = arith.constant 0 : i32
    %dma_start3A_48 = arith.constant 0 : i32
    %dma_start3A_49 = tpu.memref_slice %arg8[%dma_start3A_38, %dma_start3A_47, %dma_start3A_48] : memref<2x8x80xi32, #tpu.memory_space<vmem>> -> memref<1x8x80xi32, #tpu.memory_space<vmem>>
    %dma_start3A_50 = tpu.memref_squeeze %dma_start3A_49 : memref<1x8x80xi32, #tpu.memory_space<vmem>> -> memref<8x80xi32, #tpu.memory_space<vmem>>
    %dma_start3A_51 = arith.constant 0 : i32
    %dma_start3A_52 = arith.constant 0 : i32
    %dma_start3A_53 = tpu.memref_slice %arg2[%add3A, %dma_start3A_37, %dma_start3A_51, %dma_start3A_52] : memref<32x16x8x80xi32, #tpu.memory_space<hbm>> -> memref<1x1x8x80xi32, #tpu.memory_space<hbm>>
    %dma_start3A_54 = tpu.memref_squeeze %dma_start3A_53 : memref<1x1x8x80xi32, #tpu.memory_space<hbm>> -> memref<8x80xi32, #tpu.memory_space<hbm>>
    tpu.enqueue_dma source(%dma_start3A_54 : memref<8x80xi32, #tpu.memory_space<hbm>>) target(%dma_start3A_50 : memref<8x80xi32, #tpu.memory_space<vmem>>) target_semaphore(%arg13 : memref<!tpu.dma_semaphore, #tpu.memory_space<semaphore_mem>>)
    %dma_start3A_55 = arith.constant 0 : i32
    %dma_start3A_56 = arith.constant 0 : i32
    %dma_start3A_57 = arith.constant 0 : i32
    %dma_start3A_58 = arith.constant 0 : i32
    %dma_start3A_59 = tpu.memref_slice %arg10[%dma_start3A_57, %dma_start3A_58] : memref<160x128xf32, #tpu.memory_space<vmem>> -> memref<80x128xf32, #tpu.memory_space<vmem>>
    %dma_start3A_60 = arith.constant 0 : i32
    %dma_start3A_61 = tpu.memref_slice %arg8[%dma_start3A_55, %dma_start3A_56, %dma_start3A_60] : memref<2x8x80xi32, #tpu.memory_space<vmem>> -> memref<1x1x80xi32, #tpu.memory_space<vmem>>
    %dma_start3A_62 = tpu.memref_squeeze %dma_start3A_61 : memref<1x1x80xi32, #tpu.memory_space<vmem>> -> memref<80xi32, #tpu.memory_space<vmem>>
    %dma_start3A_63 = arith.constant 0 : i32
    %dma_start3A_64 = arith.constant 0 : i32
    %dma_start3A_65 = tpu.memref_slice %arg4[%dma_start3A_63, %dma_start3A_64] : memref<10112x128xf32, #tpu.memory_space<hbm>> -> memref<10112x128xf32, #tpu.memory_space<hbm>>
    tpu.enqueue_indirect_dma source(%dma_start3A_65 : memref<10112x128xf32, #tpu.memory_space<hbm>>) target(%dma_start3A_59 : memref<80x128xf32, #tpu.memory_space<vmem>>) offsets(%dma_start3A_62 : memref<80xi32, #tpu.memory_space<vmem>>) semaphore(%arg14 : memref<!tpu.dma_semaphore, #tpu.memory_space<semaphore_mem>>)
    %scan3A = arith.constant 0 : i32
    %scan3A_66 = arith.constant 7 : i32
    %scan3A_67 = arith.addi %scan3A, %scan3A_66 : i32
    %scan3A_68 = arith.constant 1 : i32
    scf.for %scan3A_452 = %scan3A to %scan3A_67 step %scan3A_68  : i32 {
      %mul3A_453 = arith.constant 1 : i32
      %mul3A_454 = arith.muli %scan3A_452, %mul3A_453 : i32
      %add3A_455 = arith.constant 0 : i32
      %add3A_456 = arith.addi %add3A_455, %mul3A_454 : i32
      %mul3A_457 = arith.constant 2 : i32
      %mul3A_458 = arith.muli %add3A_456, %mul3A_457 : i32
      %add3A_459 = arith.constant 1 : i32
      %add3A_460 = arith.addi %mul3A_458, %add3A_459 : i32
      %mul3A_461 = arith.constant 8 : i32
      %mul3A_462 = arith.muli %mul3A_458, %mul3A_461 : i32
      %add3A_463 = arith.constant 0 : i32
      %add3A_464 = arith.addi %mul3A_462, %add3A_463 : i32
      %dma_start3A_465 = arith.constant 0 : i32
      %dma_start3A_466 = arith.constant 1 : i32
      %dma_start3A_467 = arith.constant 80 : i32
      %dma_start3A_468 = arith.constant 0 : i32
      %dma_start3A_469 = tpu.memref_slice %arg10[%dma_start3A_467, %dma_start3A_468] : memref<160x128xf32, #tpu.memory_space<vmem>> -> memref<80x128xf32, #tpu.memory_space<vmem>>
      %dma_start3A_470 = arith.constant 0 : i32
      %dma_start3A_471 = tpu.memref_slice %arg8[%dma_start3A_465, %dma_start3A_466, %dma_start3A_470] : memref<2x8x80xi32, #tpu.memory_space<vmem>> -> memref<1x1x80xi32, #tpu.memory_space<vmem>>
      %dma_start3A_472 = tpu.memref_squeeze %dma_start3A_471 : memref<1x1x80xi32, #tpu.memory_space<vmem>> -> memref<80xi32, #tpu.memory_space<vmem>>
      %dma_start3A_473 = arith.constant 0 : i32
      %dma_start3A_474 = arith.constant 0 : i32
      %dma_start3A_475 = tpu.memref_slice %arg4[%dma_start3A_473, %dma_start3A_474] : memref<10112x128xf32, #tpu.memory_space<hbm>> -> memref<10112x128xf32, #tpu.memory_space<hbm>>
      tpu.enqueue_indirect_dma source(%dma_start3A_475 : memref<10112x128xf32, #tpu.memory_space<hbm>>) target(%dma_start3A_469 : memref<80x128xf32, #tpu.memory_space<vmem>>) offsets(%dma_start3A_472 : memref<80xi32, #tpu.memory_space<vmem>>) semaphore(%arg15 : memref<!tpu.dma_semaphore, #tpu.memory_space<semaphore_mem>>)
      %dma_wait3A_476 = arith.constant 0 : i32
      %dma_wait3A_477 = arith.constant 0 : i32
      %dma_wait3A_478 = arith.constant 0 : i32
      %dma_wait3A_479 = arith.constant 0 : i32
      %dma_wait3A_480 = tpu.memref_slice %arg10[%dma_wait3A_478, %dma_wait3A_479] : memref<160x128xf32, #tpu.memory_space<vmem>> -> memref<80x128xf32, #tpu.memory_space<vmem>>
      %dma_wait3A_481 = arith.constant 0 : i32
      %dma_wait3A_482 = tpu.memref_slice %arg8[%dma_wait3A_476, %dma_wait3A_477, %dma_wait3A_481] : memref<2x8x80xi32, #tpu.memory_space<vmem>> -> memref<1x1x80xi32, #tpu.memory_space<vmem>>
      %dma_wait3A_483 = tpu.memref_squeeze %dma_wait3A_482 : memref<1x1x80xi32, #tpu.memory_space<vmem>> -> memref<80xi32, #tpu.memory_space<vmem>>
      %dma_wait3A_484 = arith.constant 0 : i32
      %dma_wait3A_485 = arith.constant 0 : i32
      %dma_wait3A_486 = tpu.memref_slice %arg4[%dma_wait3A_484, %dma_wait3A_485] : memref<10112x128xf32, #tpu.memory_space<hbm>> -> memref<10112x128xf32, #tpu.memory_space<hbm>>
      tpu.wait_indirect_dma semaphore(%arg14 : memref<!tpu.dma_semaphore, #tpu.memory_space<semaphore_mem>>) src(%dma_wait3A_486 : memref<10112x128xf32, #tpu.memory_space<hbm>>) dst(%dma_wait3A_480 : memref<80x128xf32, #tpu.memory_space<vmem>>)
      "tpu.region"() ({
        %run_scoped3A_953 = tpu.sem_alloc : memref<!tpu.dma_semaphore, #tpu.memory_space<semaphore_mem>>
        %dma_start3A_954 = arith.constant 0 : i32
        %dma_start3A_955 = arith.constant 0 : i32
        %dma_start3A_956 = tpu.memref_slice %arg10[%dma_start3A_954, %dma_start3A_955] : memref<160x128xf32, #tpu.memory_space<vmem>> -> memref<80x128xf32, #tpu.memory_space<vmem>>
        %dma_start3A_957 = arith.constant 0 : i32
        %dma_start3A_958 = tpu.memref_slice %arg9[%add3A_464, %dma_start3A_957] : memref<128x80xi32, #tpu.memory_space<vmem>> -> memref<1x80xi32, #tpu.memory_space<vmem>>
        %dma_start3A_959 = tpu.memref_squeeze %dma_start3A_958 : memref<1x80xi32, #tpu.memory_space<vmem>> -> memref<80xi32, #tpu.memory_space<vmem>>
        %dma_start3A_960 = arith.constant 0 : i32
        %dma_start3A_961 = arith.constant 0 : i32
        %dma_start3A_962 = tpu.memref_slice %arg11[%dma_start3A_960, %dma_start3A_961] : memref<10112x128xf32, #tpu.memory_space<vmem_shared>> -> memref<10112x128xf32, #tpu.memory_space<vmem_shared>>
        tpu.enqueue_indirect_dma source(%dma_start3A_956 : memref<80x128xf32, #tpu.memory_space<vmem>>) target(%dma_start3A_962 : memref<10112x128xf32, #tpu.memory_space<vmem_shared>>) offsets(%dma_start3A_959 : memref<80xi32, #tpu.memory_space<vmem>>) semaphore(%run_scoped3A_953 : memref<!tpu.dma_semaphore, #tpu.memory_space<semaphore_mem>>) {add = true}
        %dma_wait3A_963 = arith.constant 0 : i32
        %dma_wait3A_964 = arith.constant 0 : i32
        %dma_wait3A_965 = tpu.memref_slice %arg10[%dma_wait3A_963, %dma_wait3A_964] : memref<160x128xf32, #tpu.memory_space<vmem>> -> memref<80x128xf32, #tpu.memory_space<vmem>>
        %dma_wait3A_966 = arith.constant 0 : i32
        %dma_wait3A_967 = tpu.memref_slice %arg9[%add3A_464, %dma_wait3A_966] : memref<128x80xi32, #tpu.memory_space<vmem>> -> memref<1x80xi32, #tpu.memory_space<vmem>>
        %dma_wait3A_968 = tpu.memref_squeeze %dma_wait3A_967 : memref<1x80xi32, #tpu.memory_space<vmem>> -> memref<80xi32, #tpu.memory_space<vmem>>
        %dma_wait3A_969 = arith.constant 0 : i32
        %dma_wait3A_970 = arith.constant 0 : i32
        %dma_wait3A_971 = tpu.memref_slice %arg11[%dma_wait3A_969, %dma_wait3A_970] : memref<10112x128xf32, #tpu.memory_space<vmem_shared>> -> memref<10112x128xf32, #tpu.memory_space<vmem_shared>>
        tpu.wait_indirect_dma semaphore(%run_scoped3A_953 : memref<!tpu.dma_semaphore, #tpu.memory_space<semaphore_mem>>) src(%dma_wait3A_965 : memref<80x128xf32, #tpu.memory_space<vmem>>) dst(%dma_wait3A_971 : memref<10112x128xf32, #tpu.memory_space<vmem_shared>>)
        tpu.yield
      }) : () -> ()
      %mul3A_487 = arith.constant 8 : i32
      %mul3A_488 = arith.muli %mul3A_458, %mul3A_487 : i32
      %add3A_489 = arith.constant 1 : i32
      %add3A_490 = arith.addi %mul3A_488, %add3A_489 : i32
      %dma_start3A_491 = arith.constant 0 : i32
      %dma_start3A_492 = arith.constant 2 : i32
      %dma_start3A_493 = arith.constant 0 : i32
      %dma_start3A_494 = arith.constant 0 : i32
      %dma_start3A_495 = tpu.memref_slice %arg10[%dma_start3A_493, %dma_start3A_494] : memref<160x128xf32, #tpu.memory_space<vmem>> -> memref<80x128xf32, #tpu.memory_space<vmem>>
      %dma_start3A_496 = arith.constant 0 : i32
      %dma_start3A_497 = tpu.memref_slice %arg8[%dma_start3A_491, %dma_start3A_492, %dma_start3A_496] : memref<2x8x80xi32, #tpu.memory_space<vmem>> -> memref<1x1x80xi32, #tpu.memory_space<vmem>>
      %dma_start3A_498 = tpu.memref_squeeze %dma_start3A_497 : memref<1x1x80xi32, #tpu.memory_space<vmem>> -> memref<80xi32, #tpu.memory_space<vmem>>
      %dma_start3A_499 = arith.constant 0 : i32
      %dma_start3A_500 = arith.constant 0 : i32
      %dma_start3A_501 = tpu.memref_slice %arg4[%dma_start3A_499, %dma_start3A_500] : memref<10112x128xf32, #tpu.memory_space<hbm>> -> memref<10112x128xf32, #tpu.memory_space<hbm>>
      tpu.enqueue_indirect_dma source(%dma_start3A_501 : memref<10112x128xf32, #tpu.memory_space<hbm>>) target(%dma_start3A_495 : memref<80x128xf32, #tpu.memory_space<vmem>>) offsets(%dma_start3A_498 : memref<80xi32, #tpu.memory_space<vmem>>) semaphore(%arg14 : memref<!tpu.dma_semaphore, #tpu.memory_space<semaphore_mem>>)
      %dma_wait3A_502 = arith.constant 0 : i32
      %dma_wait3A_503 = arith.constant 1 : i32
      %dma_wait3A_504 = arith.constant 80 : i32
      %dma_wait3A_505 = arith.constant 0 : i32
      %dma_wait3A_506 = tpu.memref_slice %arg10[%dma_wait3A_504, %dma_wait3A_505] : memref<160x128xf32, #tpu.memory_space<vmem>> -> memref<80x128xf32, #tpu.memory_space<vmem>>
      %dma_wait3A_507 = arith.constant 0 : i32
      %dma_wait3A_508 = tpu.memref_slice %arg8[%dma_wait3A_502, %dma_wait3A_503, %dma_wait3A_507] : memref<2x8x80xi32, #tpu.memory_space<vmem>> -> memref<1x1x80xi32, #tpu.memory_space<vmem>>
      %dma_wait3A_509 = tpu.memref_squeeze %dma_wait3A_508 : memref<1x1x80xi32, #tpu.memory_space<vmem>> -> memref<80xi32, #tpu.memory_space<vmem>>
      %dma_wait3A_510 = arith.constant 0 : i32
      %dma_wait3A_511 = arith.constant 0 : i32
      %dma_wait3A_512 = tpu.memref_slice %arg4[%dma_wait3A_510, %dma_wait3A_511] : memref<10112x128xf32, #tpu.memory_space<hbm>> -> memref<10112x128xf32, #tpu.memory_space<hbm>>
      tpu.wait_indirect_dma semaphore(%arg15 : memref<!tpu.dma_semaphore, #tpu.memory_space<semaphore_mem>>) src(%dma_wait3A_512 : memref<10112x128xf32, #tpu.memory_space<hbm>>) dst(%dma_wait3A_506 : memref<80x128xf32, #tpu.memory_space<vmem>>)
      "tpu.region"() ({
        %run_scoped3A_953 = tpu.sem_alloc : memref<!tpu.dma_semaphore, #tpu.memory_space<semaphore_mem>>
        %dma_start3A_954 = arith.constant 80 : i32
        %dma_start3A_955 = arith.constant 0 : i32
        %dma_start3A_956 = tpu.memref_slice %arg10[%dma_start3A_954, %dma_start3A_955] : memref<160x128xf32, #tpu.memory_space<vmem>> -> memref<80x128xf32, #tpu.memory_space<vmem>>
        %dma_start3A_957 = arith.constant 0 : i32
        %dma_start3A_958 = tpu.memref_slice %arg9[%add3A_490, %dma_start3A_957] : memref<128x80xi32, #tpu.memory_space<vmem>> -> memref<1x80xi32, #tpu.memory_space<vmem>>
        %dma_start3A_959 = tpu.memref_squeeze %dma_start3A_958 : memref<1x80xi32, #tpu.memory_space<vmem>> -> memref<80xi32, #tpu.memory_space<vmem>>
        %dma_start3A_960 = arith.constant 0 : i32
        %dma_start3A_961 = arith.constant 0 : i32
        %dma_start3A_962 = tpu.memref_slice %arg11[%dma_start3A_960, %dma_start3A_961] : memref<10112x128xf32, #tpu.memory_space<vmem_shared>> -> memref<10112x128xf32, #tpu.memory_space<vmem_shared>>
        tpu.enqueue_indirect_dma source(%dma_start3A_956 : memref<80x128xf32, #tpu.memory_space<vmem>>) target(%dma_start3A_962 : memref<10112x128xf32, #tpu.memory_space<vmem_shared>>) offsets(%dma_start3A_959 : memref<80xi32, #tpu.memory_space<vmem>>) semaphore(%run_scoped3A_953 : memref<!tpu.dma_semaphore, #tpu.memory_space<semaphore_mem>>) {add = true}
        %dma_wait3A_963 = arith.constant 80 : i32
        %dma_wait3A_964 = arith.constant 0 : i32
        %dma_wait3A_965 = tpu.memref_slice %arg10[%dma_wait3A_963, %dma_wait3A_964] : memref<160x128xf32, #tpu.memory_space<vmem>> -> memref<80x128xf32, #tpu.memory_space<vmem>>
        %dma_wait3A_966 = arith.constant 0 : i32
        %dma_wait3A_967 = tpu.memref_slice %arg9[%add3A_490, %dma_wait3A_966] : memref<128x80xi32, #tpu.memory_space<vmem>> -> memref<1x80xi32, #tpu.memory_space<vmem>>
        %dma_wait3A_968 = tpu.memref_squeeze %dma_wait3A_967 : memref<1x80xi32, #tpu.memory_space<vmem>> -> memref<80xi32, #tpu.memory_space<vmem>>
        %dma_wait3A_969 = arith.constant 0 : i32
        %dma_wait3A_970 = arith.constant 0 : i32
        %dma_wait3A_971 = tpu.memref_slice %arg11[%dma_wait3A_969, %dma_wait3A_970] : memref<10112x128xf32, #tpu.memory_space<vmem_shared>> -> memref<10112x128xf32, #tpu.memory_space<vmem_shared>>
        tpu.wait_indirect_dma semaphore(%run_scoped3A_953 : memref<!tpu.dma_semaphore, #tpu.memory_space<semaphore_mem>>) src(%dma_wait3A_965 : memref<80x128xf32, #tpu.memory_space<vmem>>) dst(%dma_wait3A_971 : memref<10112x128xf32, #tpu.memory_space<vmem_shared>>)
        tpu.yield
      }) : () -> ()
      %mul3A_513 = arith.constant 8 : i32
      %mul3A_514 = arith.muli %mul3A_458, %mul3A_513 : i32
      %add3A_515 = arith.constant 2 : i32
      %add3A_516 = arith.addi %mul3A_514, %add3A_515 : i32
      %dma_start3A_517 = arith.constant 0 : i32
      %dma_start3A_518 = arith.constant 3 : i32
      %dma_start3A_519 = arith.constant 80 : i32
      %dma_start3A_520 = arith.constant 0 : i32
      %dma_start3A_521 = tpu.memref_slice %arg10[%dma_start3A_519, %dma_start3A_520] : memref<160x128xf32, #tpu.memory_space<vmem>> -> memref<80x128xf32, #tpu.memory_space<vmem>>
      %dma_start3A_522 = arith.constant 0 : i32
      %dma_start3A_523 = tpu.memref_slice %arg8[%dma_start3A_517, %dma_start3A_518, %dma_start3A_522] : memref<2x8x80xi32, #tpu.memory_space<vmem>> -> memref<1x1x80xi32, #tpu.memory_space<vmem>>
      %dma_start3A_524 = tpu.memref_squeeze %dma_start3A_523 : memref<1x1x80xi32, #tpu.memory_space<vmem>> -> memref<80xi32, #tpu.memory_space<vmem>>
      %dma_start3A_525 = arith.constant 0 : i32
      %dma_start3A_526 = arith.constant 0 : i32
      %dma_start3A_527 = tpu.memref_slice %arg4[%dma_start3A_525, %dma_start3A_526] : memref<10112x128xf32, #tpu.memory_space<hbm>> -> memref<10112x128xf32, #tpu.memory_space<hbm>>
      tpu.enqueue_indirect_dma source(%dma_start3A_527 : memref<10112x128xf32, #tpu.memory_space<hbm>>) target(%dma_start3A_521 : memref<80x128xf32, #tpu.memory_space<vmem>>) offsets(%dma_start3A_524 : memref<80xi32, #tpu.memory_space<vmem>>) semaphore(%arg15 : memref<!tpu.dma_semaphore, #tpu.memory_space<semaphore_mem>>)
      %dma_wait3A_528 = arith.constant 0 : i32
      %dma_wait3A_529 = arith.constant 2 : i32
      %dma_wait3A_530 = arith.constant 0 : i32
      %dma_wait3A_531 = arith.constant 0 : i32
      %dma_wait3A_532 = tpu.memref_slice %arg10[%dma_wait3A_530, %dma_wait3A_531] : memref<160x128xf32, #tpu.memory_space<vmem>> -> memref<80x128xf32, #tpu.memory_space<vmem>>
      %dma_wait3A_533 = arith.constant 0 : i32
      %dma_wait3A_534 = tpu.memref_slice %arg8[%dma_wait3A_528, %dma_wait3A_529, %dma_wait3A_533] : memref<2x8x80xi32, #tpu.memory_space<vmem>> -> memref<1x1x80xi32, #tpu.memory_space<vmem>>
      %dma_wait3A_535 = tpu.memref_squeeze %dma_wait3A_534 : memref<1x1x80xi32, #tpu.memory_space<vmem>> -> memref<80xi32, #tpu.memory_space<vmem>>
      %dma_wait3A_536 = arith.constant 0 : i32
      %dma_wait3A_537 = arith.constant 0 : i32
      %dma_wait3A_538 = tpu.memref_slice %arg4[%dma_wait3A_536, %dma_wait3A_537] : memref<10112x128xf32, #tpu.memory_space<hbm>> -> memref<10112x128xf32, #tpu.memory_space<hbm>>
      tpu.wait_indirect_dma semaphore(%arg14 : memref<!tpu.dma_semaphore, #tpu.memory_space<semaphore_mem>>) src(%dma_wait3A_538 : memref<10112x128xf32, #tpu.memory_space<hbm>>) dst(%dma_wait3A_532 : memref<80x128xf32, #tpu.memory_space<vmem>>)
      "tpu.region"() ({
        %run_scoped3A_953 = tpu.sem_alloc : memref<!tpu.dma_semaphore, #tpu.memory_space<semaphore_mem>>
        %dma_start3A_954 = arith.constant 0 : i32
        %dma_start3A_955 = arith.constant 0 : i32
        %dma_start3A_956 = tpu.memref_slice %arg10[%dma_start3A_954, %dma_start3A_955] : memref<160x128xf32, #tpu.memory_space<vmem>> -> memref<80x128xf32, #tpu.memory_space<vmem>>
        %dma_start3A_957 = arith.constant 0 : i32
        %dma_start3A_958 = tpu.memref_slice %arg9[%add3A_516, %dma_start3A_957] : memref<128x80xi32, #tpu.memory_space<vmem>> -> memref<1x80xi32, #tpu.memory_space<vmem>>
        %dma_start3A_959 = tpu.memref_squeeze %dma_start3A_958 : memref<1x80xi32, #tpu.memory_space<vmem>> -> memref<80xi32, #tpu.memory_space<vmem>>
        %dma_start3A_960 = arith.constant 0 : i32
        %dma_start3A_961 = arith.constant 0 : i32
        %dma_start3A_962 = tpu.memref_slice %arg11[%dma_start3A_960, %dma_start3A_961] : memref<10112x128xf32, #tpu.memory_space<vmem_shared>> -> memref<10112x128xf32, #tpu.memory_space<vmem_shared>>
        tpu.enqueue_indirect_dma source(%dma_start3A_956 : memref<80x128xf32, #tpu.memory_space<vmem>>) target(%dma_start3A_962 : memref<10112x128xf32, #tpu.memory_space<vmem_shared>>) offsets(%dma_start3A_959 : memref<80xi32, #tpu.memory_space<vmem>>) semaphore(%run_scoped3A_953 : memref<!tpu.dma_semaphore, #tpu.memory_space<semaphore_mem>>) {add = true}
        %dma_wait3A_963 = arith.constant 0 : i32
        %dma_wait3A_964 = arith.constant 0 : i32
        %dma_wait3A_965 = tpu.memref_slice %arg10[%dma_wait3A_963, %dma_wait3A_964] : memref<160x128xf32, #tpu.memory_space<vmem>> -> memref<80x128xf32, #tpu.memory_space<vmem>>
        %dma_wait3A_966 = arith.constant 0 : i32
        %dma_wait3A_967 = tpu.memref_slice %arg9[%add3A_516, %dma_wait3A_966] : memref<128x80xi32, #tpu.memory_space<vmem>> -> memref<1x80xi32, #tpu.memory_space<vmem>>
        %dma_wait3A_968 = tpu.memref_squeeze %dma_wait3A_967 : memref<1x80xi32, #tpu.memory_space<vmem>> -> memref<80xi32, #tpu.memory_space<vmem>>
        %dma_wait3A_969 = arith.constant 0 : i32
        %dma_wait3A_970 = arith.constant 0 : i32
        %dma_wait3A_971 = tpu.memref_slice %arg11[%dma_wait3A_969, %dma_wait3A_970] : memref<10112x128xf32, #tpu.memory_space<vmem_shared>> -> memref<10112x128xf32, #tpu.memory_space<vmem_shared>>
        tpu.wait_indirect_dma semaphore(%run_scoped3A_953 : memref<!tpu.dma_semaphore, #tpu.memory_space<semaphore_mem>>) src(%dma_wait3A_965 : memref<80x128xf32, #tpu.memory_space<vmem>>) dst(%dma_wait3A_971 : memref<10112x128xf32, #tpu.memory_space<vmem_shared>>)
        tpu.yield
      }) : () -> ()
      %mul3A_539 = arith.constant 8 : i32
      %mul3A_540 = arith.muli %mul3A_458, %mul3A_539 : i32
      %add3A_541 = arith.constant 3 : i32
      %add3A_542 = arith.addi %mul3A_540, %add3A_541 : i32
      %dma_start3A_543 = arith.constant 0 : i32
      %dma_start3A_544 = arith.constant 4 : i32
      %dma_start3A_545 = arith.constant 0 : i32
      %dma_start3A_546 = arith.constant 0 : i32
      %dma_start3A_547 = tpu.memref_slice %arg10[%dma_start3A_545, %dma_start3A_546] : memref<160x128xf32, #tpu.memory_space<vmem>> -> memref<80x128xf32, #tpu.memory_space<vmem>>
      %dma_start3A_548 = arith.constant 0 : i32
      %dma_start3A_549 = tpu.memref_slice %arg8[%dma_start3A_543, %dma_start3A_544, %dma_start3A_548] : memref<2x8x80xi32, #tpu.memory_space<vmem>> -> memref<1x1x80xi32, #tpu.memory_space<vmem>>
      %dma_start3A_550 = tpu.memref_squeeze %dma_start3A_549 : memref<1x1x80xi32, #tpu.memory_space<vmem>> -> memref<80xi32, #tpu.memory_space<vmem>>
      %dma_start3A_551 = arith.constant 0 : i32
      %dma_start3A_552 = arith.constant 0 : i32
      %dma_start3A_553 = tpu.memref_slice %arg4[%dma_start3A_551, %dma_start3A_552] : memref<10112x128xf32, #tpu.memory_space<hbm>> -> memref<10112x128xf32, #tpu.memory_space<hbm>>
      tpu.enqueue_indirect_dma source(%dma_start3A_553 : memref<10112x128xf32, #tpu.memory_space<hbm>>) target(%dma_start3A_547 : memref<80x128xf32, #tpu.memory_space<vmem>>) offsets(%dma_start3A_550 : memref<80xi32, #tpu.memory_space<vmem>>) semaphore(%arg14 : memref<!tpu.dma_semaphore, #tpu.memory_space<semaphore_mem>>)
      %dma_wait3A_554 = arith.constant 0 : i32
      %dma_wait3A_555 = arith.constant 3 : i32
      %dma_wait3A_556 = arith.constant 80 : i32
      %dma_wait3A_557 = arith.constant 0 : i32
      %dma_wait3A_558 = tpu.memref_slice %arg10[%dma_wait3A_556, %dma_wait3A_557] : memref<160x128xf32, #tpu.memory_space<vmem>> -> memref<80x128xf32, #tpu.memory_space<vmem>>
      %dma_wait3A_559 = arith.constant 0 : i32
      %dma_wait3A_560 = tpu.memref_slice %arg8[%dma_wait3A_554, %dma_wait3A_555, %dma_wait3A_559] : memref<2x8x80xi32, #tpu.memory_space<vmem>> -> memref<1x1x80xi32, #tpu.memory_space<vmem>>
      %dma_wait3A_561 = tpu.memref_squeeze %dma_wait3A_560 : memref<1x1x80xi32, #tpu.memory_space<vmem>> -> memref<80xi32, #tpu.memory_space<vmem>>
      %dma_wait3A_562 = arith.constant 0 : i32
      %dma_wait3A_563 = arith.constant 0 : i32
      %dma_wait3A_564 = tpu.memref_slice %arg4[%dma_wait3A_562, %dma_wait3A_563] : memref<10112x128xf32, #tpu.memory_space<hbm>> -> memref<10112x128xf32, #tpu.memory_space<hbm>>
      tpu.wait_indirect_dma semaphore(%arg15 : memref<!tpu.dma_semaphore, #tpu.memory_space<semaphore_mem>>) src(%dma_wait3A_564 : memref<10112x128xf32, #tpu.memory_space<hbm>>) dst(%dma_wait3A_558 : memref<80x128xf32, #tpu.memory_space<vmem>>)
      "tpu.region"() ({
        %run_scoped3A_953 = tpu.sem_alloc : memref<!tpu.dma_semaphore, #tpu.memory_space<semaphore_mem>>
        %dma_start3A_954 = arith.constant 80 : i32
        %dma_start3A_955 = arith.constant 0 : i32
        %dma_start3A_956 = tpu.memref_slice %arg10[%dma_start3A_954, %dma_start3A_955] : memref<160x128xf32, #tpu.memory_space<vmem>> -> memref<80x128xf32, #tpu.memory_space<vmem>>
        %dma_start3A_957 = arith.constant 0 : i32
        %dma_start3A_958 = tpu.memref_slice %arg9[%add3A_542, %dma_start3A_957] : memref<128x80xi32, #tpu.memory_space<vmem>> -> memref<1x80xi32, #tpu.memory_space<vmem>>
        %dma_start3A_959 = tpu.memref_squeeze %dma_start3A_958 : memref<1x80xi32, #tpu.memory_space<vmem>> -> memref<80xi32, #tpu.memory_space<vmem>>
        %dma_start3A_960 = arith.constant 0 : i32
        %dma_start3A_961 = arith.constant 0 : i32
        %dma_start3A_962 = tpu.memref_slice %arg11[%dma_start3A_960, %dma_start3A_961] : memref<10112x128xf32, #tpu.memory_space<vmem_shared>> -> memref<10112x128xf32, #tpu.memory_space<vmem_shared>>
        tpu.enqueue_indirect_dma source(%dma_start3A_956 : memref<80x128xf32, #tpu.memory_space<vmem>>) target(%dma_start3A_962 : memref<10112x128xf32, #tpu.memory_space<vmem_shared>>) offsets(%dma_start3A_959 : memref<80xi32, #tpu.memory_space<vmem>>) semaphore(%run_scoped3A_953 : memref<!tpu.dma_semaphore, #tpu.memory_space<semaphore_mem>>) {add = true}
        %dma_wait3A_963 = arith.constant 80 : i32
        %dma_wait3A_964 = arith.constant 0 : i32
        %dma_wait3A_965 = tpu.memref_slice %arg10[%dma_wait3A_963, %dma_wait3A_964] : memref<160x128xf32, #tpu.memory_space<vmem>> -> memref<80x128xf32, #tpu.memory_space<vmem>>
        %dma_wait3A_966 = arith.constant 0 : i32
        %dma_wait3A_967 = tpu.memref_slice %arg9[%add3A_542, %dma_wait3A_966] : memref<128x80xi32, #tpu.memory_space<vmem>> -> memref<1x80xi32, #tpu.memory_space<vmem>>
        %dma_wait3A_968 = tpu.memref_squeeze %dma_wait3A_967 : memref<1x80xi32, #tpu.memory_space<vmem>> -> memref<80xi32, #tpu.memory_space<vmem>>
        %dma_wait3A_969 = arith.constant 0 : i32
        %dma_wait3A_970 = arith.constant 0 : i32
        %dma_wait3A_971 = tpu.memref_slice %arg11[%dma_wait3A_969, %dma_wait3A_970] : memref<10112x128xf32, #tpu.memory_space<vmem_shared>> -> memref<10112x128xf32, #tpu.memory_space<vmem_shared>>
        tpu.wait_indirect_dma semaphore(%run_scoped3A_953 : memref<!tpu.dma_semaphore, #tpu.memory_space<semaphore_mem>>) src(%dma_wait3A_965 : memref<80x128xf32, #tpu.memory_space<vmem>>) dst(%dma_wait3A_971 : memref<10112x128xf32, #tpu.memory_space<vmem_shared>>)
        tpu.yield
      }) : () -> ()
      %mul3A_565 = arith.constant 8 : i32
      %mul3A_566 = arith.muli %mul3A_458, %mul3A_565 : i32
      %add3A_567 = arith.constant 4 : i32
      %add3A_568 = arith.addi %mul3A_566, %add3A_567 : i32
      %dma_start3A_569 = arith.constant 0 : i32
      %dma_start3A_570 = arith.constant 5 : i32
      %dma_start3A_571 = arith.constant 80 : i32
      %dma_start3A_572 = arith.constant 0 : i32
      %dma_start3A_573 = tpu.memref_slice %arg10[%dma_start3A_571, %dma_start3A_572] : memref<160x128xf32, #tpu.memory_space<vmem>> -> memref<80x128xf32, #tpu.memory_space<vmem>>
      %dma_start3A_574 = arith.constant 0 : i32
      %dma_start3A_575 = tpu.memref_slice %arg8[%dma_start3A_569, %dma_start3A_570, %dma_start3A_574] : memref<2x8x80xi32, #tpu.memory_space<vmem>> -> memref<1x1x80xi32, #tpu.memory_space<vmem>>
      %dma_start3A_576 = tpu.memref_squeeze %dma_start3A_575 : memref<1x1x80xi32, #tpu.memory_space<vmem>> -> memref<80xi32, #tpu.memory_space<vmem>>
      %dma_start3A_577 = arith.constant 0 : i32
      %dma_start3A_578 = arith.constant 0 : i32
      %dma_start3A_579 = tpu.memref_slice %arg4[%dma_start3A_577, %dma_start3A_578] : memref<10112x128xf32, #tpu.memory_space<hbm>> -> memref<10112x128xf32, #tpu.memory_space<hbm>>
      tpu.enqueue_indirect_dma source(%dma_start3A_579 : memref<10112x128xf32, #tpu.memory_space<hbm>>) target(%dma_start3A_573 : memref<80x128xf32, #tpu.memory_space<vmem>>) offsets(%dma_start3A_576 : memref<80xi32, #tpu.memory_space<vmem>>) semaphore(%arg15 : memref<!tpu.dma_semaphore, #tpu.memory_space<semaphore_mem>>)
      %dma_wait3A_580 = arith.constant 0 : i32
      %dma_wait3A_581 = arith.constant 4 : i32
      %dma_wait3A_582 = arith.constant 0 : i32
      %dma_wait3A_583 = arith.constant 0 : i32
      %dma_wait3A_584 = tpu.memref_slice %arg10[%dma_wait3A_582, %dma_wait3A_583] : memref<160x128xf32, #tpu.memory_space<vmem>> -> memref<80x128xf32, #tpu.memory_space<vmem>>
      %dma_wait3A_585 = arith.constant 0 : i32
      %dma_wait3A_586 = tpu.memref_slice %arg8[%dma_wait3A_580, %dma_wait3A_581, %dma_wait3A_585] : memref<2x8x80xi32, #tpu.memory_space<vmem>> -> memref<1x1x80xi32, #tpu.memory_space<vmem>>
      %dma_wait3A_587 = tpu.memref_squeeze %dma_wait3A_586 : memref<1x1x80xi32, #tpu.memory_space<vmem>> -> memref<80xi32, #tpu.memory_space<vmem>>
      %dma_wait3A_588 = arith.constant 0 : i32
      %dma_wait3A_589 = arith.constant 0 : i32
      %dma_wait3A_590 = tpu.memref_slice %arg4[%dma_wait3A_588, %dma_wait3A_589] : memref<10112x128xf32, #tpu.memory_space<hbm>> -> memref<10112x128xf32, #tpu.memory_space<hbm>>
      tpu.wait_indirect_dma semaphore(%arg14 : memref<!tpu.dma_semaphore, #tpu.memory_space<semaphore_mem>>) src(%dma_wait3A_590 : memref<10112x128xf32, #tpu.memory_space<hbm>>) dst(%dma_wait3A_584 : memref<80x128xf32, #tpu.memory_space<vmem>>)
      "tpu.region"() ({
        %run_scoped3A_953 = tpu.sem_alloc : memref<!tpu.dma_semaphore, #tpu.memory_space<semaphore_mem>>
        %dma_start3A_954 = arith.constant 0 : i32
        %dma_start3A_955 = arith.constant 0 : i32
        %dma_start3A_956 = tpu.memref_slice %arg10[%dma_start3A_954, %dma_start3A_955] : memref<160x128xf32, #tpu.memory_space<vmem>> -> memref<80x128xf32, #tpu.memory_space<vmem>>
        %dma_start3A_957 = arith.constant 0 : i32
        %dma_start3A_958 = tpu.memref_slice %arg9[%add3A_568, %dma_start3A_957] : memref<128x80xi32, #tpu.memory_space<vmem>> -> memref<1x80xi32, #tpu.memory_space<vmem>>
        %dma_start3A_959 = tpu.memref_squeeze %dma_start3A_958 : memref<1x80xi32, #tpu.memory_space<vmem>> -> memref<80xi32, #tpu.memory_space<vmem>>
        %dma_start3A_960 = arith.constant 0 : i32
        %dma_start3A_961 = arith.constant 0 : i32
        %dma_start3A_962 = tpu.memref_slice %arg11[%dma_start3A_960, %dma_start3A_961] : memref<10112x128xf32, #tpu.memory_space<vmem_shared>> -> memref<10112x128xf32, #tpu.memory_space<vmem_shared>>
        tpu.enqueue_indirect_dma source(%dma_start3A_956 : memref<80x128xf32, #tpu.memory_space<vmem>>) target(%dma_start3A_962 : memref<10112x128xf32, #tpu.memory_space<vmem_shared>>) offsets(%dma_start3A_959 : memref<80xi32, #tpu.memory_space<vmem>>) semaphore(%run_scoped3A_953 : memref<!tpu.dma_semaphore, #tpu.memory_space<semaphore_mem>>) {add = true}
        %dma_wait3A_963 = arith.constant 0 : i32
        %dma_wait3A_964 = arith.constant 0 : i32
        %dma_wait3A_965 = tpu.memref_slice %arg10[%dma_wait3A_963, %dma_wait3A_964] : memref<160x128xf32, #tpu.memory_space<vmem>> -> memref<80x128xf32, #tpu.memory_space<vmem>>
        %dma_wait3A_966 = arith.constant 0 : i32
        %dma_wait3A_967 = tpu.memref_slice %arg9[%add3A_568, %dma_wait3A_966] : memref<128x80xi32, #tpu.memory_space<vmem>> -> memref<1x80xi32, #tpu.memory_space<vmem>>
        %dma_wait3A_968 = tpu.memref_squeeze %dma_wait3A_967 : memref<1x80xi32, #tpu.memory_space<vmem>> -> memref<80xi32, #tpu.memory_space<vmem>>
        %dma_wait3A_969 = arith.constant 0 : i32
        %dma_wait3A_970 = arith.constant 0 : i32
        %dma_wait3A_971 = tpu.memref_slice %arg11[%dma_wait3A_969, %dma_wait3A_970] : memref<10112x128xf32, #tpu.memory_space<vmem_shared>> -> memref<10112x128xf32, #tpu.memory_space<vmem_shared>>
        tpu.wait_indirect_dma semaphore(%run_scoped3A_953 : memref<!tpu.dma_semaphore, #tpu.memory_space<semaphore_mem>>) src(%dma_wait3A_965 : memref<80x128xf32, #tpu.memory_space<vmem>>) dst(%dma_wait3A_971 : memref<10112x128xf32, #tpu.memory_space<vmem_shared>>)
        tpu.yield
      }) : () -> ()
      %mul3A_591 = arith.constant 8 : i32
      %mul3A_592 = arith.muli %mul3A_458, %mul3A_591 : i32
      %add3A_593 = arith.constant 5 : i32
      %add3A_594 = arith.addi %mul3A_592, %add3A_593 : i32
      %dma_start3A_595 = arith.constant 0 : i32
      %dma_start3A_596 = arith.constant 6 : i32
      %dma_start3A_597 = arith.constant 0 : i32
      %dma_start3A_598 = arith.constant 0 : i32
      %dma_start3A_599 = tpu.memref_slice %arg10[%dma_start3A_597, %dma_start3A_598] : memref<160x128xf32, #tpu.memory_space<vmem>> -> memref<80x128xf32, #tpu.memory_space<vmem>>
      %dma_start3A_600 = arith.constant 0 : i32
      %dma_start3A_601 = tpu.memref_slice %arg8[%dma_start3A_595, %dma_start3A_596, %dma_start3A_600] : memref<2x8x80xi32, #tpu.memory_space<vmem>> -> memref<1x1x80xi32, #tpu.memory_space<vmem>>
      %dma_start3A_602 = tpu.memref_squeeze %dma_start3A_601 : memref<1x1x80xi32, #tpu.memory_space<vmem>> -> memref<80xi32, #tpu.memory_space<vmem>>
      %dma_start3A_603 = arith.constant 0 : i32
      %dma_start3A_604 = arith.constant 0 : i32
      %dma_start3A_605 = tpu.memref_slice %arg4[%dma_start3A_603, %dma_start3A_604] : memref<10112x128xf32, #tpu.memory_space<hbm>> -> memref<10112x128xf32, #tpu.memory_space<hbm>>
      tpu.enqueue_indirect_dma source(%dma_start3A_605 : memref<10112x128xf32, #tpu.memory_space<hbm>>) target(%dma_start3A_599 : memref<80x128xf32, #tpu.memory_space<vmem>>) offsets(%dma_start3A_602 : memref<80xi32, #tpu.memory_space<vmem>>) semaphore(%arg14 : memref<!tpu.dma_semaphore, #tpu.memory_space<semaphore_mem>>)
      %dma_wait3A_606 = arith.constant 0 : i32
      %dma_wait3A_607 = arith.constant 5 : i32
      %dma_wait3A_608 = arith.constant 80 : i32
      %dma_wait3A_609 = arith.constant 0 : i32
      %dma_wait3A_610 = tpu.memref_slice %arg10[%dma_wait3A_608, %dma_wait3A_609] : memref<160x128xf32, #tpu.memory_space<vmem>> -> memref<80x128xf32, #tpu.memory_space<vmem>>
      %dma_wait3A_611 = arith.constant 0 : i32
      %dma_wait3A_612 = tpu.memref_slice %arg8[%dma_wait3A_606, %dma_wait3A_607, %dma_wait3A_611] : memref<2x8x80xi32, #tpu.memory_space<vmem>> -> memref<1x1x80xi32, #tpu.memory_space<vmem>>
      %dma_wait3A_613 = tpu.memref_squeeze %dma_wait3A_612 : memref<1x1x80xi32, #tpu.memory_space<vmem>> -> memref<80xi32, #tpu.memory_space<vmem>>
      %dma_wait3A_614 = arith.constant 0 : i32
      %dma_wait3A_615 = arith.constant 0 : i32
      %dma_wait3A_616 = tpu.memref_slice %arg4[%dma_wait3A_614, %dma_wait3A_615] : memref<10112x128xf32, #tpu.memory_space<hbm>> -> memref<10112x128xf32, #tpu.memory_space<hbm>>
      tpu.wait_indirect_dma semaphore(%arg15 : memref<!tpu.dma_semaphore, #tpu.memory_space<semaphore_mem>>) src(%dma_wait3A_616 : memref<10112x128xf32, #tpu.memory_space<hbm>>) dst(%dma_wait3A_610 : memref<80x128xf32, #tpu.memory_space<vmem>>)
      "tpu.region"() ({
        %run_scoped3A_953 = tpu.sem_alloc : memref<!tpu.dma_semaphore, #tpu.memory_space<semaphore_mem>>
        %dma_start3A_954 = arith.constant 80 : i32
        %dma_start3A_955 = arith.constant 0 : i32
        %dma_start3A_956 = tpu.memref_slice %arg10[%dma_start3A_954, %dma_start3A_955] : memref<160x128xf32, #tpu.memory_space<vmem>> -> memref<80x128xf32, #tpu.memory_space<vmem>>
        %dma_start3A_957 = arith.constant 0 : i32
        %dma_start3A_958 = tpu.memref_slice %arg9[%add3A_594, %dma_start3A_957] : memref<128x80xi32, #tpu.memory_space<vmem>> -> memref<1x80xi32, #tpu.memory_space<vmem>>
        %dma_start3A_959 = tpu.memref_squeeze %dma_start3A_958 : memref<1x80xi32, #tpu.memory_space<vmem>> -> memref<80xi32, #tpu.memory_space<vmem>>
        %dma_start3A_960 = arith.constant 0 : i32
        %dma_start3A_961 = arith.constant 0 : i32
        %dma_start3A_962 = tpu.memref_slice %arg11[%dma_start3A_960, %dma_start3A_961] : memref<10112x128xf32, #tpu.memory_space<vmem_shared>> -> memref<10112x128xf32, #tpu.memory_space<vmem_shared>>
        tpu.enqueue_indirect_dma source(%dma_start3A_956 : memref<80x128xf32, #tpu.memory_space<vmem>>) target(%dma_start3A_962 : memref<10112x128xf32, #tpu.memory_space<vmem_shared>>) offsets(%dma_start3A_959 : memref<80xi32, #tpu.memory_space<vmem>>) semaphore(%run_scoped3A_953 : memref<!tpu.dma_semaphore, #tpu.memory_space<semaphore_mem>>) {add = true}
        %dma_wait3A_963 = arith.constant 80 : i32
        %dma_wait3A_964 = arith.constant 0 : i32
        %dma_wait3A_965 = tpu.memref_slice %arg10[%dma_wait3A_963, %dma_wait3A_964] : memref<160x128xf32, #tpu.memory_space<vmem>> -> memref<80x128xf32, #tpu.memory_space<vmem>>
        %dma_wait3A_966 = arith.constant 0 : i32
        %dma_wait3A_967 = tpu.memref_slice %arg9[%add3A_594, %dma_wait3A_966] : memref<128x80xi32, #tpu.memory_space<vmem>> -> memref<1x80xi32, #tpu.memory_space<vmem>>
        %dma_wait3A_968 = tpu.memref_squeeze %dma_wait3A_967 : memref<1x80xi32, #tpu.memory_space<vmem>> -> memref<80xi32, #tpu.memory_space<vmem>>
        %dma_wait3A_969 = arith.constant 0 : i32
        %dma_wait3A_970 = arith.constant 0 : i32
        %dma_wait3A_971 = tpu.memref_slice %arg11[%dma_wait3A_969, %dma_wait3A_970] : memref<10112x128xf32, #tpu.memory_space<vmem_shared>> -> memref<10112x128xf32, #tpu.memory_space<vmem_shared>>
        tpu.wait_indirect_dma semaphore(%run_scoped3A_953 : memref<!tpu.dma_semaphore, #tpu.memory_space<semaphore_mem>>) src(%dma_wait3A_965 : memref<80x128xf32, #tpu.memory_space<vmem>>) dst(%dma_wait3A_971 : memref<10112x128xf32, #tpu.memory_space<vmem_shared>>)
        tpu.yield
      }) : () -> ()
      %mul3A_617 = arith.constant 8 : i32
      %mul3A_618 = arith.muli %mul3A_458, %mul3A_617 : i32
      %add3A_619 = arith.constant 6 : i32
      %add3A_620 = arith.addi %mul3A_618, %add3A_619 : i32
      %dma_start3A_621 = arith.constant 0 : i32
      %dma_start3A_622 = arith.constant 7 : i32
      %dma_start3A_623 = arith.constant 80 : i32
      %dma_start3A_624 = arith.constant 0 : i32
      %dma_start3A_625 = tpu.memref_slice %arg10[%dma_start3A_623, %dma_start3A_624] : memref<160x128xf32, #tpu.memory_space<vmem>> -> memref<80x128xf32, #tpu.memory_space<vmem>>
      %dma_start3A_626 = arith.constant 0 : i32
      %dma_start3A_627 = tpu.memref_slice %arg8[%dma_start3A_621, %dma_start3A_622, %dma_start3A_626] : memref<2x8x80xi32, #tpu.memory_space<vmem>> -> memref<1x1x80xi32, #tpu.memory_space<vmem>>
      %dma_start3A_628 = tpu.memref_squeeze %dma_start3A_627 : memref<1x1x80xi32, #tpu.memory_space<vmem>> -> memref<80xi32, #tpu.memory_space<vmem>>
      %dma_start3A_629 = arith.constant 0 : i32
      %dma_start3A_630 = arith.constant 0 : i32
      %dma_start3A_631 = tpu.memref_slice %arg4[%dma_start3A_629, %dma_start3A_630] : memref<10112x128xf32, #tpu.memory_space<hbm>> -> memref<10112x128xf32, #tpu.memory_space<hbm>>
      tpu.enqueue_indirect_dma source(%dma_start3A_631 : memref<10112x128xf32, #tpu.memory_space<hbm>>) target(%dma_start3A_625 : memref<80x128xf32, #tpu.memory_space<vmem>>) offsets(%dma_start3A_628 : memref<80xi32, #tpu.memory_space<vmem>>) semaphore(%arg15 : memref<!tpu.dma_semaphore, #tpu.memory_space<semaphore_mem>>)
      %dma_wait3A_632 = arith.constant 0 : i32
      %dma_wait3A_633 = arith.constant 6 : i32
      %dma_wait3A_634 = arith.constant 0 : i32
      %dma_wait3A_635 = arith.constant 0 : i32
      %dma_wait3A_636 = tpu.memref_slice %arg10[%dma_wait3A_634, %dma_wait3A_635] : memref<160x128xf32, #tpu.memory_space<vmem>> -> memref<80x128xf32, #tpu.memory_space<vmem>>
      %dma_wait3A_637 = arith.constant 0 : i32
      %dma_wait3A_638 = tpu.memref_slice %arg8[%dma_wait3A_632, %dma_wait3A_633, %dma_wait3A_637] : memref<2x8x80xi32, #tpu.memory_space<vmem>> -> memref<1x1x80xi32, #tpu.memory_space<vmem>>
      %dma_wait3A_639 = tpu.memref_squeeze %dma_wait3A_638 : memref<1x1x80xi32, #tpu.memory_space<vmem>> -> memref<80xi32, #tpu.memory_space<vmem>>
      %dma_wait3A_640 = arith.constant 0 : i32
      %dma_wait3A_641 = arith.constant 0 : i32
      %dma_wait3A_642 = tpu.memref_slice %arg4[%dma_wait3A_640, %dma_wait3A_641] : memref<10112x128xf32, #tpu.memory_space<hbm>> -> memref<10112x128xf32, #tpu.memory_space<hbm>>
      tpu.wait_indirect_dma semaphore(%arg14 : memref<!tpu.dma_semaphore, #tpu.memory_space<semaphore_mem>>) src(%dma_wait3A_642 : memref<10112x128xf32, #tpu.memory_space<hbm>>) dst(%dma_wait3A_636 : memref<80x128xf32, #tpu.memory_space<vmem>>)
      "tpu.region"() ({
        %run_scoped3A_953 = tpu.sem_alloc : memref<!tpu.dma_semaphore, #tpu.memory_space<semaphore_mem>>
        %dma_start3A_954 = arith.constant 0 : i32
        %dma_start3A_955 = arith.constant 0 : i32
        %dma_start3A_956 = tpu.memref_slice %arg10[%dma_start3A_954, %dma_start3A_955] : memref<160x128xf32, #tpu.memory_space<vmem>> -> memref<80x128xf32, #tpu.memory_space<vmem>>
        %dma_start3A_957 = arith.constant 0 : i32
        %dma_start3A_958 = tpu.memref_slice %arg9[%add3A_620, %dma_start3A_957] : memref<128x80xi32, #tpu.memory_space<vmem>> -> memref<1x80xi32, #tpu.memory_space<vmem>>
        %dma_start3A_959 = tpu.memref_squeeze %dma_start3A_958 : memref<1x80xi32, #tpu.memory_space<vmem>> -> memref<80xi32, #tpu.memory_space<vmem>>
        %dma_start3A_960 = arith.constant 0 : i32
        %dma_start3A_961 = arith.constant 0 : i32
        %dma_start3A_962 = tpu.memref_slice %arg11[%dma_start3A_960, %dma_start3A_961] : memref<10112x128xf32, #tpu.memory_space<vmem_shared>> -> memref<10112x128xf32, #tpu.memory_space<vmem_shared>>
        tpu.enqueue_indirect_dma source(%dma_start3A_956 : memref<80x128xf32, #tpu.memory_space<vmem>>) target(%dma_start3A_962 : memref<10112x128xf32, #tpu.memory_space<vmem_shared>>) offsets(%dma_start3A_959 : memref<80xi32, #tpu.memory_space<vmem>>) semaphore(%run_scoped3A_953 : memref<!tpu.dma_semaphore, #tpu.memory_space<semaphore_mem>>) {add = true}
        %dma_wait3A_963 = arith.constant 0 : i32
        %dma_wait3A_964 = arith.constant 0 : i32
        %dma_wait3A_965 = tpu.memref_slice %arg10[%dma_wait3A_963, %dma_wait3A_964] : memref<160x128xf32, #tpu.memory_space<vmem>> -> memref<80x128xf32, #tpu.memory_space<vmem>>
        %dma_wait3A_966 = arith.constant 0 : i32
        %dma_wait3A_967 = tpu.memref_slice %arg9[%add3A_620, %dma_wait3A_966] : memref<128x80xi32, #tpu.memory_space<vmem>> -> memref<1x80xi32, #tpu.memory_space<vmem>>
        %dma_wait3A_968 = tpu.memref_squeeze %dma_wait3A_967 : memref<1x80xi32, #tpu.memory_space<vmem>> -> memref<80xi32, #tpu.memory_space<vmem>>
        %dma_wait3A_969 = arith.constant 0 : i32
        %dma_wait3A_970 = arith.constant 0 : i32
        %dma_wait3A_971 = tpu.memref_slice %arg11[%dma_wait3A_969, %dma_wait3A_970] : memref<10112x128xf32, #tpu.memory_space<vmem_shared>> -> memref<10112x128xf32, #tpu.memory_space<vmem_shared>>
        tpu.wait_indirect_dma semaphore(%run_scoped3A_953 : memref<!tpu.dma_semaphore, #tpu.memory_space<semaphore_mem>>) src(%dma_wait3A_965 : memref<80x128xf32, #tpu.memory_space<vmem>>) dst(%dma_wait3A_971 : memref<10112x128xf32, #tpu.memory_space<vmem_shared>>)
        tpu.yield
      }) : () -> ()
      %mul3A_643 = arith.constant 8 : i32
      %mul3A_644 = arith.muli %mul3A_458, %mul3A_643 : i32
      %add3A_645 = arith.constant 7 : i32
      %add3A_646 = arith.addi %mul3A_644, %add3A_645 : i32
      %dma_wait3A_647 = arith.constant 1 : i32
      %dma_wait3A_648 = arith.constant 0 : i32
      %dma_wait3A_649 = arith.constant 0 : i32
      %dma_wait3A_650 = tpu.memref_slice %arg8[%dma_wait3A_647, %dma_wait3A_648, %dma_wait3A_649] : memref<2x8x80xi32, #tpu.memory_space<vmem>> -> memref<1x8x80xi32, #tpu.memory_space<vmem>>
      %dma_wait3A_651 = tpu.memref_squeeze %dma_wait3A_650 : memref<1x8x80xi32, #tpu.memory_space<vmem>> -> memref<8x80xi32, #tpu.memory_space<vmem>>
      %dma_wait3A_652 = arith.constant 0 : i32
      %dma_wait3A_653 = arith.constant 0 : i32
      %dma_wait3A_654 = tpu.memref_slice %arg2[%add3A, %add3A_460, %dma_wait3A_652, %dma_wait3A_653] : memref<32x16x8x80xi32, #tpu.memory_space<hbm>> -> memref<1x1x8x80xi32, #tpu.memory_space<hbm>>
      %dma_wait3A_655 = tpu.memref_squeeze %dma_wait3A_654 : memref<1x1x8x80xi32, #tpu.memory_space<hbm>> -> memref<8x80xi32, #tpu.memory_space<hbm>>
      %dma_wait3A_656 = arith.constant 0 : i32
      %dma_wait3A_657 = arith.constant 0 : i32
      %dma_wait3A_658 = tpu.memref_slice %arg8[%dma_wait3A_647, %dma_wait3A_656, %dma_wait3A_657] : memref<2x8x80xi32, #tpu.memory_space<vmem>> -> memref<1x8x80xi32, #tpu.memory_space<vmem>>
      %dma_wait3A_659 = tpu.memref_squeeze %dma_wait3A_658 : memref<1x8x80xi32, #tpu.memory_space<vmem>> -> memref<8x80xi32, #tpu.memory_space<vmem>>
      %dma_wait3A_660 = arith.constant 0 : i32
      %dma_wait3A_661 = arith.constant 0 : i32
      %dma_wait3A_662 = tpu.memref_slice %arg2[%add3A, %add3A_460, %dma_wait3A_660, %dma_wait3A_661] : memref<32x16x8x80xi32, #tpu.memory_space<hbm>> -> memref<1x1x8x80xi32, #tpu.memory_space<hbm>>
      %dma_wait3A_663 = tpu.memref_squeeze %dma_wait3A_662 : memref<1x1x8x80xi32, #tpu.memory_space<hbm>> -> memref<8x80xi32, #tpu.memory_space<hbm>>
      tpu.wait_dma2 semaphore(%arg13 : memref<!tpu.dma_semaphore, #tpu.memory_space<semaphore_mem>>) src(%dma_wait3A_663 : memref<8x80xi32, #tpu.memory_space<hbm>>) dst(%dma_wait3A_659 : memref<8x80xi32, #tpu.memory_space<vmem>>)
      %dma_start3A_664 = arith.constant 1 : i32
      %dma_start3A_665 = arith.constant 0 : i32
      %dma_start3A_666 = arith.constant 0 : i32
      %dma_start3A_667 = arith.constant 0 : i32
      %dma_start3A_668 = tpu.memref_slice %arg10[%dma_start3A_666, %dma_start3A_667] : memref<160x128xf32, #tpu.memory_space<vmem>> -> memref<80x128xf32, #tpu.memory_space<vmem>>
      %dma_start3A_669 = arith.constant 0 : i32
      %dma_start3A_670 = tpu.memref_slice %arg8[%dma_start3A_664, %dma_start3A_665, %dma_start3A_669] : memref<2x8x80xi32, #tpu.memory_space<vmem>> -> memref<1x1x80xi32, #tpu.memory_space<vmem>>
      %dma_start3A_671 = tpu.memref_squeeze %dma_start3A_670 : memref<1x1x80xi32, #tpu.memory_space<vmem>> -> memref<80xi32, #tpu.memory_space<vmem>>
      %dma_start3A_672 = arith.constant 0 : i32
      %dma_start3A_673 = arith.constant 0 : i32
      %dma_start3A_674 = tpu.memref_slice %arg4[%dma_start3A_672, %dma_start3A_673] : memref<10112x128xf32, #tpu.memory_space<hbm>> -> memref<10112x128xf32, #tpu.memory_space<hbm>>
      tpu.enqueue_indirect_dma source(%dma_start3A_674 : memref<10112x128xf32, #tpu.memory_space<hbm>>) target(%dma_start3A_668 : memref<80x128xf32, #tpu.memory_space<vmem>>) offsets(%dma_start3A_671 : memref<80xi32, #tpu.memory_space<vmem>>) semaphore(%arg14 : memref<!tpu.dma_semaphore, #tpu.memory_space<semaphore_mem>>)
      %dma_wait3A_675 = arith.constant 0 : i32
      %dma_wait3A_676 = arith.constant 7 : i32
      %dma_wait3A_677 = arith.constant 80 : i32
      %dma_wait3A_678 = arith.constant 0 : i32
      %dma_wait3A_679 = tpu.memref_slice %arg10[%dma_wait3A_677, %dma_wait3A_678] : memref<160x128xf32, #tpu.memory_space<vmem>> -> memref<80x128xf32, #tpu.memory_space<vmem>>
      %dma_wait3A_680 = arith.constant 0 : i32
      %dma_wait3A_681 = tpu.memref_slice %arg8[%dma_wait3A_675, %dma_wait3A_676, %dma_wait3A_680] : memref<2x8x80xi32, #tpu.memory_space<vmem>> -> memref<1x1x80xi32, #tpu.memory_space<vmem>>
      %dma_wait3A_682 = tpu.memref_squeeze %dma_wait3A_681 : memref<1x1x80xi32, #tpu.memory_space<vmem>> -> memref<80xi32, #tpu.memory_space<vmem>>
      %dma_wait3A_683 = arith.constant 0 : i32
      %dma_wait3A_684 = arith.constant 0 : i32
      %dma_wait3A_685 = tpu.memref_slice %arg4[%dma_wait3A_683, %dma_wait3A_684] : memref<10112x128xf32, #tpu.memory_space<hbm>> -> memref<10112x128xf32, #tpu.memory_space<hbm>>
      tpu.wait_indirect_dma semaphore(%arg15 : memref<!tpu.dma_semaphore, #tpu.memory_space<semaphore_mem>>) src(%dma_wait3A_685 : memref<10112x128xf32, #tpu.memory_space<hbm>>) dst(%dma_wait3A_679 : memref<80x128xf32, #tpu.memory_space<vmem>>)
      "tpu.region"() ({
        %run_scoped3A_953 = tpu.sem_alloc : memref<!tpu.dma_semaphore, #tpu.memory_space<semaphore_mem>>
        %dma_start3A_954 = arith.constant 80 : i32
        %dma_start3A_955 = arith.constant 0 : i32
        %dma_start3A_956 = tpu.memref_slice %arg10[%dma_start3A_954, %dma_start3A_955] : memref<160x128xf32, #tpu.memory_space<vmem>> -> memref<80x128xf32, #tpu.memory_space<vmem>>
        %dma_start3A_957 = arith.constant 0 : i32
        %dma_start3A_958 = tpu.memref_slice %arg9[%add3A_646, %dma_start3A_957] : memref<128x80xi32, #tpu.memory_space<vmem>> -> memref<1x80xi32, #tpu.memory_space<vmem>>
        %dma_start3A_959 = tpu.memref_squeeze %dma_start3A_958 : memref<1x80xi32, #tpu.memory_space<vmem>> -> memref<80xi32, #tpu.memory_space<vmem>>
        %dma_start3A_960 = arith.constant 0 : i32
        %dma_start3A_961 = arith.constant 0 : i32
        %dma_start3A_962 = tpu.memref_slice %arg11[%dma_start3A_960, %dma_start3A_961] : memref<10112x128xf32, #tpu.memory_space<vmem_shared>> -> memref<10112x128xf32, #tpu.memory_space<vmem_shared>>
        tpu.enqueue_indirect_dma source(%dma_start3A_956 : memref<80x128xf32, #tpu.memory_space<vmem>>) target(%dma_start3A_962 : memref<10112x128xf32, #tpu.memory_space<vmem_shared>>) offsets(%dma_start3A_959 : memref<80xi32, #tpu.memory_space<vmem>>) semaphore(%run_scoped3A_953 : memref<!tpu.dma_semaphore, #tpu.memory_space<semaphore_mem>>) {add = true}
        %dma_wait3A_963 = arith.constant 80 : i32
        %dma_wait3A_964 = arith.constant 0 : i32
        %dma_wait3A_965 = tpu.memref_slice %arg10[%dma_wait3A_963, %dma_wait3A_964] : memref<160x128xf32, #tpu.memory_space<vmem>> -> memref<80x128xf32, #tpu.memory_space<vmem>>
        %dma_wait3A_966 = arith.constant 0 : i32
        %dma_wait3A_967 = tpu.memref_slice %arg9[%add3A_646, %dma_wait3A_966] : memref<128x80xi32, #tpu.memory_space<vmem>> -> memref<1x80xi32, #tpu.memory_space<vmem>>
        %dma_wait3A_968 = tpu.memref_squeeze %dma_wait3A_967 : memref<1x80xi32, #tpu.memory_space<vmem>> -> memref<80xi32, #tpu.memory_space<vmem>>
        %dma_wait3A_969 = arith.constant 0 : i32
        %dma_wait3A_970 = arith.constant 0 : i32
        %dma_wait3A_971 = tpu.memref_slice %arg11[%dma_wait3A_969, %dma_wait3A_970] : memref<10112x128xf32, #tpu.memory_space<vmem_shared>> -> memref<10112x128xf32, #tpu.memory_space<vmem_shared>>
        tpu.wait_indirect_dma semaphore(%run_scoped3A_953 : memref<!tpu.dma_semaphore, #tpu.memory_space<semaphore_mem>>) src(%dma_wait3A_965 : memref<80x128xf32, #tpu.memory_space<vmem>>) dst(%dma_wait3A_971 : memref<10112x128xf32, #tpu.memory_space<vmem_shared>>)
        tpu.yield
      }) : () -> ()
      %add3A_686 = arith.constant 1 : i32
      %add3A_687 = arith.addi %add3A_460, %add3A_686 : i32
      %dma_start3A_688 = arith.constant 0 : i32
      %dma_start3A_689 = arith.constant 0 : i32
      %dma_start3A_690 = arith.constant 0 : i32
      %dma_start3A_691 = tpu.memref_slice %arg8[%dma_start3A_688, %dma_start3A_689, %dma_start3A_690] : memref<2x8x80xi32, #tpu.memory_space<vmem>> -> memref<1x8x80xi32, #tpu.memory_space<vmem>>
      %dma_start3A_692 = tpu.memref_squeeze %dma_start3A_691 : memref<1x8x80xi32, #tpu.memory_space<vmem>> -> memref<8x80xi32, #tpu.memory_space<vmem>>
      %dma_start3A_693 = arith.constant 0 : i32
      %dma_start3A_694 = arith.constant 0 : i32
      %dma_start3A_695 = tpu.memref_slice %arg2[%add3A, %add3A_687, %dma_start3A_693, %dma_start3A_694] : memref<32x16x8x80xi32, #tpu.memory_space<hbm>> -> memref<1x1x8x80xi32, #tpu.memory_space<hbm>>
      %dma_start3A_696 = tpu.memref_squeeze %dma_start3A_695 : memref<1x1x8x80xi32, #tpu.memory_space<hbm>> -> memref<8x80xi32, #tpu.memory_space<hbm>>
      %dma_start3A_697 = arith.constant 0 : i32
      %dma_start3A_698 = arith.constant 0 : i32
      %dma_start3A_699 = tpu.memref_slice %arg8[%dma_start3A_688, %dma_start3A_697, %dma_start3A_698] : memref<2x8x80xi32, #tpu.memory_space<vmem>> -> memref<1x8x80xi32, #tpu.memory_space<vmem>>
      %dma_start3A_700 = tpu.memref_squeeze %dma_start3A_699 : memref<1x8x80xi32, #tpu.memory_space<vmem>> -> memref<8x80xi32, #tpu.memory_space<vmem>>
      %dma_start3A_701 = arith.constant 0 : i32
      %dma_start3A_702 = arith.constant 0 : i32
      %dma_start3A_703 = tpu.memref_slice %arg2[%add3A, %add3A_687, %dma_start3A_701, %dma_start3A_702] : memref<32x16x8x80xi32, #tpu.memory_space<hbm>> -> memref<1x1x8x80xi32, #tpu.memory_space<hbm>>
      %dma_start3A_704 = tpu.memref_squeeze %dma_start3A_703 : memref<1x1x8x80xi32, #tpu.memory_space<hbm>> -> memref<8x80xi32, #tpu.memory_space<hbm>>
      tpu.enqueue_dma source(%dma_start3A_704 : memref<8x80xi32, #tpu.memory_space<hbm>>) target(%dma_start3A_700 : memref<8x80xi32, #tpu.memory_space<vmem>>) target_semaphore(%arg12 : memref<!tpu.dma_semaphore, #tpu.memory_space<semaphore_mem>>)
      %add3A_705 = arith.constant 1 : i32
      %add3A_706 = arith.addi %mul3A_458, %add3A_705 : i32
      %add3A_707 = arith.constant 2 : i32
      %add3A_708 = arith.addi %mul3A_458, %add3A_707 : i32
      %mul3A_709 = arith.constant 8 : i32
      %mul3A_710 = arith.muli %add3A_706, %mul3A_709 : i32
      %add3A_711 = arith.constant 0 : i32
      %add3A_712 = arith.addi %mul3A_710, %add3A_711 : i32
      %dma_start3A_713 = arith.constant 1 : i32
      %dma_start3A_714 = arith.constant 1 : i32
      %dma_start3A_715 = arith.constant 80 : i32
      %dma_start3A_716 = arith.constant 0 : i32
      %dma_start3A_717 = tpu.memref_slice %arg10[%dma_start3A_715, %dma_start3A_716] : memref<160x128xf32, #tpu.memory_space<vmem>> -> memref<80x128xf32, #tpu.memory_space<vmem>>
      %dma_start3A_718 = arith.constant 0 : i32
      %dma_start3A_719 = tpu.memref_slice %arg8[%dma_start3A_713, %dma_start3A_714, %dma_start3A_718] : memref<2x8x80xi32, #tpu.memory_space<vmem>> -> memref<1x1x80xi32, #tpu.memory_space<vmem>>
      %dma_start3A_720 = tpu.memref_squeeze %dma_start3A_719 : memref<1x1x80xi32, #tpu.memory_space<vmem>> -> memref<80xi32, #tpu.memory_space<vmem>>
      %dma_start3A_721 = arith.constant 0 : i32
      %dma_start3A_722 = arith.constant 0 : i32
      %dma_start3A_723 = tpu.memref_slice %arg4[%dma_start3A_721, %dma_start3A_722] : memref<10112x128xf32, #tpu.memory_space<hbm>> -> memref<10112x128xf32, #tpu.memory_space<hbm>>
      tpu.enqueue_indirect_dma source(%dma_start3A_723 : memref<10112x128xf32, #tpu.memory_space<hbm>>) target(%dma_start3A_717 : memref<80x128xf32, #tpu.memory_space<vmem>>) offsets(%dma_start3A_720 : memref<80xi32, #tpu.memory_space<vmem>>) semaphore(%arg15 : memref<!tpu.dma_semaphore, #tpu.memory_space<semaphore_mem>>)
      %dma_wait3A_724 = arith.constant 1 : i32
      %dma_wait3A_725 = arith.constant 0 : i32
      %dma_wait3A_726 = arith.constant 0 : i32
      %dma_wait3A_727 = arith.constant 0 : i32
      %dma_wait3A_728 = tpu.memref_slice %arg10[%dma_wait3A_726, %dma_wait3A_727] : memref<160x128xf32, #tpu.memory_space<vmem>> -> memref<80x128xf32, #tpu.memory_space<vmem>>
      %dma_wait3A_729 = arith.constant 0 : i32
      %dma_wait3A_730 = tpu.memref_slice %arg8[%dma_wait3A_724, %dma_wait3A_725, %dma_wait3A_729] : memref<2x8x80xi32, #tpu.memory_space<vmem>> -> memref<1x1x80xi32, #tpu.memory_space<vmem>>
      %dma_wait3A_731 = tpu.memref_squeeze %dma_wait3A_730 : memref<1x1x80xi32, #tpu.memory_space<vmem>> -> memref<80xi32, #tpu.memory_space<vmem>>
      %dma_wait3A_732 = arith.constant 0 : i32
      %dma_wait3A_733 = arith.constant 0 : i32
      %dma_wait3A_734 = tpu.memref_slice %arg4[%dma_wait3A_732, %dma_wait3A_733] : memref<10112x128xf32, #tpu.memory_space<hbm>> -> memref<10112x128xf32, #tpu.memory_space<hbm>>
      tpu.wait_indirect_dma semaphore(%arg14 : memref<!tpu.dma_semaphore, #tpu.memory_space<semaphore_mem>>) src(%dma_wait3A_734 : memref<10112x128xf32, #tpu.memory_space<hbm>>) dst(%dma_wait3A_728 : memref<80x128xf32, #tpu.memory_space<vmem>>)
      "tpu.region"() ({
        %run_scoped3A_953 = tpu.sem_alloc : memref<!tpu.dma_semaphore, #tpu.memory_space<semaphore_mem>>
        %dma_start3A_954 = arith.constant 0 : i32
        %dma_start3A_955 = arith.constant 0 : i32
        %dma_start3A_956 = tpu.memref_slice %arg10[%dma_start3A_954, %dma_start3A_955] : memref<160x128xf32, #tpu.memory_space<vmem>> -> memref<80x128xf32, #tpu.memory_space<vmem>>
        %dma_start3A_957 = arith.constant 0 : i32
        %dma_start3A_958 = tpu.memref_slice %arg9[%add3A_712, %dma_start3A_957] : memref<128x80xi32, #tpu.memory_space<vmem>> -> memref<1x80xi32, #tpu.memory_space<vmem>>
        %dma_start3A_959 = tpu.memref_squeeze %dma_start3A_958 : memref<1x80xi32, #tpu.memory_space<vmem>> -> memref<80xi32, #tpu.memory_space<vmem>>
        %dma_start3A_960 = arith.constant 0 : i32
        %dma_start3A_961 = arith.constant 0 : i32
        %dma_start3A_962 = tpu.memref_slice %arg11[%dma_start3A_960, %dma_start3A_961] : memref<10112x128xf32, #tpu.memory_space<vmem_shared>> -> memref<10112x128xf32, #tpu.memory_space<vmem_shared>>
        tpu.enqueue_indirect_dma source(%dma_start3A_956 : memref<80x128xf32, #tpu.memory_space<vmem>>) target(%dma_start3A_962 : memref<10112x128xf32, #tpu.memory_space<vmem_shared>>) offsets(%dma_start3A_959 : memref<80xi32, #tpu.memory_space<vmem>>) semaphore(%run_scoped3A_953 : memref<!tpu.dma_semaphore, #tpu.memory_space<semaphore_mem>>) {add = true}
        %dma_wait3A_963 = arith.constant 0 : i32
        %dma_wait3A_964 = arith.constant 0 : i32
        %dma_wait3A_965 = tpu.memref_slice %arg10[%dma_wait3A_963, %dma_wait3A_964] : memref<160x128xf32, #tpu.memory_space<vmem>> -> memref<80x128xf32, #tpu.memory_space<vmem>>
        %dma_wait3A_966 = arith.constant 0 : i32
        %dma_wait3A_967 = tpu.memref_slice %arg9[%add3A_712, %dma_wait3A_966] : memref<128x80xi32, #tpu.memory_space<vmem>> -> memref<1x80xi32, #tpu.memory_space<vmem>>
        %dma_wait3A_968 = tpu.memref_squeeze %dma_wait3A_967 : memref<1x80xi32, #tpu.memory_space<vmem>> -> memref<80xi32, #tpu.memory_space<vmem>>
        %dma_wait3A_969 = arith.constant 0 : i32
        %dma_wait3A_970 = arith.constant 0 : i32
        %dma_wait3A_971 = tpu.memref_slice %arg11[%dma_wait3A_969, %dma_wait3A_970] : memref<10112x128xf32, #tpu.memory_space<vmem_shared>> -> memref<10112x128xf32, #tpu.memory_space<vmem_shared>>
        tpu.wait_indirect_dma semaphore(%run_scoped3A_953 : memref<!tpu.dma_semaphore, #tpu.memory_space<semaphore_mem>>) src(%dma_wait3A_965 : memref<80x128xf32, #tpu.memory_space<vmem>>) dst(%dma_wait3A_971 : memref<10112x128xf32, #tpu.memory_space<vmem_shared>>)
        tpu.yield
      }) : () -> ()
      %mul3A_735 = arith.constant 8 : i32
      %mul3A_736 = arith.muli %add3A_706, %mul3A_735 : i32
      %add3A_737 = arith.constant 1 : i32
      %add3A_738 = arith.addi %mul3A_736, %add3A_737 : i32
      %dma_start3A_739 = arith.constant 1 : i32
      %dma_start3A_740 = arith.constant 2 : i32
      %dma_start3A_741 = arith.constant 0 : i32
      %dma_start3A_742 = arith.constant 0 : i32
      %dma_start3A_743 = tpu.memref_slice %arg10[%dma_start3A_741, %dma_start3A_742] : memref<160x128xf32, #tpu.memory_space<vmem>> -> memref<80x128xf32, #tpu.memory_space<vmem>>
      %dma_start3A_744 = arith.constant 0 : i32
      %dma_start3A_745 = tpu.memref_slice %arg8[%dma_start3A_739, %dma_start3A_740, %dma_start3A_744] : memref<2x8x80xi32, #tpu.memory_space<vmem>> -> memref<1x1x80xi32, #tpu.memory_space<vmem>>
      %dma_start3A_746 = tpu.memref_squeeze %dma_start3A_745 : memref<1x1x80xi32, #tpu.memory_space<vmem>> -> memref<80xi32, #tpu.memory_space<vmem>>
      %dma_start3A_747 = arith.constant 0 : i32
      %dma_start3A_748 = arith.constant 0 : i32
      %dma_start3A_749 = tpu.memref_slice %arg4[%dma_start3A_747, %dma_start3A_748] : memref<10112x128xf32, #tpu.memory_space<hbm>> -> memref<10112x128xf32, #tpu.memory_space<hbm>>
      tpu.enqueue_indirect_dma source(%dma_start3A_749 : memref<10112x128xf32, #tpu.memory_space<hbm>>) target(%dma_start3A_743 : memref<80x128xf32, #tpu.memory_space<vmem>>) offsets(%dma_start3A_746 : memref<80xi32, #tpu.memory_space<vmem>>) semaphore(%arg14 : memref<!tpu.dma_semaphore, #tpu.memory_space<semaphore_mem>>)
      %dma_wait3A_750 = arith.constant 1 : i32
      %dma_wait3A_751 = arith.constant 1 : i32
      %dma_wait3A_752 = arith.constant 80 : i32
      %dma_wait3A_753 = arith.constant 0 : i32
      %dma_wait3A_754 = tpu.memref_slice %arg10[%dma_wait3A_752, %dma_wait3A_753] : memref<160x128xf32, #tpu.memory_space<vmem>> -> memref<80x128xf32, #tpu.memory_space<vmem>>
      %dma_wait3A_755 = arith.constant 0 : i32
      %dma_wait3A_756 = tpu.memref_slice %arg8[%dma_wait3A_750, %dma_wait3A_751, %dma_wait3A_755] : memref<2x8x80xi32, #tpu.memory_space<vmem>> -> memref<1x1x80xi32, #tpu.memory_space<vmem>>
      %dma_wait3A_757 = tpu.memref_squeeze %dma_wait3A_756 : memref<1x1x80xi32, #tpu.memory_space<vmem>> -> memref<80xi32, #tpu.memory_space<vmem>>
      %dma_wait3A_758 = arith.constant 0 : i32
      %dma_wait3A_759 = arith.constant 0 : i32
      %dma_wait3A_760 = tpu.memref_slice %arg4[%dma_wait3A_758, %dma_wait3A_759] : memref<10112x128xf32, #tpu.memory_space<hbm>> -> memref<10112x128xf32, #tpu.memory_space<hbm>>
      tpu.wait_indirect_dma semaphore(%arg15 : memref<!tpu.dma_semaphore, #tpu.memory_space<semaphore_mem>>) src(%dma_wait3A_760 : memref<10112x128xf32, #tpu.memory_space<hbm>>) dst(%dma_wait3A_754 : memref<80x128xf32, #tpu.memory_space<vmem>>)
      "tpu.region"() ({
        %run_scoped3A_953 = tpu.sem_alloc : memref<!tpu.dma_semaphore, #tpu.memory_space<semaphore_mem>>
        %dma_start3A_954 = arith.constant 80 : i32
        %dma_start3A_955 = arith.constant 0 : i32
        %dma_start3A_956 = tpu.memref_slice %arg10[%dma_start3A_954, %dma_start3A_955] : memref<160x128xf32, #tpu.memory_space<vmem>> -> memref<80x128xf32, #tpu.memory_space<vmem>>
        %dma_start3A_957 = arith.constant 0 : i32
        %dma_start3A_958 = tpu.memref_slice %arg9[%add3A_738, %dma_start3A_957] : memref<128x80xi32, #tpu.memory_space<vmem>> -> memref<1x80xi32, #tpu.memory_space<vmem>>
        %dma_start3A_959 = tpu.memref_squeeze %dma_start3A_958 : memref<1x80xi32, #tpu.memory_space<vmem>> -> memref<80xi32, #tpu.memory_space<vmem>>
        %dma_start3A_960 = arith.constant 0 : i32
        %dma_start3A_961 = arith.constant 0 : i32
        %dma_start3A_962 = tpu.memref_slice %arg11[%dma_start3A_960, %dma_start3A_961] : memref<10112x128xf32, #tpu.memory_space<vmem_shared>> -> memref<10112x128xf32, #tpu.memory_space<vmem_shared>>
        tpu.enqueue_indirect_dma source(%dma_start3A_956 : memref<80x128xf32, #tpu.memory_space<vmem>>) target(%dma_start3A_962 : memref<10112x128xf32, #tpu.memory_space<vmem_shared>>) offsets(%dma_start3A_959 : memref<80xi32, #tpu.memory_space<vmem>>) semaphore(%run_scoped3A_953 : memref<!tpu.dma_semaphore, #tpu.memory_space<semaphore_mem>>) {add = true}
        %dma_wait3A_963 = arith.constant 80 : i32
        %dma_wait3A_964 = arith.constant 0 : i32
        %dma_wait3A_965 = tpu.memref_slice %arg10[%dma_wait3A_963, %dma_wait3A_964] : memref<160x128xf32, #tpu.memory_space<vmem>> -> memref<80x128xf32, #tpu.memory_space<vmem>>
        %dma_wait3A_966 = arith.constant 0 : i32
        %dma_wait3A_967 = tpu.memref_slice %arg9[%add3A_738, %dma_wait3A_966] : memref<128x80xi32, #tpu.memory_space<vmem>> -> memref<1x80xi32, #tpu.memory_space<vmem>>
        %dma_wait3A_968 = tpu.memref_squeeze %dma_wait3A_967 : memref<1x80xi32, #tpu.memory_space<vmem>> -> memref<80xi32, #tpu.memory_space<vmem>>
        %dma_wait3A_969 = arith.constant 0 : i32
        %dma_wait3A_970 = arith.constant 0 : i32
        %dma_wait3A_971 = tpu.memref_slice %arg11[%dma_wait3A_969, %dma_wait3A_970] : memref<10112x128xf32, #tpu.memory_space<vmem_shared>> -> memref<10112x128xf32, #tpu.memory_space<vmem_shared>>
        tpu.wait_indirect_dma semaphore(%run_scoped3A_953 : memref<!tpu.dma_semaphore, #tpu.memory_space<semaphore_mem>>) src(%dma_wait3A_965 : memref<80x128xf32, #tpu.memory_space<vmem>>) dst(%dma_wait3A_971 : memref<10112x128xf32, #tpu.memory_space<vmem_shared>>)
        tpu.yield
      }) : () -> ()
      %mul3A_761 = arith.constant 8 : i32
      %mul3A_762 = arith.muli %add3A_706, %mul3A_761 : i32
      %add3A_763 = arith.constant 2 : i32
      %add3A_764 = arith.addi %mul3A_762, %add3A_763 : i32
      %dma_start3A_765 = arith.constant 1 : i32
      %dma_start3A_766 = arith.constant 3 : i32
      %dma_start3A_767 = arith.constant 80 : i32
      %dma_start3A_768 = arith.constant 0 : i32
      %dma_start3A_769 = tpu.memref_slice %arg10[%dma_start3A_767, %dma_start3A_768] : memref<160x128xf32, #tpu.memory_space<vmem>> -> memref<80x128xf32, #tpu.memory_space<vmem>>
      %dma_start3A_770 = arith.constant 0 : i32
      %dma_start3A_771 = tpu.memref_slice %arg8[%dma_start3A_765, %dma_start3A_766, %dma_start3A_770] : memref<2x8x80xi32, #tpu.memory_space<vmem>> -> memref<1x1x80xi32, #tpu.memory_space<vmem>>
      %dma_start3A_772 = tpu.memref_squeeze %dma_start3A_771 : memref<1x1x80xi32, #tpu.memory_space<vmem>> -> memref<80xi32, #tpu.memory_space<vmem>>
      %dma_start3A_773 = arith.constant 0 : i32
      %dma_start3A_774 = arith.constant 0 : i32
      %dma_start3A_775 = tpu.memref_slice %arg4[%dma_start3A_773, %dma_start3A_774] : memref<10112x128xf32, #tpu.memory_space<hbm>> -> memref<10112x128xf32, #tpu.memory_space<hbm>>
      tpu.enqueue_indirect_dma source(%dma_start3A_775 : memref<10112x128xf32, #tpu.memory_space<hbm>>) target(%dma_start3A_769 : memref<80x128xf32, #tpu.memory_space<vmem>>) offsets(%dma_start3A_772 : memref<80xi32, #tpu.memory_space<vmem>>) semaphore(%arg15 : memref<!tpu.dma_semaphore, #tpu.memory_space<semaphore_mem>>)
      %dma_wait3A_776 = arith.constant 1 : i32
      %dma_wait3A_777 = arith.constant 2 : i32
      %dma_wait3A_778 = arith.constant 0 : i32
      %dma_wait3A_779 = arith.constant 0 : i32
      %dma_wait3A_780 = tpu.memref_slice %arg10[%dma_wait3A_778, %dma_wait3A_779] : memref<160x128xf32, #tpu.memory_space<vmem>> -> memref<80x128xf32, #tpu.memory_space<vmem>>
      %dma_wait3A_781 = arith.constant 0 : i32
      %dma_wait3A_782 = tpu.memref_slice %arg8[%dma_wait3A_776, %dma_wait3A_777, %dma_wait3A_781] : memref<2x8x80xi32, #tpu.memory_space<vmem>> -> memref<1x1x80xi32, #tpu.memory_space<vmem>>
      %dma_wait3A_783 = tpu.memref_squeeze %dma_wait3A_782 : memref<1x1x80xi32, #tpu.memory_space<vmem>> -> memref<80xi32, #tpu.memory_space<vmem>>
      %dma_wait3A_784 = arith.constant 0 : i32
      %dma_wait3A_785 = arith.constant 0 : i32
      %dma_wait3A_786 = tpu.memref_slice %arg4[%dma_wait3A_784, %dma_wait3A_785] : memref<10112x128xf32, #tpu.memory_space<hbm>> -> memref<10112x128xf32, #tpu.memory_space<hbm>>
      tpu.wait_indirect_dma semaphore(%arg14 : memref<!tpu.dma_semaphore, #tpu.memory_space<semaphore_mem>>) src(%dma_wait3A_786 : memref<10112x128xf32, #tpu.memory_space<hbm>>) dst(%dma_wait3A_780 : memref<80x128xf32, #tpu.memory_space<vmem>>)
      "tpu.region"() ({
        %run_scoped3A_953 = tpu.sem_alloc : memref<!tpu.dma_semaphore, #tpu.memory_space<semaphore_mem>>
        %dma_start3A_954 = arith.constant 0 : i32
        %dma_start3A_955 = arith.constant 0 : i32
        %dma_start3A_956 = tpu.memref_slice %arg10[%dma_start3A_954, %dma_start3A_955] : memref<160x128xf32, #tpu.memory_space<vmem>> -> memref<80x128xf32, #tpu.memory_space<vmem>>
        %dma_start3A_957 = arith.constant 0 : i32
        %dma_start3A_958 = tpu.memref_slice %arg9[%add3A_764, %dma_start3A_957] : memref<128x80xi32, #tpu.memory_space<vmem>> -> memref<1x80xi32, #tpu.memory_space<vmem>>
        %dma_start3A_959 = tpu.memref_squeeze %dma_start3A_958 : memref<1x80xi32, #tpu.memory_space<vmem>> -> memref<80xi32, #tpu.memory_space<vmem>>
        %dma_start3A_960 = arith.constant 0 : i32
        %dma_start3A_961 = arith.constant 0 : i32
        %dma_start3A_962 = tpu.memref_slice %arg11[%dma_start3A_960, %dma_start3A_961] : memref<10112x128xf32, #tpu.memory_space<vmem_shared>> -> memref<10112x128xf32, #tpu.memory_space<vmem_shared>>
        tpu.enqueue_indirect_dma source(%dma_start3A_956 : memref<80x128xf32, #tpu.memory_space<vmem>>) target(%dma_start3A_962 : memref<10112x128xf32, #tpu.memory_space<vmem_shared>>) offsets(%dma_start3A_959 : memref<80xi32, #tpu.memory_space<vmem>>) semaphore(%run_scoped3A_953 : memref<!tpu.dma_semaphore, #tpu.memory_space<semaphore_mem>>) {add = true}
        %dma_wait3A_963 = arith.constant 0 : i32
        %dma_wait3A_964 = arith.constant 0 : i32
        %dma_wait3A_965 = tpu.memref_slice %arg10[%dma_wait3A_963, %dma_wait3A_964] : memref<160x128xf32, #tpu.memory_space<vmem>> -> memref<80x128xf32, #tpu.memory_space<vmem>>
        %dma_wait3A_966 = arith.constant 0 : i32
        %dma_wait3A_967 = tpu.memref_slice %arg9[%add3A_764, %dma_wait3A_966] : memref<128x80xi32, #tpu.memory_space<vmem>> -> memref<1x80xi32, #tpu.memory_space<vmem>>
        %dma_wait3A_968 = tpu.memref_squeeze %dma_wait3A_967 : memref<1x80xi32, #tpu.memory_space<vmem>> -> memref<80xi32, #tpu.memory_space<vmem>>
        %dma_wait3A_969 = arith.constant 0 : i32
        %dma_wait3A_970 = arith.constant 0 : i32
        %dma_wait3A_971 = tpu.memref_slice %arg11[%dma_wait3A_969, %dma_wait3A_970] : memref<10112x128xf32, #tpu.memory_space<vmem_shared>> -> memref<10112x128xf32, #tpu.memory_space<vmem_shared>>
        tpu.wait_indirect_dma semaphore(%run_scoped3A_953 : memref<!tpu.dma_semaphore, #tpu.memory_space<semaphore_mem>>) src(%dma_wait3A_965 : memref<80x128xf32, #tpu.memory_space<vmem>>) dst(%dma_wait3A_971 : memref<10112x128xf32, #tpu.memory_space<vmem_shared>>)
        tpu.yield
      }) : () -> ()
      %mul3A_787 = arith.constant 8 : i32
      %mul3A_788 = arith.muli %add3A_706, %mul3A_787 : i32
      %add3A_789 = arith.constant 3 : i32
      %add3A_790 = arith.addi %mul3A_788, %add3A_789 : i32
      %dma_start3A_791 = arith.constant 1 : i32
      %dma_start3A_792 = arith.constant 4 : i32
      %dma_start3A_793 = arith.constant 0 : i32
      %dma_start3A_794 = arith.constant 0 : i32
      %dma_start3A_795 = tpu.memref_slice %arg10[%dma_start3A_793, %dma_start3A_794] : memref<160x128xf32, #tpu.memory_space<vmem>> -> memref<80x128xf32, #tpu.memory_space<vmem>>
      %dma_start3A_796 = arith.constant 0 : i32
      %dma_start3A_797 = tpu.memref_slice %arg8[%dma_start3A_791, %dma_start3A_792, %dma_start3A_796] : memref<2x8x80xi32, #tpu.memory_space<vmem>> -> memref<1x1x80xi32, #tpu.memory_space<vmem>>
      %dma_start3A_798 = tpu.memref_squeeze %dma_start3A_797 : memref<1x1x80xi32, #tpu.memory_space<vmem>> -> memref<80xi32, #tpu.memory_space<vmem>>
      %dma_start3A_799 = arith.constant 0 : i32
      %dma_start3A_800 = arith.constant 0 : i32
      %dma_start3A_801 = tpu.memref_slice %arg4[%dma_start3A_799, %dma_start3A_800] : memref<10112x128xf32, #tpu.memory_space<hbm>> -> memref<10112x128xf32, #tpu.memory_space<hbm>>
      tpu.enqueue_indirect_dma source(%dma_start3A_801 : memref<10112x128xf32, #tpu.memory_space<hbm>>) target(%dma_start3A_795 : memref<80x128xf32, #tpu.memory_space<vmem>>) offsets(%dma_start3A_798 : memref<80xi32, #tpu.memory_space<vmem>>) semaphore(%arg14 : memref<!tpu.dma_semaphore, #tpu.memory_space<semaphore_mem>>)
      %dma_wait3A_802 = arith.constant 1 : i32
      %dma_wait3A_803 = arith.constant 3 : i32
      %dma_wait3A_804 = arith.constant 80 : i32
      %dma_wait3A_805 = arith.constant 0 : i32
      %dma_wait3A_806 = tpu.memref_slice %arg10[%dma_wait3A_804, %dma_wait3A_805] : memref<160x128xf32, #tpu.memory_space<vmem>> -> memref<80x128xf32, #tpu.memory_space<vmem>>
      %dma_wait3A_807 = arith.constant 0 : i32
      %dma_wait3A_808 = tpu.memref_slice %arg8[%dma_wait3A_802, %dma_wait3A_803, %dma_wait3A_807] : memref<2x8x80xi32, #tpu.memory_space<vmem>> -> memref<1x1x80xi32, #tpu.memory_space<vmem>>
      %dma_wait3A_809 = tpu.memref_squeeze %dma_wait3A_808 : memref<1x1x80xi32, #tpu.memory_space<vmem>> -> memref<80xi32, #tpu.memory_space<vmem>>
      %dma_wait3A_810 = arith.constant 0 : i32
      %dma_wait3A_811 = arith.constant 0 : i32
      %dma_wait3A_812 = tpu.memref_slice %arg4[%dma_wait3A_810, %dma_wait3A_811] : memref<10112x128xf32, #tpu.memory_space<hbm>> -> memref<10112x128xf32, #tpu.memory_space<hbm>>
      tpu.wait_indirect_dma semaphore(%arg15 : memref<!tpu.dma_semaphore, #tpu.memory_space<semaphore_mem>>) src(%dma_wait3A_812 : memref<10112x128xf32, #tpu.memory_space<hbm>>) dst(%dma_wait3A_806 : memref<80x128xf32, #tpu.memory_space<vmem>>)
      "tpu.region"() ({
        %run_scoped3A_953 = tpu.sem_alloc : memref<!tpu.dma_semaphore, #tpu.memory_space<semaphore_mem>>
        %dma_start3A_954 = arith.constant 80 : i32
        %dma_start3A_955 = arith.constant 0 : i32
        %dma_start3A_956 = tpu.memref_slice %arg10[%dma_start3A_954, %dma_start3A_955] : memref<160x128xf32, #tpu.memory_space<vmem>> -> memref<80x128xf32, #tpu.memory_space<vmem>>
        %dma_start3A_957 = arith.constant 0 : i32
        %dma_start3A_958 = tpu.memref_slice %arg9[%add3A_790, %dma_start3A_957] : memref<128x80xi32, #tpu.memory_space<vmem>> -> memref<1x80xi32, #tpu.memory_space<vmem>>
        %dma_start3A_959 = tpu.memref_squeeze %dma_start3A_958 : memref<1x80xi32, #tpu.memory_space<vmem>> -> memref<80xi32, #tpu.memory_space<vmem>>
        %dma_start3A_960 = arith.constant 0 : i32
        %dma_start3A_961 = arith.constant 0 : i32
        %dma_start3A_962 = tpu.memref_slice %arg11[%dma_start3A_960, %dma_start3A_961] : memref<10112x128xf32, #tpu.memory_space<vmem_shared>> -> memref<10112x128xf32, #tpu.memory_space<vmem_shared>>
        tpu.enqueue_indirect_dma source(%dma_start3A_956 : memref<80x128xf32, #tpu.memory_space<vmem>>) target(%dma_start3A_962 : memref<10112x128xf32, #tpu.memory_space<vmem_shared>>) offsets(%dma_start3A_959 : memref<80xi32, #tpu.memory_space<vmem>>) semaphore(%run_scoped3A_953 : memref<!tpu.dma_semaphore, #tpu.memory_space<semaphore_mem>>) {add = true}
        %dma_wait3A_963 = arith.constant 80 : i32
        %dma_wait3A_964 = arith.constant 0 : i32
        %dma_wait3A_965 = tpu.memref_slice %arg10[%dma_wait3A_963, %dma_wait3A_964] : memref<160x128xf32, #tpu.memory_space<vmem>> -> memref<80x128xf32, #tpu.memory_space<vmem>>
        %dma_wait3A_966 = arith.constant 0 : i32
        %dma_wait3A_967 = tpu.memref_slice %arg9[%add3A_790, %dma_wait3A_966] : memref<128x80xi32, #tpu.memory_space<vmem>> -> memref<1x80xi32, #tpu.memory_space<vmem>>
        %dma_wait3A_968 = tpu.memref_squeeze %dma_wait3A_967 : memref<1x80xi32, #tpu.memory_space<vmem>> -> memref<80xi32, #tpu.memory_space<vmem>>
        %dma_wait3A_969 = arith.constant 0 : i32
        %dma_wait3A_970 = arith.constant 0 : i32
        %dma_wait3A_971 = tpu.memref_slice %arg11[%dma_wait3A_969, %dma_wait3A_970] : memref<10112x128xf32, #tpu.memory_space<vmem_shared>> -> memref<10112x128xf32, #tpu.memory_space<vmem_shared>>
        tpu.wait_indirect_dma semaphore(%run_scoped3A_953 : memref<!tpu.dma_semaphore, #tpu.memory_space<semaphore_mem>>) src(%dma_wait3A_965 : memref<80x128xf32, #tpu.memory_space<vmem>>) dst(%dma_wait3A_971 : memref<10112x128xf32, #tpu.memory_space<vmem_shared>>)
        tpu.yield
      }) : () -> ()
      %mul3A_813 = arith.constant 8 : i32
      %mul3A_814 = arith.muli %add3A_706, %mul3A_813 : i32
      %add3A_815 = arith.constant 4 : i32
      %add3A_816 = arith.addi %mul3A_814, %add3A_815 : i32
      %dma_start3A_817 = arith.constant 1 : i32
      %dma_start3A_818 = arith.constant 5 : i32
      %dma_start3A_819 = arith.constant 80 : i32
      %dma_start3A_820 = arith.constant 0 : i32
      %dma_start3A_821 = tpu.memref_slice %arg10[%dma_start3A_819, %dma_start3A_820] : memref<160x128xf32, #tpu.memory_space<vmem>> -> memref<80x128xf32, #tpu.memory_space<vmem>>
      %dma_start3A_822 = arith.constant 0 : i32
      %dma_start3A_823 = tpu.memref_slice %arg8[%dma_start3A_817, %dma_start3A_818, %dma_start3A_822] : memref<2x8x80xi32, #tpu.memory_space<vmem>> -> memref<1x1x80xi32, #tpu.memory_space<vmem>>
      %dma_start3A_824 = tpu.memref_squeeze %dma_start3A_823 : memref<1x1x80xi32, #tpu.memory_space<vmem>> -> memref<80xi32, #tpu.memory_space<vmem>>
      %dma_start3A_825 = arith.constant 0 : i32
      %dma_start3A_826 = arith.constant 0 : i32
      %dma_start3A_827 = tpu.memref_slice %arg4[%dma_start3A_825, %dma_start3A_826] : memref<10112x128xf32, #tpu.memory_space<hbm>> -> memref<10112x128xf32, #tpu.memory_space<hbm>>
      tpu.enqueue_indirect_dma source(%dma_start3A_827 : memref<10112x128xf32, #tpu.memory_space<hbm>>) target(%dma_start3A_821 : memref<80x128xf32, #tpu.memory_space<vmem>>) offsets(%dma_start3A_824 : memref<80xi32, #tpu.memory_space<vmem>>) semaphore(%arg15 : memref<!tpu.dma_semaphore, #tpu.memory_space<semaphore_mem>>)
      %dma_wait3A_828 = arith.constant 1 : i32
      %dma_wait3A_829 = arith.constant 4 : i32
      %dma_wait3A_830 = arith.constant 0 : i32
      %dma_wait3A_831 = arith.constant 0 : i32
      %dma_wait3A_832 = tpu.memref_slice %arg10[%dma_wait3A_830, %dma_wait3A_831] : memref<160x128xf32, #tpu.memory_space<vmem>> -> memref<80x128xf32, #tpu.memory_space<vmem>>
      %dma_wait3A_833 = arith.constant 0 : i32
      %dma_wait3A_834 = tpu.memref_slice %arg8[%dma_wait3A_828, %dma_wait3A_829, %dma_wait3A_833] : memref<2x8x80xi32, #tpu.memory_space<vmem>> -> memref<1x1x80xi32, #tpu.memory_space<vmem>>
      %dma_wait3A_835 = tpu.memref_squeeze %dma_wait3A_834 : memref<1x1x80xi32, #tpu.memory_space<vmem>> -> memref<80xi32, #tpu.memory_space<vmem>>
      %dma_wait3A_836 = arith.constant 0 : i32
      %dma_wait3A_837 = arith.constant 0 : i32
      %dma_wait3A_838 = tpu.memref_slice %arg4[%dma_wait3A_836, %dma_wait3A_837] : memref<10112x128xf32, #tpu.memory_space<hbm>> -> memref<10112x128xf32, #tpu.memory_space<hbm>>
      tpu.wait_indirect_dma semaphore(%arg14 : memref<!tpu.dma_semaphore, #tpu.memory_space<semaphore_mem>>) src(%dma_wait3A_838 : memref<10112x128xf32, #tpu.memory_space<hbm>>) dst(%dma_wait3A_832 : memref<80x128xf32, #tpu.memory_space<vmem>>)
      "tpu.region"() ({
        %run_scoped3A_953 = tpu.sem_alloc : memref<!tpu.dma_semaphore, #tpu.memory_space<semaphore_mem>>
        %dma_start3A_954 = arith.constant 0 : i32
        %dma_start3A_955 = arith.constant 0 : i32
        %dma_start3A_956 = tpu.memref_slice %arg10[%dma_start3A_954, %dma_start3A_955] : memref<160x128xf32, #tpu.memory_space<vmem>> -> memref<80x128xf32, #tpu.memory_space<vmem>>
        %dma_start3A_957 = arith.constant 0 : i32
        %dma_start3A_958 = tpu.memref_slice %arg9[%add3A_816, %dma_start3A_957] : memref<128x80xi32, #tpu.memory_space<vmem>> -> memref<1x80xi32, #tpu.memory_space<vmem>>
        %dma_start3A_959 = tpu.memref_squeeze %dma_start3A_958 : memref<1x80xi32, #tpu.memory_space<vmem>> -> memref<80xi32, #tpu.memory_space<vmem>>
        %dma_start3A_960 = arith.constant 0 : i32
        %dma_start3A_961 = arith.constant 0 : i32
        %dma_start3A_962 = tpu.memref_slice %arg11[%dma_start3A_960, %dma_start3A_961] : memref<10112x128xf32, #tpu.memory_space<vmem_shared>> -> memref<10112x128xf32, #tpu.memory_space<vmem_shared>>
        tpu.enqueue_indirect_dma source(%dma_start3A_956 : memref<80x128xf32, #tpu.memory_space<vmem>>) target(%dma_start3A_962 : memref<10112x128xf32, #tpu.memory_space<vmem_shared>>) offsets(%dma_start3A_959 : memref<80xi32, #tpu.memory_space<vmem>>) semaphore(%run_scoped3A_953 : memref<!tpu.dma_semaphore, #tpu.memory_space<semaphore_mem>>) {add = true}
        %dma_wait3A_963 = arith.constant 0 : i32
        %dma_wait3A_964 = arith.constant 0 : i32
        %dma_wait3A_965 = tpu.memref_slice %arg10[%dma_wait3A_963, %dma_wait3A_964] : memref<160x128xf32, #tpu.memory_space<vmem>> -> memref<80x128xf32, #tpu.memory_space<vmem>>
        %dma_wait3A_966 = arith.constant 0 : i32
        %dma_wait3A_967 = tpu.memref_slice %arg9[%add3A_816, %dma_wait3A_966] : memref<128x80xi32, #tpu.memory_space<vmem>> -> memref<1x80xi32, #tpu.memory_space<vmem>>
        %dma_wait3A_968 = tpu.memref_squeeze %dma_wait3A_967 : memref<1x80xi32, #tpu.memory_space<vmem>> -> memref<80xi32, #tpu.memory_space<vmem>>
        %dma_wait3A_969 = arith.constant 0 : i32
        %dma_wait3A_970 = arith.constant 0 : i32
        %dma_wait3A_971 = tpu.memref_slice %arg11[%dma_wait3A_969, %dma_wait3A_970] : memref<10112x128xf32, #tpu.memory_space<vmem_shared>> -> memref<10112x128xf32, #tpu.memory_space<vmem_shared>>
        tpu.wait_indirect_dma semaphore(%run_scoped3A_953 : memref<!tpu.dma_semaphore, #tpu.memory_space<semaphore_mem>>) src(%dma_wait3A_965 : memref<80x128xf32, #tpu.memory_space<vmem>>) dst(%dma_wait3A_971 : memref<10112x128xf32, #tpu.memory_space<vmem_shared>>)
        tpu.yield
      }) : () -> ()
      %mul3A_839 = arith.constant 8 : i32
      %mul3A_840 = arith.muli %add3A_706, %mul3A_839 : i32
      %add3A_841 = arith.constant 5 : i32
      %add3A_842 = arith.addi %mul3A_840, %add3A_841 : i32
      %dma_start3A_843 = arith.constant 1 : i32
      %dma_start3A_844 = arith.constant 6 : i32
      %dma_start3A_845 = arith.constant 0 : i32
      %dma_start3A_846 = arith.constant 0 : i32
      %dma_start3A_847 = tpu.memref_slice %arg10[%dma_start3A_845, %dma_start3A_846] : memref<160x128xf32, #tpu.memory_space<vmem>> -> memref<80x128xf32, #tpu.memory_space<vmem>>
      %dma_start3A_848 = arith.constant 0 : i32
      %dma_start3A_849 = tpu.memref_slice %arg8[%dma_start3A_843, %dma_start3A_844, %dma_start3A_848] : memref<2x8x80xi32, #tpu.memory_space<vmem>> -> memref<1x1x80xi32, #tpu.memory_space<vmem>>
      %dma_start3A_850 = tpu.memref_squeeze %dma_start3A_849 : memref<1x1x80xi32, #tpu.memory_space<vmem>> -> memref<80xi32, #tpu.memory_space<vmem>>
      %dma_start3A_851 = arith.constant 0 : i32
      %dma_start3A_852 = arith.constant 0 : i32
      %dma_start3A_853 = tpu.memref_slice %arg4[%dma_start3A_851, %dma_start3A_852] : memref<10112x128xf32, #tpu.memory_space<hbm>> -> memref<10112x128xf32, #tpu.memory_space<hbm>>
      tpu.enqueue_indirect_dma source(%dma_start3A_853 : memref<10112x128xf32, #tpu.memory_space<hbm>>) target(%dma_start3A_847 : memref<80x128xf32, #tpu.memory_space<vmem>>) offsets(%dma_start3A_850 : memref<80xi32, #tpu.memory_space<vmem>>) semaphore(%arg14 : memref<!tpu.dma_semaphore, #tpu.memory_space<semaphore_mem>>)
      %dma_wait3A_854 = arith.constant 1 : i32
      %dma_wait3A_855 = arith.constant 5 : i32
      %dma_wait3A_856 = arith.constant 80 : i32
      %dma_wait3A_857 = arith.constant 0 : i32
      %dma_wait3A_858 = tpu.memref_slice %arg10[%dma_wait3A_856, %dma_wait3A_857] : memref<160x128xf32, #tpu.memory_space<vmem>> -> memref<80x128xf32, #tpu.memory_space<vmem>>
      %dma_wait3A_859 = arith.constant 0 : i32
      %dma_wait3A_860 = tpu.memref_slice %arg8[%dma_wait3A_854, %dma_wait3A_855, %dma_wait3A_859] : memref<2x8x80xi32, #tpu.memory_space<vmem>> -> memref<1x1x80xi32, #tpu.memory_space<vmem>>
      %dma_wait3A_861 = tpu.memref_squeeze %dma_wait3A_860 : memref<1x1x80xi32, #tpu.memory_space<vmem>> -> memref<80xi32, #tpu.memory_space<vmem>>
      %dma_wait3A_862 = arith.constant 0 : i32
      %dma_wait3A_863 = arith.constant 0 : i32
      %dma_wait3A_864 = tpu.memref_slice %arg4[%dma_wait3A_862, %dma_wait3A_863] : memref<10112x128xf32, #tpu.memory_space<hbm>> -> memref<10112x128xf32, #tpu.memory_space<hbm>>
      tpu.wait_indirect_dma semaphore(%arg15 : memref<!tpu.dma_semaphore, #tpu.memory_space<semaphore_mem>>) src(%dma_wait3A_864 : memref<10112x128xf32, #tpu.memory_space<hbm>>) dst(%dma_wait3A_858 : memref<80x128xf32, #tpu.memory_space<vmem>>)
      "tpu.region"() ({
        %run_scoped3A_953 = tpu.sem_alloc : memref<!tpu.dma_semaphore, #tpu.memory_space<semaphore_mem>>
        %dma_start3A_954 = arith.constant 80 : i32
        %dma_start3A_955 = arith.constant 0 : i32
        %dma_start3A_956 = tpu.memref_slice %arg10[%dma_start3A_954, %dma_start3A_955] : memref<160x128xf32, #tpu.memory_space<vmem>> -> memref<80x128xf32, #tpu.memory_space<vmem>>
        %dma_start3A_957 = arith.constant 0 : i32
        %dma_start3A_958 = tpu.memref_slice %arg9[%add3A_842, %dma_start3A_957] : memref<128x80xi32, #tpu.memory_space<vmem>> -> memref<1x80xi32, #tpu.memory_space<vmem>>
        %dma_start3A_959 = tpu.memref_squeeze %dma_start3A_958 : memref<1x80xi32, #tpu.memory_space<vmem>> -> memref<80xi32, #tpu.memory_space<vmem>>
        %dma_start3A_960 = arith.constant 0 : i32
        %dma_start3A_961 = arith.constant 0 : i32
        %dma_start3A_962 = tpu.memref_slice %arg11[%dma_start3A_960, %dma_start3A_961] : memref<10112x128xf32, #tpu.memory_space<vmem_shared>> -> memref<10112x128xf32, #tpu.memory_space<vmem_shared>>
        tpu.enqueue_indirect_dma source(%dma_start3A_956 : memref<80x128xf32, #tpu.memory_space<vmem>>) target(%dma_start3A_962 : memref<10112x128xf32, #tpu.memory_space<vmem_shared>>) offsets(%dma_start3A_959 : memref<80xi32, #tpu.memory_space<vmem>>) semaphore(%run_scoped3A_953 : memref<!tpu.dma_semaphore, #tpu.memory_space<semaphore_mem>>) {add = true}
        %dma_wait3A_963 = arith.constant 80 : i32
        %dma_wait3A_964 = arith.constant 0 : i32
        %dma_wait3A_965 = tpu.memref_slice %arg10[%dma_wait3A_963, %dma_wait3A_964] : memref<160x128xf32, #tpu.memory_space<vmem>> -> memref<80x128xf32, #tpu.memory_space<vmem>>
        %dma_wait3A_966 = arith.constant 0 : i32
        %dma_wait3A_967 = tpu.memref_slice %arg9[%add3A_842, %dma_wait3A_966] : memref<128x80xi32, #tpu.memory_space<vmem>> -> memref<1x80xi32, #tpu.memory_space<vmem>>
        %dma_wait3A_968 = tpu.memref_squeeze %dma_wait3A_967 : memref<1x80xi32, #tpu.memory_space<vmem>> -> memref<80xi32, #tpu.memory_space<vmem>>
        %dma_wait3A_969 = arith.constant 0 : i32
        %dma_wait3A_970 = arith.constant 0 : i32
        %dma_wait3A_971 = tpu.memref_slice %arg11[%dma_wait3A_969, %dma_wait3A_970] : memref<10112x128xf32, #tpu.memory_space<vmem_shared>> -> memref<10112x128xf32, #tpu.memory_space<vmem_shared>>
        tpu.wait_indirect_dma semaphore(%run_scoped3A_953 : memref<!tpu.dma_semaphore, #tpu.memory_space<semaphore_mem>>) src(%dma_wait3A_965 : memref<80x128xf32, #tpu.memory_space<vmem>>) dst(%dma_wait3A_971 : memref<10112x128xf32, #tpu.memory_space<vmem_shared>>)
        tpu.yield
      }) : () -> ()
      %mul3A_865 = arith.constant 8 : i32
      %mul3A_866 = arith.muli %add3A_706, %mul3A_865 : i32
      %add3A_867 = arith.constant 6 : i32
      %add3A_868 = arith.addi %mul3A_866, %add3A_867 : i32
      %dma_start3A_869 = arith.constant 1 : i32
      %dma_start3A_870 = arith.constant 7 : i32
      %dma_start3A_871 = arith.constant 80 : i32
      %dma_start3A_872 = arith.constant 0 : i32
      %dma_start3A_873 = tpu.memref_slice %arg10[%dma_start3A_871, %dma_start3A_872] : memref<160x128xf32, #tpu.memory_space<vmem>> -> memref<80x128xf32, #tpu.memory_space<vmem>>
      %dma_start3A_874 = arith.constant 0 : i32
      %dma_start3A_875 = tpu.memref_slice %arg8[%dma_start3A_869, %dma_start3A_870, %dma_start3A_874] : memref<2x8x80xi32, #tpu.memory_space<vmem>> -> memref<1x1x80xi32, #tpu.memory_space<vmem>>
      %dma_start3A_876 = tpu.memref_squeeze %dma_start3A_875 : memref<1x1x80xi32, #tpu.memory_space<vmem>> -> memref<80xi32, #tpu.memory_space<vmem>>
      %dma_start3A_877 = arith.constant 0 : i32
      %dma_start3A_878 = arith.constant 0 : i32
      %dma_start3A_879 = tpu.memref_slice %arg4[%dma_start3A_877, %dma_start3A_878] : memref<10112x128xf32, #tpu.memory_space<hbm>> -> memref<10112x128xf32, #tpu.memory_space<hbm>>
      tpu.enqueue_indirect_dma source(%dma_start3A_879 : memref<10112x128xf32, #tpu.memory_space<hbm>>) target(%dma_start3A_873 : memref<80x128xf32, #tpu.memory_space<vmem>>) offsets(%dma_start3A_876 : memref<80xi32, #tpu.memory_space<vmem>>) semaphore(%arg15 : memref<!tpu.dma_semaphore, #tpu.memory_space<semaphore_mem>>)
      %dma_wait3A_880 = arith.constant 1 : i32
      %dma_wait3A_881 = arith.constant 6 : i32
      %dma_wait3A_882 = arith.constant 0 : i32
      %dma_wait3A_883 = arith.constant 0 : i32
      %dma_wait3A_884 = tpu.memref_slice %arg10[%dma_wait3A_882, %dma_wait3A_883] : memref<160x128xf32, #tpu.memory_space<vmem>> -> memref<80x128xf32, #tpu.memory_space<vmem>>
      %dma_wait3A_885 = arith.constant 0 : i32
      %dma_wait3A_886 = tpu.memref_slice %arg8[%dma_wait3A_880, %dma_wait3A_881, %dma_wait3A_885] : memref<2x8x80xi32, #tpu.memory_space<vmem>> -> memref<1x1x80xi32, #tpu.memory_space<vmem>>
      %dma_wait3A_887 = tpu.memref_squeeze %dma_wait3A_886 : memref<1x1x80xi32, #tpu.memory_space<vmem>> -> memref<80xi32, #tpu.memory_space<vmem>>
      %dma_wait3A_888 = arith.constant 0 : i32
      %dma_wait3A_889 = arith.constant 0 : i32
      %dma_wait3A_890 = tpu.memref_slice %arg4[%dma_wait3A_888, %dma_wait3A_889] : memref<10112x128xf32, #tpu.memory_space<hbm>> -> memref<10112x128xf32, #tpu.memory_space<hbm>>
      tpu.wait_indirect_dma semaphore(%arg14 : memref<!tpu.dma_semaphore, #tpu.memory_space<semaphore_mem>>) src(%dma_wait3A_890 : memref<10112x128xf32, #tpu.memory_space<hbm>>) dst(%dma_wait3A_884 : memref<80x128xf32, #tpu.memory_space<vmem>>)
      "tpu.region"() ({
        %run_scoped3A_953 = tpu.sem_alloc : memref<!tpu.dma_semaphore, #tpu.memory_space<semaphore_mem>>
        %dma_start3A_954 = arith.constant 0 : i32
        %dma_start3A_955 = arith.constant 0 : i32
        %dma_start3A_956 = tpu.memref_slice %arg10[%dma_start3A_954, %dma_start3A_955] : memref<160x128xf32, #tpu.memory_space<vmem>> -> memref<80x128xf32, #tpu.memory_space<vmem>>
        %dma_start3A_957 = arith.constant 0 : i32
        %dma_start3A_958 = tpu.memref_slice %arg9[%add3A_868, %dma_start3A_957] : memref<128x80xi32, #tpu.memory_space<vmem>> -> memref<1x80xi32, #tpu.memory_space<vmem>>
        %dma_start3A_959 = tpu.memref_squeeze %dma_start3A_958 : memref<1x80xi32, #tpu.memory_space<vmem>> -> memref<80xi32, #tpu.memory_space<vmem>>
        %dma_start3A_960 = arith.constant 0 : i32
        %dma_start3A_961 = arith.constant 0 : i32
        %dma_start3A_962 = tpu.memref_slice %arg11[%dma_start3A_960, %dma_start3A_961] : memref<10112x128xf32, #tpu.memory_space<vmem_shared>> -> memref<10112x128xf32, #tpu.memory_space<vmem_shared>>
        tpu.enqueue_indirect_dma source(%dma_start3A_956 : memref<80x128xf32, #tpu.memory_space<vmem>>) target(%dma_start3A_962 : memref<10112x128xf32, #tpu.memory_space<vmem_shared>>) offsets(%dma_start3A_959 : memref<80xi32, #tpu.memory_space<vmem>>) semaphore(%run_scoped3A_953 : memref<!tpu.dma_semaphore, #tpu.memory_space<semaphore_mem>>) {add = true}
        %dma_wait3A_963 = arith.constant 0 : i32
        %dma_wait3A_964 = arith.constant 0 : i32
        %dma_wait3A_965 = tpu.memref_slice %arg10[%dma_wait3A_963, %dma_wait3A_964] : memref<160x128xf32, #tpu.memory_space<vmem>> -> memref<80x128xf32, #tpu.memory_space<vmem>>
        %dma_wait3A_966 = arith.constant 0 : i32
        %dma_wait3A_967 = tpu.memref_slice %arg9[%add3A_868, %dma_wait3A_966] : memref<128x80xi32, #tpu.memory_space<vmem>> -> memref<1x80xi32, #tpu.memory_space<vmem>>
        %dma_wait3A_968 = tpu.memref_squeeze %dma_wait3A_967 : memref<1x80xi32, #tpu.memory_space<vmem>> -> memref<80xi32, #tpu.memory_space<vmem>>
        %dma_wait3A_969 = arith.constant 0 : i32
        %dma_wait3A_970 = arith.constant 0 : i32
        %dma_wait3A_971 = tpu.memref_slice %arg11[%dma_wait3A_969, %dma_wait3A_970] : memref<10112x128xf32, #tpu.memory_space<vmem_shared>> -> memref<10112x128xf32, #tpu.memory_space<vmem_shared>>
        tpu.wait_indirect_dma semaphore(%run_scoped3A_953 : memref<!tpu.dma_semaphore, #tpu.memory_space<semaphore_mem>>) src(%dma_wait3A_965 : memref<80x128xf32, #tpu.memory_space<vmem>>) dst(%dma_wait3A_971 : memref<10112x128xf32, #tpu.memory_space<vmem_shared>>)
        tpu.yield
      }) : () -> ()
      %mul3A_891 = arith.constant 8 : i32
      %mul3A_892 = arith.muli %add3A_706, %mul3A_891 : i32
      %add3A_893 = arith.constant 7 : i32
      %add3A_894 = arith.addi %mul3A_892, %add3A_893 : i32
      %dma_wait3A_895 = arith.constant 0 : i32
      %dma_wait3A_896 = arith.constant 0 : i32
      %dma_wait3A_897 = arith.constant 0 : i32
      %dma_wait3A_898 = tpu.memref_slice %arg8[%dma_wait3A_895, %dma_wait3A_896, %dma_wait3A_897] : memref<2x8x80xi32, #tpu.memory_space<vmem>> -> memref<1x8x80xi32, #tpu.memory_space<vmem>>
      %dma_wait3A_899 = tpu.memref_squeeze %dma_wait3A_898 : memref<1x8x80xi32, #tpu.memory_space<vmem>> -> memref<8x80xi32, #tpu.memory_space<vmem>>
      %dma_wait3A_900 = arith.constant 0 : i32
      %dma_wait3A_901 = arith.constant 0 : i32
      %dma_wait3A_902 = tpu.memref_slice %arg2[%add3A, %add3A_708, %dma_wait3A_900, %dma_wait3A_901] : memref<32x16x8x80xi32, #tpu.memory_space<hbm>> -> memref<1x1x8x80xi32, #tpu.memory_space<hbm>>
      %dma_wait3A_903 = tpu.memref_squeeze %dma_wait3A_902 : memref<1x1x8x80xi32, #tpu.memory_space<hbm>> -> memref<8x80xi32, #tpu.memory_space<hbm>>
      %dma_wait3A_904 = arith.constant 0 : i32
      %dma_wait3A_905 = arith.constant 0 : i32
      %dma_wait3A_906 = tpu.memref_slice %arg8[%dma_wait3A_895, %dma_wait3A_904, %dma_wait3A_905] : memref<2x8x80xi32, #tpu.memory_space<vmem>> -> memref<1x8x80xi32, #tpu.memory_space<vmem>>
      %dma_wait3A_907 = tpu.memref_squeeze %dma_wait3A_906 : memref<1x8x80xi32, #tpu.memory_space<vmem>> -> memref<8x80xi32, #tpu.memory_space<vmem>>
      %dma_wait3A_908 = arith.constant 0 : i32
      %dma_wait3A_909 = arith.constant 0 : i32
      %dma_wait3A_910 = tpu.memref_slice %arg2[%add3A, %add3A_708, %dma_wait3A_908, %dma_wait3A_909] : memref<32x16x8x80xi32, #tpu.memory_space<hbm>> -> memref<1x1x8x80xi32, #tpu.memory_space<hbm>>
      %dma_wait3A_911 = tpu.memref_squeeze %dma_wait3A_910 : memref<1x1x8x80xi32, #tpu.memory_space<hbm>> -> memref<8x80xi32, #tpu.memory_space<hbm>>
      tpu.wait_dma2 semaphore(%arg12 : memref<!tpu.dma_semaphore, #tpu.memory_space<semaphore_mem>>) src(%dma_wait3A_911 : memref<8x80xi32, #tpu.memory_space<hbm>>) dst(%dma_wait3A_907 : memref<8x80xi32, #tpu.memory_space<vmem>>)
      %dma_start3A_912 = arith.constant 0 : i32
      %dma_start3A_913 = arith.constant 0 : i32
      %dma_start3A_914 = arith.constant 0 : i32
      %dma_start3A_915 = arith.constant 0 : i32
      %dma_start3A_916 = tpu.memref_slice %arg10[%dma_start3A_914, %dma_start3A_915] : memref<160x128xf32, #tpu.memory_space<vmem>> -> memref<80x128xf32, #tpu.memory_space<vmem>>
      %dma_start3A_917 = arith.constant 0 : i32
      %dma_start3A_918 = tpu.memref_slice %arg8[%dma_start3A_912, %dma_start3A_913, %dma_start3A_917] : memref<2x8x80xi32, #tpu.memory_space<vmem>> -> memref<1x1x80xi32, #tpu.memory_space<vmem>>
      %dma_start3A_919 = tpu.memref_squeeze %dma_start3A_918 : memref<1x1x80xi32, #tpu.memory_space<vmem>> -> memref<80xi32, #tpu.memory_space<vmem>>
      %dma_start3A_920 = arith.constant 0 : i32
      %dma_start3A_921 = arith.constant 0 : i32
      %dma_start3A_922 = tpu.memref_slice %arg4[%dma_start3A_920, %dma_start3A_921] : memref<10112x128xf32, #tpu.memory_space<hbm>> -> memref<10112x128xf32, #tpu.memory_space<hbm>>
      tpu.enqueue_indirect_dma source(%dma_start3A_922 : memref<10112x128xf32, #tpu.memory_space<hbm>>) target(%dma_start3A_916 : memref<80x128xf32, #tpu.memory_space<vmem>>) offsets(%dma_start3A_919 : memref<80xi32, #tpu.memory_space<vmem>>) semaphore(%arg14 : memref<!tpu.dma_semaphore, #tpu.memory_space<semaphore_mem>>)
      %dma_wait3A_923 = arith.constant 1 : i32
      %dma_wait3A_924 = arith.constant 7 : i32
      %dma_wait3A_925 = arith.constant 80 : i32
      %dma_wait3A_926 = arith.constant 0 : i32
      %dma_wait3A_927 = tpu.memref_slice %arg10[%dma_wait3A_925, %dma_wait3A_926] : memref<160x128xf32, #tpu.memory_space<vmem>> -> memref<80x128xf32, #tpu.memory_space<vmem>>
      %dma_wait3A_928 = arith.constant 0 : i32
      %dma_wait3A_929 = tpu.memref_slice %arg8[%dma_wait3A_923, %dma_wait3A_924, %dma_wait3A_928] : memref<2x8x80xi32, #tpu.memory_space<vmem>> -> memref<1x1x80xi32, #tpu.memory_space<vmem>>
      %dma_wait3A_930 = tpu.memref_squeeze %dma_wait3A_929 : memref<1x1x80xi32, #tpu.memory_space<vmem>> -> memref<80xi32, #tpu.memory_space<vmem>>
      %dma_wait3A_931 = arith.constant 0 : i32
      %dma_wait3A_932 = arith.constant 0 : i32
      %dma_wait3A_933 = tpu.memref_slice %arg4[%dma_wait3A_931, %dma_wait3A_932] : memref<10112x128xf32, #tpu.memory_space<hbm>> -> memref<10112x128xf32, #tpu.memory_space<hbm>>
      tpu.wait_indirect_dma semaphore(%arg15 : memref<!tpu.dma_semaphore, #tpu.memory_space<semaphore_mem>>) src(%dma_wait3A_933 : memref<10112x128xf32, #tpu.memory_space<hbm>>) dst(%dma_wait3A_927 : memref<80x128xf32, #tpu.memory_space<vmem>>)
      "tpu.region"() ({
        %run_scoped3A_953 = tpu.sem_alloc : memref<!tpu.dma_semaphore, #tpu.memory_space<semaphore_mem>>
        %dma_start3A_954 = arith.constant 80 : i32
        %dma_start3A_955 = arith.constant 0 : i32
        %dma_start3A_956 = tpu.memref_slice %arg10[%dma_start3A_954, %dma_start3A_955] : memref<160x128xf32, #tpu.memory_space<vmem>> -> memref<80x128xf32, #tpu.memory_space<vmem>>
        %dma_start3A_957 = arith.constant 0 : i32
        %dma_start3A_958 = tpu.memref_slice %arg9[%add3A_894, %dma_start3A_957] : memref<128x80xi32, #tpu.memory_space<vmem>> -> memref<1x80xi32, #tpu.memory_space<vmem>>
        %dma_start3A_959 = tpu.memref_squeeze %dma_start3A_958 : memref<1x80xi32, #tpu.memory_space<vmem>> -> memref<80xi32, #tpu.memory_space<vmem>>
        %dma_start3A_960 = arith.constant 0 : i32
        %dma_start3A_961 = arith.constant 0 : i32
        %dma_start3A_962 = tpu.memref_slice %arg11[%dma_start3A_960, %dma_start3A_961] : memref<10112x128xf32, #tpu.memory_space<vmem_shared>> -> memref<10112x128xf32, #tpu.memory_space<vmem_shared>>
        tpu.enqueue_indirect_dma source(%dma_start3A_956 : memref<80x128xf32, #tpu.memory_space<vmem>>) target(%dma_start3A_962 : memref<10112x128xf32, #tpu.memory_space<vmem_shared>>) offsets(%dma_start3A_959 : memref<80xi32, #tpu.memory_space<vmem>>) semaphore(%run_scoped3A_953 : memref<!tpu.dma_semaphore, #tpu.memory_space<semaphore_mem>>) {add = true}
        %dma_wait3A_963 = arith.constant 80 : i32
        %dma_wait3A_964 = arith.constant 0 : i32
        %dma_wait3A_965 = tpu.memref_slice %arg10[%dma_wait3A_963, %dma_wait3A_964] : memref<160x128xf32, #tpu.memory_space<vmem>> -> memref<80x128xf32, #tpu.memory_space<vmem>>
        %dma_wait3A_966 = arith.constant 0 : i32
        %dma_wait3A_967 = tpu.memref_slice %arg9[%add3A_894, %dma_wait3A_966] : memref<128x80xi32, #tpu.memory_space<vmem>> -> memref<1x80xi32, #tpu.memory_space<vmem>>
        %dma_wait3A_968 = tpu.memref_squeeze %dma_wait3A_967 : memref<1x80xi32, #tpu.memory_space<vmem>> -> memref<80xi32, #tpu.memory_space<vmem>>
        %dma_wait3A_969 = arith.constant 0 : i32
        %dma_wait3A_970 = arith.constant 0 : i32
        %dma_wait3A_971 = tpu.memref_slice %arg11[%dma_wait3A_969, %dma_wait3A_970] : memref<10112x128xf32, #tpu.memory_space<vmem_shared>> -> memref<10112x128xf32, #tpu.memory_space<vmem_shared>>
        tpu.wait_indirect_dma semaphore(%run_scoped3A_953 : memref<!tpu.dma_semaphore, #tpu.memory_space<semaphore_mem>>) src(%dma_wait3A_965 : memref<80x128xf32, #tpu.memory_space<vmem>>) dst(%dma_wait3A_971 : memref<10112x128xf32, #tpu.memory_space<vmem_shared>>)
        tpu.yield
      }) : () -> ()
      %add3A_934 = arith.constant 1 : i32
      %add3A_935 = arith.addi %add3A_708, %add3A_934 : i32
      %dma_start3A_936 = arith.constant 1 : i32
      %dma_start3A_937 = arith.constant 0 : i32
      %dma_start3A_938 = arith.constant 0 : i32
      %dma_start3A_939 = tpu.memref_slice %arg8[%dma_start3A_936, %dma_start3A_937, %dma_start3A_938] : memref<2x8x80xi32, #tpu.memory_space<vmem>> -> memref<1x8x80xi32, #tpu.memory_space<vmem>>
      %dma_start3A_940 = tpu.memref_squeeze %dma_start3A_939 : memref<1x8x80xi32, #tpu.memory_space<vmem>> -> memref<8x80xi32, #tpu.memory_space<vmem>>
      %dma_start3A_941 = arith.constant 0 : i32
      %dma_start3A_942 = arith.constant 0 : i32
      %dma_start3A_943 = tpu.memref_slice %arg2[%add3A, %add3A_935, %dma_start3A_941, %dma_start3A_942] : memref<32x16x8x80xi32, #tpu.memory_space<hbm>> -> memref<1x1x8x80xi32, #tpu.memory_space<hbm>>
      %dma_start3A_944 = tpu.memref_squeeze %dma_start3A_943 : memref<1x1x8x80xi32, #tpu.memory_space<hbm>> -> memref<8x80xi32, #tpu.memory_space<hbm>>
      %dma_start3A_945 = arith.constant 0 : i32
      %dma_start3A_946 = arith.constant 0 : i32
      %dma_start3A_947 = tpu.memref_slice %arg8[%dma_start3A_936, %dma_start3A_945, %dma_start3A_946] : memref<2x8x80xi32, #tpu.memory_space<vmem>> -> memref<1x8x80xi32, #tpu.memory_space<vmem>>
      %dma_start3A_948 = tpu.memref_squeeze %dma_start3A_947 : memref<1x8x80xi32, #tpu.memory_space<vmem>> -> memref<8x80xi32, #tpu.memory_space<vmem>>
      %dma_start3A_949 = arith.constant 0 : i32
      %dma_start3A_950 = arith.constant 0 : i32
      %dma_start3A_951 = tpu.memref_slice %arg2[%add3A, %add3A_935, %dma_start3A_949, %dma_start3A_950] : memref<32x16x8x80xi32, #tpu.memory_space<hbm>> -> memref<1x1x8x80xi32, #tpu.memory_space<hbm>>
      %dma_start3A_952 = tpu.memref_squeeze %dma_start3A_951 : memref<1x1x8x80xi32, #tpu.memory_space<hbm>> -> memref<8x80xi32, #tpu.memory_space<hbm>>
      tpu.enqueue_dma source(%dma_start3A_952 : memref<8x80xi32, #tpu.memory_space<hbm>>) target(%dma_start3A_948 : memref<8x80xi32, #tpu.memory_space<vmem>>) target_semaphore(%arg13 : memref<!tpu.dma_semaphore, #tpu.memory_space<semaphore_mem>>)
    }
    %scan3A_69 = arith.constant 7 : i32
    %dma_start3A_70 = arith.constant 0 : i32
    %dma_start3A_71 = arith.constant 1 : i32
    %dma_start3A_72 = arith.constant 80 : i32
    %dma_start3A_73 = arith.constant 0 : i32
    %dma_start3A_74 = tpu.memref_slice %arg10[%dma_start3A_72, %dma_start3A_73] : memref<160x128xf32, #tpu.memory_space<vmem>> -> memref<80x128xf32, #tpu.memory_space<vmem>>
    %dma_start3A_75 = arith.constant 0 : i32
    %dma_start3A_76 = tpu.memref_slice %arg8[%dma_start3A_70, %dma_start3A_71, %dma_start3A_75] : memref<2x8x80xi32, #tpu.memory_space<vmem>> -> memref<1x1x80xi32, #tpu.memory_space<vmem>>
    %dma_start3A_77 = tpu.memref_squeeze %dma_start3A_76 : memref<1x1x80xi32, #tpu.memory_space<vmem>> -> memref<80xi32, #tpu.memory_space<vmem>>
    %dma_start3A_78 = arith.constant 0 : i32
    %dma_start3A_79 = arith.constant 0 : i32
    %dma_start3A_80 = tpu.memref_slice %arg4[%dma_start3A_78, %dma_start3A_79] : memref<10112x128xf32, #tpu.memory_space<hbm>> -> memref<10112x128xf32, #tpu.memory_space<hbm>>
    tpu.enqueue_indirect_dma source(%dma_start3A_80 : memref<10112x128xf32, #tpu.memory_space<hbm>>) target(%dma_start3A_74 : memref<80x128xf32, #tpu.memory_space<vmem>>) offsets(%dma_start3A_77 : memref<80xi32, #tpu.memory_space<vmem>>) semaphore(%arg15 : memref<!tpu.dma_semaphore, #tpu.memory_space<semaphore_mem>>)
    %dma_wait3A_81 = arith.constant 0 : i32
    %dma_wait3A_82 = arith.constant 0 : i32
    %dma_wait3A_83 = arith.constant 0 : i32
    %dma_wait3A_84 = arith.constant 0 : i32
    %dma_wait3A_85 = tpu.memref_slice %arg10[%dma_wait3A_83, %dma_wait3A_84] : memref<160x128xf32, #tpu.memory_space<vmem>> -> memref<80x128xf32, #tpu.memory_space<vmem>>
    %dma_wait3A_86 = arith.constant 0 : i32
    %dma_wait3A_87 = tpu.memref_slice %arg8[%dma_wait3A_81, %dma_wait3A_82, %dma_wait3A_86] : memref<2x8x80xi32, #tpu.memory_space<vmem>> -> memref<1x1x80xi32, #tpu.memory_space<vmem>>
    %dma_wait3A_88 = tpu.memref_squeeze %dma_wait3A_87 : memref<1x1x80xi32, #tpu.memory_space<vmem>> -> memref<80xi32, #tpu.memory_space<vmem>>
    %dma_wait3A_89 = arith.constant 0 : i32
    %dma_wait3A_90 = arith.constant 0 : i32
    %dma_wait3A_91 = tpu.memref_slice %arg4[%dma_wait3A_89, %dma_wait3A_90] : memref<10112x128xf32, #tpu.memory_space<hbm>> -> memref<10112x128xf32, #tpu.memory_space<hbm>>
    tpu.wait_indirect_dma semaphore(%arg14 : memref<!tpu.dma_semaphore, #tpu.memory_space<semaphore_mem>>) src(%dma_wait3A_91 : memref<10112x128xf32, #tpu.memory_space<hbm>>) dst(%dma_wait3A_85 : memref<80x128xf32, #tpu.memory_space<vmem>>)
    %run_scoped3A = arith.constant 112 : i32
    "tpu.region"() ({
      %run_scoped3A_452 = tpu.sem_alloc : memref<!tpu.dma_semaphore, #tpu.memory_space<semaphore_mem>>
      %dma_start3A_453 = arith.constant 0 : i32
      %dma_start3A_454 = arith.constant 0 : i32
      %dma_start3A_455 = tpu.memref_slice %arg10[%dma_start3A_453, %dma_start3A_454] : memref<160x128xf32, #tpu.memory_space<vmem>> -> memref<80x128xf32, #tpu.memory_space<vmem>>
      %dma_start3A_456 = arith.constant 0 : i32
      %dma_start3A_457 = tpu.memref_slice %arg9[%run_scoped3A, %dma_start3A_456] : memref<128x80xi32, #tpu.memory_space<vmem>> -> memref<1x80xi32, #tpu.memory_space<vmem>>
      %dma_start3A_458 = tpu.memref_squeeze %dma_start3A_457 : memref<1x80xi32, #tpu.memory_space<vmem>> -> memref<80xi32, #tpu.memory_space<vmem>>
      %dma_start3A_459 = arith.constant 0 : i32
      %dma_start3A_460 = arith.constant 0 : i32
      %dma_start3A_461 = tpu.memref_slice %arg11[%dma_start3A_459, %dma_start3A_460] : memref<10112x128xf32, #tpu.memory_space<vmem_shared>> -> memref<10112x128xf32, #tpu.memory_space<vmem_shared>>
      tpu.enqueue_indirect_dma source(%dma_start3A_455 : memref<80x128xf32, #tpu.memory_space<vmem>>) target(%dma_start3A_461 : memref<10112x128xf32, #tpu.memory_space<vmem_shared>>) offsets(%dma_start3A_458 : memref<80xi32, #tpu.memory_space<vmem>>) semaphore(%run_scoped3A_452 : memref<!tpu.dma_semaphore, #tpu.memory_space<semaphore_mem>>) {add = true}
      %dma_wait3A_462 = arith.constant 0 : i32
      %dma_wait3A_463 = arith.constant 0 : i32
      %dma_wait3A_464 = tpu.memref_slice %arg10[%dma_wait3A_462, %dma_wait3A_463] : memref<160x128xf32, #tpu.memory_space<vmem>> -> memref<80x128xf32, #tpu.memory_space<vmem>>
      %dma_wait3A_465 = arith.constant 0 : i32
      %dma_wait3A_466 = tpu.memref_slice %arg9[%run_scoped3A, %dma_wait3A_465] : memref<128x80xi32, #tpu.memory_space<vmem>> -> memref<1x80xi32, #tpu.memory_space<vmem>>
      %dma_wait3A_467 = tpu.memref_squeeze %dma_wait3A_466 : memref<1x80xi32, #tpu.memory_space<vmem>> -> memref<80xi32, #tpu.memory_space<vmem>>
      %dma_wait3A_468 = arith.constant 0 : i32
      %dma_wait3A_469 = arith.constant 0 : i32
      %dma_wait3A_470 = tpu.memref_slice %arg11[%dma_wait3A_468, %dma_wait3A_469] : memref<10112x128xf32, #tpu.memory_space<vmem_shared>> -> memref<10112x128xf32, #tpu.memory_space<vmem_shared>>
      tpu.wait_indirect_dma semaphore(%run_scoped3A_452 : memref<!tpu.dma_semaphore, #tpu.memory_space<semaphore_mem>>) src(%dma_wait3A_464 : memref<80x128xf32, #tpu.memory_space<vmem>>) dst(%dma_wait3A_470 : memref<10112x128xf32, #tpu.memory_space<vmem_shared>>)
      tpu.yield
    }) : () -> ()
    %dma_start3A_92 = arith.constant 0 : i32
    %dma_start3A_93 = arith.constant 2 : i32
    %dma_start3A_94 = arith.constant 0 : i32
    %dma_start3A_95 = arith.constant 0 : i32
    %dma_start3A_96 = tpu.memref_slice %arg10[%dma_start3A_94, %dma_start3A_95] : memref<160x128xf32, #tpu.memory_space<vmem>> -> memref<80x128xf32, #tpu.memory_space<vmem>>
    %dma_start3A_97 = arith.constant 0 : i32
    %dma_start3A_98 = tpu.memref_slice %arg8[%dma_start3A_92, %dma_start3A_93, %dma_start3A_97] : memref<2x8x80xi32, #tpu.memory_space<vmem>> -> memref<1x1x80xi32, #tpu.memory_space<vmem>>
    %dma_start3A_99 = tpu.memref_squeeze %dma_start3A_98 : memref<1x1x80xi32, #tpu.memory_space<vmem>> -> memref<80xi32, #tpu.memory_space<vmem>>
    %dma_start3A_100 = arith.constant 0 : i32
    %dma_start3A_101 = arith.constant 0 : i32
    %dma_start3A_102 = tpu.memref_slice %arg4[%dma_start3A_100, %dma_start3A_101] : memref<10112x128xf32, #tpu.memory_space<hbm>> -> memref<10112x128xf32, #tpu.memory_space<hbm>>
    tpu.enqueue_indirect_dma source(%dma_start3A_102 : memref<10112x128xf32, #tpu.memory_space<hbm>>) target(%dma_start3A_96 : memref<80x128xf32, #tpu.memory_space<vmem>>) offsets(%dma_start3A_99 : memref<80xi32, #tpu.memory_space<vmem>>) semaphore(%arg14 : memref<!tpu.dma_semaphore, #tpu.memory_space<semaphore_mem>>)
    %dma_wait3A_103 = arith.constant 0 : i32
    %dma_wait3A_104 = arith.constant 1 : i32
    %dma_wait3A_105 = arith.constant 80 : i32
    %dma_wait3A_106 = arith.constant 0 : i32
    %dma_wait3A_107 = tpu.memref_slice %arg10[%dma_wait3A_105, %dma_wait3A_106] : memref<160x128xf32, #tpu.memory_space<vmem>> -> memref<80x128xf32, #tpu.memory_space<vmem>>
    %dma_wait3A_108 = arith.constant 0 : i32
    %dma_wait3A_109 = tpu.memref_slice %arg8[%dma_wait3A_103, %dma_wait3A_104, %dma_wait3A_108] : memref<2x8x80xi32, #tpu.memory_space<vmem>> -> memref<1x1x80xi32, #tpu.memory_space<vmem>>
    %dma_wait3A_110 = tpu.memref_squeeze %dma_wait3A_109 : memref<1x1x80xi32, #tpu.memory_space<vmem>> -> memref<80xi32, #tpu.memory_space<vmem>>
    %dma_wait3A_111 = arith.constant 0 : i32
    %dma_wait3A_112 = arith.constant 0 : i32
    %dma_wait3A_113 = tpu.memref_slice %arg4[%dma_wait3A_111, %dma_wait3A_112] : memref<10112x128xf32, #tpu.memory_space<hbm>> -> memref<10112x128xf32, #tpu.memory_space<hbm>>
    tpu.wait_indirect_dma semaphore(%arg15 : memref<!tpu.dma_semaphore, #tpu.memory_space<semaphore_mem>>) src(%dma_wait3A_113 : memref<10112x128xf32, #tpu.memory_space<hbm>>) dst(%dma_wait3A_107 : memref<80x128xf32, #tpu.memory_space<vmem>>)
    %run_scoped3A_114 = arith.constant 113 : i32
    "tpu.region"() ({
      %run_scoped3A_452 = tpu.sem_alloc : memref<!tpu.dma_semaphore, #tpu.memory_space<semaphore_mem>>
      %dma_start3A_453 = arith.constant 80 : i32
      %dma_start3A_454 = arith.constant 0 : i32
      %dma_start3A_455 = tpu.memref_slice %arg10[%dma_start3A_453, %dma_start3A_454] : memref<160x128xf32, #tpu.memory_space<vmem>> -> memref<80x128xf32, #tpu.memory_space<vmem>>
      %dma_start3A_456 = arith.constant 0 : i32
      %dma_start3A_457 = tpu.memref_slice %arg9[%run_scoped3A_114, %dma_start3A_456] : memref<128x80xi32, #tpu.memory_space<vmem>> -> memref<1x80xi32, #tpu.memory_space<vmem>>
      %dma_start3A_458 = tpu.memref_squeeze %dma_start3A_457 : memref<1x80xi32, #tpu.memory_space<vmem>> -> memref<80xi32, #tpu.memory_space<vmem>>
      %dma_start3A_459 = arith.constant 0 : i32
      %dma_start3A_460 = arith.constant 0 : i32
      %dma_start3A_461 = tpu.memref_slice %arg11[%dma_start3A_459, %dma_start3A_460] : memref<10112x128xf32, #tpu.memory_space<vmem_shared>> -> memref<10112x128xf32, #tpu.memory_space<vmem_shared>>
      tpu.enqueue_indirect_dma source(%dma_start3A_455 : memref<80x128xf32, #tpu.memory_space<vmem>>) target(%dma_start3A_461 : memref<10112x128xf32, #tpu.memory_space<vmem_shared>>) offsets(%dma_start3A_458 : memref<80xi32, #tpu.memory_space<vmem>>) semaphore(%run_scoped3A_452 : memref<!tpu.dma_semaphore, #tpu.memory_space<semaphore_mem>>) {add = true}
      %dma_wait3A_462 = arith.constant 80 : i32
      %dma_wait3A_463 = arith.constant 0 : i32
      %dma_wait3A_464 = tpu.memref_slice %arg10[%dma_wait3A_462, %dma_wait3A_463] : memref<160x128xf32, #tpu.memory_space<vmem>> -> memref<80x128xf32, #tpu.memory_space<vmem>>
      %dma_wait3A_465 = arith.constant 0 : i32
      %dma_wait3A_466 = tpu.memref_slice %arg9[%run_scoped3A_114, %dma_wait3A_465] : memref<128x80xi32, #tpu.memory_space<vmem>> -> memref<1x80xi32, #tpu.memory_space<vmem>>
      %dma_wait3A_467 = tpu.memref_squeeze %dma_wait3A_466 : memref<1x80xi32, #tpu.memory_space<vmem>> -> memref<80xi32, #tpu.memory_space<vmem>>
      %dma_wait3A_468 = arith.constant 0 : i32
      %dma_wait3A_469 = arith.constant 0 : i32
      %dma_wait3A_470 = tpu.memref_slice %arg11[%dma_wait3A_468, %dma_wait3A_469] : memref<10112x128xf32, #tpu.memory_space<vmem_shared>> -> memref<10112x128xf32, #tpu.memory_space<vmem_shared>>
      tpu.wait_indirect_dma semaphore(%run_scoped3A_452 : memref<!tpu.dma_semaphore, #tpu.memory_space<semaphore_mem>>) src(%dma_wait3A_464 : memref<80x128xf32, #tpu.memory_space<vmem>>) dst(%dma_wait3A_470 : memref<10112x128xf32, #tpu.memory_space<vmem_shared>>)
      tpu.yield
    }) : () -> ()
    %dma_start3A_115 = arith.constant 0 : i32
    %dma_start3A_116 = arith.constant 3 : i32
    %dma_start3A_117 = arith.constant 80 : i32
    %dma_start3A_118 = arith.constant 0 : i32
    %dma_start3A_119 = tpu.memref_slice %arg10[%dma_start3A_117, %dma_start3A_118] : memref<160x128xf32, #tpu.memory_space<vmem>> -> memref<80x128xf32, #tpu.memory_space<vmem>>
    %dma_start3A_120 = arith.constant 0 : i32
    %dma_start3A_121 = tpu.memref_slice %arg8[%dma_start3A_115, %dma_start3A_116, %dma_start3A_120] : memref<2x8x80xi32, #tpu.memory_space<vmem>> -> memref<1x1x80xi32, #tpu.memory_space<vmem>>
    %dma_start3A_122 = tpu.memref_squeeze %dma_start3A_121 : memref<1x1x80xi32, #tpu.memory_space<vmem>> -> memref<80xi32, #tpu.memory_space<vmem>>
    %dma_start3A_123 = arith.constant 0 : i32
    %dma_start3A_124 = arith.constant 0 : i32
    %dma_start3A_125 = tpu.memref_slice %arg4[%dma_start3A_123, %dma_start3A_124] : memref<10112x128xf32, #tpu.memory_space<hbm>> -> memref<10112x128xf32, #tpu.memory_space<hbm>>
    tpu.enqueue_indirect_dma source(%dma_start3A_125 : memref<10112x128xf32, #tpu.memory_space<hbm>>) target(%dma_start3A_119 : memref<80x128xf32, #tpu.memory_space<vmem>>) offsets(%dma_start3A_122 : memref<80xi32, #tpu.memory_space<vmem>>) semaphore(%arg15 : memref<!tpu.dma_semaphore, #tpu.memory_space<semaphore_mem>>)
    %dma_wait3A_126 = arith.constant 0 : i32
    %dma_wait3A_127 = arith.constant 2 : i32
    %dma_wait3A_128 = arith.constant 0 : i32
    %dma_wait3A_129 = arith.constant 0 : i32
    %dma_wait3A_130 = tpu.memref_slice %arg10[%dma_wait3A_128, %dma_wait3A_129] : memref<160x128xf32, #tpu.memory_space<vmem>> -> memref<80x128xf32, #tpu.memory_space<vmem>>
    %dma_wait3A_131 = arith.constant 0 : i32
    %dma_wait3A_132 = tpu.memref_slice %arg8[%dma_wait3A_126, %dma_wait3A_127, %dma_wait3A_131] : memref<2x8x80xi32, #tpu.memory_space<vmem>> -> memref<1x1x80xi32, #tpu.memory_space<vmem>>
    %dma_wait3A_133 = tpu.memref_squeeze %dma_wait3A_132 : memref<1x1x80xi32, #tpu.memory_space<vmem>> -> memref<80xi32, #tpu.memory_space<vmem>>
    %dma_wait3A_134 = arith.constant 0 : i32
    %dma_wait3A_135 = arith.constant 0 : i32
    %dma_wait3A_136 = tpu.memref_slice %arg4[%dma_wait3A_134, %dma_wait3A_135] : memref<10112x128xf32, #tpu.memory_space<hbm>> -> memref<10112x128xf32, #tpu.memory_space<hbm>>
    tpu.wait_indirect_dma semaphore(%arg14 : memref<!tpu.dma_semaphore, #tpu.memory_space<semaphore_mem>>) src(%dma_wait3A_136 : memref<10112x128xf32, #tpu.memory_space<hbm>>) dst(%dma_wait3A_130 : memref<80x128xf32, #tpu.memory_space<vmem>>)
    %run_scoped3A_137 = arith.constant 114 : i32
    "tpu.region"() ({
      %run_scoped3A_452 = tpu.sem_alloc : memref<!tpu.dma_semaphore, #tpu.memory_space<semaphore_mem>>
      %dma_start3A_453 = arith.constant 0 : i32
      %dma_start3A_454 = arith.constant 0 : i32
      %dma_start3A_455 = tpu.memref_slice %arg10[%dma_start3A_453, %dma_start3A_454] : memref<160x128xf32, #tpu.memory_space<vmem>> -> memref<80x128xf32, #tpu.memory_space<vmem>>
      %dma_start3A_456 = arith.constant 0 : i32
      %dma_start3A_457 = tpu.memref_slice %arg9[%run_scoped3A_137, %dma_start3A_456] : memref<128x80xi32, #tpu.memory_space<vmem>> -> memref<1x80xi32, #tpu.memory_space<vmem>>
      %dma_start3A_458 = tpu.memref_squeeze %dma_start3A_457 : memref<1x80xi32, #tpu.memory_space<vmem>> -> memref<80xi32, #tpu.memory_space<vmem>>
      %dma_start3A_459 = arith.constant 0 : i32
      %dma_start3A_460 = arith.constant 0 : i32
      %dma_start3A_461 = tpu.memref_slice %arg11[%dma_start3A_459, %dma_start3A_460] : memref<10112x128xf32, #tpu.memory_space<vmem_shared>> -> memref<10112x128xf32, #tpu.memory_space<vmem_shared>>
      tpu.enqueue_indirect_dma source(%dma_start3A_455 : memref<80x128xf32, #tpu.memory_space<vmem>>) target(%dma_start3A_461 : memref<10112x128xf32, #tpu.memory_space<vmem_shared>>) offsets(%dma_start3A_458 : memref<80xi32, #tpu.memory_space<vmem>>) semaphore(%run_scoped3A_452 : memref<!tpu.dma_semaphore, #tpu.memory_space<semaphore_mem>>) {add = true}
      %dma_wait3A_462 = arith.constant 0 : i32
      %dma_wait3A_463 = arith.constant 0 : i32
      %dma_wait3A_464 = tpu.memref_slice %arg10[%dma_wait3A_462, %dma_wait3A_463] : memref<160x128xf32, #tpu.memory_space<vmem>> -> memref<80x128xf32, #tpu.memory_space<vmem>>
      %dma_wait3A_465 = arith.constant 0 : i32
      %dma_wait3A_466 = tpu.memref_slice %arg9[%run_scoped3A_137, %dma_wait3A_465] : memref<128x80xi32, #tpu.memory_space<vmem>> -> memref<1x80xi32, #tpu.memory_space<vmem>>
      %dma_wait3A_467 = tpu.memref_squeeze %dma_wait3A_466 : memref<1x80xi32, #tpu.memory_space<vmem>> -> memref<80xi32, #tpu.memory_space<vmem>>
      %dma_wait3A_468 = arith.constant 0 : i32
      %dma_wait3A_469 = arith.constant 0 : i32
      %dma_wait3A_470 = tpu.memref_slice %arg11[%dma_wait3A_468, %dma_wait3A_469] : memref<10112x128xf32, #tpu.memory_space<vmem_shared>> -> memref<10112x128xf32, #tpu.memory_space<vmem_shared>>
      tpu.wait_indirect_dma semaphore(%run_scoped3A_452 : memref<!tpu.dma_semaphore, #tpu.memory_space<semaphore_mem>>) src(%dma_wait3A_464 : memref<80x128xf32, #tpu.memory_space<vmem>>) dst(%dma_wait3A_470 : memref<10112x128xf32, #tpu.memory_space<vmem_shared>>)
      tpu.yield
    }) : () -> ()
    %dma_start3A_138 = arith.constant 0 : i32
    %dma_start3A_139 = arith.constant 4 : i32
    %dma_start3A_140 = arith.constant 0 : i32
    %dma_start3A_141 = arith.constant 0 : i32
    %dma_start3A_142 = tpu.memref_slice %arg10[%dma_start3A_140, %dma_start3A_141] : memref<160x128xf32, #tpu.memory_space<vmem>> -> memref<80x128xf32, #tpu.memory_space<vmem>>
    %dma_start3A_143 = arith.constant 0 : i32
    %dma_start3A_144 = tpu.memref_slice %arg8[%dma_start3A_138, %dma_start3A_139, %dma_start3A_143] : memref<2x8x80xi32, #tpu.memory_space<vmem>> -> memref<1x1x80xi32, #tpu.memory_space<vmem>>
    %dma_start3A_145 = tpu.memref_squeeze %dma_start3A_144 : memref<1x1x80xi32, #tpu.memory_space<vmem>> -> memref<80xi32, #tpu.memory_space<vmem>>
    %dma_start3A_146 = arith.constant 0 : i32
    %dma_start3A_147 = arith.constant 0 : i32
    %dma_start3A_148 = tpu.memref_slice %arg4[%dma_start3A_146, %dma_start3A_147] : memref<10112x128xf32, #tpu.memory_space<hbm>> -> memref<10112x128xf32, #tpu.memory_space<hbm>>
    tpu.enqueue_indirect_dma source(%dma_start3A_148 : memref<10112x128xf32, #tpu.memory_space<hbm>>) target(%dma_start3A_142 : memref<80x128xf32, #tpu.memory_space<vmem>>) offsets(%dma_start3A_145 : memref<80xi32, #tpu.memory_space<vmem>>) semaphore(%arg14 : memref<!tpu.dma_semaphore, #tpu.memory_space<semaphore_mem>>)
    %dma_wait3A_149 = arith.constant 0 : i32
    %dma_wait3A_150 = arith.constant 3 : i32
    %dma_wait3A_151 = arith.constant 80 : i32
    %dma_wait3A_152 = arith.constant 0 : i32
    %dma_wait3A_153 = tpu.memref_slice %arg10[%dma_wait3A_151, %dma_wait3A_152] : memref<160x128xf32, #tpu.memory_space<vmem>> -> memref<80x128xf32, #tpu.memory_space<vmem>>
    %dma_wait3A_154 = arith.constant 0 : i32
    %dma_wait3A_155 = tpu.memref_slice %arg8[%dma_wait3A_149, %dma_wait3A_150, %dma_wait3A_154] : memref<2x8x80xi32, #tpu.memory_space<vmem>> -> memref<1x1x80xi32, #tpu.memory_space<vmem>>
    %dma_wait3A_156 = tpu.memref_squeeze %dma_wait3A_155 : memref<1x1x80xi32, #tpu.memory_space<vmem>> -> memref<80xi32, #tpu.memory_space<vmem>>
    %dma_wait3A_157 = arith.constant 0 : i32
    %dma_wait3A_158 = arith.constant 0 : i32
    %dma_wait3A_159 = tpu.memref_slice %arg4[%dma_wait3A_157, %dma_wait3A_158] : memref<10112x128xf32, #tpu.memory_space<hbm>> -> memref<10112x128xf32, #tpu.memory_space<hbm>>
    tpu.wait_indirect_dma semaphore(%arg15 : memref<!tpu.dma_semaphore, #tpu.memory_space<semaphore_mem>>) src(%dma_wait3A_159 : memref<10112x128xf32, #tpu.memory_space<hbm>>) dst(%dma_wait3A_153 : memref<80x128xf32, #tpu.memory_space<vmem>>)
    %run_scoped3A_160 = arith.constant 115 : i32
    "tpu.region"() ({
      %run_scoped3A_452 = tpu.sem_alloc : memref<!tpu.dma_semaphore, #tpu.memory_space<semaphore_mem>>
      %dma_start3A_453 = arith.constant 80 : i32
      %dma_start3A_454 = arith.constant 0 : i32
      %dma_start3A_455 = tpu.memref_slice %arg10[%dma_start3A_453, %dma_start3A_454] : memref<160x128xf32, #tpu.memory_space<vmem>> -> memref<80x128xf32, #tpu.memory_space<vmem>>
      %dma_start3A_456 = arith.constant 0 : i32
      %dma_start3A_457 = tpu.memref_slice %arg9[%run_scoped3A_160, %dma_start3A_456] : memref<128x80xi32, #tpu.memory_space<vmem>> -> memref<1x80xi32, #tpu.memory_space<vmem>>
      %dma_start3A_458 = tpu.memref_squeeze %dma_start3A_457 : memref<1x80xi32, #tpu.memory_space<vmem>> -> memref<80xi32, #tpu.memory_space<vmem>>
      %dma_start3A_459 = arith.constant 0 : i32
      %dma_start3A_460 = arith.constant 0 : i32
      %dma_start3A_461 = tpu.memref_slice %arg11[%dma_start3A_459, %dma_start3A_460] : memref<10112x128xf32, #tpu.memory_space<vmem_shared>> -> memref<10112x128xf32, #tpu.memory_space<vmem_shared>>
      tpu.enqueue_indirect_dma source(%dma_start3A_455 : memref<80x128xf32, #tpu.memory_space<vmem>>) target(%dma_start3A_461 : memref<10112x128xf32, #tpu.memory_space<vmem_shared>>) offsets(%dma_start3A_458 : memref<80xi32, #tpu.memory_space<vmem>>) semaphore(%run_scoped3A_452 : memref<!tpu.dma_semaphore, #tpu.memory_space<semaphore_mem>>) {add = true}
      %dma_wait3A_462 = arith.constant 80 : i32
      %dma_wait3A_463 = arith.constant 0 : i32
      %dma_wait3A_464 = tpu.memref_slice %arg10[%dma_wait3A_462, %dma_wait3A_463] : memref<160x128xf32, #tpu.memory_space<vmem>> -> memref<80x128xf32, #tpu.memory_space<vmem>>
      %dma_wait3A_465 = arith.constant 0 : i32
      %dma_wait3A_466 = tpu.memref_slice %arg9[%run_scoped3A_160, %dma_wait3A_465] : memref<128x80xi32, #tpu.memory_space<vmem>> -> memref<1x80xi32, #tpu.memory_space<vmem>>
      %dma_wait3A_467 = tpu.memref_squeeze %dma_wait3A_466 : memref<1x80xi32, #tpu.memory_space<vmem>> -> memref<80xi32, #tpu.memory_space<vmem>>
      %dma_wait3A_468 = arith.constant 0 : i32
      %dma_wait3A_469 = arith.constant 0 : i32
      %dma_wait3A_470 = tpu.memref_slice %arg11[%dma_wait3A_468, %dma_wait3A_469] : memref<10112x128xf32, #tpu.memory_space<vmem_shared>> -> memref<10112x128xf32, #tpu.memory_space<vmem_shared>>
      tpu.wait_indirect_dma semaphore(%run_scoped3A_452 : memref<!tpu.dma_semaphore, #tpu.memory_space<semaphore_mem>>) src(%dma_wait3A_464 : memref<80x128xf32, #tpu.memory_space<vmem>>) dst(%dma_wait3A_470 : memref<10112x128xf32, #tpu.memory_space<vmem_shared>>)
      tpu.yield
    }) : () -> ()
    %dma_start3A_161 = arith.constant 0 : i32
    %dma_start3A_162 = arith.constant 5 : i32
    %dma_start3A_163 = arith.constant 80 : i32
    %dma_start3A_164 = arith.constant 0 : i32
    %dma_start3A_165 = tpu.memref_slice %arg10[%dma_start3A_163, %dma_start3A_164] : memref<160x128xf32, #tpu.memory_space<vmem>> -> memref<80x128xf32, #tpu.memory_space<vmem>>
    %dma_start3A_166 = arith.constant 0 : i32
    %dma_start3A_167 = tpu.memref_slice %arg8[%dma_start3A_161, %dma_start3A_162, %dma_start3A_166] : memref<2x8x80xi32, #tpu.memory_space<vmem>> -> memref<1x1x80xi32, #tpu.memory_space<vmem>>
    %dma_start3A_168 = tpu.memref_squeeze %dma_start3A_167 : memref<1x1x80xi32, #tpu.memory_space<vmem>> -> memref<80xi32, #tpu.memory_space<vmem>>
    %dma_start3A_169 = arith.constant 0 : i32
    %dma_start3A_170 = arith.constant 0 : i32
    %dma_start3A_171 = tpu.memref_slice %arg4[%dma_start3A_169, %dma_start3A_170] : memref<10112x128xf32, #tpu.memory_space<hbm>> -> memref<10112x128xf32, #tpu.memory_space<hbm>>
    tpu.enqueue_indirect_dma source(%dma_start3A_171 : memref<10112x128xf32, #tpu.memory_space<hbm>>) target(%dma_start3A_165 : memref<80x128xf32, #tpu.memory_space<vmem>>) offsets(%dma_start3A_168 : memref<80xi32, #tpu.memory_space<vmem>>) semaphore(%arg15 : memref<!tpu.dma_semaphore, #tpu.memory_space<semaphore_mem>>)
    %dma_wait3A_172 = arith.constant 0 : i32
    %dma_wait3A_173 = arith.constant 4 : i32
    %dma_wait3A_174 = arith.constant 0 : i32
    %dma_wait3A_175 = arith.constant 0 : i32
    %dma_wait3A_176 = tpu.memref_slice %arg10[%dma_wait3A_174, %dma_wait3A_175] : memref<160x128xf32, #tpu.memory_space<vmem>> -> memref<80x128xf32, #tpu.memory_space<vmem>>
    %dma_wait3A_177 = arith.constant 0 : i32
    %dma_wait3A_178 = tpu.memref_slice %arg8[%dma_wait3A_172, %dma_wait3A_173, %dma_wait3A_177] : memref<2x8x80xi32, #tpu.memory_space<vmem>> -> memref<1x1x80xi32, #tpu.memory_space<vmem>>
    %dma_wait3A_179 = tpu.memref_squeeze %dma_wait3A_178 : memref<1x1x80xi32, #tpu.memory_space<vmem>> -> memref<80xi32, #tpu.memory_space<vmem>>
    %dma_wait3A_180 = arith.constant 0 : i32
    %dma_wait3A_181 = arith.constant 0 : i32
    %dma_wait3A_182 = tpu.memref_slice %arg4[%dma_wait3A_180, %dma_wait3A_181] : memref<10112x128xf32, #tpu.memory_space<hbm>> -> memref<10112x128xf32, #tpu.memory_space<hbm>>
    tpu.wait_indirect_dma semaphore(%arg14 : memref<!tpu.dma_semaphore, #tpu.memory_space<semaphore_mem>>) src(%dma_wait3A_182 : memref<10112x128xf32, #tpu.memory_space<hbm>>) dst(%dma_wait3A_176 : memref<80x128xf32, #tpu.memory_space<vmem>>)
    %run_scoped3A_183 = arith.constant 116 : i32
    "tpu.region"() ({
      %run_scoped3A_452 = tpu.sem_alloc : memref<!tpu.dma_semaphore, #tpu.memory_space<semaphore_mem>>
      %dma_start3A_453 = arith.constant 0 : i32
      %dma_start3A_454 = arith.constant 0 : i32
      %dma_start3A_455 = tpu.memref_slice %arg10[%dma_start3A_453, %dma_start3A_454] : memref<160x128xf32, #tpu.memory_space<vmem>> -> memref<80x128xf32, #tpu.memory_space<vmem>>
      %dma_start3A_456 = arith.constant 0 : i32
      %dma_start3A_457 = tpu.memref_slice %arg9[%run_scoped3A_183, %dma_start3A_456] : memref<128x80xi32, #tpu.memory_space<vmem>> -> memref<1x80xi32, #tpu.memory_space<vmem>>
      %dma_start3A_458 = tpu.memref_squeeze %dma_start3A_457 : memref<1x80xi32, #tpu.memory_space<vmem>> -> memref<80xi32, #tpu.memory_space<vmem>>
      %dma_start3A_459 = arith.constant 0 : i32
      %dma_start3A_460 = arith.constant 0 : i32
      %dma_start3A_461 = tpu.memref_slice %arg11[%dma_start3A_459, %dma_start3A_460] : memref<10112x128xf32, #tpu.memory_space<vmem_shared>> -> memref<10112x128xf32, #tpu.memory_space<vmem_shared>>
      tpu.enqueue_indirect_dma source(%dma_start3A_455 : memref<80x128xf32, #tpu.memory_space<vmem>>) target(%dma_start3A_461 : memref<10112x128xf32, #tpu.memory_space<vmem_shared>>) offsets(%dma_start3A_458 : memref<80xi32, #tpu.memory_space<vmem>>) semaphore(%run_scoped3A_452 : memref<!tpu.dma_semaphore, #tpu.memory_space<semaphore_mem>>) {add = true}
      %dma_wait3A_462 = arith.constant 0 : i32
      %dma_wait3A_463 = arith.constant 0 : i32
      %dma_wait3A_464 = tpu.memref_slice %arg10[%dma_wait3A_462, %dma_wait3A_463] : memref<160x128xf32, #tpu.memory_space<vmem>> -> memref<80x128xf32, #tpu.memory_space<vmem>>
      %dma_wait3A_465 = arith.constant 0 : i32
      %dma_wait3A_466 = tpu.memref_slice %arg9[%run_scoped3A_183, %dma_wait3A_465] : memref<128x80xi32, #tpu.memory_space<vmem>> -> memref<1x80xi32, #tpu.memory_space<vmem>>
      %dma_wait3A_467 = tpu.memref_squeeze %dma_wait3A_466 : memref<1x80xi32, #tpu.memory_space<vmem>> -> memref<80xi32, #tpu.memory_space<vmem>>
      %dma_wait3A_468 = arith.constant 0 : i32
      %dma_wait3A_469 = arith.constant 0 : i32
      %dma_wait3A_470 = tpu.memref_slice %arg11[%dma_wait3A_468, %dma_wait3A_469] : memref<10112x128xf32, #tpu.memory_space<vmem_shared>> -> memref<10112x128xf32, #tpu.memory_space<vmem_shared>>
      tpu.wait_indirect_dma semaphore(%run_scoped3A_452 : memref<!tpu.dma_semaphore, #tpu.memory_space<semaphore_mem>>) src(%dma_wait3A_464 : memref<80x128xf32, #tpu.memory_space<vmem>>) dst(%dma_wait3A_470 : memref<10112x128xf32, #tpu.memory_space<vmem_shared>>)
      tpu.yield
    }) : () -> ()
    %dma_start3A_184 = arith.constant 0 : i32
    %dma_start3A_185 = arith.constant 6 : i32
    %dma_start3A_186 = arith.constant 0 : i32
    %dma_start3A_187 = arith.constant 0 : i32
    %dma_start3A_188 = tpu.memref_slice %arg10[%dma_start3A_186, %dma_start3A_187] : memref<160x128xf32, #tpu.memory_space<vmem>> -> memref<80x128xf32, #tpu.memory_space<vmem>>
    %dma_start3A_189 = arith.constant 0 : i32
    %dma_start3A_190 = tpu.memref_slice %arg8[%dma_start3A_184, %dma_start3A_185, %dma_start3A_189] : memref<2x8x80xi32, #tpu.memory_space<vmem>> -> memref<1x1x80xi32, #tpu.memory_space<vmem>>
    %dma_start3A_191 = tpu.memref_squeeze %dma_start3A_190 : memref<1x1x80xi32, #tpu.memory_space<vmem>> -> memref<80xi32, #tpu.memory_space<vmem>>
    %dma_start3A_192 = arith.constant 0 : i32
    %dma_start3A_193 = arith.constant 0 : i32
    %dma_start3A_194 = tpu.memref_slice %arg4[%dma_start3A_192, %dma_start3A_193] : memref<10112x128xf32, #tpu.memory_space<hbm>> -> memref<10112x128xf32, #tpu.memory_space<hbm>>
    tpu.enqueue_indirect_dma source(%dma_start3A_194 : memref<10112x128xf32, #tpu.memory_space<hbm>>) target(%dma_start3A_188 : memref<80x128xf32, #tpu.memory_space<vmem>>) offsets(%dma_start3A_191 : memref<80xi32, #tpu.memory_space<vmem>>) semaphore(%arg14 : memref<!tpu.dma_semaphore, #tpu.memory_space<semaphore_mem>>)
    %dma_wait3A_195 = arith.constant 0 : i32
    %dma_wait3A_196 = arith.constant 5 : i32
    %dma_wait3A_197 = arith.constant 80 : i32
    %dma_wait3A_198 = arith.constant 0 : i32
    %dma_wait3A_199 = tpu.memref_slice %arg10[%dma_wait3A_197, %dma_wait3A_198] : memref<160x128xf32, #tpu.memory_space<vmem>> -> memref<80x128xf32, #tpu.memory_space<vmem>>
    %dma_wait3A_200 = arith.constant 0 : i32
    %dma_wait3A_201 = tpu.memref_slice %arg8[%dma_wait3A_195, %dma_wait3A_196, %dma_wait3A_200] : memref<2x8x80xi32, #tpu.memory_space<vmem>> -> memref<1x1x80xi32, #tpu.memory_space<vmem>>
    %dma_wait3A_202 = tpu.memref_squeeze %dma_wait3A_201 : memref<1x1x80xi32, #tpu.memory_space<vmem>> -> memref<80xi32, #tpu.memory_space<vmem>>
    %dma_wait3A_203 = arith.constant 0 : i32
    %dma_wait3A_204 = arith.constant 0 : i32
    %dma_wait3A_205 = tpu.memref_slice %arg4[%dma_wait3A_203, %dma_wait3A_204] : memref<10112x128xf32, #tpu.memory_space<hbm>> -> memref<10112x128xf32, #tpu.memory_space<hbm>>
    tpu.wait_indirect_dma semaphore(%arg15 : memref<!tpu.dma_semaphore, #tpu.memory_space<semaphore_mem>>) src(%dma_wait3A_205 : memref<10112x128xf32, #tpu.memory_space<hbm>>) dst(%dma_wait3A_199 : memref<80x128xf32, #tpu.memory_space<vmem>>)
    %run_scoped3A_206 = arith.constant 117 : i32
    "tpu.region"() ({
      %run_scoped3A_452 = tpu.sem_alloc : memref<!tpu.dma_semaphore, #tpu.memory_space<semaphore_mem>>
      %dma_start3A_453 = arith.constant 80 : i32
      %dma_start3A_454 = arith.constant 0 : i32
      %dma_start3A_455 = tpu.memref_slice %arg10[%dma_start3A_453, %dma_start3A_454] : memref<160x128xf32, #tpu.memory_space<vmem>> -> memref<80x128xf32, #tpu.memory_space<vmem>>
      %dma_start3A_456 = arith.constant 0 : i32
      %dma_start3A_457 = tpu.memref_slice %arg9[%run_scoped3A_206, %dma_start3A_456] : memref<128x80xi32, #tpu.memory_space<vmem>> -> memref<1x80xi32, #tpu.memory_space<vmem>>
      %dma_start3A_458 = tpu.memref_squeeze %dma_start3A_457 : memref<1x80xi32, #tpu.memory_space<vmem>> -> memref<80xi32, #tpu.memory_space<vmem>>
      %dma_start3A_459 = arith.constant 0 : i32
      %dma_start3A_460 = arith.constant 0 : i32
      %dma_start3A_461 = tpu.memref_slice %arg11[%dma_start3A_459, %dma_start3A_460] : memref<10112x128xf32, #tpu.memory_space<vmem_shared>> -> memref<10112x128xf32, #tpu.memory_space<vmem_shared>>
      tpu.enqueue_indirect_dma source(%dma_start3A_455 : memref<80x128xf32, #tpu.memory_space<vmem>>) target(%dma_start3A_461 : memref<10112x128xf32, #tpu.memory_space<vmem_shared>>) offsets(%dma_start3A_458 : memref<80xi32, #tpu.memory_space<vmem>>) semaphore(%run_scoped3A_452 : memref<!tpu.dma_semaphore, #tpu.memory_space<semaphore_mem>>) {add = true}
      %dma_wait3A_462 = arith.constant 80 : i32
      %dma_wait3A_463 = arith.constant 0 : i32
      %dma_wait3A_464 = tpu.memref_slice %arg10[%dma_wait3A_462, %dma_wait3A_463] : memref<160x128xf32, #tpu.memory_space<vmem>> -> memref<80x128xf32, #tpu.memory_space<vmem>>
      %dma_wait3A_465 = arith.constant 0 : i32
      %dma_wait3A_466 = tpu.memref_slice %arg9[%run_scoped3A_206, %dma_wait3A_465] : memref<128x80xi32, #tpu.memory_space<vmem>> -> memref<1x80xi32, #tpu.memory_space<vmem>>
      %dma_wait3A_467 = tpu.memref_squeeze %dma_wait3A_466 : memref<1x80xi32, #tpu.memory_space<vmem>> -> memref<80xi32, #tpu.memory_space<vmem>>
      %dma_wait3A_468 = arith.constant 0 : i32
      %dma_wait3A_469 = arith.constant 0 : i32
      %dma_wait3A_470 = tpu.memref_slice %arg11[%dma_wait3A_468, %dma_wait3A_469] : memref<10112x128xf32, #tpu.memory_space<vmem_shared>> -> memref<10112x128xf32, #tpu.memory_space<vmem_shared>>
      tpu.wait_indirect_dma semaphore(%run_scoped3A_452 : memref<!tpu.dma_semaphore, #tpu.memory_space<semaphore_mem>>) src(%dma_wait3A_464 : memref<80x128xf32, #tpu.memory_space<vmem>>) dst(%dma_wait3A_470 : memref<10112x128xf32, #tpu.memory_space<vmem_shared>>)
      tpu.yield
    }) : () -> ()
    %dma_start3A_207 = arith.constant 0 : i32
    %dma_start3A_208 = arith.constant 7 : i32
    %dma_start3A_209 = arith.constant 80 : i32
    %dma_start3A_210 = arith.constant 0 : i32
    %dma_start3A_211 = tpu.memref_slice %arg10[%dma_start3A_209, %dma_start3A_210] : memref<160x128xf32, #tpu.memory_space<vmem>> -> memref<80x128xf32, #tpu.memory_space<vmem>>
    %dma_start3A_212 = arith.constant 0 : i32
    %dma_start3A_213 = tpu.memref_slice %arg8[%dma_start3A_207, %dma_start3A_208, %dma_start3A_212] : memref<2x8x80xi32, #tpu.memory_space<vmem>> -> memref<1x1x80xi32, #tpu.memory_space<vmem>>
    %dma_start3A_214 = tpu.memref_squeeze %dma_start3A_213 : memref<1x1x80xi32, #tpu.memory_space<vmem>> -> memref<80xi32, #tpu.memory_space<vmem>>
    %dma_start3A_215 = arith.constant 0 : i32
    %dma_start3A_216 = arith.constant 0 : i32
    %dma_start3A_217 = tpu.memref_slice %arg4[%dma_start3A_215, %dma_start3A_216] : memref<10112x128xf32, #tpu.memory_space<hbm>> -> memref<10112x128xf32, #tpu.memory_space<hbm>>
    tpu.enqueue_indirect_dma source(%dma_start3A_217 : memref<10112x128xf32, #tpu.memory_space<hbm>>) target(%dma_start3A_211 : memref<80x128xf32, #tpu.memory_space<vmem>>) offsets(%dma_start3A_214 : memref<80xi32, #tpu.memory_space<vmem>>) semaphore(%arg15 : memref<!tpu.dma_semaphore, #tpu.memory_space<semaphore_mem>>)
    %dma_wait3A_218 = arith.constant 0 : i32
    %dma_wait3A_219 = arith.constant 6 : i32
    %dma_wait3A_220 = arith.constant 0 : i32
    %dma_wait3A_221 = arith.constant 0 : i32
    %dma_wait3A_222 = tpu.memref_slice %arg10[%dma_wait3A_220, %dma_wait3A_221] : memref<160x128xf32, #tpu.memory_space<vmem>> -> memref<80x128xf32, #tpu.memory_space<vmem>>
    %dma_wait3A_223 = arith.constant 0 : i32
    %dma_wait3A_224 = tpu.memref_slice %arg8[%dma_wait3A_218, %dma_wait3A_219, %dma_wait3A_223] : memref<2x8x80xi32, #tpu.memory_space<vmem>> -> memref<1x1x80xi32, #tpu.memory_space<vmem>>
    %dma_wait3A_225 = tpu.memref_squeeze %dma_wait3A_224 : memref<1x1x80xi32, #tpu.memory_space<vmem>> -> memref<80xi32, #tpu.memory_space<vmem>>
    %dma_wait3A_226 = arith.constant 0 : i32
    %dma_wait3A_227 = arith.constant 0 : i32
    %dma_wait3A_228 = tpu.memref_slice %arg4[%dma_wait3A_226, %dma_wait3A_227] : memref<10112x128xf32, #tpu.memory_space<hbm>> -> memref<10112x128xf32, #tpu.memory_space<hbm>>
    tpu.wait_indirect_dma semaphore(%arg14 : memref<!tpu.dma_semaphore, #tpu.memory_space<semaphore_mem>>) src(%dma_wait3A_228 : memref<10112x128xf32, #tpu.memory_space<hbm>>) dst(%dma_wait3A_222 : memref<80x128xf32, #tpu.memory_space<vmem>>)
    %run_scoped3A_229 = arith.constant 118 : i32
    "tpu.region"() ({
      %run_scoped3A_452 = tpu.sem_alloc : memref<!tpu.dma_semaphore, #tpu.memory_space<semaphore_mem>>
      %dma_start3A_453 = arith.constant 0 : i32
      %dma_start3A_454 = arith.constant 0 : i32
      %dma_start3A_455 = tpu.memref_slice %arg10[%dma_start3A_453, %dma_start3A_454] : memref<160x128xf32, #tpu.memory_space<vmem>> -> memref<80x128xf32, #tpu.memory_space<vmem>>
      %dma_start3A_456 = arith.constant 0 : i32
      %dma_start3A_457 = tpu.memref_slice %arg9[%run_scoped3A_229, %dma_start3A_456] : memref<128x80xi32, #tpu.memory_space<vmem>> -> memref<1x80xi32, #tpu.memory_space<vmem>>
      %dma_start3A_458 = tpu.memref_squeeze %dma_start3A_457 : memref<1x80xi32, #tpu.memory_space<vmem>> -> memref<80xi32, #tpu.memory_space<vmem>>
      %dma_start3A_459 = arith.constant 0 : i32
      %dma_start3A_460 = arith.constant 0 : i32
      %dma_start3A_461 = tpu.memref_slice %arg11[%dma_start3A_459, %dma_start3A_460] : memref<10112x128xf32, #tpu.memory_space<vmem_shared>> -> memref<10112x128xf32, #tpu.memory_space<vmem_shared>>
      tpu.enqueue_indirect_dma source(%dma_start3A_455 : memref<80x128xf32, #tpu.memory_space<vmem>>) target(%dma_start3A_461 : memref<10112x128xf32, #tpu.memory_space<vmem_shared>>) offsets(%dma_start3A_458 : memref<80xi32, #tpu.memory_space<vmem>>) semaphore(%run_scoped3A_452 : memref<!tpu.dma_semaphore, #tpu.memory_space<semaphore_mem>>) {add = true}
      %dma_wait3A_462 = arith.constant 0 : i32
      %dma_wait3A_463 = arith.constant 0 : i32
      %dma_wait3A_464 = tpu.memref_slice %arg10[%dma_wait3A_462, %dma_wait3A_463] : memref<160x128xf32, #tpu.memory_space<vmem>> -> memref<80x128xf32, #tpu.memory_space<vmem>>
      %dma_wait3A_465 = arith.constant 0 : i32
      %dma_wait3A_466 = tpu.memref_slice %arg9[%run_scoped3A_229, %dma_wait3A_465] : memref<128x80xi32, #tpu.memory_space<vmem>> -> memref<1x80xi32, #tpu.memory_space<vmem>>
      %dma_wait3A_467 = tpu.memref_squeeze %dma_wait3A_466 : memref<1x80xi32, #tpu.memory_space<vmem>> -> memref<80xi32, #tpu.memory_space<vmem>>
      %dma_wait3A_468 = arith.constant 0 : i32
      %dma_wait3A_469 = arith.constant 0 : i32
      %dma_wait3A_470 = tpu.memref_slice %arg11[%dma_wait3A_468, %dma_wait3A_469] : memref<10112x128xf32, #tpu.memory_space<vmem_shared>> -> memref<10112x128xf32, #tpu.memory_space<vmem_shared>>
      tpu.wait_indirect_dma semaphore(%run_scoped3A_452 : memref<!tpu.dma_semaphore, #tpu.memory_space<semaphore_mem>>) src(%dma_wait3A_464 : memref<80x128xf32, #tpu.memory_space<vmem>>) dst(%dma_wait3A_470 : memref<10112x128xf32, #tpu.memory_space<vmem_shared>>)
      tpu.yield
    }) : () -> ()
    %dma_wait3A_230 = arith.constant 15 : i32
    %dma_wait3A_231 = arith.constant 1 : i32
    %dma_wait3A_232 = arith.constant 0 : i32
    %dma_wait3A_233 = arith.constant 0 : i32
    %dma_wait3A_234 = tpu.memref_slice %arg8[%dma_wait3A_231, %dma_wait3A_232, %dma_wait3A_233] : memref<2x8x80xi32, #tpu.memory_space<vmem>> -> memref<1x8x80xi32, #tpu.memory_space<vmem>>
    %dma_wait3A_235 = tpu.memref_squeeze %dma_wait3A_234 : memref<1x8x80xi32, #tpu.memory_space<vmem>> -> memref<8x80xi32, #tpu.memory_space<vmem>>
    %dma_wait3A_236 = arith.constant 0 : i32
    %dma_wait3A_237 = arith.constant 0 : i32
    %dma_wait3A_238 = tpu.memref_slice %arg2[%add3A, %dma_wait3A_230, %dma_wait3A_236, %dma_wait3A_237] : memref<32x16x8x80xi32, #tpu.memory_space<hbm>> -> memref<1x1x8x80xi32, #tpu.memory_space<hbm>>
    %dma_wait3A_239 = tpu.memref_squeeze %dma_wait3A_238 : memref<1x1x8x80xi32, #tpu.memory_space<hbm>> -> memref<8x80xi32, #tpu.memory_space<hbm>>
    %dma_wait3A_240 = arith.constant 0 : i32
    %dma_wait3A_241 = arith.constant 0 : i32
    %dma_wait3A_242 = tpu.memref_slice %arg8[%dma_wait3A_231, %dma_wait3A_240, %dma_wait3A_241] : memref<2x8x80xi32, #tpu.memory_space<vmem>> -> memref<1x8x80xi32, #tpu.memory_space<vmem>>
    %dma_wait3A_243 = tpu.memref_squeeze %dma_wait3A_242 : memref<1x8x80xi32, #tpu.memory_space<vmem>> -> memref<8x80xi32, #tpu.memory_space<vmem>>
    %dma_wait3A_244 = arith.constant 0 : i32
    %dma_wait3A_245 = arith.constant 0 : i32
    %dma_wait3A_246 = tpu.memref_slice %arg2[%add3A, %dma_wait3A_230, %dma_wait3A_244, %dma_wait3A_245] : memref<32x16x8x80xi32, #tpu.memory_space<hbm>> -> memref<1x1x8x80xi32, #tpu.memory_space<hbm>>
    %dma_wait3A_247 = tpu.memref_squeeze %dma_wait3A_246 : memref<1x1x8x80xi32, #tpu.memory_space<hbm>> -> memref<8x80xi32, #tpu.memory_space<hbm>>
    tpu.wait_dma2 semaphore(%arg13 : memref<!tpu.dma_semaphore, #tpu.memory_space<semaphore_mem>>) src(%dma_wait3A_247 : memref<8x80xi32, #tpu.memory_space<hbm>>) dst(%dma_wait3A_243 : memref<8x80xi32, #tpu.memory_space<vmem>>)
    %dma_start3A_248 = arith.constant 1 : i32
    %dma_start3A_249 = arith.constant 0 : i32
    %dma_start3A_250 = arith.constant 0 : i32
    %dma_start3A_251 = arith.constant 0 : i32
    %dma_start3A_252 = tpu.memref_slice %arg10[%dma_start3A_250, %dma_start3A_251] : memref<160x128xf32, #tpu.memory_space<vmem>> -> memref<80x128xf32, #tpu.memory_space<vmem>>
    %dma_start3A_253 = arith.constant 0 : i32
    %dma_start3A_254 = tpu.memref_slice %arg8[%dma_start3A_248, %dma_start3A_249, %dma_start3A_253] : memref<2x8x80xi32, #tpu.memory_space<vmem>> -> memref<1x1x80xi32, #tpu.memory_space<vmem>>
    %dma_start3A_255 = tpu.memref_squeeze %dma_start3A_254 : memref<1x1x80xi32, #tpu.memory_space<vmem>> -> memref<80xi32, #tpu.memory_space<vmem>>
    %dma_start3A_256 = arith.constant 0 : i32
    %dma_start3A_257 = arith.constant 0 : i32
    %dma_start3A_258 = tpu.memref_slice %arg4[%dma_start3A_256, %dma_start3A_257] : memref<10112x128xf32, #tpu.memory_space<hbm>> -> memref<10112x128xf32, #tpu.memory_space<hbm>>
    tpu.enqueue_indirect_dma source(%dma_start3A_258 : memref<10112x128xf32, #tpu.memory_space<hbm>>) target(%dma_start3A_252 : memref<80x128xf32, #tpu.memory_space<vmem>>) offsets(%dma_start3A_255 : memref<80xi32, #tpu.memory_space<vmem>>) semaphore(%arg14 : memref<!tpu.dma_semaphore, #tpu.memory_space<semaphore_mem>>)
    %dma_wait3A_259 = arith.constant 0 : i32
    %dma_wait3A_260 = arith.constant 7 : i32
    %dma_wait3A_261 = arith.constant 80 : i32
    %dma_wait3A_262 = arith.constant 0 : i32
    %dma_wait3A_263 = tpu.memref_slice %arg10[%dma_wait3A_261, %dma_wait3A_262] : memref<160x128xf32, #tpu.memory_space<vmem>> -> memref<80x128xf32, #tpu.memory_space<vmem>>
    %dma_wait3A_264 = arith.constant 0 : i32
    %dma_wait3A_265 = tpu.memref_slice %arg8[%dma_wait3A_259, %dma_wait3A_260, %dma_wait3A_264] : memref<2x8x80xi32, #tpu.memory_space<vmem>> -> memref<1x1x80xi32, #tpu.memory_space<vmem>>
    %dma_wait3A_266 = tpu.memref_squeeze %dma_wait3A_265 : memref<1x1x80xi32, #tpu.memory_space<vmem>> -> memref<80xi32, #tpu.memory_space<vmem>>
    %dma_wait3A_267 = arith.constant 0 : i32
    %dma_wait3A_268 = arith.constant 0 : i32
    %dma_wait3A_269 = tpu.memref_slice %arg4[%dma_wait3A_267, %dma_wait3A_268] : memref<10112x128xf32, #tpu.memory_space<hbm>> -> memref<10112x128xf32, #tpu.memory_space<hbm>>
    tpu.wait_indirect_dma semaphore(%arg15 : memref<!tpu.dma_semaphore, #tpu.memory_space<semaphore_mem>>) src(%dma_wait3A_269 : memref<10112x128xf32, #tpu.memory_space<hbm>>) dst(%dma_wait3A_263 : memref<80x128xf32, #tpu.memory_space<vmem>>)
    %run_scoped3A_270 = arith.constant 119 : i32
    "tpu.region"() ({
      %run_scoped3A_452 = tpu.sem_alloc : memref<!tpu.dma_semaphore, #tpu.memory_space<semaphore_mem>>
      %dma_start3A_453 = arith.constant 80 : i32
      %dma_start3A_454 = arith.constant 0 : i32
      %dma_start3A_455 = tpu.memref_slice %arg10[%dma_start3A_453, %dma_start3A_454] : memref<160x128xf32, #tpu.memory_space<vmem>> -> memref<80x128xf32, #tpu.memory_space<vmem>>
      %dma_start3A_456 = arith.constant 0 : i32
      %dma_start3A_457 = tpu.memref_slice %arg9[%run_scoped3A_270, %dma_start3A_456] : memref<128x80xi32, #tpu.memory_space<vmem>> -> memref<1x80xi32, #tpu.memory_space<vmem>>
      %dma_start3A_458 = tpu.memref_squeeze %dma_start3A_457 : memref<1x80xi32, #tpu.memory_space<vmem>> -> memref<80xi32, #tpu.memory_space<vmem>>
      %dma_start3A_459 = arith.constant 0 : i32
      %dma_start3A_460 = arith.constant 0 : i32
      %dma_start3A_461 = tpu.memref_slice %arg11[%dma_start3A_459, %dma_start3A_460] : memref<10112x128xf32, #tpu.memory_space<vmem_shared>> -> memref<10112x128xf32, #tpu.memory_space<vmem_shared>>
      tpu.enqueue_indirect_dma source(%dma_start3A_455 : memref<80x128xf32, #tpu.memory_space<vmem>>) target(%dma_start3A_461 : memref<10112x128xf32, #tpu.memory_space<vmem_shared>>) offsets(%dma_start3A_458 : memref<80xi32, #tpu.memory_space<vmem>>) semaphore(%run_scoped3A_452 : memref<!tpu.dma_semaphore, #tpu.memory_space<semaphore_mem>>) {add = true}
      %dma_wait3A_462 = arith.constant 80 : i32
      %dma_wait3A_463 = arith.constant 0 : i32
      %dma_wait3A_464 = tpu.memref_slice %arg10[%dma_wait3A_462, %dma_wait3A_463] : memref<160x128xf32, #tpu.memory_space<vmem>> -> memref<80x128xf32, #tpu.memory_space<vmem>>
      %dma_wait3A_465 = arith.constant 0 : i32
      %dma_wait3A_466 = tpu.memref_slice %arg9[%run_scoped3A_270, %dma_wait3A_465] : memref<128x80xi32, #tpu.memory_space<vmem>> -> memref<1x80xi32, #tpu.memory_space<vmem>>
      %dma_wait3A_467 = tpu.memref_squeeze %dma_wait3A_466 : memref<1x80xi32, #tpu.memory_space<vmem>> -> memref<80xi32, #tpu.memory_space<vmem>>
      %dma_wait3A_468 = arith.constant 0 : i32
      %dma_wait3A_469 = arith.constant 0 : i32
      %dma_wait3A_470 = tpu.memref_slice %arg11[%dma_wait3A_468, %dma_wait3A_469] : memref<10112x128xf32, #tpu.memory_space<vmem_shared>> -> memref<10112x128xf32, #tpu.memory_space<vmem_shared>>
      tpu.wait_indirect_dma semaphore(%run_scoped3A_452 : memref<!tpu.dma_semaphore, #tpu.memory_space<semaphore_mem>>) src(%dma_wait3A_464 : memref<80x128xf32, #tpu.memory_space<vmem>>) dst(%dma_wait3A_470 : memref<10112x128xf32, #tpu.memory_space<vmem_shared>>)
      tpu.yield
    }) : () -> ()
    %dma_start3A_271 = arith.constant 1 : i32
    %dma_start3A_272 = arith.constant 1 : i32
    %dma_start3A_273 = arith.constant 80 : i32
    %dma_start3A_274 = arith.constant 0 : i32
    %dma_start3A_275 = tpu.memref_slice %arg10[%dma_start3A_273, %dma_start3A_274] : memref<160x128xf32, #tpu.memory_space<vmem>> -> memref<80x128xf32, #tpu.memory_space<vmem>>
    %dma_start3A_276 = arith.constant 0 : i32
    %dma_start3A_277 = tpu.memref_slice %arg8[%dma_start3A_271, %dma_start3A_272, %dma_start3A_276] : memref<2x8x80xi32, #tpu.memory_space<vmem>> -> memref<1x1x80xi32, #tpu.memory_space<vmem>>
    %dma_start3A_278 = tpu.memref_squeeze %dma_start3A_277 : memref<1x1x80xi32, #tpu.memory_space<vmem>> -> memref<80xi32, #tpu.memory_space<vmem>>
    %dma_start3A_279 = arith.constant 0 : i32
    %dma_start3A_280 = arith.constant 0 : i32
    %dma_start3A_281 = tpu.memref_slice %arg4[%dma_start3A_279, %dma_start3A_280] : memref<10112x128xf32, #tpu.memory_space<hbm>> -> memref<10112x128xf32, #tpu.memory_space<hbm>>
    tpu.enqueue_indirect_dma source(%dma_start3A_281 : memref<10112x128xf32, #tpu.memory_space<hbm>>) target(%dma_start3A_275 : memref<80x128xf32, #tpu.memory_space<vmem>>) offsets(%dma_start3A_278 : memref<80xi32, #tpu.memory_space<vmem>>) semaphore(%arg15 : memref<!tpu.dma_semaphore, #tpu.memory_space<semaphore_mem>>)
    %dma_wait3A_282 = arith.constant 1 : i32
    %dma_wait3A_283 = arith.constant 0 : i32
    %dma_wait3A_284 = arith.constant 0 : i32
    %dma_wait3A_285 = arith.constant 0 : i32
    %dma_wait3A_286 = tpu.memref_slice %arg10[%dma_wait3A_284, %dma_wait3A_285] : memref<160x128xf32, #tpu.memory_space<vmem>> -> memref<80x128xf32, #tpu.memory_space<vmem>>
    %dma_wait3A_287 = arith.constant 0 : i32
    %dma_wait3A_288 = tpu.memref_slice %arg8[%dma_wait3A_282, %dma_wait3A_283, %dma_wait3A_287] : memref<2x8x80xi32, #tpu.memory_space<vmem>> -> memref<1x1x80xi32, #tpu.memory_space<vmem>>
    %dma_wait3A_289 = tpu.memref_squeeze %dma_wait3A_288 : memref<1x1x80xi32, #tpu.memory_space<vmem>> -> memref<80xi32, #tpu.memory_space<vmem>>
    %dma_wait3A_290 = arith.constant 0 : i32
    %dma_wait3A_291 = arith.constant 0 : i32
    %dma_wait3A_292 = tpu.memref_slice %arg4[%dma_wait3A_290, %dma_wait3A_291] : memref<10112x128xf32, #tpu.memory_space<hbm>> -> memref<10112x128xf32, #tpu.memory_space<hbm>>
    tpu.wait_indirect_dma semaphore(%arg14 : memref<!tpu.dma_semaphore, #tpu.memory_space<semaphore_mem>>) src(%dma_wait3A_292 : memref<10112x128xf32, #tpu.memory_space<hbm>>) dst(%dma_wait3A_286 : memref<80x128xf32, #tpu.memory_space<vmem>>)
    %run_scoped3A_293 = arith.constant 120 : i32
    "tpu.region"() ({
      %run_scoped3A_452 = tpu.sem_alloc : memref<!tpu.dma_semaphore, #tpu.memory_space<semaphore_mem>>
      %dma_start3A_453 = arith.constant 0 : i32
      %dma_start3A_454 = arith.constant 0 : i32
      %dma_start3A_455 = tpu.memref_slice %arg10[%dma_start3A_453, %dma_start3A_454] : memref<160x128xf32, #tpu.memory_space<vmem>> -> memref<80x128xf32, #tpu.memory_space<vmem>>
      %dma_start3A_456 = arith.constant 0 : i32
      %dma_start3A_457 = tpu.memref_slice %arg9[%run_scoped3A_293, %dma_start3A_456] : memref<128x80xi32, #tpu.memory_space<vmem>> -> memref<1x80xi32, #tpu.memory_space<vmem>>
      %dma_start3A_458 = tpu.memref_squeeze %dma_start3A_457 : memref<1x80xi32, #tpu.memory_space<vmem>> -> memref<80xi32, #tpu.memory_space<vmem>>
      %dma_start3A_459 = arith.constant 0 : i32
      %dma_start3A_460 = arith.constant 0 : i32
      %dma_start3A_461 = tpu.memref_slice %arg11[%dma_start3A_459, %dma_start3A_460] : memref<10112x128xf32, #tpu.memory_space<vmem_shared>> -> memref<10112x128xf32, #tpu.memory_space<vmem_shared>>
      tpu.enqueue_indirect_dma source(%dma_start3A_455 : memref<80x128xf32, #tpu.memory_space<vmem>>) target(%dma_start3A_461 : memref<10112x128xf32, #tpu.memory_space<vmem_shared>>) offsets(%dma_start3A_458 : memref<80xi32, #tpu.memory_space<vmem>>) semaphore(%run_scoped3A_452 : memref<!tpu.dma_semaphore, #tpu.memory_space<semaphore_mem>>) {add = true}
      %dma_wait3A_462 = arith.constant 0 : i32
      %dma_wait3A_463 = arith.constant 0 : i32
      %dma_wait3A_464 = tpu.memref_slice %arg10[%dma_wait3A_462, %dma_wait3A_463] : memref<160x128xf32, #tpu.memory_space<vmem>> -> memref<80x128xf32, #tpu.memory_space<vmem>>
      %dma_wait3A_465 = arith.constant 0 : i32
      %dma_wait3A_466 = tpu.memref_slice %arg9[%run_scoped3A_293, %dma_wait3A_465] : memref<128x80xi32, #tpu.memory_space<vmem>> -> memref<1x80xi32, #tpu.memory_space<vmem>>
      %dma_wait3A_467 = tpu.memref_squeeze %dma_wait3A_466 : memref<1x80xi32, #tpu.memory_space<vmem>> -> memref<80xi32, #tpu.memory_space<vmem>>
      %dma_wait3A_468 = arith.constant 0 : i32
      %dma_wait3A_469 = arith.constant 0 : i32
      %dma_wait3A_470 = tpu.memref_slice %arg11[%dma_wait3A_468, %dma_wait3A_469] : memref<10112x128xf32, #tpu.memory_space<vmem_shared>> -> memref<10112x128xf32, #tpu.memory_space<vmem_shared>>
      tpu.wait_indirect_dma semaphore(%run_scoped3A_452 : memref<!tpu.dma_semaphore, #tpu.memory_space<semaphore_mem>>) src(%dma_wait3A_464 : memref<80x128xf32, #tpu.memory_space<vmem>>) dst(%dma_wait3A_470 : memref<10112x128xf32, #tpu.memory_space<vmem_shared>>)
      tpu.yield
    }) : () -> ()
    %dma_start3A_294 = arith.constant 1 : i32
    %dma_start3A_295 = arith.constant 2 : i32
    %dma_start3A_296 = arith.constant 0 : i32
    %dma_start3A_297 = arith.constant 0 : i32
    %dma_start3A_298 = tpu.memref_slice %arg10[%dma_start3A_296, %dma_start3A_297] : memref<160x128xf32, #tpu.memory_space<vmem>> -> memref<80x128xf32, #tpu.memory_space<vmem>>
    %dma_start3A_299 = arith.constant 0 : i32
    %dma_start3A_300 = tpu.memref_slice %arg8[%dma_start3A_294, %dma_start3A_295, %dma_start3A_299] : memref<2x8x80xi32, #tpu.memory_space<vmem>> -> memref<1x1x80xi32, #tpu.memory_space<vmem>>
    %dma_start3A_301 = tpu.memref_squeeze %dma_start3A_300 : memref<1x1x80xi32, #tpu.memory_space<vmem>> -> memref<80xi32, #tpu.memory_space<vmem>>
    %dma_start3A_302 = arith.constant 0 : i32
    %dma_start3A_303 = arith.constant 0 : i32
    %dma_start3A_304 = tpu.memref_slice %arg4[%dma_start3A_302, %dma_start3A_303] : memref<10112x128xf32, #tpu.memory_space<hbm>> -> memref<10112x128xf32, #tpu.memory_space<hbm>>
    tpu.enqueue_indirect_dma source(%dma_start3A_304 : memref<10112x128xf32, #tpu.memory_space<hbm>>) target(%dma_start3A_298 : memref<80x128xf32, #tpu.memory_space<vmem>>) offsets(%dma_start3A_301 : memref<80xi32, #tpu.memory_space<vmem>>) semaphore(%arg14 : memref<!tpu.dma_semaphore, #tpu.memory_space<semaphore_mem>>)
    %dma_wait3A_305 = arith.constant 1 : i32
    %dma_wait3A_306 = arith.constant 1 : i32
    %dma_wait3A_307 = arith.constant 80 : i32
    %dma_wait3A_308 = arith.constant 0 : i32
    %dma_wait3A_309 = tpu.memref_slice %arg10[%dma_wait3A_307, %dma_wait3A_308] : memref<160x128xf32, #tpu.memory_space<vmem>> -> memref<80x128xf32, #tpu.memory_space<vmem>>
    %dma_wait3A_310 = arith.constant 0 : i32
    %dma_wait3A_311 = tpu.memref_slice %arg8[%dma_wait3A_305, %dma_wait3A_306, %dma_wait3A_310] : memref<2x8x80xi32, #tpu.memory_space<vmem>> -> memref<1x1x80xi32, #tpu.memory_space<vmem>>
    %dma_wait3A_312 = tpu.memref_squeeze %dma_wait3A_311 : memref<1x1x80xi32, #tpu.memory_space<vmem>> -> memref<80xi32, #tpu.memory_space<vmem>>
    %dma_wait3A_313 = arith.constant 0 : i32
    %dma_wait3A_314 = arith.constant 0 : i32
    %dma_wait3A_315 = tpu.memref_slice %arg4[%dma_wait3A_313, %dma_wait3A_314] : memref<10112x128xf32, #tpu.memory_space<hbm>> -> memref<10112x128xf32, #tpu.memory_space<hbm>>
    tpu.wait_indirect_dma semaphore(%arg15 : memref<!tpu.dma_semaphore, #tpu.memory_space<semaphore_mem>>) src(%dma_wait3A_315 : memref<10112x128xf32, #tpu.memory_space<hbm>>) dst(%dma_wait3A_309 : memref<80x128xf32, #tpu.memory_space<vmem>>)
    %run_scoped3A_316 = arith.constant 121 : i32
    "tpu.region"() ({
      %run_scoped3A_452 = tpu.sem_alloc : memref<!tpu.dma_semaphore, #tpu.memory_space<semaphore_mem>>
      %dma_start3A_453 = arith.constant 80 : i32
      %dma_start3A_454 = arith.constant 0 : i32
      %dma_start3A_455 = tpu.memref_slice %arg10[%dma_start3A_453, %dma_start3A_454] : memref<160x128xf32, #tpu.memory_space<vmem>> -> memref<80x128xf32, #tpu.memory_space<vmem>>
      %dma_start3A_456 = arith.constant 0 : i32
      %dma_start3A_457 = tpu.memref_slice %arg9[%run_scoped3A_316, %dma_start3A_456] : memref<128x80xi32, #tpu.memory_space<vmem>> -> memref<1x80xi32, #tpu.memory_space<vmem>>
      %dma_start3A_458 = tpu.memref_squeeze %dma_start3A_457 : memref<1x80xi32, #tpu.memory_space<vmem>> -> memref<80xi32, #tpu.memory_space<vmem>>
      %dma_start3A_459 = arith.constant 0 : i32
      %dma_start3A_460 = arith.constant 0 : i32
      %dma_start3A_461 = tpu.memref_slice %arg11[%dma_start3A_459, %dma_start3A_460] : memref<10112x128xf32, #tpu.memory_space<vmem_shared>> -> memref<10112x128xf32, #tpu.memory_space<vmem_shared>>
      tpu.enqueue_indirect_dma source(%dma_start3A_455 : memref<80x128xf32, #tpu.memory_space<vmem>>) target(%dma_start3A_461 : memref<10112x128xf32, #tpu.memory_space<vmem_shared>>) offsets(%dma_start3A_458 : memref<80xi32, #tpu.memory_space<vmem>>) semaphore(%run_scoped3A_452 : memref<!tpu.dma_semaphore, #tpu.memory_space<semaphore_mem>>) {add = true}
      %dma_wait3A_462 = arith.constant 80 : i32
      %dma_wait3A_463 = arith.constant 0 : i32
      %dma_wait3A_464 = tpu.memref_slice %arg10[%dma_wait3A_462, %dma_wait3A_463] : memref<160x128xf32, #tpu.memory_space<vmem>> -> memref<80x128xf32, #tpu.memory_space<vmem>>
      %dma_wait3A_465 = arith.constant 0 : i32
      %dma_wait3A_466 = tpu.memref_slice %arg9[%run_scoped3A_316, %dma_wait3A_465] : memref<128x80xi32, #tpu.memory_space<vmem>> -> memref<1x80xi32, #tpu.memory_space<vmem>>
      %dma_wait3A_467 = tpu.memref_squeeze %dma_wait3A_466 : memref<1x80xi32, #tpu.memory_space<vmem>> -> memref<80xi32, #tpu.memory_space<vmem>>
      %dma_wait3A_468 = arith.constant 0 : i32
      %dma_wait3A_469 = arith.constant 0 : i32
      %dma_wait3A_470 = tpu.memref_slice %arg11[%dma_wait3A_468, %dma_wait3A_469] : memref<10112x128xf32, #tpu.memory_space<vmem_shared>> -> memref<10112x128xf32, #tpu.memory_space<vmem_shared>>
      tpu.wait_indirect_dma semaphore(%run_scoped3A_452 : memref<!tpu.dma_semaphore, #tpu.memory_space<semaphore_mem>>) src(%dma_wait3A_464 : memref<80x128xf32, #tpu.memory_space<vmem>>) dst(%dma_wait3A_470 : memref<10112x128xf32, #tpu.memory_space<vmem_shared>>)
      tpu.yield
    }) : () -> ()
    %dma_start3A_317 = arith.constant 1 : i32
    %dma_start3A_318 = arith.constant 3 : i32
    %dma_start3A_319 = arith.constant 80 : i32
    %dma_start3A_320 = arith.constant 0 : i32
    %dma_start3A_321 = tpu.memref_slice %arg10[%dma_start3A_319, %dma_start3A_320] : memref<160x128xf32, #tpu.memory_space<vmem>> -> memref<80x128xf32, #tpu.memory_space<vmem>>
    %dma_start3A_322 = arith.constant 0 : i32
    %dma_start3A_323 = tpu.memref_slice %arg8[%dma_start3A_317, %dma_start3A_318, %dma_start3A_322] : memref<2x8x80xi32, #tpu.memory_space<vmem>> -> memref<1x1x80xi32, #tpu.memory_space<vmem>>
    %dma_start3A_324 = tpu.memref_squeeze %dma_start3A_323 : memref<1x1x80xi32, #tpu.memory_space<vmem>> -> memref<80xi32, #tpu.memory_space<vmem>>
    %dma_start3A_325 = arith.constant 0 : i32
    %dma_start3A_326 = arith.constant 0 : i32
    %dma_start3A_327 = tpu.memref_slice %arg4[%dma_start3A_325, %dma_start3A_326] : memref<10112x128xf32, #tpu.memory_space<hbm>> -> memref<10112x128xf32, #tpu.memory_space<hbm>>
    tpu.enqueue_indirect_dma source(%dma_start3A_327 : memref<10112x128xf32, #tpu.memory_space<hbm>>) target(%dma_start3A_321 : memref<80x128xf32, #tpu.memory_space<vmem>>) offsets(%dma_start3A_324 : memref<80xi32, #tpu.memory_space<vmem>>) semaphore(%arg15 : memref<!tpu.dma_semaphore, #tpu.memory_space<semaphore_mem>>)
    %dma_wait3A_328 = arith.constant 1 : i32
    %dma_wait3A_329 = arith.constant 2 : i32
    %dma_wait3A_330 = arith.constant 0 : i32
    %dma_wait3A_331 = arith.constant 0 : i32
    %dma_wait3A_332 = tpu.memref_slice %arg10[%dma_wait3A_330, %dma_wait3A_331] : memref<160x128xf32, #tpu.memory_space<vmem>> -> memref<80x128xf32, #tpu.memory_space<vmem>>
    %dma_wait3A_333 = arith.constant 0 : i32
    %dma_wait3A_334 = tpu.memref_slice %arg8[%dma_wait3A_328, %dma_wait3A_329, %dma_wait3A_333] : memref<2x8x80xi32, #tpu.memory_space<vmem>> -> memref<1x1x80xi32, #tpu.memory_space<vmem>>
    %dma_wait3A_335 = tpu.memref_squeeze %dma_wait3A_334 : memref<1x1x80xi32, #tpu.memory_space<vmem>> -> memref<80xi32, #tpu.memory_space<vmem>>
    %dma_wait3A_336 = arith.constant 0 : i32
    %dma_wait3A_337 = arith.constant 0 : i32
    %dma_wait3A_338 = tpu.memref_slice %arg4[%dma_wait3A_336, %dma_wait3A_337] : memref<10112x128xf32, #tpu.memory_space<hbm>> -> memref<10112x128xf32, #tpu.memory_space<hbm>>
    tpu.wait_indirect_dma semaphore(%arg14 : memref<!tpu.dma_semaphore, #tpu.memory_space<semaphore_mem>>) src(%dma_wait3A_338 : memref<10112x128xf32, #tpu.memory_space<hbm>>) dst(%dma_wait3A_332 : memref<80x128xf32, #tpu.memory_space<vmem>>)
    %run_scoped3A_339 = arith.constant 122 : i32
    "tpu.region"() ({
      %run_scoped3A_452 = tpu.sem_alloc : memref<!tpu.dma_semaphore, #tpu.memory_space<semaphore_mem>>
      %dma_start3A_453 = arith.constant 0 : i32
      %dma_start3A_454 = arith.constant 0 : i32
      %dma_start3A_455 = tpu.memref_slice %arg10[%dma_start3A_453, %dma_start3A_454] : memref<160x128xf32, #tpu.memory_space<vmem>> -> memref<80x128xf32, #tpu.memory_space<vmem>>
      %dma_start3A_456 = arith.constant 0 : i32
      %dma_start3A_457 = tpu.memref_slice %arg9[%run_scoped3A_339, %dma_start3A_456] : memref<128x80xi32, #tpu.memory_space<vmem>> -> memref<1x80xi32, #tpu.memory_space<vmem>>
      %dma_start3A_458 = tpu.memref_squeeze %dma_start3A_457 : memref<1x80xi32, #tpu.memory_space<vmem>> -> memref<80xi32, #tpu.memory_space<vmem>>
      %dma_start3A_459 = arith.constant 0 : i32
      %dma_start3A_460 = arith.constant 0 : i32
      %dma_start3A_461 = tpu.memref_slice %arg11[%dma_start3A_459, %dma_start3A_460] : memref<10112x128xf32, #tpu.memory_space<vmem_shared>> -> memref<10112x128xf32, #tpu.memory_space<vmem_shared>>
      tpu.enqueue_indirect_dma source(%dma_start3A_455 : memref<80x128xf32, #tpu.memory_space<vmem>>) target(%dma_start3A_461 : memref<10112x128xf32, #tpu.memory_space<vmem_shared>>) offsets(%dma_start3A_458 : memref<80xi32, #tpu.memory_space<vmem>>) semaphore(%run_scoped3A_452 : memref<!tpu.dma_semaphore, #tpu.memory_space<semaphore_mem>>) {add = true}
      %dma_wait3A_462 = arith.constant 0 : i32
      %dma_wait3A_463 = arith.constant 0 : i32
      %dma_wait3A_464 = tpu.memref_slice %arg10[%dma_wait3A_462, %dma_wait3A_463] : memref<160x128xf32, #tpu.memory_space<vmem>> -> memref<80x128xf32, #tpu.memory_space<vmem>>
      %dma_wait3A_465 = arith.constant 0 : i32
      %dma_wait3A_466 = tpu.memref_slice %arg9[%run_scoped3A_339, %dma_wait3A_465] : memref<128x80xi32, #tpu.memory_space<vmem>> -> memref<1x80xi32, #tpu.memory_space<vmem>>
      %dma_wait3A_467 = tpu.memref_squeeze %dma_wait3A_466 : memref<1x80xi32, #tpu.memory_space<vmem>> -> memref<80xi32, #tpu.memory_space<vmem>>
      %dma_wait3A_468 = arith.constant 0 : i32
      %dma_wait3A_469 = arith.constant 0 : i32
      %dma_wait3A_470 = tpu.memref_slice %arg11[%dma_wait3A_468, %dma_wait3A_469] : memref<10112x128xf32, #tpu.memory_space<vmem_shared>> -> memref<10112x128xf32, #tpu.memory_space<vmem_shared>>
      tpu.wait_indirect_dma semaphore(%run_scoped3A_452 : memref<!tpu.dma_semaphore, #tpu.memory_space<semaphore_mem>>) src(%dma_wait3A_464 : memref<80x128xf32, #tpu.memory_space<vmem>>) dst(%dma_wait3A_470 : memref<10112x128xf32, #tpu.memory_space<vmem_shared>>)
      tpu.yield
    }) : () -> ()
    %dma_start3A_340 = arith.constant 1 : i32
    %dma_start3A_341 = arith.constant 4 : i32
    %dma_start3A_342 = arith.constant 0 : i32
    %dma_start3A_343 = arith.constant 0 : i32
    %dma_start3A_344 = tpu.memref_slice %arg10[%dma_start3A_342, %dma_start3A_343] : memref<160x128xf32, #tpu.memory_space<vmem>> -> memref<80x128xf32, #tpu.memory_space<vmem>>
    %dma_start3A_345 = arith.constant 0 : i32
    %dma_start3A_346 = tpu.memref_slice %arg8[%dma_start3A_340, %dma_start3A_341, %dma_start3A_345] : memref<2x8x80xi32, #tpu.memory_space<vmem>> -> memref<1x1x80xi32, #tpu.memory_space<vmem>>
    %dma_start3A_347 = tpu.memref_squeeze %dma_start3A_346 : memref<1x1x80xi32, #tpu.memory_space<vmem>> -> memref<80xi32, #tpu.memory_space<vmem>>
    %dma_start3A_348 = arith.constant 0 : i32
    %dma_start3A_349 = arith.constant 0 : i32
    %dma_start3A_350 = tpu.memref_slice %arg4[%dma_start3A_348, %dma_start3A_349] : memref<10112x128xf32, #tpu.memory_space<hbm>> -> memref<10112x128xf32, #tpu.memory_space<hbm>>
    tpu.enqueue_indirect_dma source(%dma_start3A_350 : memref<10112x128xf32, #tpu.memory_space<hbm>>) target(%dma_start3A_344 : memref<80x128xf32, #tpu.memory_space<vmem>>) offsets(%dma_start3A_347 : memref<80xi32, #tpu.memory_space<vmem>>) semaphore(%arg14 : memref<!tpu.dma_semaphore, #tpu.memory_space<semaphore_mem>>)
    %dma_wait3A_351 = arith.constant 1 : i32
    %dma_wait3A_352 = arith.constant 3 : i32
    %dma_wait3A_353 = arith.constant 80 : i32
    %dma_wait3A_354 = arith.constant 0 : i32
    %dma_wait3A_355 = tpu.memref_slice %arg10[%dma_wait3A_353, %dma_wait3A_354] : memref<160x128xf32, #tpu.memory_space<vmem>> -> memref<80x128xf32, #tpu.memory_space<vmem>>
    %dma_wait3A_356 = arith.constant 0 : i32
    %dma_wait3A_357 = tpu.memref_slice %arg8[%dma_wait3A_351, %dma_wait3A_352, %dma_wait3A_356] : memref<2x8x80xi32, #tpu.memory_space<vmem>> -> memref<1x1x80xi32, #tpu.memory_space<vmem>>
    %dma_wait3A_358 = tpu.memref_squeeze %dma_wait3A_357 : memref<1x1x80xi32, #tpu.memory_space<vmem>> -> memref<80xi32, #tpu.memory_space<vmem>>
    %dma_wait3A_359 = arith.constant 0 : i32
    %dma_wait3A_360 = arith.constant 0 : i32
    %dma_wait3A_361 = tpu.memref_slice %arg4[%dma_wait3A_359, %dma_wait3A_360] : memref<10112x128xf32, #tpu.memory_space<hbm>> -> memref<10112x128xf32, #tpu.memory_space<hbm>>
    tpu.wait_indirect_dma semaphore(%arg15 : memref<!tpu.dma_semaphore, #tpu.memory_space<semaphore_mem>>) src(%dma_wait3A_361 : memref<10112x128xf32, #tpu.memory_space<hbm>>) dst(%dma_wait3A_355 : memref<80x128xf32, #tpu.memory_space<vmem>>)
    %run_scoped3A_362 = arith.constant 123 : i32
    "tpu.region"() ({
      %run_scoped3A_452 = tpu.sem_alloc : memref<!tpu.dma_semaphore, #tpu.memory_space<semaphore_mem>>
      %dma_start3A_453 = arith.constant 80 : i32
      %dma_start3A_454 = arith.constant 0 : i32
      %dma_start3A_455 = tpu.memref_slice %arg10[%dma_start3A_453, %dma_start3A_454] : memref<160x128xf32, #tpu.memory_space<vmem>> -> memref<80x128xf32, #tpu.memory_space<vmem>>
      %dma_start3A_456 = arith.constant 0 : i32
      %dma_start3A_457 = tpu.memref_slice %arg9[%run_scoped3A_362, %dma_start3A_456] : memref<128x80xi32, #tpu.memory_space<vmem>> -> memref<1x80xi32, #tpu.memory_space<vmem>>
      %dma_start3A_458 = tpu.memref_squeeze %dma_start3A_457 : memref<1x80xi32, #tpu.memory_space<vmem>> -> memref<80xi32, #tpu.memory_space<vmem>>
      %dma_start3A_459 = arith.constant 0 : i32
      %dma_start3A_460 = arith.constant 0 : i32
      %dma_start3A_461 = tpu.memref_slice %arg11[%dma_start3A_459, %dma_start3A_460] : memref<10112x128xf32, #tpu.memory_space<vmem_shared>> -> memref<10112x128xf32, #tpu.memory_space<vmem_shared>>
      tpu.enqueue_indirect_dma source(%dma_start3A_455 : memref<80x128xf32, #tpu.memory_space<vmem>>) target(%dma_start3A_461 : memref<10112x128xf32, #tpu.memory_space<vmem_shared>>) offsets(%dma_start3A_458 : memref<80xi32, #tpu.memory_space<vmem>>) semaphore(%run_scoped3A_452 : memref<!tpu.dma_semaphore, #tpu.memory_space<semaphore_mem>>) {add = true}
      %dma_wait3A_462 = arith.constant 80 : i32
      %dma_wait3A_463 = arith.constant 0 : i32
      %dma_wait3A_464 = tpu.memref_slice %arg10[%dma_wait3A_462, %dma_wait3A_463] : memref<160x128xf32, #tpu.memory_space<vmem>> -> memref<80x128xf32, #tpu.memory_space<vmem>>
      %dma_wait3A_465 = arith.constant 0 : i32
      %dma_wait3A_466 = tpu.memref_slice %arg9[%run_scoped3A_362, %dma_wait3A_465] : memref<128x80xi32, #tpu.memory_space<vmem>> -> memref<1x80xi32, #tpu.memory_space<vmem>>
      %dma_wait3A_467 = tpu.memref_squeeze %dma_wait3A_466 : memref<1x80xi32, #tpu.memory_space<vmem>> -> memref<80xi32, #tpu.memory_space<vmem>>
      %dma_wait3A_468 = arith.constant 0 : i32
      %dma_wait3A_469 = arith.constant 0 : i32
      %dma_wait3A_470 = tpu.memref_slice %arg11[%dma_wait3A_468, %dma_wait3A_469] : memref<10112x128xf32, #tpu.memory_space<vmem_shared>> -> memref<10112x128xf32, #tpu.memory_space<vmem_shared>>
      tpu.wait_indirect_dma semaphore(%run_scoped3A_452 : memref<!tpu.dma_semaphore, #tpu.memory_space<semaphore_mem>>) src(%dma_wait3A_464 : memref<80x128xf32, #tpu.memory_space<vmem>>) dst(%dma_wait3A_470 : memref<10112x128xf32, #tpu.memory_space<vmem_shared>>)
      tpu.yield
    }) : () -> ()
    %dma_start3A_363 = arith.constant 1 : i32
    %dma_start3A_364 = arith.constant 5 : i32
    %dma_start3A_365 = arith.constant 80 : i32
    %dma_start3A_366 = arith.constant 0 : i32
    %dma_start3A_367 = tpu.memref_slice %arg10[%dma_start3A_365, %dma_start3A_366] : memref<160x128xf32, #tpu.memory_space<vmem>> -> memref<80x128xf32, #tpu.memory_space<vmem>>
    %dma_start3A_368 = arith.constant 0 : i32
    %dma_start3A_369 = tpu.memref_slice %arg8[%dma_start3A_363, %dma_start3A_364, %dma_start3A_368] : memref<2x8x80xi32, #tpu.memory_space<vmem>> -> memref<1x1x80xi32, #tpu.memory_space<vmem>>
    %dma_start3A_370 = tpu.memref_squeeze %dma_start3A_369 : memref<1x1x80xi32, #tpu.memory_space<vmem>> -> memref<80xi32, #tpu.memory_space<vmem>>
    %dma_start3A_371 = arith.constant 0 : i32
    %dma_start3A_372 = arith.constant 0 : i32
    %dma_start3A_373 = tpu.memref_slice %arg4[%dma_start3A_371, %dma_start3A_372] : memref<10112x128xf32, #tpu.memory_space<hbm>> -> memref<10112x128xf32, #tpu.memory_space<hbm>>
    tpu.enqueue_indirect_dma source(%dma_start3A_373 : memref<10112x128xf32, #tpu.memory_space<hbm>>) target(%dma_start3A_367 : memref<80x128xf32, #tpu.memory_space<vmem>>) offsets(%dma_start3A_370 : memref<80xi32, #tpu.memory_space<vmem>>) semaphore(%arg15 : memref<!tpu.dma_semaphore, #tpu.memory_space<semaphore_mem>>)
    %dma_wait3A_374 = arith.constant 1 : i32
    %dma_wait3A_375 = arith.constant 4 : i32
    %dma_wait3A_376 = arith.constant 0 : i32
    %dma_wait3A_377 = arith.constant 0 : i32
    %dma_wait3A_378 = tpu.memref_slice %arg10[%dma_wait3A_376, %dma_wait3A_377] : memref<160x128xf32, #tpu.memory_space<vmem>> -> memref<80x128xf32, #tpu.memory_space<vmem>>
    %dma_wait3A_379 = arith.constant 0 : i32
    %dma_wait3A_380 = tpu.memref_slice %arg8[%dma_wait3A_374, %dma_wait3A_375, %dma_wait3A_379] : memref<2x8x80xi32, #tpu.memory_space<vmem>> -> memref<1x1x80xi32, #tpu.memory_space<vmem>>
    %dma_wait3A_381 = tpu.memref_squeeze %dma_wait3A_380 : memref<1x1x80xi32, #tpu.memory_space<vmem>> -> memref<80xi32, #tpu.memory_space<vmem>>
    %dma_wait3A_382 = arith.constant 0 : i32
    %dma_wait3A_383 = arith.constant 0 : i32
    %dma_wait3A_384 = tpu.memref_slice %arg4[%dma_wait3A_382, %dma_wait3A_383] : memref<10112x128xf32, #tpu.memory_space<hbm>> -> memref<10112x128xf32, #tpu.memory_space<hbm>>
    tpu.wait_indirect_dma semaphore(%arg14 : memref<!tpu.dma_semaphore, #tpu.memory_space<semaphore_mem>>) src(%dma_wait3A_384 : memref<10112x128xf32, #tpu.memory_space<hbm>>) dst(%dma_wait3A_378 : memref<80x128xf32, #tpu.memory_space<vmem>>)
    %run_scoped3A_385 = arith.constant 124 : i32
    "tpu.region"() ({
      %run_scoped3A_452 = tpu.sem_alloc : memref<!tpu.dma_semaphore, #tpu.memory_space<semaphore_mem>>
      %dma_start3A_453 = arith.constant 0 : i32
      %dma_start3A_454 = arith.constant 0 : i32
      %dma_start3A_455 = tpu.memref_slice %arg10[%dma_start3A_453, %dma_start3A_454] : memref<160x128xf32, #tpu.memory_space<vmem>> -> memref<80x128xf32, #tpu.memory_space<vmem>>
      %dma_start3A_456 = arith.constant 0 : i32
      %dma_start3A_457 = tpu.memref_slice %arg9[%run_scoped3A_385, %dma_start3A_456] : memref<128x80xi32, #tpu.memory_space<vmem>> -> memref<1x80xi32, #tpu.memory_space<vmem>>
      %dma_start3A_458 = tpu.memref_squeeze %dma_start3A_457 : memref<1x80xi32, #tpu.memory_space<vmem>> -> memref<80xi32, #tpu.memory_space<vmem>>
      %dma_start3A_459 = arith.constant 0 : i32
      %dma_start3A_460 = arith.constant 0 : i32
      %dma_start3A_461 = tpu.memref_slice %arg11[%dma_start3A_459, %dma_start3A_460] : memref<10112x128xf32, #tpu.memory_space<vmem_shared>> -> memref<10112x128xf32, #tpu.memory_space<vmem_shared>>
      tpu.enqueue_indirect_dma source(%dma_start3A_455 : memref<80x128xf32, #tpu.memory_space<vmem>>) target(%dma_start3A_461 : memref<10112x128xf32, #tpu.memory_space<vmem_shared>>) offsets(%dma_start3A_458 : memref<80xi32, #tpu.memory_space<vmem>>) semaphore(%run_scoped3A_452 : memref<!tpu.dma_semaphore, #tpu.memory_space<semaphore_mem>>) {add = true}
      %dma_wait3A_462 = arith.constant 0 : i32
      %dma_wait3A_463 = arith.constant 0 : i32
      %dma_wait3A_464 = tpu.memref_slice %arg10[%dma_wait3A_462, %dma_wait3A_463] : memref<160x128xf32, #tpu.memory_space<vmem>> -> memref<80x128xf32, #tpu.memory_space<vmem>>
      %dma_wait3A_465 = arith.constant 0 : i32
      %dma_wait3A_466 = tpu.memref_slice %arg9[%run_scoped3A_385, %dma_wait3A_465] : memref<128x80xi32, #tpu.memory_space<vmem>> -> memref<1x80xi32, #tpu.memory_space<vmem>>
      %dma_wait3A_467 = tpu.memref_squeeze %dma_wait3A_466 : memref<1x80xi32, #tpu.memory_space<vmem>> -> memref<80xi32, #tpu.memory_space<vmem>>
      %dma_wait3A_468 = arith.constant 0 : i32
      %dma_wait3A_469 = arith.constant 0 : i32
      %dma_wait3A_470 = tpu.memref_slice %arg11[%dma_wait3A_468, %dma_wait3A_469] : memref<10112x128xf32, #tpu.memory_space<vmem_shared>> -> memref<10112x128xf32, #tpu.memory_space<vmem_shared>>
      tpu.wait_indirect_dma semaphore(%run_scoped3A_452 : memref<!tpu.dma_semaphore, #tpu.memory_space<semaphore_mem>>) src(%dma_wait3A_464 : memref<80x128xf32, #tpu.memory_space<vmem>>) dst(%dma_wait3A_470 : memref<10112x128xf32, #tpu.memory_space<vmem_shared>>)
      tpu.yield
    }) : () -> ()
    %dma_start3A_386 = arith.constant 1 : i32
    %dma_start3A_387 = arith.constant 6 : i32
    %dma_start3A_388 = arith.constant 0 : i32
    %dma_start3A_389 = arith.constant 0 : i32
    %dma_start3A_390 = tpu.memref_slice %arg10[%dma_start3A_388, %dma_start3A_389] : memref<160x128xf32, #tpu.memory_space<vmem>> -> memref<80x128xf32, #tpu.memory_space<vmem>>
    %dma_start3A_391 = arith.constant 0 : i32
    %dma_start3A_392 = tpu.memref_slice %arg8[%dma_start3A_386, %dma_start3A_387, %dma_start3A_391] : memref<2x8x80xi32, #tpu.memory_space<vmem>> -> memref<1x1x80xi32, #tpu.memory_space<vmem>>
    %dma_start3A_393 = tpu.memref_squeeze %dma_start3A_392 : memref<1x1x80xi32, #tpu.memory_space<vmem>> -> memref<80xi32, #tpu.memory_space<vmem>>
    %dma_start3A_394 = arith.constant 0 : i32
    %dma_start3A_395 = arith.constant 0 : i32
    %dma_start3A_396 = tpu.memref_slice %arg4[%dma_start3A_394, %dma_start3A_395] : memref<10112x128xf32, #tpu.memory_space<hbm>> -> memref<10112x128xf32, #tpu.memory_space<hbm>>
    tpu.enqueue_indirect_dma source(%dma_start3A_396 : memref<10112x128xf32, #tpu.memory_space<hbm>>) target(%dma_start3A_390 : memref<80x128xf32, #tpu.memory_space<vmem>>) offsets(%dma_start3A_393 : memref<80xi32, #tpu.memory_space<vmem>>) semaphore(%arg14 : memref<!tpu.dma_semaphore, #tpu.memory_space<semaphore_mem>>)
    %dma_wait3A_397 = arith.constant 1 : i32
    %dma_wait3A_398 = arith.constant 5 : i32
    %dma_wait3A_399 = arith.constant 80 : i32
    %dma_wait3A_400 = arith.constant 0 : i32
    %dma_wait3A_401 = tpu.memref_slice %arg10[%dma_wait3A_399, %dma_wait3A_400] : memref<160x128xf32, #tpu.memory_space<vmem>> -> memref<80x128xf32, #tpu.memory_space<vmem>>
    %dma_wait3A_402 = arith.constant 0 : i32
    %dma_wait3A_403 = tpu.memref_slice %arg8[%dma_wait3A_397, %dma_wait3A_398, %dma_wait3A_402] : memref<2x8x80xi32, #tpu.memory_space<vmem>> -> memref<1x1x80xi32, #tpu.memory_space<vmem>>
    %dma_wait3A_404 = tpu.memref_squeeze %dma_wait3A_403 : memref<1x1x80xi32, #tpu.memory_space<vmem>> -> memref<80xi32, #tpu.memory_space<vmem>>
    %dma_wait3A_405 = arith.constant 0 : i32
    %dma_wait3A_406 = arith.constant 0 : i32
    %dma_wait3A_407 = tpu.memref_slice %arg4[%dma_wait3A_405, %dma_wait3A_406] : memref<10112x128xf32, #tpu.memory_space<hbm>> -> memref<10112x128xf32, #tpu.memory_space<hbm>>
    tpu.wait_indirect_dma semaphore(%arg15 : memref<!tpu.dma_semaphore, #tpu.memory_space<semaphore_mem>>) src(%dma_wait3A_407 : memref<10112x128xf32, #tpu.memory_space<hbm>>) dst(%dma_wait3A_401 : memref<80x128xf32, #tpu.memory_space<vmem>>)
    %run_scoped3A_408 = arith.constant 125 : i32
    "tpu.region"() ({
      %run_scoped3A_452 = tpu.sem_alloc : memref<!tpu.dma_semaphore, #tpu.memory_space<semaphore_mem>>
      %dma_start3A_453 = arith.constant 80 : i32
      %dma_start3A_454 = arith.constant 0 : i32
      %dma_start3A_455 = tpu.memref_slice %arg10[%dma_start3A_453, %dma_start3A_454] : memref<160x128xf32, #tpu.memory_space<vmem>> -> memref<80x128xf32, #tpu.memory_space<vmem>>
      %dma_start3A_456 = arith.constant 0 : i32
      %dma_start3A_457 = tpu.memref_slice %arg9[%run_scoped3A_408, %dma_start3A_456] : memref<128x80xi32, #tpu.memory_space<vmem>> -> memref<1x80xi32, #tpu.memory_space<vmem>>
      %dma_start3A_458 = tpu.memref_squeeze %dma_start3A_457 : memref<1x80xi32, #tpu.memory_space<vmem>> -> memref<80xi32, #tpu.memory_space<vmem>>
      %dma_start3A_459 = arith.constant 0 : i32
      %dma_start3A_460 = arith.constant 0 : i32
      %dma_start3A_461 = tpu.memref_slice %arg11[%dma_start3A_459, %dma_start3A_460] : memref<10112x128xf32, #tpu.memory_space<vmem_shared>> -> memref<10112x128xf32, #tpu.memory_space<vmem_shared>>
      tpu.enqueue_indirect_dma source(%dma_start3A_455 : memref<80x128xf32, #tpu.memory_space<vmem>>) target(%dma_start3A_461 : memref<10112x128xf32, #tpu.memory_space<vmem_shared>>) offsets(%dma_start3A_458 : memref<80xi32, #tpu.memory_space<vmem>>) semaphore(%run_scoped3A_452 : memref<!tpu.dma_semaphore, #tpu.memory_space<semaphore_mem>>) {add = true}
      %dma_wait3A_462 = arith.constant 80 : i32
      %dma_wait3A_463 = arith.constant 0 : i32
      %dma_wait3A_464 = tpu.memref_slice %arg10[%dma_wait3A_462, %dma_wait3A_463] : memref<160x128xf32, #tpu.memory_space<vmem>> -> memref<80x128xf32, #tpu.memory_space<vmem>>
      %dma_wait3A_465 = arith.constant 0 : i32
      %dma_wait3A_466 = tpu.memref_slice %arg9[%run_scoped3A_408, %dma_wait3A_465] : memref<128x80xi32, #tpu.memory_space<vmem>> -> memref<1x80xi32, #tpu.memory_space<vmem>>
      %dma_wait3A_467 = tpu.memref_squeeze %dma_wait3A_466 : memref<1x80xi32, #tpu.memory_space<vmem>> -> memref<80xi32, #tpu.memory_space<vmem>>
      %dma_wait3A_468 = arith.constant 0 : i32
      %dma_wait3A_469 = arith.constant 0 : i32
      %dma_wait3A_470 = tpu.memref_slice %arg11[%dma_wait3A_468, %dma_wait3A_469] : memref<10112x128xf32, #tpu.memory_space<vmem_shared>> -> memref<10112x128xf32, #tpu.memory_space<vmem_shared>>
      tpu.wait_indirect_dma semaphore(%run_scoped3A_452 : memref<!tpu.dma_semaphore, #tpu.memory_space<semaphore_mem>>) src(%dma_wait3A_464 : memref<80x128xf32, #tpu.memory_space<vmem>>) dst(%dma_wait3A_470 : memref<10112x128xf32, #tpu.memory_space<vmem_shared>>)
      tpu.yield
    }) : () -> ()
    %dma_start3A_409 = arith.constant 1 : i32
    %dma_start3A_410 = arith.constant 7 : i32
    %dma_start3A_411 = arith.constant 80 : i32
    %dma_start3A_412 = arith.constant 0 : i32
    %dma_start3A_413 = tpu.memref_slice %arg10[%dma_start3A_411, %dma_start3A_412] : memref<160x128xf32, #tpu.memory_space<vmem>> -> memref<80x128xf32, #tpu.memory_space<vmem>>
    %dma_start3A_414 = arith.constant 0 : i32
    %dma_start3A_415 = tpu.memref_slice %arg8[%dma_start3A_409, %dma_start3A_410, %dma_start3A_414] : memref<2x8x80xi32, #tpu.memory_space<vmem>> -> memref<1x1x80xi32, #tpu.memory_space<vmem>>
    %dma_start3A_416 = tpu.memref_squeeze %dma_start3A_415 : memref<1x1x80xi32, #tpu.memory_space<vmem>> -> memref<80xi32, #tpu.memory_space<vmem>>
    %dma_start3A_417 = arith.constant 0 : i32
    %dma_start3A_418 = arith.constant 0 : i32
    %dma_start3A_419 = tpu.memref_slice %arg4[%dma_start3A_417, %dma_start3A_418] : memref<10112x128xf32, #tpu.memory_space<hbm>> -> memref<10112x128xf32, #tpu.memory_space<hbm>>
    tpu.enqueue_indirect_dma source(%dma_start3A_419 : memref<10112x128xf32, #tpu.memory_space<hbm>>) target(%dma_start3A_413 : memref<80x128xf32, #tpu.memory_space<vmem>>) offsets(%dma_start3A_416 : memref<80xi32, #tpu.memory_space<vmem>>) semaphore(%arg15 : memref<!tpu.dma_semaphore, #tpu.memory_space<semaphore_mem>>)
    %dma_wait3A_420 = arith.constant 1 : i32
    %dma_wait3A_421 = arith.constant 6 : i32
    %dma_wait3A_422 = arith.constant 0 : i32
    %dma_wait3A_423 = arith.constant 0 : i32
    %dma_wait3A_424 = tpu.memref_slice %arg10[%dma_wait3A_422, %dma_wait3A_423] : memref<160x128xf32, #tpu.memory_space<vmem>> -> memref<80x128xf32, #tpu.memory_space<vmem>>
    %dma_wait3A_425 = arith.constant 0 : i32
    %dma_wait3A_426 = tpu.memref_slice %arg8[%dma_wait3A_420, %dma_wait3A_421, %dma_wait3A_425] : memref<2x8x80xi32, #tpu.memory_space<vmem>> -> memref<1x1x80xi32, #tpu.memory_space<vmem>>
    %dma_wait3A_427 = tpu.memref_squeeze %dma_wait3A_426 : memref<1x1x80xi32, #tpu.memory_space<vmem>> -> memref<80xi32, #tpu.memory_space<vmem>>
    %dma_wait3A_428 = arith.constant 0 : i32
    %dma_wait3A_429 = arith.constant 0 : i32
    %dma_wait3A_430 = tpu.memref_slice %arg4[%dma_wait3A_428, %dma_wait3A_429] : memref<10112x128xf32, #tpu.memory_space<hbm>> -> memref<10112x128xf32, #tpu.memory_space<hbm>>
    tpu.wait_indirect_dma semaphore(%arg14 : memref<!tpu.dma_semaphore, #tpu.memory_space<semaphore_mem>>) src(%dma_wait3A_430 : memref<10112x128xf32, #tpu.memory_space<hbm>>) dst(%dma_wait3A_424 : memref<80x128xf32, #tpu.memory_space<vmem>>)
    %run_scoped3A_431 = arith.constant 126 : i32
    "tpu.region"() ({
      %run_scoped3A_452 = tpu.sem_alloc : memref<!tpu.dma_semaphore, #tpu.memory_space<semaphore_mem>>
      %dma_start3A_453 = arith.constant 0 : i32
      %dma_start3A_454 = arith.constant 0 : i32
      %dma_start3A_455 = tpu.memref_slice %arg10[%dma_start3A_453, %dma_start3A_454] : memref<160x128xf32, #tpu.memory_space<vmem>> -> memref<80x128xf32, #tpu.memory_space<vmem>>
      %dma_start3A_456 = arith.constant 0 : i32
      %dma_start3A_457 = tpu.memref_slice %arg9[%run_scoped3A_431, %dma_start3A_456] : memref<128x80xi32, #tpu.memory_space<vmem>> -> memref<1x80xi32, #tpu.memory_space<vmem>>
      %dma_start3A_458 = tpu.memref_squeeze %dma_start3A_457 : memref<1x80xi32, #tpu.memory_space<vmem>> -> memref<80xi32, #tpu.memory_space<vmem>>
      %dma_start3A_459 = arith.constant 0 : i32
      %dma_start3A_460 = arith.constant 0 : i32
      %dma_start3A_461 = tpu.memref_slice %arg11[%dma_start3A_459, %dma_start3A_460] : memref<10112x128xf32, #tpu.memory_space<vmem_shared>> -> memref<10112x128xf32, #tpu.memory_space<vmem_shared>>
      tpu.enqueue_indirect_dma source(%dma_start3A_455 : memref<80x128xf32, #tpu.memory_space<vmem>>) target(%dma_start3A_461 : memref<10112x128xf32, #tpu.memory_space<vmem_shared>>) offsets(%dma_start3A_458 : memref<80xi32, #tpu.memory_space<vmem>>) semaphore(%run_scoped3A_452 : memref<!tpu.dma_semaphore, #tpu.memory_space<semaphore_mem>>) {add = true}
      %dma_wait3A_462 = arith.constant 0 : i32
      %dma_wait3A_463 = arith.constant 0 : i32
      %dma_wait3A_464 = tpu.memref_slice %arg10[%dma_wait3A_462, %dma_wait3A_463] : memref<160x128xf32, #tpu.memory_space<vmem>> -> memref<80x128xf32, #tpu.memory_space<vmem>>
      %dma_wait3A_465 = arith.constant 0 : i32
      %dma_wait3A_466 = tpu.memref_slice %arg9[%run_scoped3A_431, %dma_wait3A_465] : memref<128x80xi32, #tpu.memory_space<vmem>> -> memref<1x80xi32, #tpu.memory_space<vmem>>
      %dma_wait3A_467 = tpu.memref_squeeze %dma_wait3A_466 : memref<1x80xi32, #tpu.memory_space<vmem>> -> memref<80xi32, #tpu.memory_space<vmem>>
      %dma_wait3A_468 = arith.constant 0 : i32
      %dma_wait3A_469 = arith.constant 0 : i32
      %dma_wait3A_470 = tpu.memref_slice %arg11[%dma_wait3A_468, %dma_wait3A_469] : memref<10112x128xf32, #tpu.memory_space<vmem_shared>> -> memref<10112x128xf32, #tpu.memory_space<vmem_shared>>
      tpu.wait_indirect_dma semaphore(%run_scoped3A_452 : memref<!tpu.dma_semaphore, #tpu.memory_space<semaphore_mem>>) src(%dma_wait3A_464 : memref<80x128xf32, #tpu.memory_space<vmem>>) dst(%dma_wait3A_470 : memref<10112x128xf32, #tpu.memory_space<vmem_shared>>)
      tpu.yield
    }) : () -> ()
    %dma_wait3A_432 = arith.constant 1 : i32
    %dma_wait3A_433 = arith.constant 7 : i32
    %dma_wait3A_434 = arith.constant 80 : i32
    %dma_wait3A_435 = arith.constant 0 : i32
    %dma_wait3A_436 = tpu.memref_slice %arg10[%dma_wait3A_434, %dma_wait3A_435] : memref<160x128xf32, #tpu.memory_space<vmem>> -> memref<80x128xf32, #tpu.memory_space<vmem>>
    %dma_wait3A_437 = arith.constant 0 : i32
    %dma_wait3A_438 = tpu.memref_slice %arg8[%dma_wait3A_432, %dma_wait3A_433, %dma_wait3A_437] : memref<2x8x80xi32, #tpu.memory_space<vmem>> -> memref<1x1x80xi32, #tpu.memory_space<vmem>>
    %dma_wait3A_439 = tpu.memref_squeeze %dma_wait3A_438 : memref<1x1x80xi32, #tpu.memory_space<vmem>> -> memref<80xi32, #tpu.memory_space<vmem>>
    %dma_wait3A_440 = arith.constant 0 : i32
    %dma_wait3A_441 = arith.constant 0 : i32
    %dma_wait3A_442 = tpu.memref_slice %arg4[%dma_wait3A_440, %dma_wait3A_441] : memref<10112x128xf32, #tpu.memory_space<hbm>> -> memref<10112x128xf32, #tpu.memory_space<hbm>>
    tpu.wait_indirect_dma semaphore(%arg15 : memref<!tpu.dma_semaphore, #tpu.memory_space<semaphore_mem>>) src(%dma_wait3A_442 : memref<10112x128xf32, #tpu.memory_space<hbm>>) dst(%dma_wait3A_436 : memref<80x128xf32, #tpu.memory_space<vmem>>)
    %run_scoped3A_443 = arith.constant 127 : i32
    "tpu.region"() ({
      %run_scoped3A_452 = tpu.sem_alloc : memref<!tpu.dma_semaphore, #tpu.memory_space<semaphore_mem>>
      %dma_start3A_453 = arith.constant 80 : i32
      %dma_start3A_454 = arith.constant 0 : i32
      %dma_start3A_455 = tpu.memref_slice %arg10[%dma_start3A_453, %dma_start3A_454] : memref<160x128xf32, #tpu.memory_space<vmem>> -> memref<80x128xf32, #tpu.memory_space<vmem>>
      %dma_start3A_456 = arith.constant 0 : i32
      %dma_start3A_457 = tpu.memref_slice %arg9[%run_scoped3A_443, %dma_start3A_456] : memref<128x80xi32, #tpu.memory_space<vmem>> -> memref<1x80xi32, #tpu.memory_space<vmem>>
      %dma_start3A_458 = tpu.memref_squeeze %dma_start3A_457 : memref<1x80xi32, #tpu.memory_space<vmem>> -> memref<80xi32, #tpu.memory_space<vmem>>
      %dma_start3A_459 = arith.constant 0 : i32
      %dma_start3A_460 = arith.constant 0 : i32
      %dma_start3A_461 = tpu.memref_slice %arg11[%dma_start3A_459, %dma_start3A_460] : memref<10112x128xf32, #tpu.memory_space<vmem_shared>> -> memref<10112x128xf32, #tpu.memory_space<vmem_shared>>
      tpu.enqueue_indirect_dma source(%dma_start3A_455 : memref<80x128xf32, #tpu.memory_space<vmem>>) target(%dma_start3A_461 : memref<10112x128xf32, #tpu.memory_space<vmem_shared>>) offsets(%dma_start3A_458 : memref<80xi32, #tpu.memory_space<vmem>>) semaphore(%run_scoped3A_452 : memref<!tpu.dma_semaphore, #tpu.memory_space<semaphore_mem>>) {add = true}
      %dma_wait3A_462 = arith.constant 80 : i32
      %dma_wait3A_463 = arith.constant 0 : i32
      %dma_wait3A_464 = tpu.memref_slice %arg10[%dma_wait3A_462, %dma_wait3A_463] : memref<160x128xf32, #tpu.memory_space<vmem>> -> memref<80x128xf32, #tpu.memory_space<vmem>>
      %dma_wait3A_465 = arith.constant 0 : i32
      %dma_wait3A_466 = tpu.memref_slice %arg9[%run_scoped3A_443, %dma_wait3A_465] : memref<128x80xi32, #tpu.memory_space<vmem>> -> memref<1x80xi32, #tpu.memory_space<vmem>>
      %dma_wait3A_467 = tpu.memref_squeeze %dma_wait3A_466 : memref<1x80xi32, #tpu.memory_space<vmem>> -> memref<80xi32, #tpu.memory_space<vmem>>
      %dma_wait3A_468 = arith.constant 0 : i32
      %dma_wait3A_469 = arith.constant 0 : i32
      %dma_wait3A_470 = tpu.memref_slice %arg11[%dma_wait3A_468, %dma_wait3A_469] : memref<10112x128xf32, #tpu.memory_space<vmem_shared>> -> memref<10112x128xf32, #tpu.memory_space<vmem_shared>>
      tpu.wait_indirect_dma semaphore(%run_scoped3A_452 : memref<!tpu.dma_semaphore, #tpu.memory_space<semaphore_mem>>) src(%dma_wait3A_464 : memref<80x128xf32, #tpu.memory_space<vmem>>) dst(%dma_wait3A_470 : memref<10112x128xf32, #tpu.memory_space<vmem_shared>>)
      tpu.yield
    }) : () -> ()
    %barrier3A_444 = arith.constant 0 : index
    tpu.barrier barrier_id(%barrier3A_444)
    %eq3A = arith.constant 0 : i32
    %eq3A_445 = arith.cmpi eq, %arg0, %eq3A : i32
    %convert_element_type3A = arith.extui %eq3A_445 : i1 to i32
    %cond3A = arith.constant 0 : i32
    %cond3A_446 = arith.cmpi ne, %convert_element_type3A, %cond3A : i32
    scf.if %cond3A_446 {
      %mul3A_452 = arith.constant 632 : i32
      %mul3A_453 = arith.muli %arg1, %mul3A_452 : i32
      %mul3A_454 = arith.constant 632 : i32
      %mul3A_455 = arith.muli %arg1, %mul3A_454 : i32
      "tpu.region"() ({
        %run_scoped3A_456 = tpu.sem_alloc : memref<!tpu.dma_semaphore, #tpu.memory_space<semaphore_mem>>
        %dma_start3A_457 = arith.constant 0 : i32
        %dma_start3A_458 = tpu.memref_slice %arg6[%mul3A_455, %dma_start3A_457] : memref<10112x128xf32, #tpu.memory_space<hbm>> -> memref<632x128xf32, #tpu.memory_space<hbm>>
        %dma_start3A_459 = arith.constant 0 : i32
        %dma_start3A_460 = tpu.memref_slice %arg11[%mul3A_453, %dma_start3A_459] : memref<10112x128xf32, #tpu.memory_space<vmem_shared>> -> memref<632x128xf32, #tpu.memory_space<vmem_shared>>
        tpu.enqueue_dma source(%dma_start3A_460 : memref<632x128xf32, #tpu.memory_space<vmem_shared>>) target(%dma_start3A_458 : memref<632x128xf32, #tpu.memory_space<hbm>>) target_semaphore(%run_scoped3A_456 : memref<!tpu.dma_semaphore, #tpu.memory_space<semaphore_mem>>)
        %dma_wait3A_461 = arith.constant 0 : i32
        %dma_wait3A_462 = tpu.memref_slice %arg6[%mul3A_455, %dma_wait3A_461] : memref<10112x128xf32, #tpu.memory_space<hbm>> -> memref<632x128xf32, #tpu.memory_space<hbm>>
        %dma_wait3A_463 = arith.constant 0 : i32
        %dma_wait3A_464 = tpu.memref_slice %arg11[%mul3A_453, %dma_wait3A_463] : memref<10112x128xf32, #tpu.memory_space<vmem_shared>> -> memref<632x128xf32, #tpu.memory_space<vmem_shared>>
        tpu.wait_dma2 semaphore(%run_scoped3A_456 : memref<!tpu.dma_semaphore, #tpu.memory_space<semaphore_mem>>) src(%dma_wait3A_464 : memref<632x128xf32, #tpu.memory_space<vmem_shared>>) dst(%dma_wait3A_462 : memref<632x128xf32, #tpu.memory_space<hbm>>)
        tpu.yield
      }) : () -> ()
    } else {
    }
    %eq3A_447 = arith.constant 1 : i32
    %eq3A_448 = arith.cmpi eq, %arg0, %eq3A_447 : i32
    %convert_element_type3A_449 = arith.extui %eq3A_448 : i1 to i32
    %cond3A_450 = arith.constant 0 : i32
    %cond3A_451 = arith.cmpi ne, %convert_element_type3A_449, %cond3A_450 : i32
    scf.if %cond3A_451 {
      %mul3A_452 = arith.constant 632 : i32
      %mul3A_453 = arith.muli %arg1, %mul3A_452 : i32
      %mul3A_454 = arith.constant 632 : i32
      %mul3A_455 = arith.muli %arg1, %mul3A_454 : i32
      "tpu.region"() ({
        %run_scoped3A_456 = tpu.sem_alloc : memref<!tpu.dma_semaphore, #tpu.memory_space<semaphore_mem>>
        %dma_start3A_457 = arith.constant 0 : i32
        %dma_start3A_458 = tpu.memref_slice %arg7[%mul3A_455, %dma_start3A_457] : memref<10112x128xf32, #tpu.memory_space<hbm>> -> memref<632x128xf32, #tpu.memory_space<hbm>>
        %dma_start3A_459 = arith.constant 0 : i32
        %dma_start3A_460 = tpu.memref_slice %arg11[%mul3A_453, %dma_start3A_459] : memref<10112x128xf32, #tpu.memory_space<vmem_shared>> -> memref<632x128xf32, #tpu.memory_space<vmem_shared>>
        tpu.enqueue_dma source(%dma_start3A_460 : memref<632x128xf32, #tpu.memory_space<vmem_shared>>) target(%dma_start3A_458 : memref<632x128xf32, #tpu.memory_space<hbm>>) target_semaphore(%run_scoped3A_456 : memref<!tpu.dma_semaphore, #tpu.memory_space<semaphore_mem>>)
        %dma_wait3A_461 = arith.constant 0 : i32
        %dma_wait3A_462 = tpu.memref_slice %arg7[%mul3A_455, %dma_wait3A_461] : memref<10112x128xf32, #tpu.memory_space<hbm>> -> memref<632x128xf32, #tpu.memory_space<hbm>>
        %dma_wait3A_463 = arith.constant 0 : i32
        %dma_wait3A_464 = tpu.memref_slice %arg11[%mul3A_453, %dma_wait3A_463] : memref<10112x128xf32, #tpu.memory_space<vmem_shared>> -> memref<632x128xf32, #tpu.memory_space<vmem_shared>>
        tpu.wait_dma2 semaphore(%run_scoped3A_456 : memref<!tpu.dma_semaphore, #tpu.memory_space<semaphore_mem>>) src(%dma_wait3A_464 : memref<632x128xf32, #tpu.memory_space<vmem_shared>>) dst(%dma_wait3A_462 : memref<632x128xf32, #tpu.memory_space<hbm>>)
        tpu.yield
      }) : () -> ()
    } else {
    }
    return
  }
}

#map = affine_map<(d0, d1) -> (0, 0, 0, 0)>
#map1 = affine_map<(d0, d1) -> (0, 0, 0)>
#map2 = affine_map<(d0, d1) -> (0, 0)>
module attributes {stable_mosaic.version = 14 : i64} {
  func.func @_edge_kernel(%arg0: i32, %arg1: i32, %arg2: memref<32x16x8x80xi32, #tpu.memory_space<hbm>>, %arg3: memref<32x128x80xi32, #tpu.memory_space<hbm>>, %arg4: memref<10112x128xf32, #tpu.memory_space<hbm>>, %arg5: memref<632x128xf32, #tpu.memory_space<hbm>>, %arg6: memref<10112x128xf32, #tpu.memory_space<hbm>>, %arg7: memref<10112x128xf32, #tpu.memory_space<hbm>>, %arg8: memref<2x8x80xi32, #tpu.memory_space<vmem>>, %arg9: memref<128x80xi32, #tpu.memory_space<vmem>>, %arg10: memref<160x128xf32, #tpu.memory_space<vmem>>, %arg11: memref<10112x128xf32, #tpu.memory_space<vmem_shared>>, %arg12: memref<!tpu.dma_semaphore, #tpu.memory_space<semaphore_mem>>, %arg13: memref<!tpu.dma_semaphore, #tpu.memory_space<semaphore_mem>>, %arg14: memref<!tpu.dma_semaphore, #tpu.memory_space<semaphore_mem>>, %arg15: memref<!tpu.dma_semaphore, #tpu.memory_space<semaphore_mem>>) attributes {dimension_semantics = [#tpu.dimension_semantics<core_parallel>, #tpu.dimension_semantics<subcore_parallel>], iteration_bounds = array<i64: 2, 16>, scalar_prefetch = 0 : i64, scratch_operands = 8 : i64, tpu.core_type = #tpu.core_type<sc_vector_subcore>, window_params = [{transform_indices = #map}, {transform_indices = #map1}, {transform_indices = #map2}, {transform_indices = #map2}, {transform_indices = #map2}, {transform_indices = #map2}]} {
    %mul3A = arith.constant 2 : i32
    %mul3A_0 = arith.muli %arg1, %mul3A : i32
    %add3A = arith.addi %mul3A_0, %arg0 : i32
    "tpu.region"() ({
      %run_scoped3A_452 = tpu.sem_alloc : memref<!tpu.dma_semaphore, #tpu.memory_space<semaphore_mem>>
      %dma_start3A_453 = arith.constant 0 : i32
      %dma_start3A_454 = arith.constant 0 : i32
      %dma_start3A_455 = tpu.memref_slice %arg3[%add3A, %dma_start3A_453, %dma_start3A_454] : memref<32x128x80xi32, #tpu.memory_space<hbm>> -> memref<1x128x80xi32, #tpu.memory_space<hbm>>
      %dma_start3A_456 = tpu.memref_squeeze %dma_start3A_455 : memref<1x128x80xi32, #tpu.memory_space<hbm>> -> memref<128x80xi32, #tpu.memory_space<hbm>>
      %dma_start3A_457 = arith.constant 0 : i32
      %dma_start3A_458 = arith.constant 0 : i32
      %dma_start3A_459 = tpu.memref_slice %arg3[%add3A, %dma_start3A_457, %dma_start3A_458] : memref<32x128x80xi32, #tpu.memory_space<hbm>> -> memref<1x128x80xi32, #tpu.memory_space<hbm>>
      %dma_start3A_460 = tpu.memref_squeeze %dma_start3A_459 : memref<1x128x80xi32, #tpu.memory_space<hbm>> -> memref<128x80xi32, #tpu.memory_space<hbm>>
      tpu.enqueue_dma source(%dma_start3A_460 : memref<128x80xi32, #tpu.memory_space<hbm>>) target(%arg9 : memref<128x80xi32, #tpu.memory_space<vmem>>) target_semaphore(%run_scoped3A_452 : memref<!tpu.dma_semaphore, #tpu.memory_space<semaphore_mem>>)
      %dma_wait3A_461 = arith.constant 0 : i32
      %dma_wait3A_462 = arith.constant 0 : i32
      %dma_wait3A_463 = tpu.memref_slice %arg3[%add3A, %dma_wait3A_461, %dma_wait3A_462] : memref<32x128x80xi32, #tpu.memory_space<hbm>> -> memref<1x128x80xi32, #tpu.memory_space<hbm>>
      %dma_wait3A_464 = tpu.memref_squeeze %dma_wait3A_463 : memref<1x128x80xi32, #tpu.memory_space<hbm>> -> memref<128x80xi32, #tpu.memory_space<hbm>>
      %dma_wait3A_465 = arith.constant 0 : i32
      %dma_wait3A_466 = arith.constant 0 : i32
      %dma_wait3A_467 = tpu.memref_slice %arg3[%add3A, %dma_wait3A_465, %dma_wait3A_466] : memref<32x128x80xi32, #tpu.memory_space<hbm>> -> memref<1x128x80xi32, #tpu.memory_space<hbm>>
      %dma_wait3A_468 = tpu.memref_squeeze %dma_wait3A_467 : memref<1x128x80xi32, #tpu.memory_space<hbm>> -> memref<128x80xi32, #tpu.memory_space<hbm>>
      tpu.wait_dma2 semaphore(%run_scoped3A_452 : memref<!tpu.dma_semaphore, #tpu.memory_space<semaphore_mem>>) src(%dma_wait3A_468 : memref<128x80xi32, #tpu.memory_space<hbm>>) dst(%arg9 : memref<128x80xi32, #tpu.memory_space<vmem>>)
      tpu.yield
    }) : () -> ()
    %mul3A_1 = arith.constant 632 : i32
    %mul3A_2 = arith.muli %arg1, %mul3A_1 : i32
    "tpu.region"() ({
      %run_scoped3A_452 = tpu.sem_alloc : memref<!tpu.dma_semaphore, #tpu.memory_space<semaphore_mem>>
      %dma_start3A_453 = arith.constant 0 : i32
      %dma_start3A_454 = tpu.memref_slice %arg11[%mul3A_2, %dma_start3A_453] : memref<10112x128xf32, #tpu.memory_space<vmem_shared>> -> memref<632x128xf32, #tpu.memory_space<vmem_shared>>
      tpu.enqueue_dma source(%arg5 : memref<632x128xf32, #tpu.memory_space<hbm>>) target(%dma_start3A_454 : memref<632x128xf32, #tpu.memory_space<vmem_shared>>) target_semaphore(%run_scoped3A_452 : memref<!tpu.dma_semaphore, #tpu.memory_space<semaphore_mem>>)
      %dma_wait3A_455 = arith.constant 0 : i32
      %dma_wait3A_456 = tpu.memref_slice %arg11[%mul3A_2, %dma_wait3A_455] : memref<10112x128xf32, #tpu.memory_space<vmem_shared>> -> memref<632x128xf32, #tpu.memory_space<vmem_shared>>
      tpu.wait_dma2 semaphore(%run_scoped3A_452 : memref<!tpu.dma_semaphore, #tpu.memory_space<semaphore_mem>>) src(%arg5 : memref<632x128xf32, #tpu.memory_space<hbm>>) dst(%dma_wait3A_456 : memref<632x128xf32, #tpu.memory_space<vmem_shared>>)
      tpu.yield
    }) : () -> ()
    %barrier3A = arith.constant 0 : index
    tpu.barrier barrier_id(%barrier3A)
    %dma_start3A = arith.constant 0 : i32
    %dma_start3A_3 = arith.constant 0 : i32
    %dma_start3A_4 = arith.constant 0 : i32
    %dma_start3A_5 = arith.constant 0 : i32
    %dma_start3A_6 = tpu.memref_slice %arg8[%dma_start3A_3, %dma_start3A_4, %dma_start3A_5] : memref<2x8x80xi32, #tpu.memory_space<vmem>> -> memref<1x8x80xi32, #tpu.memory_space<vmem>>
    %dma_start3A_7 = tpu.memref_squeeze %dma_start3A_6 : memref<1x8x80xi32, #tpu.memory_space<vmem>> -> memref<8x80xi32, #tpu.memory_space<vmem>>
    %dma_start3A_8 = arith.constant 0 : i32
    %dma_start3A_9 = arith.constant 0 : i32
    %dma_start3A_10 = tpu.memref_slice %arg2[%add3A, %dma_start3A, %dma_start3A_8, %dma_start3A_9] : memref<32x16x8x80xi32, #tpu.memory_space<hbm>> -> memref<1x1x8x80xi32, #tpu.memory_space<hbm>>
    %dma_start3A_11 = tpu.memref_squeeze %dma_start3A_10 : memref<1x1x8x80xi32, #tpu.memory_space<hbm>> -> memref<8x80xi32, #tpu.memory_space<hbm>>
    %dma_start3A_12 = arith.constant 0 : i32
    %dma_start3A_13 = arith.constant 0 : i32
    %dma_start3A_14 = tpu.memref_slice %arg8[%dma_start3A_3, %dma_start3A_12, %dma_start3A_13] : memref<2x8x80xi32, #tpu.memory_space<vmem>> -> memref<1x8x80xi32, #tpu.memory_space<vmem>>
    %dma_start3A_15 = tpu.memref_squeeze %dma_start3A_14 : memref<1x8x80xi32, #tpu.memory_space<vmem>> -> memref<8x80xi32, #tpu.memory_space<vmem>>
    %dma_start3A_16 = arith.constant 0 : i32
    %dma_start3A_17 = arith.constant 0 : i32
    %dma_start3A_18 = tpu.memref_slice %arg2[%add3A, %dma_start3A, %dma_start3A_16, %dma_start3A_17] : memref<32x16x8x80xi32, #tpu.memory_space<hbm>> -> memref<1x1x8x80xi32, #tpu.memory_space<hbm>>
    %dma_start3A_19 = tpu.memref_squeeze %dma_start3A_18 : memref<1x1x8x80xi32, #tpu.memory_space<hbm>> -> memref<8x80xi32, #tpu.memory_space<hbm>>
    tpu.enqueue_dma source(%dma_start3A_19 : memref<8x80xi32, #tpu.memory_space<hbm>>) target(%dma_start3A_15 : memref<8x80xi32, #tpu.memory_space<vmem>>) target_semaphore(%arg12 : memref<!tpu.dma_semaphore, #tpu.memory_space<semaphore_mem>>)
    %dma_wait3A = arith.constant 0 : i32
    %dma_wait3A_20 = arith.constant 0 : i32
    %dma_wait3A_21 = arith.constant 0 : i32
    %dma_wait3A_22 = arith.constant 0 : i32
    %dma_wait3A_23 = tpu.memref_slice %arg8[%dma_wait3A_20, %dma_wait3A_21, %dma_wait3A_22] : memref<2x8x80xi32, #tpu.memory_space<vmem>> -> memref<1x8x80xi32, #tpu.memory_space<vmem>>
    %dma_wait3A_24 = tpu.memref_squeeze %dma_wait3A_23 : memref<1x8x80xi32, #tpu.memory_space<vmem>> -> memref<8x80xi32, #tpu.memory_space<vmem>>
    %dma_wait3A_25 = arith.constant 0 : i32
    %dma_wait3A_26 = arith.constant 0 : i32
    %dma_wait3A_27 = tpu.memref_slice %arg2[%add3A, %dma_wait3A, %dma_wait3A_25, %dma_wait3A_26] : memref<32x16x8x80xi32, #tpu.memory_space<hbm>> -> memref<1x1x8x80xi32, #tpu.memory_space<hbm>>
    %dma_wait3A_28 = tpu.memref_squeeze %dma_wait3A_27 : memref<1x1x8x80xi32, #tpu.memory_space<hbm>> -> memref<8x80xi32, #tpu.memory_space<hbm>>
    %dma_wait3A_29 = arith.constant 0 : i32
    %dma_wait3A_30 = arith.constant 0 : i32
    %dma_wait3A_31 = tpu.memref_slice %arg8[%dma_wait3A_20, %dma_wait3A_29, %dma_wait3A_30] : memref<2x8x80xi32, #tpu.memory_space<vmem>> -> memref<1x8x80xi32, #tpu.memory_space<vmem>>
    %dma_wait3A_32 = tpu.memref_squeeze %dma_wait3A_31 : memref<1x8x80xi32, #tpu.memory_space<vmem>> -> memref<8x80xi32, #tpu.memory_space<vmem>>
    %dma_wait3A_33 = arith.constant 0 : i32
    %dma_wait3A_34 = arith.constant 0 : i32
    %dma_wait3A_35 = tpu.memref_slice %arg2[%add3A, %dma_wait3A, %dma_wait3A_33, %dma_wait3A_34] : memref<32x16x8x80xi32, #tpu.memory_space<hbm>> -> memref<1x1x8x80xi32, #tpu.memory_space<hbm>>
    %dma_wait3A_36 = tpu.memref_squeeze %dma_wait3A_35 : memref<1x1x8x80xi32, #tpu.memory_space<hbm>> -> memref<8x80xi32, #tpu.memory_space<hbm>>
    tpu.wait_dma2 semaphore(%arg12 : memref<!tpu.dma_semaphore, #tpu.memory_space<semaphore_mem>>) src(%dma_wait3A_36 : memref<8x80xi32, #tpu.memory_space<hbm>>) dst(%dma_wait3A_32 : memref<8x80xi32, #tpu.memory_space<vmem>>)
    %dma_start3A_37 = arith.constant 1 : i32
    %dma_start3A_38 = arith.constant 1 : i32
    %dma_start3A_39 = arith.constant 0 : i32
    %dma_start3A_40 = arith.constant 0 : i32
    %dma_start3A_41 = tpu.memref_slice %arg8[%dma_start3A_38, %dma_start3A_39, %dma_start3A_40] : memref<2x8x80xi32, #tpu.memory_space<vmem>> -> memref<1x8x80xi32, #tpu.memory_space<vmem>>
    %dma_start3A_42 = tpu.memref_squeeze %dma_start3A_41 : memref<1x8x80xi32, #tpu.memory_space<vmem>> -> memref<8x80xi32, #tpu.memory_space<vmem>>
    %dma_start3A_43 = arith.constant 0 : i32
    %dma_start3A_44 = arith.constant 0 : i32
    %dma_start3A_45 = tpu.memref_slice %arg2[%add3A, %dma_start3A_37, %dma_start3A_43, %dma_start3A_44] : memref<32x16x8x80xi32, #tpu.memory_space<hbm>> -> memref<1x1x8x80xi32, #tpu.memory_space<hbm>>
    %dma_start3A_46 = tpu.memref_squeeze %dma_start3A_45 : memref<1x1x8x80xi32, #tpu.memory_space<hbm>> -> memref<8x80xi32, #tpu.memory_space<hbm>>
    %dma_start3A_47 = arith.constant 0 : i32
    %dma_start3A_48 = arith.constant 0 : i32
    %dma_start3A_49 = tpu.memref_slice %arg8[%dma_start3A_38, %dma_start3A_47, %dma_start3A_48] : memref<2x8x80xi32, #tpu.memory_space<vmem>> -> memref<1x8x80xi32, #tpu.memory_space<vmem>>
    %dma_start3A_50 = tpu.memref_squeeze %dma_start3A_49 : memref<1x8x80xi32, #tpu.memory_space<vmem>> -> memref<8x80xi32, #tpu.memory_space<vmem>>
    %dma_start3A_51 = arith.constant 0 : i32
    %dma_start3A_52 = arith.constant 0 : i32
    %dma_start3A_53 = tpu.memref_slice %arg2[%add3A, %dma_start3A_37, %dma_start3A_51, %dma_start3A_52] : memref<32x16x8x80xi32, #tpu.memory_space<hbm>> -> memref<1x1x8x80xi32, #tpu.memory_space<hbm>>
    %dma_start3A_54 = tpu.memref_squeeze %dma_start3A_53 : memref<1x1x8x80xi32, #tpu.memory_space<hbm>> -> memref<8x80xi32, #tpu.memory_space<hbm>>
    tpu.enqueue_dma source(%dma_start3A_54 : memref<8x80xi32, #tpu.memory_space<hbm>>) target(%dma_start3A_50 : memref<8x80xi32, #tpu.memory_space<vmem>>) target_semaphore(%arg13 : memref<!tpu.dma_semaphore, #tpu.memory_space<semaphore_mem>>)
    %dma_start3A_55 = arith.constant 0 : i32
    %dma_start3A_56 = arith.constant 0 : i32
    %dma_start3A_57 = arith.constant 0 : i32
    %dma_start3A_58 = arith.constant 0 : i32
    %dma_start3A_59 = tpu.memref_slice %arg10[%dma_start3A_57, %dma_start3A_58] : memref<160x128xf32, #tpu.memory_space<vmem>> -> memref<80x128xf32, #tpu.memory_space<vmem>>
    %dma_start3A_60 = arith.constant 0 : i32
    %dma_start3A_61 = tpu.memref_slice %arg8[%dma_start3A_55, %dma_start3A_56, %dma_start3A_60] : memref<2x8x80xi32, #tpu.memory_space<vmem>> -> memref<1x1x80xi32, #tpu.memory_space<vmem>>
    %dma_start3A_62 = tpu.memref_squeeze %dma_start3A_61 : memref<1x1x80xi32, #tpu.memory_space<vmem>> -> memref<80xi32, #tpu.memory_space<vmem>>
    %dma_start3A_63 = arith.constant 0 : i32
    %dma_start3A_64 = arith.constant 0 : i32
    %dma_start3A_65 = tpu.memref_slice %arg4[%dma_start3A_63, %dma_start3A_64] : memref<10112x128xf32, #tpu.memory_space<hbm>> -> memref<10112x128xf32, #tpu.memory_space<hbm>>
    tpu.enqueue_indirect_dma source(%dma_start3A_65 : memref<10112x128xf32, #tpu.memory_space<hbm>>) target(%dma_start3A_59 : memref<80x128xf32, #tpu.memory_space<vmem>>) offsets(%dma_start3A_62 : memref<80xi32, #tpu.memory_space<vmem>>) semaphore(%arg14 : memref<!tpu.dma_semaphore, #tpu.memory_space<semaphore_mem>>)
    %scan3A = arith.constant 0 : i32
    %scan3A_66 = arith.constant 7 : i32
    %scan3A_67 = arith.addi %scan3A, %scan3A_66 : i32
    %scan3A_68 = arith.constant 1 : i32
    scf.for %scan3A_452 = %scan3A to %scan3A_67 step %scan3A_68  : i32 {
      %mul3A_453 = arith.constant 1 : i32
      %mul3A_454 = arith.muli %scan3A_452, %mul3A_453 : i32
      %add3A_455 = arith.constant 0 : i32
      %add3A_456 = arith.addi %add3A_455, %mul3A_454 : i32
      %mul3A_457 = arith.constant 2 : i32
      %mul3A_458 = arith.muli %add3A_456, %mul3A_457 : i32
      %add3A_459 = arith.constant 1 : i32
      %add3A_460 = arith.addi %mul3A_458, %add3A_459 : i32
      %mul3A_461 = arith.constant 8 : i32
      %mul3A_462 = arith.muli %mul3A_458, %mul3A_461 : i32
      %add3A_463 = arith.constant 0 : i32
      %add3A_464 = arith.addi %mul3A_462, %add3A_463 : i32
      %dma_start3A_465 = arith.constant 0 : i32
      %dma_start3A_466 = arith.constant 1 : i32
      %dma_start3A_467 = arith.constant 80 : i32
      %dma_start3A_468 = arith.constant 0 : i32
      %dma_start3A_469 = tpu.memref_slice %arg10[%dma_start3A_467, %dma_start3A_468] : memref<160x128xf32, #tpu.memory_space<vmem>> -> memref<80x128xf32, #tpu.memory_space<vmem>>
      %dma_start3A_470 = arith.constant 0 : i32
      %dma_start3A_471 = tpu.memref_slice %arg8[%dma_start3A_465, %dma_start3A_466, %dma_start3A_470] : memref<2x8x80xi32, #tpu.memory_space<vmem>> -> memref<1x1x80xi32, #tpu.memory_space<vmem>>
      %dma_start3A_472 = tpu.memref_squeeze %dma_start3A_471 : memref<1x1x80xi32, #tpu.memory_space<vmem>> -> memref<80xi32, #tpu.memory_space<vmem>>
      %dma_start3A_473 = arith.constant 0 : i32
      %dma_start3A_474 = arith.constant 0 : i32
      %dma_start3A_475 = tpu.memref_slice %arg4[%dma_start3A_473, %dma_start3A_474] : memref<10112x128xf32, #tpu.memory_space<hbm>> -> memref<10112x128xf32, #tpu.memory_space<hbm>>
      tpu.enqueue_indirect_dma source(%dma_start3A_475 : memref<10112x128xf32, #tpu.memory_space<hbm>>) target(%dma_start3A_469 : memref<80x128xf32, #tpu.memory_space<vmem>>) offsets(%dma_start3A_472 : memref<80xi32, #tpu.memory_space<vmem>>) semaphore(%arg15 : memref<!tpu.dma_semaphore, #tpu.memory_space<semaphore_mem>>)
      %dma_wait3A_476 = arith.constant 0 : i32
      %dma_wait3A_477 = arith.constant 0 : i32
      %dma_wait3A_478 = arith.constant 0 : i32
      %dma_wait3A_479 = arith.constant 0 : i32
      %dma_wait3A_480 = tpu.memref_slice %arg10[%dma_wait3A_478, %dma_wait3A_479] : memref<160x128xf32, #tpu.memory_space<vmem>> -> memref<80x128xf32, #tpu.memory_space<vmem>>
      %dma_wait3A_481 = arith.constant 0 : i32
      %dma_wait3A_482 = tpu.memref_slice %arg8[%dma_wait3A_476, %dma_wait3A_477, %dma_wait3A_481] : memref<2x8x80xi32, #tpu.memory_space<vmem>> -> memref<1x1x80xi32, #tpu.memory_space<vmem>>
      %dma_wait3A_483 = tpu.memref_squeeze %dma_wait3A_482 : memref<1x1x80xi32, #tpu.memory_space<vmem>> -> memref<80xi32, #tpu.memory_space<vmem>>
      %dma_wait3A_484 = arith.constant 0 : i32
      %dma_wait3A_485 = arith.constant 0 : i32
      %dma_wait3A_486 = tpu.memref_slice %arg4[%dma_wait3A_484, %dma_wait3A_485] : memref<10112x128xf32, #tpu.memory_space<hbm>> -> memref<10112x128xf32, #tpu.memory_space<hbm>>
      tpu.wait_indirect_dma semaphore(%arg14 : memref<!tpu.dma_semaphore, #tpu.memory_space<semaphore_mem>>) src(%dma_wait3A_486 : memref<10112x128xf32, #tpu.memory_space<hbm>>) dst(%dma_wait3A_480 : memref<80x128xf32, #tpu.memory_space<vmem>>)
      "tpu.region"() ({
        %run_scoped3A_953 = tpu.sem_alloc : memref<!tpu.dma_semaphore, #tpu.memory_space<semaphore_mem>>
        %dma_start3A_954 = arith.constant 0 : i32
        %dma_start3A_955 = arith.constant 0 : i32
        %dma_start3A_956 = tpu.memref_slice %arg10[%dma_start3A_954, %dma_start3A_955] : memref<160x128xf32, #tpu.memory_space<vmem>> -> memref<80x128xf32, #tpu.memory_space<vmem>>
        %dma_start3A_957 = arith.constant 0 : i32
        %dma_start3A_958 = tpu.memref_slice %arg9[%add3A_464, %dma_start3A_957] : memref<128x80xi32, #tpu.memory_space<vmem>> -> memref<1x80xi32, #tpu.memory_space<vmem>>
        %dma_start3A_959 = tpu.memref_squeeze %dma_start3A_958 : memref<1x80xi32, #tpu.memory_space<vmem>> -> memref<80xi32, #tpu.memory_space<vmem>>
        %dma_start3A_960 = arith.constant 0 : i32
        %dma_start3A_961 = arith.constant 0 : i32
        %dma_start3A_962 = tpu.memref_slice %arg11[%dma_start3A_960, %dma_start3A_961] : memref<10112x128xf32, #tpu.memory_space<vmem_shared>> -> memref<10112x128xf32, #tpu.memory_space<vmem_shared>>
        tpu.enqueue_indirect_dma source(%dma_start3A_956 : memref<80x128xf32, #tpu.memory_space<vmem>>) target(%dma_start3A_962 : memref<10112x128xf32, #tpu.memory_space<vmem_shared>>) offsets(%dma_start3A_959 : memref<80xi32, #tpu.memory_space<vmem>>) semaphore(%run_scoped3A_953 : memref<!tpu.dma_semaphore, #tpu.memory_space<semaphore_mem>>) {add = true}
        %dma_wait3A_963 = arith.constant 0 : i32
        %dma_wait3A_964 = arith.constant 0 : i32
        %dma_wait3A_965 = tpu.memref_slice %arg10[%dma_wait3A_963, %dma_wait3A_964] : memref<160x128xf32, #tpu.memory_space<vmem>> -> memref<80x128xf32, #tpu.memory_space<vmem>>
        %dma_wait3A_966 = arith.constant 0 : i32
        %dma_wait3A_967 = tpu.memref_slice %arg9[%add3A_464, %dma_wait3A_966] : memref<128x80xi32, #tpu.memory_space<vmem>> -> memref<1x80xi32, #tpu.memory_space<vmem>>
        %dma_wait3A_968 = tpu.memref_squeeze %dma_wait3A_967 : memref<1x80xi32, #tpu.memory_space<vmem>> -> memref<80xi32, #tpu.memory_space<vmem>>
        %dma_wait3A_969 = arith.constant 0 : i32
        %dma_wait3A_970 = arith.constant 0 : i32
        %dma_wait3A_971 = tpu.memref_slice %arg11[%dma_wait3A_969, %dma_wait3A_970] : memref<10112x128xf32, #tpu.memory_space<vmem_shared>> -> memref<10112x128xf32, #tpu.memory_space<vmem_shared>>
        tpu.wait_indirect_dma semaphore(%run_scoped3A_953 : memref<!tpu.dma_semaphore, #tpu.memory_space<semaphore_mem>>) src(%dma_wait3A_965 : memref<80x128xf32, #tpu.memory_space<vmem>>) dst(%dma_wait3A_971 : memref<10112x128xf32, #tpu.memory_space<vmem_shared>>)
        tpu.yield
      }) : () -> ()
      %mul3A_487 = arith.constant 8 : i32
      %mul3A_488 = arith.muli %mul3A_458, %mul3A_487 : i32
      %add3A_489 = arith.constant 1 : i32
      %add3A_490 = arith.addi %mul3A_488, %add3A_489 : i32
      %dma_start3A_491 = arith.constant 0 : i32
      %dma_start3A_492 = arith.constant 2 : i32
      %dma_start3A_493 = arith.constant 0 : i32
      %dma_start3A_494 = arith.constant 0 : i32
      %dma_start3A_495 = tpu.memref_slice %arg10[%dma_start3A_493, %dma_start3A_494] : memref<160x128xf32, #tpu.memory_space<vmem>> -> memref<80x128xf32, #tpu.memory_space<vmem>>
      %dma_start3A_496 = arith.constant 0 : i32
      %dma_start3A_497 = tpu.memref_slice %arg8[%dma_start3A_491, %dma_start3A_492, %dma_start3A_496] : memref<2x8x80xi32, #tpu.memory_space<vmem>> -> memref<1x1x80xi32, #tpu.memory_space<vmem>>
      %dma_start3A_498 = tpu.memref_squeeze %dma_start3A_497 : memref<1x1x80xi32, #tpu.memory_space<vmem>> -> memref<80xi32, #tpu.memory_space<vmem>>
      %dma_start3A_499 = arith.constant 0 : i32
      %dma_start3A_500 = arith.constant 0 : i32
      %dma_start3A_501 = tpu.memref_slice %arg4[%dma_start3A_499, %dma_start3A_500] : memref<10112x128xf32, #tpu.memory_space<hbm>> -> memref<10112x128xf32, #tpu.memory_space<hbm>>
      tpu.enqueue_indirect_dma source(%dma_start3A_501 : memref<10112x128xf32, #tpu.memory_space<hbm>>) target(%dma_start3A_495 : memref<80x128xf32, #tpu.memory_space<vmem>>) offsets(%dma_start3A_498 : memref<80xi32, #tpu.memory_space<vmem>>) semaphore(%arg14 : memref<!tpu.dma_semaphore, #tpu.memory_space<semaphore_mem>>)
      %dma_wait3A_502 = arith.constant 0 : i32
      %dma_wait3A_503 = arith.constant 1 : i32
      %dma_wait3A_504 = arith.constant 80 : i32
      %dma_wait3A_505 = arith.constant 0 : i32
      %dma_wait3A_506 = tpu.memref_slice %arg10[%dma_wait3A_504, %dma_wait3A_505] : memref<160x128xf32, #tpu.memory_space<vmem>> -> memref<80x128xf32, #tpu.memory_space<vmem>>
      %dma_wait3A_507 = arith.constant 0 : i32
      %dma_wait3A_508 = tpu.memref_slice %arg8[%dma_wait3A_502, %dma_wait3A_503, %dma_wait3A_507] : memref<2x8x80xi32, #tpu.memory_space<vmem>> -> memref<1x1x80xi32, #tpu.memory_space<vmem>>
      %dma_wait3A_509 = tpu.memref_squeeze %dma_wait3A_508 : memref<1x1x80xi32, #tpu.memory_space<vmem>> -> memref<80xi32, #tpu.memory_space<vmem>>
      %dma_wait3A_510 = arith.constant 0 : i32
      %dma_wait3A_511 = arith.constant 0 : i32
      %dma_wait3A_512 = tpu.memref_slice %arg4[%dma_wait3A_510, %dma_wait3A_511] : memref<10112x128xf32, #tpu.memory_space<hbm>> -> memref<10112x128xf32, #tpu.memory_space<hbm>>
      tpu.wait_indirect_dma semaphore(%arg15 : memref<!tpu.dma_semaphore, #tpu.memory_space<semaphore_mem>>) src(%dma_wait3A_512 : memref<10112x128xf32, #tpu.memory_space<hbm>>) dst(%dma_wait3A_506 : memref<80x128xf32, #tpu.memory_space<vmem>>)
      "tpu.region"() ({
        %run_scoped3A_953 = tpu.sem_alloc : memref<!tpu.dma_semaphore, #tpu.memory_space<semaphore_mem>>
        %dma_start3A_954 = arith.constant 80 : i32
        %dma_start3A_955 = arith.constant 0 : i32
        %dma_start3A_956 = tpu.memref_slice %arg10[%dma_start3A_954, %dma_start3A_955] : memref<160x128xf32, #tpu.memory_space<vmem>> -> memref<80x128xf32, #tpu.memory_space<vmem>>
        %dma_start3A_957 = arith.constant 0 : i32
        %dma_start3A_958 = tpu.memref_slice %arg9[%add3A_490, %dma_start3A_957] : memref<128x80xi32, #tpu.memory_space<vmem>> -> memref<1x80xi32, #tpu.memory_space<vmem>>
        %dma_start3A_959 = tpu.memref_squeeze %dma_start3A_958 : memref<1x80xi32, #tpu.memory_space<vmem>> -> memref<80xi32, #tpu.memory_space<vmem>>
        %dma_start3A_960 = arith.constant 0 : i32
        %dma_start3A_961 = arith.constant 0 : i32
        %dma_start3A_962 = tpu.memref_slice %arg11[%dma_start3A_960, %dma_start3A_961] : memref<10112x128xf32, #tpu.memory_space<vmem_shared>> -> memref<10112x128xf32, #tpu.memory_space<vmem_shared>>
        tpu.enqueue_indirect_dma source(%dma_start3A_956 : memref<80x128xf32, #tpu.memory_space<vmem>>) target(%dma_start3A_962 : memref<10112x128xf32, #tpu.memory_space<vmem_shared>>) offsets(%dma_start3A_959 : memref<80xi32, #tpu.memory_space<vmem>>) semaphore(%run_scoped3A_953 : memref<!tpu.dma_semaphore, #tpu.memory_space<semaphore_mem>>) {add = true}
        %dma_wait3A_963 = arith.constant 80 : i32
        %dma_wait3A_964 = arith.constant 0 : i32
        %dma_wait3A_965 = tpu.memref_slice %arg10[%dma_wait3A_963, %dma_wait3A_964] : memref<160x128xf32, #tpu.memory_space<vmem>> -> memref<80x128xf32, #tpu.memory_space<vmem>>
        %dma_wait3A_966 = arith.constant 0 : i32
        %dma_wait3A_967 = tpu.memref_slice %arg9[%add3A_490, %dma_wait3A_966] : memref<128x80xi32, #tpu.memory_space<vmem>> -> memref<1x80xi32, #tpu.memory_space<vmem>>
        %dma_wait3A_968 = tpu.memref_squeeze %dma_wait3A_967 : memref<1x80xi32, #tpu.memory_space<vmem>> -> memref<80xi32, #tpu.memory_space<vmem>>
        %dma_wait3A_969 = arith.constant 0 : i32
        %dma_wait3A_970 = arith.constant 0 : i32
        %dma_wait3A_971 = tpu.memref_slice %arg11[%dma_wait3A_969, %dma_wait3A_970] : memref<10112x128xf32, #tpu.memory_space<vmem_shared>> -> memref<10112x128xf32, #tpu.memory_space<vmem_shared>>
        tpu.wait_indirect_dma semaphore(%run_scoped3A_953 : memref<!tpu.dma_semaphore, #tpu.memory_space<semaphore_mem>>) src(%dma_wait3A_965 : memref<80x128xf32, #tpu.memory_space<vmem>>) dst(%dma_wait3A_971 : memref<10112x128xf32, #tpu.memory_space<vmem_shared>>)
        tpu.yield
      }) : () -> ()
      %mul3A_513 = arith.constant 8 : i32
      %mul3A_514 = arith.muli %mul3A_458, %mul3A_513 : i32
      %add3A_515 = arith.constant 2 : i32
      %add3A_516 = arith.addi %mul3A_514, %add3A_515 : i32
      %dma_start3A_517 = arith.constant 0 : i32
      %dma_start3A_518 = arith.constant 3 : i32
      %dma_start3A_519 = arith.constant 80 : i32
      %dma_start3A_520 = arith.constant 0 : i32
      %dma_start3A_521 = tpu.memref_slice %arg10[%dma_start3A_519, %dma_start3A_520] : memref<160x128xf32, #tpu.memory_space<vmem>> -> memref<80x128xf32, #tpu.memory_space<vmem>>
      %dma_start3A_522 = arith.constant 0 : i32
      %dma_start3A_523 = tpu.memref_slice %arg8[%dma_start3A_517, %dma_start3A_518, %dma_start3A_522] : memref<2x8x80xi32, #tpu.memory_space<vmem>> -> memref<1x1x80xi32, #tpu.memory_space<vmem>>
      %dma_start3A_524 = tpu.memref_squeeze %dma_start3A_523 : memref<1x1x80xi32, #tpu.memory_space<vmem>> -> memref<80xi32, #tpu.memory_space<vmem>>
      %dma_start3A_525 = arith.constant 0 : i32
      %dma_start3A_526 = arith.constant 0 : i32
      %dma_start3A_527 = tpu.memref_slice %arg4[%dma_start3A_525, %dma_start3A_526] : memref<10112x128xf32, #tpu.memory_space<hbm>> -> memref<10112x128xf32, #tpu.memory_space<hbm>>
      tpu.enqueue_indirect_dma source(%dma_start3A_527 : memref<10112x128xf32, #tpu.memory_space<hbm>>) target(%dma_start3A_521 : memref<80x128xf32, #tpu.memory_space<vmem>>) offsets(%dma_start3A_524 : memref<80xi32, #tpu.memory_space<vmem>>) semaphore(%arg15 : memref<!tpu.dma_semaphore, #tpu.memory_space<semaphore_mem>>)
      %dma_wait3A_528 = arith.constant 0 : i32
      %dma_wait3A_529 = arith.constant 2 : i32
      %dma_wait3A_530 = arith.constant 0 : i32
      %dma_wait3A_531 = arith.constant 0 : i32
      %dma_wait3A_532 = tpu.memref_slice %arg10[%dma_wait3A_530, %dma_wait3A_531] : memref<160x128xf32, #tpu.memory_space<vmem>> -> memref<80x128xf32, #tpu.memory_space<vmem>>
      %dma_wait3A_533 = arith.constant 0 : i32
      %dma_wait3A_534 = tpu.memref_slice %arg8[%dma_wait3A_528, %dma_wait3A_529, %dma_wait3A_533] : memref<2x8x80xi32, #tpu.memory_space<vmem>> -> memref<1x1x80xi32, #tpu.memory_space<vmem>>
      %dma_wait3A_535 = tpu.memref_squeeze %dma_wait3A_534 : memref<1x1x80xi32, #tpu.memory_space<vmem>> -> memref<80xi32, #tpu.memory_space<vmem>>
      %dma_wait3A_536 = arith.constant 0 : i32
      %dma_wait3A_537 = arith.constant 0 : i32
      %dma_wait3A_538 = tpu.memref_slice %arg4[%dma_wait3A_536, %dma_wait3A_537] : memref<10112x128xf32, #tpu.memory_space<hbm>> -> memref<10112x128xf32, #tpu.memory_space<hbm>>
      tpu.wait_indirect_dma semaphore(%arg14 : memref<!tpu.dma_semaphore, #tpu.memory_space<semaphore_mem>>) src(%dma_wait3A_538 : memref<10112x128xf32, #tpu.memory_space<hbm>>) dst(%dma_wait3A_532 : memref<80x128xf32, #tpu.memory_space<vmem>>)
      "tpu.region"() ({
        %run_scoped3A_953 = tpu.sem_alloc : memref<!tpu.dma_semaphore, #tpu.memory_space<semaphore_mem>>
        %dma_start3A_954 = arith.constant 0 : i32
        %dma_start3A_955 = arith.constant 0 : i32
        %dma_start3A_956 = tpu.memref_slice %arg10[%dma_start3A_954, %dma_start3A_955] : memref<160x128xf32, #tpu.memory_space<vmem>> -> memref<80x128xf32, #tpu.memory_space<vmem>>
        %dma_start3A_957 = arith.constant 0 : i32
        %dma_start3A_958 = tpu.memref_slice %arg9[%add3A_516, %dma_start3A_957] : memref<128x80xi32, #tpu.memory_space<vmem>> -> memref<1x80xi32, #tpu.memory_space<vmem>>
        %dma_start3A_959 = tpu.memref_squeeze %dma_start3A_958 : memref<1x80xi32, #tpu.memory_space<vmem>> -> memref<80xi32, #tpu.memory_space<vmem>>
        %dma_start3A_960 = arith.constant 0 : i32
        %dma_start3A_961 = arith.constant 0 : i32
        %dma_start3A_962 = tpu.memref_slice %arg11[%dma_start3A_960, %dma_start3A_961] : memref<10112x128xf32, #tpu.memory_space<vmem_shared>> -> memref<10112x128xf32, #tpu.memory_space<vmem_shared>>
        tpu.enqueue_indirect_dma source(%dma_start3A_956 : memref<80x128xf32, #tpu.memory_space<vmem>>) target(%dma_start3A_962 : memref<10112x128xf32, #tpu.memory_space<vmem_shared>>) offsets(%dma_start3A_959 : memref<80xi32, #tpu.memory_space<vmem>>) semaphore(%run_scoped3A_953 : memref<!tpu.dma_semaphore, #tpu.memory_space<semaphore_mem>>) {add = true}
        %dma_wait3A_963 = arith.constant 0 : i32
        %dma_wait3A_964 = arith.constant 0 : i32
        %dma_wait3A_965 = tpu.memref_slice %arg10[%dma_wait3A_963, %dma_wait3A_964] : memref<160x128xf32, #tpu.memory_space<vmem>> -> memref<80x128xf32, #tpu.memory_space<vmem>>
        %dma_wait3A_966 = arith.constant 0 : i32
        %dma_wait3A_967 = tpu.memref_slice %arg9[%add3A_516, %dma_wait3A_966] : memref<128x80xi32, #tpu.memory_space<vmem>> -> memref<1x80xi32, #tpu.memory_space<vmem>>
        %dma_wait3A_968 = tpu.memref_squeeze %dma_wait3A_967 : memref<1x80xi32, #tpu.memory_space<vmem>> -> memref<80xi32, #tpu.memory_space<vmem>>
        %dma_wait3A_969 = arith.constant 0 : i32
        %dma_wait3A_970 = arith.constant 0 : i32
        %dma_wait3A_971 = tpu.memref_slice %arg11[%dma_wait3A_969, %dma_wait3A_970] : memref<10112x128xf32, #tpu.memory_space<vmem_shared>> -> memref<10112x128xf32, #tpu.memory_space<vmem_shared>>
        tpu.wait_indirect_dma semaphore(%run_scoped3A_953 : memref<!tpu.dma_semaphore, #tpu.memory_space<semaphore_mem>>) src(%dma_wait3A_965 : memref<80x128xf32, #tpu.memory_space<vmem>>) dst(%dma_wait3A_971 : memref<10112x128xf32, #tpu.memory_space<vmem_shared>>)
        tpu.yield
      }) : () -> ()
      %mul3A_539 = arith.constant 8 : i32
      %mul3A_540 = arith.muli %mul3A_458, %mul3A_539 : i32
      %add3A_541 = arith.constant 3 : i32
      %add3A_542 = arith.addi %mul3A_540, %add3A_541 : i32
      %dma_start3A_543 = arith.constant 0 : i32
      %dma_start3A_544 = arith.constant 4 : i32
      %dma_start3A_545 = arith.constant 0 : i32
      %dma_start3A_546 = arith.constant 0 : i32
      %dma_start3A_547 = tpu.memref_slice %arg10[%dma_start3A_545, %dma_start3A_546] : memref<160x128xf32, #tpu.memory_space<vmem>> -> memref<80x128xf32, #tpu.memory_space<vmem>>
      %dma_start3A_548 = arith.constant 0 : i32
      %dma_start3A_549 = tpu.memref_slice %arg8[%dma_start3A_543, %dma_start3A_544, %dma_start3A_548] : memref<2x8x80xi32, #tpu.memory_space<vmem>> -> memref<1x1x80xi32, #tpu.memory_space<vmem>>
      %dma_start3A_550 = tpu.memref_squeeze %dma_start3A_549 : memref<1x1x80xi32, #tpu.memory_space<vmem>> -> memref<80xi32, #tpu.memory_space<vmem>>
      %dma_start3A_551 = arith.constant 0 : i32
      %dma_start3A_552 = arith.constant 0 : i32
      %dma_start3A_553 = tpu.memref_slice %arg4[%dma_start3A_551, %dma_start3A_552] : memref<10112x128xf32, #tpu.memory_space<hbm>> -> memref<10112x128xf32, #tpu.memory_space<hbm>>
      tpu.enqueue_indirect_dma source(%dma_start3A_553 : memref<10112x128xf32, #tpu.memory_space<hbm>>) target(%dma_start3A_547 : memref<80x128xf32, #tpu.memory_space<vmem>>) offsets(%dma_start3A_550 : memref<80xi32, #tpu.memory_space<vmem>>) semaphore(%arg14 : memref<!tpu.dma_semaphore, #tpu.memory_space<semaphore_mem>>)
      %dma_wait3A_554 = arith.constant 0 : i32
      %dma_wait3A_555 = arith.constant 3 : i32
      %dma_wait3A_556 = arith.constant 80 : i32
      %dma_wait3A_557 = arith.constant 0 : i32
      %dma_wait3A_558 = tpu.memref_slice %arg10[%dma_wait3A_556, %dma_wait3A_557] : memref<160x128xf32, #tpu.memory_space<vmem>> -> memref<80x128xf32, #tpu.memory_space<vmem>>
      %dma_wait3A_559 = arith.constant 0 : i32
      %dma_wait3A_560 = tpu.memref_slice %arg8[%dma_wait3A_554, %dma_wait3A_555, %dma_wait3A_559] : memref<2x8x80xi32, #tpu.memory_space<vmem>> -> memref<1x1x80xi32, #tpu.memory_space<vmem>>
      %dma_wait3A_561 = tpu.memref_squeeze %dma_wait3A_560 : memref<1x1x80xi32, #tpu.memory_space<vmem>> -> memref<80xi32, #tpu.memory_space<vmem>>
      %dma_wait3A_562 = arith.constant 0 : i32
      %dma_wait3A_563 = arith.constant 0 : i32
      %dma_wait3A_564 = tpu.memref_slice %arg4[%dma_wait3A_562, %dma_wait3A_563] : memref<10112x128xf32, #tpu.memory_space<hbm>> -> memref<10112x128xf32, #tpu.memory_space<hbm>>
      tpu.wait_indirect_dma semaphore(%arg15 : memref<!tpu.dma_semaphore, #tpu.memory_space<semaphore_mem>>) src(%dma_wait3A_564 : memref<10112x128xf32, #tpu.memory_space<hbm>>) dst(%dma_wait3A_558 : memref<80x128xf32, #tpu.memory_space<vmem>>)
      "tpu.region"() ({
        %run_scoped3A_953 = tpu.sem_alloc : memref<!tpu.dma_semaphore, #tpu.memory_space<semaphore_mem>>
        %dma_start3A_954 = arith.constant 80 : i32
        %dma_start3A_955 = arith.constant 0 : i32
        %dma_start3A_956 = tpu.memref_slice %arg10[%dma_start3A_954, %dma_start3A_955] : memref<160x128xf32, #tpu.memory_space<vmem>> -> memref<80x128xf32, #tpu.memory_space<vmem>>
        %dma_start3A_957 = arith.constant 0 : i32
        %dma_start3A_958 = tpu.memref_slice %arg9[%add3A_542, %dma_start3A_957] : memref<128x80xi32, #tpu.memory_space<vmem>> -> memref<1x80xi32, #tpu.memory_space<vmem>>
        %dma_start3A_959 = tpu.memref_squeeze %dma_start3A_958 : memref<1x80xi32, #tpu.memory_space<vmem>> -> memref<80xi32, #tpu.memory_space<vmem>>
        %dma_start3A_960 = arith.constant 0 : i32
        %dma_start3A_961 = arith.constant 0 : i32
        %dma_start3A_962 = tpu.memref_slice %arg11[%dma_start3A_960, %dma_start3A_961] : memref<10112x128xf32, #tpu.memory_space<vmem_shared>> -> memref<10112x128xf32, #tpu.memory_space<vmem_shared>>
        tpu.enqueue_indirect_dma source(%dma_start3A_956 : memref<80x128xf32, #tpu.memory_space<vmem>>) target(%dma_start3A_962 : memref<10112x128xf32, #tpu.memory_space<vmem_shared>>) offsets(%dma_start3A_959 : memref<80xi32, #tpu.memory_space<vmem>>) semaphore(%run_scoped3A_953 : memref<!tpu.dma_semaphore, #tpu.memory_space<semaphore_mem>>) {add = true}
        %dma_wait3A_963 = arith.constant 80 : i32
        %dma_wait3A_964 = arith.constant 0 : i32
        %dma_wait3A_965 = tpu.memref_slice %arg10[%dma_wait3A_963, %dma_wait3A_964] : memref<160x128xf32, #tpu.memory_space<vmem>> -> memref<80x128xf32, #tpu.memory_space<vmem>>
        %dma_wait3A_966 = arith.constant 0 : i32
        %dma_wait3A_967 = tpu.memref_slice %arg9[%add3A_542, %dma_wait3A_966] : memref<128x80xi32, #tpu.memory_space<vmem>> -> memref<1x80xi32, #tpu.memory_space<vmem>>
        %dma_wait3A_968 = tpu.memref_squeeze %dma_wait3A_967 : memref<1x80xi32, #tpu.memory_space<vmem>> -> memref<80xi32, #tpu.memory_space<vmem>>
        %dma_wait3A_969 = arith.constant 0 : i32
        %dma_wait3A_970 = arith.constant 0 : i32
        %dma_wait3A_971 = tpu.memref_slice %arg11[%dma_wait3A_969, %dma_wait3A_970] : memref<10112x128xf32, #tpu.memory_space<vmem_shared>> -> memref<10112x128xf32, #tpu.memory_space<vmem_shared>>
        tpu.wait_indirect_dma semaphore(%run_scoped3A_953 : memref<!tpu.dma_semaphore, #tpu.memory_space<semaphore_mem>>) src(%dma_wait3A_965 : memref<80x128xf32, #tpu.memory_space<vmem>>) dst(%dma_wait3A_971 : memref<10112x128xf32, #tpu.memory_space<vmem_shared>>)
        tpu.yield
      }) : () -> ()
      %mul3A_565 = arith.constant 8 : i32
      %mul3A_566 = arith.muli %mul3A_458, %mul3A_565 : i32
      %add3A_567 = arith.constant 4 : i32
      %add3A_568 = arith.addi %mul3A_566, %add3A_567 : i32
      %dma_start3A_569 = arith.constant 0 : i32
      %dma_start3A_570 = arith.constant 5 : i32
      %dma_start3A_571 = arith.constant 80 : i32
      %dma_start3A_572 = arith.constant 0 : i32
      %dma_start3A_573 = tpu.memref_slice %arg10[%dma_start3A_571, %dma_start3A_572] : memref<160x128xf32, #tpu.memory_space<vmem>> -> memref<80x128xf32, #tpu.memory_space<vmem>>
      %dma_start3A_574 = arith.constant 0 : i32
      %dma_start3A_575 = tpu.memref_slice %arg8[%dma_start3A_569, %dma_start3A_570, %dma_start3A_574] : memref<2x8x80xi32, #tpu.memory_space<vmem>> -> memref<1x1x80xi32, #tpu.memory_space<vmem>>
      %dma_start3A_576 = tpu.memref_squeeze %dma_start3A_575 : memref<1x1x80xi32, #tpu.memory_space<vmem>> -> memref<80xi32, #tpu.memory_space<vmem>>
      %dma_start3A_577 = arith.constant 0 : i32
      %dma_start3A_578 = arith.constant 0 : i32
      %dma_start3A_579 = tpu.memref_slice %arg4[%dma_start3A_577, %dma_start3A_578] : memref<10112x128xf32, #tpu.memory_space<hbm>> -> memref<10112x128xf32, #tpu.memory_space<hbm>>
      tpu.enqueue_indirect_dma source(%dma_start3A_579 : memref<10112x128xf32, #tpu.memory_space<hbm>>) target(%dma_start3A_573 : memref<80x128xf32, #tpu.memory_space<vmem>>) offsets(%dma_start3A_576 : memref<80xi32, #tpu.memory_space<vmem>>) semaphore(%arg15 : memref<!tpu.dma_semaphore, #tpu.memory_space<semaphore_mem>>)
      %dma_wait3A_580 = arith.constant 0 : i32
      %dma_wait3A_581 = arith.constant 4 : i32
      %dma_wait3A_582 = arith.constant 0 : i32
      %dma_wait3A_583 = arith.constant 0 : i32
      %dma_wait3A_584 = tpu.memref_slice %arg10[%dma_wait3A_582, %dma_wait3A_583] : memref<160x128xf32, #tpu.memory_space<vmem>> -> memref<80x128xf32, #tpu.memory_space<vmem>>
      %dma_wait3A_585 = arith.constant 0 : i32
      %dma_wait3A_586 = tpu.memref_slice %arg8[%dma_wait3A_580, %dma_wait3A_581, %dma_wait3A_585] : memref<2x8x80xi32, #tpu.memory_space<vmem>> -> memref<1x1x80xi32, #tpu.memory_space<vmem>>
      %dma_wait3A_587 = tpu.memref_squeeze %dma_wait3A_586 : memref<1x1x80xi32, #tpu.memory_space<vmem>> -> memref<80xi32, #tpu.memory_space<vmem>>
      %dma_wait3A_588 = arith.constant 0 : i32
      %dma_wait3A_589 = arith.constant 0 : i32
      %dma_wait3A_590 = tpu.memref_slice %arg4[%dma_wait3A_588, %dma_wait3A_589] : memref<10112x128xf32, #tpu.memory_space<hbm>> -> memref<10112x128xf32, #tpu.memory_space<hbm>>
      tpu.wait_indirect_dma semaphore(%arg14 : memref<!tpu.dma_semaphore, #tpu.memory_space<semaphore_mem>>) src(%dma_wait3A_590 : memref<10112x128xf32, #tpu.memory_space<hbm>>) dst(%dma_wait3A_584 : memref<80x128xf32, #tpu.memory_space<vmem>>)
      "tpu.region"() ({
        %run_scoped3A_953 = tpu.sem_alloc : memref<!tpu.dma_semaphore, #tpu.memory_space<semaphore_mem>>
        %dma_start3A_954 = arith.constant 0 : i32
        %dma_start3A_955 = arith.constant 0 : i32
        %dma_start3A_956 = tpu.memref_slice %arg10[%dma_start3A_954, %dma_start3A_955] : memref<160x128xf32, #tpu.memory_space<vmem>> -> memref<80x128xf32, #tpu.memory_space<vmem>>
        %dma_start3A_957 = arith.constant 0 : i32
        %dma_start3A_958 = tpu.memref_slice %arg9[%add3A_568, %dma_start3A_957] : memref<128x80xi32, #tpu.memory_space<vmem>> -> memref<1x80xi32, #tpu.memory_space<vmem>>
        %dma_start3A_959 = tpu.memref_squeeze %dma_start3A_958 : memref<1x80xi32, #tpu.memory_space<vmem>> -> memref<80xi32, #tpu.memory_space<vmem>>
        %dma_start3A_960 = arith.constant 0 : i32
        %dma_start3A_961 = arith.constant 0 : i32
        %dma_start3A_962 = tpu.memref_slice %arg11[%dma_start3A_960, %dma_start3A_961] : memref<10112x128xf32, #tpu.memory_space<vmem_shared>> -> memref<10112x128xf32, #tpu.memory_space<vmem_shared>>
        tpu.enqueue_indirect_dma source(%dma_start3A_956 : memref<80x128xf32, #tpu.memory_space<vmem>>) target(%dma_start3A_962 : memref<10112x128xf32, #tpu.memory_space<vmem_shared>>) offsets(%dma_start3A_959 : memref<80xi32, #tpu.memory_space<vmem>>) semaphore(%run_scoped3A_953 : memref<!tpu.dma_semaphore, #tpu.memory_space<semaphore_mem>>) {add = true}
        %dma_wait3A_963 = arith.constant 0 : i32
        %dma_wait3A_964 = arith.constant 0 : i32
        %dma_wait3A_965 = tpu.memref_slice %arg10[%dma_wait3A_963, %dma_wait3A_964] : memref<160x128xf32, #tpu.memory_space<vmem>> -> memref<80x128xf32, #tpu.memory_space<vmem>>
        %dma_wait3A_966 = arith.constant 0 : i32
        %dma_wait3A_967 = tpu.memref_slice %arg9[%add3A_568, %dma_wait3A_966] : memref<128x80xi32, #tpu.memory_space<vmem>> -> memref<1x80xi32, #tpu.memory_space<vmem>>
        %dma_wait3A_968 = tpu.memref_squeeze %dma_wait3A_967 : memref<1x80xi32, #tpu.memory_space<vmem>> -> memref<80xi32, #tpu.memory_space<vmem>>
        %dma_wait3A_969 = arith.constant 0 : i32
        %dma_wait3A_970 = arith.constant 0 : i32
        %dma_wait3A_971 = tpu.memref_slice %arg11[%dma_wait3A_969, %dma_wait3A_970] : memref<10112x128xf32, #tpu.memory_space<vmem_shared>> -> memref<10112x128xf32, #tpu.memory_space<vmem_shared>>
        tpu.wait_indirect_dma semaphore(%run_scoped3A_953 : memref<!tpu.dma_semaphore, #tpu.memory_space<semaphore_mem>>) src(%dma_wait3A_965 : memref<80x128xf32, #tpu.memory_space<vmem>>) dst(%dma_wait3A_971 : memref<10112x128xf32, #tpu.memory_space<vmem_shared>>)
        tpu.yield
      }) : () -> ()
      %mul3A_591 = arith.constant 8 : i32
      %mul3A_592 = arith.muli %mul3A_458, %mul3A_591 : i32
      %add3A_593 = arith.constant 5 : i32
      %add3A_594 = arith.addi %mul3A_592, %add3A_593 : i32
      %dma_start3A_595 = arith.constant 0 : i32
      %dma_start3A_596 = arith.constant 6 : i32
      %dma_start3A_597 = arith.constant 0 : i32
      %dma_start3A_598 = arith.constant 0 : i32
      %dma_start3A_599 = tpu.memref_slice %arg10[%dma_start3A_597, %dma_start3A_598] : memref<160x128xf32, #tpu.memory_space<vmem>> -> memref<80x128xf32, #tpu.memory_space<vmem>>
      %dma_start3A_600 = arith.constant 0 : i32
      %dma_start3A_601 = tpu.memref_slice %arg8[%dma_start3A_595, %dma_start3A_596, %dma_start3A_600] : memref<2x8x80xi32, #tpu.memory_space<vmem>> -> memref<1x1x80xi32, #tpu.memory_space<vmem>>
      %dma_start3A_602 = tpu.memref_squeeze %dma_start3A_601 : memref<1x1x80xi32, #tpu.memory_space<vmem>> -> memref<80xi32, #tpu.memory_space<vmem>>
      %dma_start3A_603 = arith.constant 0 : i32
      %dma_start3A_604 = arith.constant 0 : i32
      %dma_start3A_605 = tpu.memref_slice %arg4[%dma_start3A_603, %dma_start3A_604] : memref<10112x128xf32, #tpu.memory_space<hbm>> -> memref<10112x128xf32, #tpu.memory_space<hbm>>
      tpu.enqueue_indirect_dma source(%dma_start3A_605 : memref<10112x128xf32, #tpu.memory_space<hbm>>) target(%dma_start3A_599 : memref<80x128xf32, #tpu.memory_space<vmem>>) offsets(%dma_start3A_602 : memref<80xi32, #tpu.memory_space<vmem>>) semaphore(%arg14 : memref<!tpu.dma_semaphore, #tpu.memory_space<semaphore_mem>>)
      %dma_wait3A_606 = arith.constant 0 : i32
      %dma_wait3A_607 = arith.constant 5 : i32
      %dma_wait3A_608 = arith.constant 80 : i32
      %dma_wait3A_609 = arith.constant 0 : i32
      %dma_wait3A_610 = tpu.memref_slice %arg10[%dma_wait3A_608, %dma_wait3A_609] : memref<160x128xf32, #tpu.memory_space<vmem>> -> memref<80x128xf32, #tpu.memory_space<vmem>>
      %dma_wait3A_611 = arith.constant 0 : i32
      %dma_wait3A_612 = tpu.memref_slice %arg8[%dma_wait3A_606, %dma_wait3A_607, %dma_wait3A_611] : memref<2x8x80xi32, #tpu.memory_space<vmem>> -> memref<1x1x80xi32, #tpu.memory_space<vmem>>
      %dma_wait3A_613 = tpu.memref_squeeze %dma_wait3A_612 : memref<1x1x80xi32, #tpu.memory_space<vmem>> -> memref<80xi32, #tpu.memory_space<vmem>>
      %dma_wait3A_614 = arith.constant 0 : i32
      %dma_wait3A_615 = arith.constant 0 : i32
      %dma_wait3A_616 = tpu.memref_slice %arg4[%dma_wait3A_614, %dma_wait3A_615] : memref<10112x128xf32, #tpu.memory_space<hbm>> -> memref<10112x128xf32, #tpu.memory_space<hbm>>
      tpu.wait_indirect_dma semaphore(%arg15 : memref<!tpu.dma_semaphore, #tpu.memory_space<semaphore_mem>>) src(%dma_wait3A_616 : memref<10112x128xf32, #tpu.memory_space<hbm>>) dst(%dma_wait3A_610 : memref<80x128xf32, #tpu.memory_space<vmem>>)
      "tpu.region"() ({
        %run_scoped3A_953 = tpu.sem_alloc : memref<!tpu.dma_semaphore, #tpu.memory_space<semaphore_mem>>
        %dma_start3A_954 = arith.constant 80 : i32
        %dma_start3A_955 = arith.constant 0 : i32
        %dma_start3A_956 = tpu.memref_slice %arg10[%dma_start3A_954, %dma_start3A_955] : memref<160x128xf32, #tpu.memory_space<vmem>> -> memref<80x128xf32, #tpu.memory_space<vmem>>
        %dma_start3A_957 = arith.constant 0 : i32
        %dma_start3A_958 = tpu.memref_slice %arg9[%add3A_594, %dma_start3A_957] : memref<128x80xi32, #tpu.memory_space<vmem>> -> memref<1x80xi32, #tpu.memory_space<vmem>>
        %dma_start3A_959 = tpu.memref_squeeze %dma_start3A_958 : memref<1x80xi32, #tpu.memory_space<vmem>> -> memref<80xi32, #tpu.memory_space<vmem>>
        %dma_start3A_960 = arith.constant 0 : i32
        %dma_start3A_961 = arith.constant 0 : i32
        %dma_start3A_962 = tpu.memref_slice %arg11[%dma_start3A_960, %dma_start3A_961] : memref<10112x128xf32, #tpu.memory_space<vmem_shared>> -> memref<10112x128xf32, #tpu.memory_space<vmem_shared>>
        tpu.enqueue_indirect_dma source(%dma_start3A_956 : memref<80x128xf32, #tpu.memory_space<vmem>>) target(%dma_start3A_962 : memref<10112x128xf32, #tpu.memory_space<vmem_shared>>) offsets(%dma_start3A_959 : memref<80xi32, #tpu.memory_space<vmem>>) semaphore(%run_scoped3A_953 : memref<!tpu.dma_semaphore, #tpu.memory_space<semaphore_mem>>) {add = true}
        %dma_wait3A_963 = arith.constant 80 : i32
        %dma_wait3A_964 = arith.constant 0 : i32
        %dma_wait3A_965 = tpu.memref_slice %arg10[%dma_wait3A_963, %dma_wait3A_964] : memref<160x128xf32, #tpu.memory_space<vmem>> -> memref<80x128xf32, #tpu.memory_space<vmem>>
        %dma_wait3A_966 = arith.constant 0 : i32
        %dma_wait3A_967 = tpu.memref_slice %arg9[%add3A_594, %dma_wait3A_966] : memref<128x80xi32, #tpu.memory_space<vmem>> -> memref<1x80xi32, #tpu.memory_space<vmem>>
        %dma_wait3A_968 = tpu.memref_squeeze %dma_wait3A_967 : memref<1x80xi32, #tpu.memory_space<vmem>> -> memref<80xi32, #tpu.memory_space<vmem>>
        %dma_wait3A_969 = arith.constant 0 : i32
        %dma_wait3A_970 = arith.constant 0 : i32
        %dma_wait3A_971 = tpu.memref_slice %arg11[%dma_wait3A_969, %dma_wait3A_970] : memref<10112x128xf32, #tpu.memory_space<vmem_shared>> -> memref<10112x128xf32, #tpu.memory_space<vmem_shared>>
        tpu.wait_indirect_dma semaphore(%run_scoped3A_953 : memref<!tpu.dma_semaphore, #tpu.memory_space<semaphore_mem>>) src(%dma_wait3A_965 : memref<80x128xf32, #tpu.memory_space<vmem>>) dst(%dma_wait3A_971 : memref<10112x128xf32, #tpu.memory_space<vmem_shared>>)
        tpu.yield
      }) : () -> ()
      %mul3A_617 = arith.constant 8 : i32
      %mul3A_618 = arith.muli %mul3A_458, %mul3A_617 : i32
      %add3A_619 = arith.constant 6 : i32
      %add3A_620 = arith.addi %mul3A_618, %add3A_619 : i32
      %dma_start3A_621 = arith.constant 0 : i32
      %dma_start3A_622 = arith.constant 7 : i32
      %dma_start3A_623 = arith.constant 80 : i32
      %dma_start3A_624 = arith.constant 0 : i32
      %dma_start3A_625 = tpu.memref_slice %arg10[%dma_start3A_623, %dma_start3A_624] : memref<160x128xf32, #tpu.memory_space<vmem>> -> memref<80x128xf32, #tpu.memory_space<vmem>>
      %dma_start3A_626 = arith.constant 0 : i32
      %dma_start3A_627 = tpu.memref_slice %arg8[%dma_start3A_621, %dma_start3A_622, %dma_start3A_626] : memref<2x8x80xi32, #tpu.memory_space<vmem>> -> memref<1x1x80xi32, #tpu.memory_space<vmem>>
      %dma_start3A_628 = tpu.memref_squeeze %dma_start3A_627 : memref<1x1x80xi32, #tpu.memory_space<vmem>> -> memref<80xi32, #tpu.memory_space<vmem>>
      %dma_start3A_629 = arith.constant 0 : i32
      %dma_start3A_630 = arith.constant 0 : i32
      %dma_start3A_631 = tpu.memref_slice %arg4[%dma_start3A_629, %dma_start3A_630] : memref<10112x128xf32, #tpu.memory_space<hbm>> -> memref<10112x128xf32, #tpu.memory_space<hbm>>
      tpu.enqueue_indirect_dma source(%dma_start3A_631 : memref<10112x128xf32, #tpu.memory_space<hbm>>) target(%dma_start3A_625 : memref<80x128xf32, #tpu.memory_space<vmem>>) offsets(%dma_start3A_628 : memref<80xi32, #tpu.memory_space<vmem>>) semaphore(%arg15 : memref<!tpu.dma_semaphore, #tpu.memory_space<semaphore_mem>>)
      %dma_wait3A_632 = arith.constant 0 : i32
      %dma_wait3A_633 = arith.constant 6 : i32
      %dma_wait3A_634 = arith.constant 0 : i32
      %dma_wait3A_635 = arith.constant 0 : i32
      %dma_wait3A_636 = tpu.memref_slice %arg10[%dma_wait3A_634, %dma_wait3A_635] : memref<160x128xf32, #tpu.memory_space<vmem>> -> memref<80x128xf32, #tpu.memory_space<vmem>>
      %dma_wait3A_637 = arith.constant 0 : i32
      %dma_wait3A_638 = tpu.memref_slice %arg8[%dma_wait3A_632, %dma_wait3A_633, %dma_wait3A_637] : memref<2x8x80xi32, #tpu.memory_space<vmem>> -> memref<1x1x80xi32, #tpu.memory_space<vmem>>
      %dma_wait3A_639 = tpu.memref_squeeze %dma_wait3A_638 : memref<1x1x80xi32, #tpu.memory_space<vmem>> -> memref<80xi32, #tpu.memory_space<vmem>>
      %dma_wait3A_640 = arith.constant 0 : i32
      %dma_wait3A_641 = arith.constant 0 : i32
      %dma_wait3A_642 = tpu.memref_slice %arg4[%dma_wait3A_640, %dma_wait3A_641] : memref<10112x128xf32, #tpu.memory_space<hbm>> -> memref<10112x128xf32, #tpu.memory_space<hbm>>
      tpu.wait_indirect_dma semaphore(%arg14 : memref<!tpu.dma_semaphore, #tpu.memory_space<semaphore_mem>>) src(%dma_wait3A_642 : memref<10112x128xf32, #tpu.memory_space<hbm>>) dst(%dma_wait3A_636 : memref<80x128xf32, #tpu.memory_space<vmem>>)
      "tpu.region"() ({
        %run_scoped3A_953 = tpu.sem_alloc : memref<!tpu.dma_semaphore, #tpu.memory_space<semaphore_mem>>
        %dma_start3A_954 = arith.constant 0 : i32
        %dma_start3A_955 = arith.constant 0 : i32
        %dma_start3A_956 = tpu.memref_slice %arg10[%dma_start3A_954, %dma_start3A_955] : memref<160x128xf32, #tpu.memory_space<vmem>> -> memref<80x128xf32, #tpu.memory_space<vmem>>
        %dma_start3A_957 = arith.constant 0 : i32
        %dma_start3A_958 = tpu.memref_slice %arg9[%add3A_620, %dma_start3A_957] : memref<128x80xi32, #tpu.memory_space<vmem>> -> memref<1x80xi32, #tpu.memory_space<vmem>>
        %dma_start3A_959 = tpu.memref_squeeze %dma_start3A_958 : memref<1x80xi32, #tpu.memory_space<vmem>> -> memref<80xi32, #tpu.memory_space<vmem>>
        %dma_start3A_960 = arith.constant 0 : i32
        %dma_start3A_961 = arith.constant 0 : i32
        %dma_start3A_962 = tpu.memref_slice %arg11[%dma_start3A_960, %dma_start3A_961] : memref<10112x128xf32, #tpu.memory_space<vmem_shared>> -> memref<10112x128xf32, #tpu.memory_space<vmem_shared>>
        tpu.enqueue_indirect_dma source(%dma_start3A_956 : memref<80x128xf32, #tpu.memory_space<vmem>>) target(%dma_start3A_962 : memref<10112x128xf32, #tpu.memory_space<vmem_shared>>) offsets(%dma_start3A_959 : memref<80xi32, #tpu.memory_space<vmem>>) semaphore(%run_scoped3A_953 : memref<!tpu.dma_semaphore, #tpu.memory_space<semaphore_mem>>) {add = true}
        %dma_wait3A_963 = arith.constant 0 : i32
        %dma_wait3A_964 = arith.constant 0 : i32
        %dma_wait3A_965 = tpu.memref_slice %arg10[%dma_wait3A_963, %dma_wait3A_964] : memref<160x128xf32, #tpu.memory_space<vmem>> -> memref<80x128xf32, #tpu.memory_space<vmem>>
        %dma_wait3A_966 = arith.constant 0 : i32
        %dma_wait3A_967 = tpu.memref_slice %arg9[%add3A_620, %dma_wait3A_966] : memref<128x80xi32, #tpu.memory_space<vmem>> -> memref<1x80xi32, #tpu.memory_space<vmem>>
        %dma_wait3A_968 = tpu.memref_squeeze %dma_wait3A_967 : memref<1x80xi32, #tpu.memory_space<vmem>> -> memref<80xi32, #tpu.memory_space<vmem>>
        %dma_wait3A_969 = arith.constant 0 : i32
        %dma_wait3A_970 = arith.constant 0 : i32
        %dma_wait3A_971 = tpu.memref_slice %arg11[%dma_wait3A_969, %dma_wait3A_970] : memref<10112x128xf32, #tpu.memory_space<vmem_shared>> -> memref<10112x128xf32, #tpu.memory_space<vmem_shared>>
        tpu.wait_indirect_dma semaphore(%run_scoped3A_953 : memref<!tpu.dma_semaphore, #tpu.memory_space<semaphore_mem>>) src(%dma_wait3A_965 : memref<80x128xf32, #tpu.memory_space<vmem>>) dst(%dma_wait3A_971 : memref<10112x128xf32, #tpu.memory_space<vmem_shared>>)
        tpu.yield
      }) : () -> ()
      %mul3A_643 = arith.constant 8 : i32
      %mul3A_644 = arith.muli %mul3A_458, %mul3A_643 : i32
      %add3A_645 = arith.constant 7 : i32
      %add3A_646 = arith.addi %mul3A_644, %add3A_645 : i32
      %dma_wait3A_647 = arith.constant 1 : i32
      %dma_wait3A_648 = arith.constant 0 : i32
      %dma_wait3A_649 = arith.constant 0 : i32
      %dma_wait3A_650 = tpu.memref_slice %arg8[%dma_wait3A_647, %dma_wait3A_648, %dma_wait3A_649] : memref<2x8x80xi32, #tpu.memory_space<vmem>> -> memref<1x8x80xi32, #tpu.memory_space<vmem>>
      %dma_wait3A_651 = tpu.memref_squeeze %dma_wait3A_650 : memref<1x8x80xi32, #tpu.memory_space<vmem>> -> memref<8x80xi32, #tpu.memory_space<vmem>>
      %dma_wait3A_652 = arith.constant 0 : i32
      %dma_wait3A_653 = arith.constant 0 : i32
      %dma_wait3A_654 = tpu.memref_slice %arg2[%add3A, %add3A_460, %dma_wait3A_652, %dma_wait3A_653] : memref<32x16x8x80xi32, #tpu.memory_space<hbm>> -> memref<1x1x8x80xi32, #tpu.memory_space<hbm>>
      %dma_wait3A_655 = tpu.memref_squeeze %dma_wait3A_654 : memref<1x1x8x80xi32, #tpu.memory_space<hbm>> -> memref<8x80xi32, #tpu.memory_space<hbm>>
      %dma_wait3A_656 = arith.constant 0 : i32
      %dma_wait3A_657 = arith.constant 0 : i32
      %dma_wait3A_658 = tpu.memref_slice %arg8[%dma_wait3A_647, %dma_wait3A_656, %dma_wait3A_657] : memref<2x8x80xi32, #tpu.memory_space<vmem>> -> memref<1x8x80xi32, #tpu.memory_space<vmem>>
      %dma_wait3A_659 = tpu.memref_squeeze %dma_wait3A_658 : memref<1x8x80xi32, #tpu.memory_space<vmem>> -> memref<8x80xi32, #tpu.memory_space<vmem>>
      %dma_wait3A_660 = arith.constant 0 : i32
      %dma_wait3A_661 = arith.constant 0 : i32
      %dma_wait3A_662 = tpu.memref_slice %arg2[%add3A, %add3A_460, %dma_wait3A_660, %dma_wait3A_661] : memref<32x16x8x80xi32, #tpu.memory_space<hbm>> -> memref<1x1x8x80xi32, #tpu.memory_space<hbm>>
      %dma_wait3A_663 = tpu.memref_squeeze %dma_wait3A_662 : memref<1x1x8x80xi32, #tpu.memory_space<hbm>> -> memref<8x80xi32, #tpu.memory_space<hbm>>
      tpu.wait_dma2 semaphore(%arg13 : memref<!tpu.dma_semaphore, #tpu.memory_space<semaphore_mem>>) src(%dma_wait3A_663 : memref<8x80xi32, #tpu.memory_space<hbm>>) dst(%dma_wait3A_659 : memref<8x80xi32, #tpu.memory_space<vmem>>)
      %dma_start3A_664 = arith.constant 1 : i32
      %dma_start3A_665 = arith.constant 0 : i32
      %dma_start3A_666 = arith.constant 0 : i32
      %dma_start3A_667 = arith.constant 0 : i32
      %dma_start3A_668 = tpu.memref_slice %arg10[%dma_start3A_666, %dma_start3A_667] : memref<160x128xf32, #tpu.memory_space<vmem>> -> memref<80x128xf32, #tpu.memory_space<vmem>>
      %dma_start3A_669 = arith.constant 0 : i32
      %dma_start3A_670 = tpu.memref_slice %arg8[%dma_start3A_664, %dma_start3A_665, %dma_start3A_669] : memref<2x8x80xi32, #tpu.memory_space<vmem>> -> memref<1x1x80xi32, #tpu.memory_space<vmem>>
      %dma_start3A_671 = tpu.memref_squeeze %dma_start3A_670 : memref<1x1x80xi32, #tpu.memory_space<vmem>> -> memref<80xi32, #tpu.memory_space<vmem>>
      %dma_start3A_672 = arith.constant 0 : i32
      %dma_start3A_673 = arith.constant 0 : i32
      %dma_start3A_674 = tpu.memref_slice %arg4[%dma_start3A_672, %dma_start3A_673] : memref<10112x128xf32, #tpu.memory_space<hbm>> -> memref<10112x128xf32, #tpu.memory_space<hbm>>
      tpu.enqueue_indirect_dma source(%dma_start3A_674 : memref<10112x128xf32, #tpu.memory_space<hbm>>) target(%dma_start3A_668 : memref<80x128xf32, #tpu.memory_space<vmem>>) offsets(%dma_start3A_671 : memref<80xi32, #tpu.memory_space<vmem>>) semaphore(%arg14 : memref<!tpu.dma_semaphore, #tpu.memory_space<semaphore_mem>>)
      %dma_wait3A_675 = arith.constant 0 : i32
      %dma_wait3A_676 = arith.constant 7 : i32
      %dma_wait3A_677 = arith.constant 80 : i32
      %dma_wait3A_678 = arith.constant 0 : i32
      %dma_wait3A_679 = tpu.memref_slice %arg10[%dma_wait3A_677, %dma_wait3A_678] : memref<160x128xf32, #tpu.memory_space<vmem>> -> memref<80x128xf32, #tpu.memory_space<vmem>>
      %dma_wait3A_680 = arith.constant 0 : i32
      %dma_wait3A_681 = tpu.memref_slice %arg8[%dma_wait3A_675, %dma_wait3A_676, %dma_wait3A_680] : memref<2x8x80xi32, #tpu.memory_space<vmem>> -> memref<1x1x80xi32, #tpu.memory_space<vmem>>
      %dma_wait3A_682 = tpu.memref_squeeze %dma_wait3A_681 : memref<1x1x80xi32, #tpu.memory_space<vmem>> -> memref<80xi32, #tpu.memory_space<vmem>>
      %dma_wait3A_683 = arith.constant 0 : i32
      %dma_wait3A_684 = arith.constant 0 : i32
      %dma_wait3A_685 = tpu.memref_slice %arg4[%dma_wait3A_683, %dma_wait3A_684] : memref<10112x128xf32, #tpu.memory_space<hbm>> -> memref<10112x128xf32, #tpu.memory_space<hbm>>
      tpu.wait_indirect_dma semaphore(%arg15 : memref<!tpu.dma_semaphore, #tpu.memory_space<semaphore_mem>>) src(%dma_wait3A_685 : memref<10112x128xf32, #tpu.memory_space<hbm>>) dst(%dma_wait3A_679 : memref<80x128xf32, #tpu.memory_space<vmem>>)
      "tpu.region"() ({
        %run_scoped3A_953 = tpu.sem_alloc : memref<!tpu.dma_semaphore, #tpu.memory_space<semaphore_mem>>
        %dma_start3A_954 = arith.constant 80 : i32
        %dma_start3A_955 = arith.constant 0 : i32
        %dma_start3A_956 = tpu.memref_slice %arg10[%dma_start3A_954, %dma_start3A_955] : memref<160x128xf32, #tpu.memory_space<vmem>> -> memref<80x128xf32, #tpu.memory_space<vmem>>
        %dma_start3A_957 = arith.constant 0 : i32
        %dma_start3A_958 = tpu.memref_slice %arg9[%add3A_646, %dma_start3A_957] : memref<128x80xi32, #tpu.memory_space<vmem>> -> memref<1x80xi32, #tpu.memory_space<vmem>>
        %dma_start3A_959 = tpu.memref_squeeze %dma_start3A_958 : memref<1x80xi32, #tpu.memory_space<vmem>> -> memref<80xi32, #tpu.memory_space<vmem>>
        %dma_start3A_960 = arith.constant 0 : i32
        %dma_start3A_961 = arith.constant 0 : i32
        %dma_start3A_962 = tpu.memref_slice %arg11[%dma_start3A_960, %dma_start3A_961] : memref<10112x128xf32, #tpu.memory_space<vmem_shared>> -> memref<10112x128xf32, #tpu.memory_space<vmem_shared>>
        tpu.enqueue_indirect_dma source(%dma_start3A_956 : memref<80x128xf32, #tpu.memory_space<vmem>>) target(%dma_start3A_962 : memref<10112x128xf32, #tpu.memory_space<vmem_shared>>) offsets(%dma_start3A_959 : memref<80xi32, #tpu.memory_space<vmem>>) semaphore(%run_scoped3A_953 : memref<!tpu.dma_semaphore, #tpu.memory_space<semaphore_mem>>) {add = true}
        %dma_wait3A_963 = arith.constant 80 : i32
        %dma_wait3A_964 = arith.constant 0 : i32
        %dma_wait3A_965 = tpu.memref_slice %arg10[%dma_wait3A_963, %dma_wait3A_964] : memref<160x128xf32, #tpu.memory_space<vmem>> -> memref<80x128xf32, #tpu.memory_space<vmem>>
        %dma_wait3A_966 = arith.constant 0 : i32
        %dma_wait3A_967 = tpu.memref_slice %arg9[%add3A_646, %dma_wait3A_966] : memref<128x80xi32, #tpu.memory_space<vmem>> -> memref<1x80xi32, #tpu.memory_space<vmem>>
        %dma_wait3A_968 = tpu.memref_squeeze %dma_wait3A_967 : memref<1x80xi32, #tpu.memory_space<vmem>> -> memref<80xi32, #tpu.memory_space<vmem>>
        %dma_wait3A_969 = arith.constant 0 : i32
        %dma_wait3A_970 = arith.constant 0 : i32
        %dma_wait3A_971 = tpu.memref_slice %arg11[%dma_wait3A_969, %dma_wait3A_970] : memref<10112x128xf32, #tpu.memory_space<vmem_shared>> -> memref<10112x128xf32, #tpu.memory_space<vmem_shared>>
        tpu.wait_indirect_dma semaphore(%run_scoped3A_953 : memref<!tpu.dma_semaphore, #tpu.memory_space<semaphore_mem>>) src(%dma_wait3A_965 : memref<80x128xf32, #tpu.memory_space<vmem>>) dst(%dma_wait3A_971 : memref<10112x128xf32, #tpu.memory_space<vmem_shared>>)
        tpu.yield
      }) : () -> ()
      %add3A_686 = arith.constant 1 : i32
      %add3A_687 = arith.addi %add3A_460, %add3A_686 : i32
      %dma_start3A_688 = arith.constant 0 : i32
      %dma_start3A_689 = arith.constant 0 : i32
      %dma_start3A_690 = arith.constant 0 : i32
      %dma_start3A_691 = tpu.memref_slice %arg8[%dma_start3A_688, %dma_start3A_689, %dma_start3A_690] : memref<2x8x80xi32, #tpu.memory_space<vmem>> -> memref<1x8x80xi32, #tpu.memory_space<vmem>>
      %dma_start3A_692 = tpu.memref_squeeze %dma_start3A_691 : memref<1x8x80xi32, #tpu.memory_space<vmem>> -> memref<8x80xi32, #tpu.memory_space<vmem>>
      %dma_start3A_693 = arith.constant 0 : i32
      %dma_start3A_694 = arith.constant 0 : i32
      %dma_start3A_695 = tpu.memref_slice %arg2[%add3A, %add3A_687, %dma_start3A_693, %dma_start3A_694] : memref<32x16x8x80xi32, #tpu.memory_space<hbm>> -> memref<1x1x8x80xi32, #tpu.memory_space<hbm>>
      %dma_start3A_696 = tpu.memref_squeeze %dma_start3A_695 : memref<1x1x8x80xi32, #tpu.memory_space<hbm>> -> memref<8x80xi32, #tpu.memory_space<hbm>>
      %dma_start3A_697 = arith.constant 0 : i32
      %dma_start3A_698 = arith.constant 0 : i32
      %dma_start3A_699 = tpu.memref_slice %arg8[%dma_start3A_688, %dma_start3A_697, %dma_start3A_698] : memref<2x8x80xi32, #tpu.memory_space<vmem>> -> memref<1x8x80xi32, #tpu.memory_space<vmem>>
      %dma_start3A_700 = tpu.memref_squeeze %dma_start3A_699 : memref<1x8x80xi32, #tpu.memory_space<vmem>> -> memref<8x80xi32, #tpu.memory_space<vmem>>
      %dma_start3A_701 = arith.constant 0 : i32
      %dma_start3A_702 = arith.constant 0 : i32
      %dma_start3A_703 = tpu.memref_slice %arg2[%add3A, %add3A_687, %dma_start3A_701, %dma_start3A_702] : memref<32x16x8x80xi32, #tpu.memory_space<hbm>> -> memref<1x1x8x80xi32, #tpu.memory_space<hbm>>
      %dma_start3A_704 = tpu.memref_squeeze %dma_start3A_703 : memref<1x1x8x80xi32, #tpu.memory_space<hbm>> -> memref<8x80xi32, #tpu.memory_space<hbm>>
      tpu.enqueue_dma source(%dma_start3A_704 : memref<8x80xi32, #tpu.memory_space<hbm>>) target(%dma_start3A_700 : memref<8x80xi32, #tpu.memory_space<vmem>>) target_semaphore(%arg12 : memref<!tpu.dma_semaphore, #tpu.memory_space<semaphore_mem>>)
      %add3A_705 = arith.constant 1 : i32
      %add3A_706 = arith.addi %mul3A_458, %add3A_705 : i32
      %add3A_707 = arith.constant 2 : i32
      %add3A_708 = arith.addi %mul3A_458, %add3A_707 : i32
      %mul3A_709 = arith.constant 8 : i32
      %mul3A_710 = arith.muli %add3A_706, %mul3A_709 : i32
      %add3A_711 = arith.constant 0 : i32
      %add3A_712 = arith.addi %mul3A_710, %add3A_711 : i32
      %dma_start3A_713 = arith.constant 1 : i32
      %dma_start3A_714 = arith.constant 1 : i32
      %dma_start3A_715 = arith.constant 80 : i32
      %dma_start3A_716 = arith.constant 0 : i32
      %dma_start3A_717 = tpu.memref_slice %arg10[%dma_start3A_715, %dma_start3A_716] : memref<160x128xf32, #tpu.memory_space<vmem>> -> memref<80x128xf32, #tpu.memory_space<vmem>>
      %dma_start3A_718 = arith.constant 0 : i32
      %dma_start3A_719 = tpu.memref_slice %arg8[%dma_start3A_713, %dma_start3A_714, %dma_start3A_718] : memref<2x8x80xi32, #tpu.memory_space<vmem>> -> memref<1x1x80xi32, #tpu.memory_space<vmem>>
      %dma_start3A_720 = tpu.memref_squeeze %dma_start3A_719 : memref<1x1x80xi32, #tpu.memory_space<vmem>> -> memref<80xi32, #tpu.memory_space<vmem>>
      %dma_start3A_721 = arith.constant 0 : i32
      %dma_start3A_722 = arith.constant 0 : i32
      %dma_start3A_723 = tpu.memref_slice %arg4[%dma_start3A_721, %dma_start3A_722] : memref<10112x128xf32, #tpu.memory_space<hbm>> -> memref<10112x128xf32, #tpu.memory_space<hbm>>
      tpu.enqueue_indirect_dma source(%dma_start3A_723 : memref<10112x128xf32, #tpu.memory_space<hbm>>) target(%dma_start3A_717 : memref<80x128xf32, #tpu.memory_space<vmem>>) offsets(%dma_start3A_720 : memref<80xi32, #tpu.memory_space<vmem>>) semaphore(%arg15 : memref<!tpu.dma_semaphore, #tpu.memory_space<semaphore_mem>>)
      %dma_wait3A_724 = arith.constant 1 : i32
      %dma_wait3A_725 = arith.constant 0 : i32
      %dma_wait3A_726 = arith.constant 0 : i32
      %dma_wait3A_727 = arith.constant 0 : i32
      %dma_wait3A_728 = tpu.memref_slice %arg10[%dma_wait3A_726, %dma_wait3A_727] : memref<160x128xf32, #tpu.memory_space<vmem>> -> memref<80x128xf32, #tpu.memory_space<vmem>>
      %dma_wait3A_729 = arith.constant 0 : i32
      %dma_wait3A_730 = tpu.memref_slice %arg8[%dma_wait3A_724, %dma_wait3A_725, %dma_wait3A_729] : memref<2x8x80xi32, #tpu.memory_space<vmem>> -> memref<1x1x80xi32, #tpu.memory_space<vmem>>
      %dma_wait3A_731 = tpu.memref_squeeze %dma_wait3A_730 : memref<1x1x80xi32, #tpu.memory_space<vmem>> -> memref<80xi32, #tpu.memory_space<vmem>>
      %dma_wait3A_732 = arith.constant 0 : i32
      %dma_wait3A_733 = arith.constant 0 : i32
      %dma_wait3A_734 = tpu.memref_slice %arg4[%dma_wait3A_732, %dma_wait3A_733] : memref<10112x128xf32, #tpu.memory_space<hbm>> -> memref<10112x128xf32, #tpu.memory_space<hbm>>
      tpu.wait_indirect_dma semaphore(%arg14 : memref<!tpu.dma_semaphore, #tpu.memory_space<semaphore_mem>>) src(%dma_wait3A_734 : memref<10112x128xf32, #tpu.memory_space<hbm>>) dst(%dma_wait3A_728 : memref<80x128xf32, #tpu.memory_space<vmem>>)
      "tpu.region"() ({
        %run_scoped3A_953 = tpu.sem_alloc : memref<!tpu.dma_semaphore, #tpu.memory_space<semaphore_mem>>
        %dma_start3A_954 = arith.constant 0 : i32
        %dma_start3A_955 = arith.constant 0 : i32
        %dma_start3A_956 = tpu.memref_slice %arg10[%dma_start3A_954, %dma_start3A_955] : memref<160x128xf32, #tpu.memory_space<vmem>> -> memref<80x128xf32, #tpu.memory_space<vmem>>
        %dma_start3A_957 = arith.constant 0 : i32
        %dma_start3A_958 = tpu.memref_slice %arg9[%add3A_712, %dma_start3A_957] : memref<128x80xi32, #tpu.memory_space<vmem>> -> memref<1x80xi32, #tpu.memory_space<vmem>>
        %dma_start3A_959 = tpu.memref_squeeze %dma_start3A_958 : memref<1x80xi32, #tpu.memory_space<vmem>> -> memref<80xi32, #tpu.memory_space<vmem>>
        %dma_start3A_960 = arith.constant 0 : i32
        %dma_start3A_961 = arith.constant 0 : i32
        %dma_start3A_962 = tpu.memref_slice %arg11[%dma_start3A_960, %dma_start3A_961] : memref<10112x128xf32, #tpu.memory_space<vmem_shared>> -> memref<10112x128xf32, #tpu.memory_space<vmem_shared>>
        tpu.enqueue_indirect_dma source(%dma_start3A_956 : memref<80x128xf32, #tpu.memory_space<vmem>>) target(%dma_start3A_962 : memref<10112x128xf32, #tpu.memory_space<vmem_shared>>) offsets(%dma_start3A_959 : memref<80xi32, #tpu.memory_space<vmem>>) semaphore(%run_scoped3A_953 : memref<!tpu.dma_semaphore, #tpu.memory_space<semaphore_mem>>) {add = true}
        %dma_wait3A_963 = arith.constant 0 : i32
        %dma_wait3A_964 = arith.constant 0 : i32
        %dma_wait3A_965 = tpu.memref_slice %arg10[%dma_wait3A_963, %dma_wait3A_964] : memref<160x128xf32, #tpu.memory_space<vmem>> -> memref<80x128xf32, #tpu.memory_space<vmem>>
        %dma_wait3A_966 = arith.constant 0 : i32
        %dma_wait3A_967 = tpu.memref_slice %arg9[%add3A_712, %dma_wait3A_966] : memref<128x80xi32, #tpu.memory_space<vmem>> -> memref<1x80xi32, #tpu.memory_space<vmem>>
        %dma_wait3A_968 = tpu.memref_squeeze %dma_wait3A_967 : memref<1x80xi32, #tpu.memory_space<vmem>> -> memref<80xi32, #tpu.memory_space<vmem>>
        %dma_wait3A_969 = arith.constant 0 : i32
        %dma_wait3A_970 = arith.constant 0 : i32
        %dma_wait3A_971 = tpu.memref_slice %arg11[%dma_wait3A_969, %dma_wait3A_970] : memref<10112x128xf32, #tpu.memory_space<vmem_shared>> -> memref<10112x128xf32, #tpu.memory_space<vmem_shared>>
        tpu.wait_indirect_dma semaphore(%run_scoped3A_953 : memref<!tpu.dma_semaphore, #tpu.memory_space<semaphore_mem>>) src(%dma_wait3A_965 : memref<80x128xf32, #tpu.memory_space<vmem>>) dst(%dma_wait3A_971 : memref<10112x128xf32, #tpu.memory_space<vmem_shared>>)
        tpu.yield
      }) : () -> ()
      %mul3A_735 = arith.constant 8 : i32
      %mul3A_736 = arith.muli %add3A_706, %mul3A_735 : i32
      %add3A_737 = arith.constant 1 : i32
      %add3A_738 = arith.addi %mul3A_736, %add3A_737 : i32
      %dma_start3A_739 = arith.constant 1 : i32
      %dma_start3A_740 = arith.constant 2 : i32
      %dma_start3A_741 = arith.constant 0 : i32
      %dma_start3A_742 = arith.constant 0 : i32
      %dma_start3A_743 = tpu.memref_slice %arg10[%dma_start3A_741, %dma_start3A_742] : memref<160x128xf32, #tpu.memory_space<vmem>> -> memref<80x128xf32, #tpu.memory_space<vmem>>
      %dma_start3A_744 = arith.constant 0 : i32
      %dma_start3A_745 = tpu.memref_slice %arg8[%dma_start3A_739, %dma_start3A_740, %dma_start3A_744] : memref<2x8x80xi32, #tpu.memory_space<vmem>> -> memref<1x1x80xi32, #tpu.memory_space<vmem>>
      %dma_start3A_746 = tpu.memref_squeeze %dma_start3A_745 : memref<1x1x80xi32, #tpu.memory_space<vmem>> -> memref<80xi32, #tpu.memory_space<vmem>>
      %dma_start3A_747 = arith.constant 0 : i32
      %dma_start3A_748 = arith.constant 0 : i32
      %dma_start3A_749 = tpu.memref_slice %arg4[%dma_start3A_747, %dma_start3A_748] : memref<10112x128xf32, #tpu.memory_space<hbm>> -> memref<10112x128xf32, #tpu.memory_space<hbm>>
      tpu.enqueue_indirect_dma source(%dma_start3A_749 : memref<10112x128xf32, #tpu.memory_space<hbm>>) target(%dma_start3A_743 : memref<80x128xf32, #tpu.memory_space<vmem>>) offsets(%dma_start3A_746 : memref<80xi32, #tpu.memory_space<vmem>>) semaphore(%arg14 : memref<!tpu.dma_semaphore, #tpu.memory_space<semaphore_mem>>)
      %dma_wait3A_750 = arith.constant 1 : i32
      %dma_wait3A_751 = arith.constant 1 : i32
      %dma_wait3A_752 = arith.constant 80 : i32
      %dma_wait3A_753 = arith.constant 0 : i32
      %dma_wait3A_754 = tpu.memref_slice %arg10[%dma_wait3A_752, %dma_wait3A_753] : memref<160x128xf32, #tpu.memory_space<vmem>> -> memref<80x128xf32, #tpu.memory_space<vmem>>
      %dma_wait3A_755 = arith.constant 0 : i32
      %dma_wait3A_756 = tpu.memref_slice %arg8[%dma_wait3A_750, %dma_wait3A_751, %dma_wait3A_755] : memref<2x8x80xi32, #tpu.memory_space<vmem>> -> memref<1x1x80xi32, #tpu.memory_space<vmem>>
      %dma_wait3A_757 = tpu.memref_squeeze %dma_wait3A_756 : memref<1x1x80xi32, #tpu.memory_space<vmem>> -> memref<80xi32, #tpu.memory_space<vmem>>
      %dma_wait3A_758 = arith.constant 0 : i32
      %dma_wait3A_759 = arith.constant 0 : i32
      %dma_wait3A_760 = tpu.memref_slice %arg4[%dma_wait3A_758, %dma_wait3A_759] : memref<10112x128xf32, #tpu.memory_space<hbm>> -> memref<10112x128xf32, #tpu.memory_space<hbm>>
      tpu.wait_indirect_dma semaphore(%arg15 : memref<!tpu.dma_semaphore, #tpu.memory_space<semaphore_mem>>) src(%dma_wait3A_760 : memref<10112x128xf32, #tpu.memory_space<hbm>>) dst(%dma_wait3A_754 : memref<80x128xf32, #tpu.memory_space<vmem>>)
      "tpu.region"() ({
        %run_scoped3A_953 = tpu.sem_alloc : memref<!tpu.dma_semaphore, #tpu.memory_space<semaphore_mem>>
        %dma_start3A_954 = arith.constant 80 : i32
        %dma_start3A_955 = arith.constant 0 : i32
        %dma_start3A_956 = tpu.memref_slice %arg10[%dma_start3A_954, %dma_start3A_955] : memref<160x128xf32, #tpu.memory_space<vmem>> -> memref<80x128xf32, #tpu.memory_space<vmem>>
        %dma_start3A_957 = arith.constant 0 : i32
        %dma_start3A_958 = tpu.memref_slice %arg9[%add3A_738, %dma_start3A_957] : memref<128x80xi32, #tpu.memory_space<vmem>> -> memref<1x80xi32, #tpu.memory_space<vmem>>
        %dma_start3A_959 = tpu.memref_squeeze %dma_start3A_958 : memref<1x80xi32, #tpu.memory_space<vmem>> -> memref<80xi32, #tpu.memory_space<vmem>>
        %dma_start3A_960 = arith.constant 0 : i32
        %dma_start3A_961 = arith.constant 0 : i32
        %dma_start3A_962 = tpu.memref_slice %arg11[%dma_start3A_960, %dma_start3A_961] : memref<10112x128xf32, #tpu.memory_space<vmem_shared>> -> memref<10112x128xf32, #tpu.memory_space<vmem_shared>>
        tpu.enqueue_indirect_dma source(%dma_start3A_956 : memref<80x128xf32, #tpu.memory_space<vmem>>) target(%dma_start3A_962 : memref<10112x128xf32, #tpu.memory_space<vmem_shared>>) offsets(%dma_start3A_959 : memref<80xi32, #tpu.memory_space<vmem>>) semaphore(%run_scoped3A_953 : memref<!tpu.dma_semaphore, #tpu.memory_space<semaphore_mem>>) {add = true}
        %dma_wait3A_963 = arith.constant 80 : i32
        %dma_wait3A_964 = arith.constant 0 : i32
        %dma_wait3A_965 = tpu.memref_slice %arg10[%dma_wait3A_963, %dma_wait3A_964] : memref<160x128xf32, #tpu.memory_space<vmem>> -> memref<80x128xf32, #tpu.memory_space<vmem>>
        %dma_wait3A_966 = arith.constant 0 : i32
        %dma_wait3A_967 = tpu.memref_slice %arg9[%add3A_738, %dma_wait3A_966] : memref<128x80xi32, #tpu.memory_space<vmem>> -> memref<1x80xi32, #tpu.memory_space<vmem>>
        %dma_wait3A_968 = tpu.memref_squeeze %dma_wait3A_967 : memref<1x80xi32, #tpu.memory_space<vmem>> -> memref<80xi32, #tpu.memory_space<vmem>>
        %dma_wait3A_969 = arith.constant 0 : i32
        %dma_wait3A_970 = arith.constant 0 : i32
        %dma_wait3A_971 = tpu.memref_slice %arg11[%dma_wait3A_969, %dma_wait3A_970] : memref<10112x128xf32, #tpu.memory_space<vmem_shared>> -> memref<10112x128xf32, #tpu.memory_space<vmem_shared>>
        tpu.wait_indirect_dma semaphore(%run_scoped3A_953 : memref<!tpu.dma_semaphore, #tpu.memory_space<semaphore_mem>>) src(%dma_wait3A_965 : memref<80x128xf32, #tpu.memory_space<vmem>>) dst(%dma_wait3A_971 : memref<10112x128xf32, #tpu.memory_space<vmem_shared>>)
        tpu.yield
      }) : () -> ()
      %mul3A_761 = arith.constant 8 : i32
      %mul3A_762 = arith.muli %add3A_706, %mul3A_761 : i32
      %add3A_763 = arith.constant 2 : i32
      %add3A_764 = arith.addi %mul3A_762, %add3A_763 : i32
      %dma_start3A_765 = arith.constant 1 : i32
      %dma_start3A_766 = arith.constant 3 : i32
      %dma_start3A_767 = arith.constant 80 : i32
      %dma_start3A_768 = arith.constant 0 : i32
      %dma_start3A_769 = tpu.memref_slice %arg10[%dma_start3A_767, %dma_start3A_768] : memref<160x128xf32, #tpu.memory_space<vmem>> -> memref<80x128xf32, #tpu.memory_space<vmem>>
      %dma_start3A_770 = arith.constant 0 : i32
      %dma_start3A_771 = tpu.memref_slice %arg8[%dma_start3A_765, %dma_start3A_766, %dma_start3A_770] : memref<2x8x80xi32, #tpu.memory_space<vmem>> -> memref<1x1x80xi32, #tpu.memory_space<vmem>>
      %dma_start3A_772 = tpu.memref_squeeze %dma_start3A_771 : memref<1x1x80xi32, #tpu.memory_space<vmem>> -> memref<80xi32, #tpu.memory_space<vmem>>
      %dma_start3A_773 = arith.constant 0 : i32
      %dma_start3A_774 = arith.constant 0 : i32
      %dma_start3A_775 = tpu.memref_slice %arg4[%dma_start3A_773, %dma_start3A_774] : memref<10112x128xf32, #tpu.memory_space<hbm>> -> memref<10112x128xf32, #tpu.memory_space<hbm>>
      tpu.enqueue_indirect_dma source(%dma_start3A_775 : memref<10112x128xf32, #tpu.memory_space<hbm>>) target(%dma_start3A_769 : memref<80x128xf32, #tpu.memory_space<vmem>>) offsets(%dma_start3A_772 : memref<80xi32, #tpu.memory_space<vmem>>) semaphore(%arg15 : memref<!tpu.dma_semaphore, #tpu.memory_space<semaphore_mem>>)
      %dma_wait3A_776 = arith.constant 1 : i32
      %dma_wait3A_777 = arith.constant 2 : i32
      %dma_wait3A_778 = arith.constant 0 : i32
      %dma_wait3A_779 = arith.constant 0 : i32
      %dma_wait3A_780 = tpu.memref_slice %arg10[%dma_wait3A_778, %dma_wait3A_779] : memref<160x128xf32, #tpu.memory_space<vmem>> -> memref<80x128xf32, #tpu.memory_space<vmem>>
      %dma_wait3A_781 = arith.constant 0 : i32
      %dma_wait3A_782 = tpu.memref_slice %arg8[%dma_wait3A_776, %dma_wait3A_777, %dma_wait3A_781] : memref<2x8x80xi32, #tpu.memory_space<vmem>> -> memref<1x1x80xi32, #tpu.memory_space<vmem>>
      %dma_wait3A_783 = tpu.memref_squeeze %dma_wait3A_782 : memref<1x1x80xi32, #tpu.memory_space<vmem>> -> memref<80xi32, #tpu.memory_space<vmem>>
      %dma_wait3A_784 = arith.constant 0 : i32
      %dma_wait3A_785 = arith.constant 0 : i32
      %dma_wait3A_786 = tpu.memref_slice %arg4[%dma_wait3A_784, %dma_wait3A_785] : memref<10112x128xf32, #tpu.memory_space<hbm>> -> memref<10112x128xf32, #tpu.memory_space<hbm>>
      tpu.wait_indirect_dma semaphore(%arg14 : memref<!tpu.dma_semaphore, #tpu.memory_space<semaphore_mem>>) src(%dma_wait3A_786 : memref<10112x128xf32, #tpu.memory_space<hbm>>) dst(%dma_wait3A_780 : memref<80x128xf32, #tpu.memory_space<vmem>>)
      "tpu.region"() ({
        %run_scoped3A_953 = tpu.sem_alloc : memref<!tpu.dma_semaphore, #tpu.memory_space<semaphore_mem>>
        %dma_start3A_954 = arith.constant 0 : i32
        %dma_start3A_955 = arith.constant 0 : i32
        %dma_start3A_956 = tpu.memref_slice %arg10[%dma_start3A_954, %dma_start3A_955] : memref<160x128xf32, #tpu.memory_space<vmem>> -> memref<80x128xf32, #tpu.memory_space<vmem>>
        %dma_start3A_957 = arith.constant 0 : i32
        %dma_start3A_958 = tpu.memref_slice %arg9[%add3A_764, %dma_start3A_957] : memref<128x80xi32, #tpu.memory_space<vmem>> -> memref<1x80xi32, #tpu.memory_space<vmem>>
        %dma_start3A_959 = tpu.memref_squeeze %dma_start3A_958 : memref<1x80xi32, #tpu.memory_space<vmem>> -> memref<80xi32, #tpu.memory_space<vmem>>
        %dma_start3A_960 = arith.constant 0 : i32
        %dma_start3A_961 = arith.constant 0 : i32
        %dma_start3A_962 = tpu.memref_slice %arg11[%dma_start3A_960, %dma_start3A_961] : memref<10112x128xf32, #tpu.memory_space<vmem_shared>> -> memref<10112x128xf32, #tpu.memory_space<vmem_shared>>
        tpu.enqueue_indirect_dma source(%dma_start3A_956 : memref<80x128xf32, #tpu.memory_space<vmem>>) target(%dma_start3A_962 : memref<10112x128xf32, #tpu.memory_space<vmem_shared>>) offsets(%dma_start3A_959 : memref<80xi32, #tpu.memory_space<vmem>>) semaphore(%run_scoped3A_953 : memref<!tpu.dma_semaphore, #tpu.memory_space<semaphore_mem>>) {add = true}
        %dma_wait3A_963 = arith.constant 0 : i32
        %dma_wait3A_964 = arith.constant 0 : i32
        %dma_wait3A_965 = tpu.memref_slice %arg10[%dma_wait3A_963, %dma_wait3A_964] : memref<160x128xf32, #tpu.memory_space<vmem>> -> memref<80x128xf32, #tpu.memory_space<vmem>>
        %dma_wait3A_966 = arith.constant 0 : i32
        %dma_wait3A_967 = tpu.memref_slice %arg9[%add3A_764, %dma_wait3A_966] : memref<128x80xi32, #tpu.memory_space<vmem>> -> memref<1x80xi32, #tpu.memory_space<vmem>>
        %dma_wait3A_968 = tpu.memref_squeeze %dma_wait3A_967 : memref<1x80xi32, #tpu.memory_space<vmem>> -> memref<80xi32, #tpu.memory_space<vmem>>
        %dma_wait3A_969 = arith.constant 0 : i32
        %dma_wait3A_970 = arith.constant 0 : i32
        %dma_wait3A_971 = tpu.memref_slice %arg11[%dma_wait3A_969, %dma_wait3A_970] : memref<10112x128xf32, #tpu.memory_space<vmem_shared>> -> memref<10112x128xf32, #tpu.memory_space<vmem_shared>>
        tpu.wait_indirect_dma semaphore(%run_scoped3A_953 : memref<!tpu.dma_semaphore, #tpu.memory_space<semaphore_mem>>) src(%dma_wait3A_965 : memref<80x128xf32, #tpu.memory_space<vmem>>) dst(%dma_wait3A_971 : memref<10112x128xf32, #tpu.memory_space<vmem_shared>>)
        tpu.yield
      }) : () -> ()
      %mul3A_787 = arith.constant 8 : i32
      %mul3A_788 = arith.muli %add3A_706, %mul3A_787 : i32
      %add3A_789 = arith.constant 3 : i32
      %add3A_790 = arith.addi %mul3A_788, %add3A_789 : i32
      %dma_start3A_791 = arith.constant 1 : i32
      %dma_start3A_792 = arith.constant 4 : i32
      %dma_start3A_793 = arith.constant 0 : i32
      %dma_start3A_794 = arith.constant 0 : i32
      %dma_start3A_795 = tpu.memref_slice %arg10[%dma_start3A_793, %dma_start3A_794] : memref<160x128xf32, #tpu.memory_space<vmem>> -> memref<80x128xf32, #tpu.memory_space<vmem>>
      %dma_start3A_796 = arith.constant 0 : i32
      %dma_start3A_797 = tpu.memref_slice %arg8[%dma_start3A_791, %dma_start3A_792, %dma_start3A_796] : memref<2x8x80xi32, #tpu.memory_space<vmem>> -> memref<1x1x80xi32, #tpu.memory_space<vmem>>
      %dma_start3A_798 = tpu.memref_squeeze %dma_start3A_797 : memref<1x1x80xi32, #tpu.memory_space<vmem>> -> memref<80xi32, #tpu.memory_space<vmem>>
      %dma_start3A_799 = arith.constant 0 : i32
      %dma_start3A_800 = arith.constant 0 : i32
      %dma_start3A_801 = tpu.memref_slice %arg4[%dma_start3A_799, %dma_start3A_800] : memref<10112x128xf32, #tpu.memory_space<hbm>> -> memref<10112x128xf32, #tpu.memory_space<hbm>>
      tpu.enqueue_indirect_dma source(%dma_start3A_801 : memref<10112x128xf32, #tpu.memory_space<hbm>>) target(%dma_start3A_795 : memref<80x128xf32, #tpu.memory_space<vmem>>) offsets(%dma_start3A_798 : memref<80xi32, #tpu.memory_space<vmem>>) semaphore(%arg14 : memref<!tpu.dma_semaphore, #tpu.memory_space<semaphore_mem>>)
      %dma_wait3A_802 = arith.constant 1 : i32
      %dma_wait3A_803 = arith.constant 3 : i32
      %dma_wait3A_804 = arith.constant 80 : i32
      %dma_wait3A_805 = arith.constant 0 : i32
      %dma_wait3A_806 = tpu.memref_slice %arg10[%dma_wait3A_804, %dma_wait3A_805] : memref<160x128xf32, #tpu.memory_space<vmem>> -> memref<80x128xf32, #tpu.memory_space<vmem>>
      %dma_wait3A_807 = arith.constant 0 : i32
      %dma_wait3A_808 = tpu.memref_slice %arg8[%dma_wait3A_802, %dma_wait3A_803, %dma_wait3A_807] : memref<2x8x80xi32, #tpu.memory_space<vmem>> -> memref<1x1x80xi32, #tpu.memory_space<vmem>>
      %dma_wait3A_809 = tpu.memref_squeeze %dma_wait3A_808 : memref<1x1x80xi32, #tpu.memory_space<vmem>> -> memref<80xi32, #tpu.memory_space<vmem>>
      %dma_wait3A_810 = arith.constant 0 : i32
      %dma_wait3A_811 = arith.constant 0 : i32
      %dma_wait3A_812 = tpu.memref_slice %arg4[%dma_wait3A_810, %dma_wait3A_811] : memref<10112x128xf32, #tpu.memory_space<hbm>> -> memref<10112x128xf32, #tpu.memory_space<hbm>>
      tpu.wait_indirect_dma semaphore(%arg15 : memref<!tpu.dma_semaphore, #tpu.memory_space<semaphore_mem>>) src(%dma_wait3A_812 : memref<10112x128xf32, #tpu.memory_space<hbm>>) dst(%dma_wait3A_806 : memref<80x128xf32, #tpu.memory_space<vmem>>)
      "tpu.region"() ({
        %run_scoped3A_953 = tpu.sem_alloc : memref<!tpu.dma_semaphore, #tpu.memory_space<semaphore_mem>>
        %dma_start3A_954 = arith.constant 80 : i32
        %dma_start3A_955 = arith.constant 0 : i32
        %dma_start3A_956 = tpu.memref_slice %arg10[%dma_start3A_954, %dma_start3A_955] : memref<160x128xf32, #tpu.memory_space<vmem>> -> memref<80x128xf32, #tpu.memory_space<vmem>>
        %dma_start3A_957 = arith.constant 0 : i32
        %dma_start3A_958 = tpu.memref_slice %arg9[%add3A_790, %dma_start3A_957] : memref<128x80xi32, #tpu.memory_space<vmem>> -> memref<1x80xi32, #tpu.memory_space<vmem>>
        %dma_start3A_959 = tpu.memref_squeeze %dma_start3A_958 : memref<1x80xi32, #tpu.memory_space<vmem>> -> memref<80xi32, #tpu.memory_space<vmem>>
        %dma_start3A_960 = arith.constant 0 : i32
        %dma_start3A_961 = arith.constant 0 : i32
        %dma_start3A_962 = tpu.memref_slice %arg11[%dma_start3A_960, %dma_start3A_961] : memref<10112x128xf32, #tpu.memory_space<vmem_shared>> -> memref<10112x128xf32, #tpu.memory_space<vmem_shared>>
        tpu.enqueue_indirect_dma source(%dma_start3A_956 : memref<80x128xf32, #tpu.memory_space<vmem>>) target(%dma_start3A_962 : memref<10112x128xf32, #tpu.memory_space<vmem_shared>>) offsets(%dma_start3A_959 : memref<80xi32, #tpu.memory_space<vmem>>) semaphore(%run_scoped3A_953 : memref<!tpu.dma_semaphore, #tpu.memory_space<semaphore_mem>>) {add = true}
        %dma_wait3A_963 = arith.constant 80 : i32
        %dma_wait3A_964 = arith.constant 0 : i32
        %dma_wait3A_965 = tpu.memref_slice %arg10[%dma_wait3A_963, %dma_wait3A_964] : memref<160x128xf32, #tpu.memory_space<vmem>> -> memref<80x128xf32, #tpu.memory_space<vmem>>
        %dma_wait3A_966 = arith.constant 0 : i32
        %dma_wait3A_967 = tpu.memref_slice %arg9[%add3A_790, %dma_wait3A_966] : memref<128x80xi32, #tpu.memory_space<vmem>> -> memref<1x80xi32, #tpu.memory_space<vmem>>
        %dma_wait3A_968 = tpu.memref_squeeze %dma_wait3A_967 : memref<1x80xi32, #tpu.memory_space<vmem>> -> memref<80xi32, #tpu.memory_space<vmem>>
        %dma_wait3A_969 = arith.constant 0 : i32
        %dma_wait3A_970 = arith.constant 0 : i32
        %dma_wait3A_971 = tpu.memref_slice %arg11[%dma_wait3A_969, %dma_wait3A_970] : memref<10112x128xf32, #tpu.memory_space<vmem_shared>> -> memref<10112x128xf32, #tpu.memory_space<vmem_shared>>
        tpu.wait_indirect_dma semaphore(%run_scoped3A_953 : memref<!tpu.dma_semaphore, #tpu.memory_space<semaphore_mem>>) src(%dma_wait3A_965 : memref<80x128xf32, #tpu.memory_space<vmem>>) dst(%dma_wait3A_971 : memref<10112x128xf32, #tpu.memory_space<vmem_shared>>)
        tpu.yield
      }) : () -> ()
      %mul3A_813 = arith.constant 8 : i32
      %mul3A_814 = arith.muli %add3A_706, %mul3A_813 : i32
      %add3A_815 = arith.constant 4 : i32
      %add3A_816 = arith.addi %mul3A_814, %add3A_815 : i32
      %dma_start3A_817 = arith.constant 1 : i32
      %dma_start3A_818 = arith.constant 5 : i32
      %dma_start3A_819 = arith.constant 80 : i32
      %dma_start3A_820 = arith.constant 0 : i32
      %dma_start3A_821 = tpu.memref_slice %arg10[%dma_start3A_819, %dma_start3A_820] : memref<160x128xf32, #tpu.memory_space<vmem>> -> memref<80x128xf32, #tpu.memory_space<vmem>>
      %dma_start3A_822 = arith.constant 0 : i32
      %dma_start3A_823 = tpu.memref_slice %arg8[%dma_start3A_817, %dma_start3A_818, %dma_start3A_822] : memref<2x8x80xi32, #tpu.memory_space<vmem>> -> memref<1x1x80xi32, #tpu.memory_space<vmem>>
      %dma_start3A_824 = tpu.memref_squeeze %dma_start3A_823 : memref<1x1x80xi32, #tpu.memory_space<vmem>> -> memref<80xi32, #tpu.memory_space<vmem>>
      %dma_start3A_825 = arith.constant 0 : i32
      %dma_start3A_826 = arith.constant 0 : i32
      %dma_start3A_827 = tpu.memref_slice %arg4[%dma_start3A_825, %dma_start3A_826] : memref<10112x128xf32, #tpu.memory_space<hbm>> -> memref<10112x128xf32, #tpu.memory_space<hbm>>
      tpu.enqueue_indirect_dma source(%dma_start3A_827 : memref<10112x128xf32, #tpu.memory_space<hbm>>) target(%dma_start3A_821 : memref<80x128xf32, #tpu.memory_space<vmem>>) offsets(%dma_start3A_824 : memref<80xi32, #tpu.memory_space<vmem>>) semaphore(%arg15 : memref<!tpu.dma_semaphore, #tpu.memory_space<semaphore_mem>>)
      %dma_wait3A_828 = arith.constant 1 : i32
      %dma_wait3A_829 = arith.constant 4 : i32
      %dma_wait3A_830 = arith.constant 0 : i32
      %dma_wait3A_831 = arith.constant 0 : i32
      %dma_wait3A_832 = tpu.memref_slice %arg10[%dma_wait3A_830, %dma_wait3A_831] : memref<160x128xf32, #tpu.memory_space<vmem>> -> memref<80x128xf32, #tpu.memory_space<vmem>>
      %dma_wait3A_833 = arith.constant 0 : i32
      %dma_wait3A_834 = tpu.memref_slice %arg8[%dma_wait3A_828, %dma_wait3A_829, %dma_wait3A_833] : memref<2x8x80xi32, #tpu.memory_space<vmem>> -> memref<1x1x80xi32, #tpu.memory_space<vmem>>
      %dma_wait3A_835 = tpu.memref_squeeze %dma_wait3A_834 : memref<1x1x80xi32, #tpu.memory_space<vmem>> -> memref<80xi32, #tpu.memory_space<vmem>>
      %dma_wait3A_836 = arith.constant 0 : i32
      %dma_wait3A_837 = arith.constant 0 : i32
      %dma_wait3A_838 = tpu.memref_slice %arg4[%dma_wait3A_836, %dma_wait3A_837] : memref<10112x128xf32, #tpu.memory_space<hbm>> -> memref<10112x128xf32, #tpu.memory_space<hbm>>
      tpu.wait_indirect_dma semaphore(%arg14 : memref<!tpu.dma_semaphore, #tpu.memory_space<semaphore_mem>>) src(%dma_wait3A_838 : memref<10112x128xf32, #tpu.memory_space<hbm>>) dst(%dma_wait3A_832 : memref<80x128xf32, #tpu.memory_space<vmem>>)
      "tpu.region"() ({
        %run_scoped3A_953 = tpu.sem_alloc : memref<!tpu.dma_semaphore, #tpu.memory_space<semaphore_mem>>
        %dma_start3A_954 = arith.constant 0 : i32
        %dma_start3A_955 = arith.constant 0 : i32
        %dma_start3A_956 = tpu.memref_slice %arg10[%dma_start3A_954, %dma_start3A_955] : memref<160x128xf32, #tpu.memory_space<vmem>> -> memref<80x128xf32, #tpu.memory_space<vmem>>
        %dma_start3A_957 = arith.constant 0 : i32
        %dma_start3A_958 = tpu.memref_slice %arg9[%add3A_816, %dma_start3A_957] : memref<128x80xi32, #tpu.memory_space<vmem>> -> memref<1x80xi32, #tpu.memory_space<vmem>>
        %dma_start3A_959 = tpu.memref_squeeze %dma_start3A_958 : memref<1x80xi32, #tpu.memory_space<vmem>> -> memref<80xi32, #tpu.memory_space<vmem>>
        %dma_start3A_960 = arith.constant 0 : i32
        %dma_start3A_961 = arith.constant 0 : i32
        %dma_start3A_962 = tpu.memref_slice %arg11[%dma_start3A_960, %dma_start3A_961] : memref<10112x128xf32, #tpu.memory_space<vmem_shared>> -> memref<10112x128xf32, #tpu.memory_space<vmem_shared>>
        tpu.enqueue_indirect_dma source(%dma_start3A_956 : memref<80x128xf32, #tpu.memory_space<vmem>>) target(%dma_start3A_962 : memref<10112x128xf32, #tpu.memory_space<vmem_shared>>) offsets(%dma_start3A_959 : memref<80xi32, #tpu.memory_space<vmem>>) semaphore(%run_scoped3A_953 : memref<!tpu.dma_semaphore, #tpu.memory_space<semaphore_mem>>) {add = true}
        %dma_wait3A_963 = arith.constant 0 : i32
        %dma_wait3A_964 = arith.constant 0 : i32
        %dma_wait3A_965 = tpu.memref_slice %arg10[%dma_wait3A_963, %dma_wait3A_964] : memref<160x128xf32, #tpu.memory_space<vmem>> -> memref<80x128xf32, #tpu.memory_space<vmem>>
        %dma_wait3A_966 = arith.constant 0 : i32
        %dma_wait3A_967 = tpu.memref_slice %arg9[%add3A_816, %dma_wait3A_966] : memref<128x80xi32, #tpu.memory_space<vmem>> -> memref<1x80xi32, #tpu.memory_space<vmem>>
        %dma_wait3A_968 = tpu.memref_squeeze %dma_wait3A_967 : memref<1x80xi32, #tpu.memory_space<vmem>> -> memref<80xi32, #tpu.memory_space<vmem>>
        %dma_wait3A_969 = arith.constant 0 : i32
        %dma_wait3A_970 = arith.constant 0 : i32
        %dma_wait3A_971 = tpu.memref_slice %arg11[%dma_wait3A_969, %dma_wait3A_970] : memref<10112x128xf32, #tpu.memory_space<vmem_shared>> -> memref<10112x128xf32, #tpu.memory_space<vmem_shared>>
        tpu.wait_indirect_dma semaphore(%run_scoped3A_953 : memref<!tpu.dma_semaphore, #tpu.memory_space<semaphore_mem>>) src(%dma_wait3A_965 : memref<80x128xf32, #tpu.memory_space<vmem>>) dst(%dma_wait3A_971 : memref<10112x128xf32, #tpu.memory_space<vmem_shared>>)
        tpu.yield
      }) : () -> ()
      %mul3A_839 = arith.constant 8 : i32
      %mul3A_840 = arith.muli %add3A_706, %mul3A_839 : i32
      %add3A_841 = arith.constant 5 : i32
      %add3A_842 = arith.addi %mul3A_840, %add3A_841 : i32
      %dma_start3A_843 = arith.constant 1 : i32
      %dma_start3A_844 = arith.constant 6 : i32
      %dma_start3A_845 = arith.constant 0 : i32
      %dma_start3A_846 = arith.constant 0 : i32
      %dma_start3A_847 = tpu.memref_slice %arg10[%dma_start3A_845, %dma_start3A_846] : memref<160x128xf32, #tpu.memory_space<vmem>> -> memref<80x128xf32, #tpu.memory_space<vmem>>
      %dma_start3A_848 = arith.constant 0 : i32
      %dma_start3A_849 = tpu.memref_slice %arg8[%dma_start3A_843, %dma_start3A_844, %dma_start3A_848] : memref<2x8x80xi32, #tpu.memory_space<vmem>> -> memref<1x1x80xi32, #tpu.memory_space<vmem>>
      %dma_start3A_850 = tpu.memref_squeeze %dma_start3A_849 : memref<1x1x80xi32, #tpu.memory_space<vmem>> -> memref<80xi32, #tpu.memory_space<vmem>>
      %dma_start3A_851 = arith.constant 0 : i32
      %dma_start3A_852 = arith.constant 0 : i32
      %dma_start3A_853 = tpu.memref_slice %arg4[%dma_start3A_851, %dma_start3A_852] : memref<10112x128xf32, #tpu.memory_space<hbm>> -> memref<10112x128xf32, #tpu.memory_space<hbm>>
      tpu.enqueue_indirect_dma source(%dma_start3A_853 : memref<10112x128xf32, #tpu.memory_space<hbm>>) target(%dma_start3A_847 : memref<80x128xf32, #tpu.memory_space<vmem>>) offsets(%dma_start3A_850 : memref<80xi32, #tpu.memory_space<vmem>>) semaphore(%arg14 : memref<!tpu.dma_semaphore, #tpu.memory_space<semaphore_mem>>)
      %dma_wait3A_854 = arith.constant 1 : i32
      %dma_wait3A_855 = arith.constant 5 : i32
      %dma_wait3A_856 = arith.constant 80 : i32
      %dma_wait3A_857 = arith.constant 0 : i32
      %dma_wait3A_858 = tpu.memref_slice %arg10[%dma_wait3A_856, %dma_wait3A_857] : memref<160x128xf32, #tpu.memory_space<vmem>> -> memref<80x128xf32, #tpu.memory_space<vmem>>
      %dma_wait3A_859 = arith.constant 0 : i32
      %dma_wait3A_860 = tpu.memref_slice %arg8[%dma_wait3A_854, %dma_wait3A_855, %dma_wait3A_859] : memref<2x8x80xi32, #tpu.memory_space<vmem>> -> memref<1x1x80xi32, #tpu.memory_space<vmem>>
      %dma_wait3A_861 = tpu.memref_squeeze %dma_wait3A_860 : memref<1x1x80xi32, #tpu.memory_space<vmem>> -> memref<80xi32, #tpu.memory_space<vmem>>
      %dma_wait3A_862 = arith.constant 0 : i32
      %dma_wait3A_863 = arith.constant 0 : i32
      %dma_wait3A_864 = tpu.memref_slice %arg4[%dma_wait3A_862, %dma_wait3A_863] : memref<10112x128xf32, #tpu.memory_space<hbm>> -> memref<10112x128xf32, #tpu.memory_space<hbm>>
      tpu.wait_indirect_dma semaphore(%arg15 : memref<!tpu.dma_semaphore, #tpu.memory_space<semaphore_mem>>) src(%dma_wait3A_864 : memref<10112x128xf32, #tpu.memory_space<hbm>>) dst(%dma_wait3A_858 : memref<80x128xf32, #tpu.memory_space<vmem>>)
      "tpu.region"() ({
        %run_scoped3A_953 = tpu.sem_alloc : memref<!tpu.dma_semaphore, #tpu.memory_space<semaphore_mem>>
        %dma_start3A_954 = arith.constant 80 : i32
        %dma_start3A_955 = arith.constant 0 : i32
        %dma_start3A_956 = tpu.memref_slice %arg10[%dma_start3A_954, %dma_start3A_955] : memref<160x128xf32, #tpu.memory_space<vmem>> -> memref<80x128xf32, #tpu.memory_space<vmem>>
        %dma_start3A_957 = arith.constant 0 : i32
        %dma_start3A_958 = tpu.memref_slice %arg9[%add3A_842, %dma_start3A_957] : memref<128x80xi32, #tpu.memory_space<vmem>> -> memref<1x80xi32, #tpu.memory_space<vmem>>
        %dma_start3A_959 = tpu.memref_squeeze %dma_start3A_958 : memref<1x80xi32, #tpu.memory_space<vmem>> -> memref<80xi32, #tpu.memory_space<vmem>>
        %dma_start3A_960 = arith.constant 0 : i32
        %dma_start3A_961 = arith.constant 0 : i32
        %dma_start3A_962 = tpu.memref_slice %arg11[%dma_start3A_960, %dma_start3A_961] : memref<10112x128xf32, #tpu.memory_space<vmem_shared>> -> memref<10112x128xf32, #tpu.memory_space<vmem_shared>>
        tpu.enqueue_indirect_dma source(%dma_start3A_956 : memref<80x128xf32, #tpu.memory_space<vmem>>) target(%dma_start3A_962 : memref<10112x128xf32, #tpu.memory_space<vmem_shared>>) offsets(%dma_start3A_959 : memref<80xi32, #tpu.memory_space<vmem>>) semaphore(%run_scoped3A_953 : memref<!tpu.dma_semaphore, #tpu.memory_space<semaphore_mem>>) {add = true}
        %dma_wait3A_963 = arith.constant 80 : i32
        %dma_wait3A_964 = arith.constant 0 : i32
        %dma_wait3A_965 = tpu.memref_slice %arg10[%dma_wait3A_963, %dma_wait3A_964] : memref<160x128xf32, #tpu.memory_space<vmem>> -> memref<80x128xf32, #tpu.memory_space<vmem>>
        %dma_wait3A_966 = arith.constant 0 : i32
        %dma_wait3A_967 = tpu.memref_slice %arg9[%add3A_842, %dma_wait3A_966] : memref<128x80xi32, #tpu.memory_space<vmem>> -> memref<1x80xi32, #tpu.memory_space<vmem>>
        %dma_wait3A_968 = tpu.memref_squeeze %dma_wait3A_967 : memref<1x80xi32, #tpu.memory_space<vmem>> -> memref<80xi32, #tpu.memory_space<vmem>>
        %dma_wait3A_969 = arith.constant 0 : i32
        %dma_wait3A_970 = arith.constant 0 : i32
        %dma_wait3A_971 = tpu.memref_slice %arg11[%dma_wait3A_969, %dma_wait3A_970] : memref<10112x128xf32, #tpu.memory_space<vmem_shared>> -> memref<10112x128xf32, #tpu.memory_space<vmem_shared>>
        tpu.wait_indirect_dma semaphore(%run_scoped3A_953 : memref<!tpu.dma_semaphore, #tpu.memory_space<semaphore_mem>>) src(%dma_wait3A_965 : memref<80x128xf32, #tpu.memory_space<vmem>>) dst(%dma_wait3A_971 : memref<10112x128xf32, #tpu.memory_space<vmem_shared>>)
        tpu.yield
      }) : () -> ()
      %mul3A_865 = arith.constant 8 : i32
      %mul3A_866 = arith.muli %add3A_706, %mul3A_865 : i32
      %add3A_867 = arith.constant 6 : i32
      %add3A_868 = arith.addi %mul3A_866, %add3A_867 : i32
      %dma_start3A_869 = arith.constant 1 : i32
      %dma_start3A_870 = arith.constant 7 : i32
      %dma_start3A_871 = arith.constant 80 : i32
      %dma_start3A_872 = arith.constant 0 : i32
      %dma_start3A_873 = tpu.memref_slice %arg10[%dma_start3A_871, %dma_start3A_872] : memref<160x128xf32, #tpu.memory_space<vmem>> -> memref<80x128xf32, #tpu.memory_space<vmem>>
      %dma_start3A_874 = arith.constant 0 : i32
      %dma_start3A_875 = tpu.memref_slice %arg8[%dma_start3A_869, %dma_start3A_870, %dma_start3A_874] : memref<2x8x80xi32, #tpu.memory_space<vmem>> -> memref<1x1x80xi32, #tpu.memory_space<vmem>>
      %dma_start3A_876 = tpu.memref_squeeze %dma_start3A_875 : memref<1x1x80xi32, #tpu.memory_space<vmem>> -> memref<80xi32, #tpu.memory_space<vmem>>
      %dma_start3A_877 = arith.constant 0 : i32
      %dma_start3A_878 = arith.constant 0 : i32
      %dma_start3A_879 = tpu.memref_slice %arg4[%dma_start3A_877, %dma_start3A_878] : memref<10112x128xf32, #tpu.memory_space<hbm>> -> memref<10112x128xf32, #tpu.memory_space<hbm>>
      tpu.enqueue_indirect_dma source(%dma_start3A_879 : memref<10112x128xf32, #tpu.memory_space<hbm>>) target(%dma_start3A_873 : memref<80x128xf32, #tpu.memory_space<vmem>>) offsets(%dma_start3A_876 : memref<80xi32, #tpu.memory_space<vmem>>) semaphore(%arg15 : memref<!tpu.dma_semaphore, #tpu.memory_space<semaphore_mem>>)
      %dma_wait3A_880 = arith.constant 1 : i32
      %dma_wait3A_881 = arith.constant 6 : i32
      %dma_wait3A_882 = arith.constant 0 : i32
      %dma_wait3A_883 = arith.constant 0 : i32
      %dma_wait3A_884 = tpu.memref_slice %arg10[%dma_wait3A_882, %dma_wait3A_883] : memref<160x128xf32, #tpu.memory_space<vmem>> -> memref<80x128xf32, #tpu.memory_space<vmem>>
      %dma_wait3A_885 = arith.constant 0 : i32
      %dma_wait3A_886 = tpu.memref_slice %arg8[%dma_wait3A_880, %dma_wait3A_881, %dma_wait3A_885] : memref<2x8x80xi32, #tpu.memory_space<vmem>> -> memref<1x1x80xi32, #tpu.memory_space<vmem>>
      %dma_wait3A_887 = tpu.memref_squeeze %dma_wait3A_886 : memref<1x1x80xi32, #tpu.memory_space<vmem>> -> memref<80xi32, #tpu.memory_space<vmem>>
      %dma_wait3A_888 = arith.constant 0 : i32
      %dma_wait3A_889 = arith.constant 0 : i32
      %dma_wait3A_890 = tpu.memref_slice %arg4[%dma_wait3A_888, %dma_wait3A_889] : memref<10112x128xf32, #tpu.memory_space<hbm>> -> memref<10112x128xf32, #tpu.memory_space<hbm>>
      tpu.wait_indirect_dma semaphore(%arg14 : memref<!tpu.dma_semaphore, #tpu.memory_space<semaphore_mem>>) src(%dma_wait3A_890 : memref<10112x128xf32, #tpu.memory_space<hbm>>) dst(%dma_wait3A_884 : memref<80x128xf32, #tpu.memory_space<vmem>>)
      "tpu.region"() ({
        %run_scoped3A_953 = tpu.sem_alloc : memref<!tpu.dma_semaphore, #tpu.memory_space<semaphore_mem>>
        %dma_start3A_954 = arith.constant 0 : i32
        %dma_start3A_955 = arith.constant 0 : i32
        %dma_start3A_956 = tpu.memref_slice %arg10[%dma_start3A_954, %dma_start3A_955] : memref<160x128xf32, #tpu.memory_space<vmem>> -> memref<80x128xf32, #tpu.memory_space<vmem>>
        %dma_start3A_957 = arith.constant 0 : i32
        %dma_start3A_958 = tpu.memref_slice %arg9[%add3A_868, %dma_start3A_957] : memref<128x80xi32, #tpu.memory_space<vmem>> -> memref<1x80xi32, #tpu.memory_space<vmem>>
        %dma_start3A_959 = tpu.memref_squeeze %dma_start3A_958 : memref<1x80xi32, #tpu.memory_space<vmem>> -> memref<80xi32, #tpu.memory_space<vmem>>
        %dma_start3A_960 = arith.constant 0 : i32
        %dma_start3A_961 = arith.constant 0 : i32
        %dma_start3A_962 = tpu.memref_slice %arg11[%dma_start3A_960, %dma_start3A_961] : memref<10112x128xf32, #tpu.memory_space<vmem_shared>> -> memref<10112x128xf32, #tpu.memory_space<vmem_shared>>
        tpu.enqueue_indirect_dma source(%dma_start3A_956 : memref<80x128xf32, #tpu.memory_space<vmem>>) target(%dma_start3A_962 : memref<10112x128xf32, #tpu.memory_space<vmem_shared>>) offsets(%dma_start3A_959 : memref<80xi32, #tpu.memory_space<vmem>>) semaphore(%run_scoped3A_953 : memref<!tpu.dma_semaphore, #tpu.memory_space<semaphore_mem>>) {add = true}
        %dma_wait3A_963 = arith.constant 0 : i32
        %dma_wait3A_964 = arith.constant 0 : i32
        %dma_wait3A_965 = tpu.memref_slice %arg10[%dma_wait3A_963, %dma_wait3A_964] : memref<160x128xf32, #tpu.memory_space<vmem>> -> memref<80x128xf32, #tpu.memory_space<vmem>>
        %dma_wait3A_966 = arith.constant 0 : i32
        %dma_wait3A_967 = tpu.memref_slice %arg9[%add3A_868, %dma_wait3A_966] : memref<128x80xi32, #tpu.memory_space<vmem>> -> memref<1x80xi32, #tpu.memory_space<vmem>>
        %dma_wait3A_968 = tpu.memref_squeeze %dma_wait3A_967 : memref<1x80xi32, #tpu.memory_space<vmem>> -> memref<80xi32, #tpu.memory_space<vmem>>
        %dma_wait3A_969 = arith.constant 0 : i32
        %dma_wait3A_970 = arith.constant 0 : i32
        %dma_wait3A_971 = tpu.memref_slice %arg11[%dma_wait3A_969, %dma_wait3A_970] : memref<10112x128xf32, #tpu.memory_space<vmem_shared>> -> memref<10112x128xf32, #tpu.memory_space<vmem_shared>>
        tpu.wait_indirect_dma semaphore(%run_scoped3A_953 : memref<!tpu.dma_semaphore, #tpu.memory_space<semaphore_mem>>) src(%dma_wait3A_965 : memref<80x128xf32, #tpu.memory_space<vmem>>) dst(%dma_wait3A_971 : memref<10112x128xf32, #tpu.memory_space<vmem_shared>>)
        tpu.yield
      }) : () -> ()
      %mul3A_891 = arith.constant 8 : i32
      %mul3A_892 = arith.muli %add3A_706, %mul3A_891 : i32
      %add3A_893 = arith.constant 7 : i32
      %add3A_894 = arith.addi %mul3A_892, %add3A_893 : i32
      %dma_wait3A_895 = arith.constant 0 : i32
      %dma_wait3A_896 = arith.constant 0 : i32
      %dma_wait3A_897 = arith.constant 0 : i32
      %dma_wait3A_898 = tpu.memref_slice %arg8[%dma_wait3A_895, %dma_wait3A_896, %dma_wait3A_897] : memref<2x8x80xi32, #tpu.memory_space<vmem>> -> memref<1x8x80xi32, #tpu.memory_space<vmem>>
      %dma_wait3A_899 = tpu.memref_squeeze %dma_wait3A_898 : memref<1x8x80xi32, #tpu.memory_space<vmem>> -> memref<8x80xi32, #tpu.memory_space<vmem>>
      %dma_wait3A_900 = arith.constant 0 : i32
      %dma_wait3A_901 = arith.constant 0 : i32
      %dma_wait3A_902 = tpu.memref_slice %arg2[%add3A, %add3A_708, %dma_wait3A_900, %dma_wait3A_901] : memref<32x16x8x80xi32, #tpu.memory_space<hbm>> -> memref<1x1x8x80xi32, #tpu.memory_space<hbm>>
      %dma_wait3A_903 = tpu.memref_squeeze %dma_wait3A_902 : memref<1x1x8x80xi32, #tpu.memory_space<hbm>> -> memref<8x80xi32, #tpu.memory_space<hbm>>
      %dma_wait3A_904 = arith.constant 0 : i32
      %dma_wait3A_905 = arith.constant 0 : i32
      %dma_wait3A_906 = tpu.memref_slice %arg8[%dma_wait3A_895, %dma_wait3A_904, %dma_wait3A_905] : memref<2x8x80xi32, #tpu.memory_space<vmem>> -> memref<1x8x80xi32, #tpu.memory_space<vmem>>
      %dma_wait3A_907 = tpu.memref_squeeze %dma_wait3A_906 : memref<1x8x80xi32, #tpu.memory_space<vmem>> -> memref<8x80xi32, #tpu.memory_space<vmem>>
      %dma_wait3A_908 = arith.constant 0 : i32
      %dma_wait3A_909 = arith.constant 0 : i32
      %dma_wait3A_910 = tpu.memref_slice %arg2[%add3A, %add3A_708, %dma_wait3A_908, %dma_wait3A_909] : memref<32x16x8x80xi32, #tpu.memory_space<hbm>> -> memref<1x1x8x80xi32, #tpu.memory_space<hbm>>
      %dma_wait3A_911 = tpu.memref_squeeze %dma_wait3A_910 : memref<1x1x8x80xi32, #tpu.memory_space<hbm>> -> memref<8x80xi32, #tpu.memory_space<hbm>>
      tpu.wait_dma2 semaphore(%arg12 : memref<!tpu.dma_semaphore, #tpu.memory_space<semaphore_mem>>) src(%dma_wait3A_911 : memref<8x80xi32, #tpu.memory_space<hbm>>) dst(%dma_wait3A_907 : memref<8x80xi32, #tpu.memory_space<vmem>>)
      %dma_start3A_912 = arith.constant 0 : i32
      %dma_start3A_913 = arith.constant 0 : i32
      %dma_start3A_914 = arith.constant 0 : i32
      %dma_start3A_915 = arith.constant 0 : i32
      %dma_start3A_916 = tpu.memref_slice %arg10[%dma_start3A_914, %dma_start3A_915] : memref<160x128xf32, #tpu.memory_space<vmem>> -> memref<80x128xf32, #tpu.memory_space<vmem>>
      %dma_start3A_917 = arith.constant 0 : i32
      %dma_start3A_918 = tpu.memref_slice %arg8[%dma_start3A_912, %dma_start3A_913, %dma_start3A_917] : memref<2x8x80xi32, #tpu.memory_space<vmem>> -> memref<1x1x80xi32, #tpu.memory_space<vmem>>
      %dma_start3A_919 = tpu.memref_squeeze %dma_start3A_918 : memref<1x1x80xi32, #tpu.memory_space<vmem>> -> memref<80xi32, #tpu.memory_space<vmem>>
      %dma_start3A_920 = arith.constant 0 : i32
      %dma_start3A_921 = arith.constant 0 : i32
      %dma_start3A_922 = tpu.memref_slice %arg4[%dma_start3A_920, %dma_start3A_921] : memref<10112x128xf32, #tpu.memory_space<hbm>> -> memref<10112x128xf32, #tpu.memory_space<hbm>>
      tpu.enqueue_indirect_dma source(%dma_start3A_922 : memref<10112x128xf32, #tpu.memory_space<hbm>>) target(%dma_start3A_916 : memref<80x128xf32, #tpu.memory_space<vmem>>) offsets(%dma_start3A_919 : memref<80xi32, #tpu.memory_space<vmem>>) semaphore(%arg14 : memref<!tpu.dma_semaphore, #tpu.memory_space<semaphore_mem>>)
      %dma_wait3A_923 = arith.constant 1 : i32
      %dma_wait3A_924 = arith.constant 7 : i32
      %dma_wait3A_925 = arith.constant 80 : i32
      %dma_wait3A_926 = arith.constant 0 : i32
      %dma_wait3A_927 = tpu.memref_slice %arg10[%dma_wait3A_925, %dma_wait3A_926] : memref<160x128xf32, #tpu.memory_space<vmem>> -> memref<80x128xf32, #tpu.memory_space<vmem>>
      %dma_wait3A_928 = arith.constant 0 : i32
      %dma_wait3A_929 = tpu.memref_slice %arg8[%dma_wait3A_923, %dma_wait3A_924, %dma_wait3A_928] : memref<2x8x80xi32, #tpu.memory_space<vmem>> -> memref<1x1x80xi32, #tpu.memory_space<vmem>>
      %dma_wait3A_930 = tpu.memref_squeeze %dma_wait3A_929 : memref<1x1x80xi32, #tpu.memory_space<vmem>> -> memref<80xi32, #tpu.memory_space<vmem>>
      %dma_wait3A_931 = arith.constant 0 : i32
      %dma_wait3A_932 = arith.constant 0 : i32
      %dma_wait3A_933 = tpu.memref_slice %arg4[%dma_wait3A_931, %dma_wait3A_932] : memref<10112x128xf32, #tpu.memory_space<hbm>> -> memref<10112x128xf32, #tpu.memory_space<hbm>>
      tpu.wait_indirect_dma semaphore(%arg15 : memref<!tpu.dma_semaphore, #tpu.memory_space<semaphore_mem>>) src(%dma_wait3A_933 : memref<10112x128xf32, #tpu.memory_space<hbm>>) dst(%dma_wait3A_927 : memref<80x128xf32, #tpu.memory_space<vmem>>)
      "tpu.region"() ({
        %run_scoped3A_953 = tpu.sem_alloc : memref<!tpu.dma_semaphore, #tpu.memory_space<semaphore_mem>>
        %dma_start3A_954 = arith.constant 80 : i32
        %dma_start3A_955 = arith.constant 0 : i32
        %dma_start3A_956 = tpu.memref_slice %arg10[%dma_start3A_954, %dma_start3A_955] : memref<160x128xf32, #tpu.memory_space<vmem>> -> memref<80x128xf32, #tpu.memory_space<vmem>>
        %dma_start3A_957 = arith.constant 0 : i32
        %dma_start3A_958 = tpu.memref_slice %arg9[%add3A_894, %dma_start3A_957] : memref<128x80xi32, #tpu.memory_space<vmem>> -> memref<1x80xi32, #tpu.memory_space<vmem>>
        %dma_start3A_959 = tpu.memref_squeeze %dma_start3A_958 : memref<1x80xi32, #tpu.memory_space<vmem>> -> memref<80xi32, #tpu.memory_space<vmem>>
        %dma_start3A_960 = arith.constant 0 : i32
        %dma_start3A_961 = arith.constant 0 : i32
        %dma_start3A_962 = tpu.memref_slice %arg11[%dma_start3A_960, %dma_start3A_961] : memref<10112x128xf32, #tpu.memory_space<vmem_shared>> -> memref<10112x128xf32, #tpu.memory_space<vmem_shared>>
        tpu.enqueue_indirect_dma source(%dma_start3A_956 : memref<80x128xf32, #tpu.memory_space<vmem>>) target(%dma_start3A_962 : memref<10112x128xf32, #tpu.memory_space<vmem_shared>>) offsets(%dma_start3A_959 : memref<80xi32, #tpu.memory_space<vmem>>) semaphore(%run_scoped3A_953 : memref<!tpu.dma_semaphore, #tpu.memory_space<semaphore_mem>>) {add = true}
        %dma_wait3A_963 = arith.constant 80 : i32
        %dma_wait3A_964 = arith.constant 0 : i32
        %dma_wait3A_965 = tpu.memref_slice %arg10[%dma_wait3A_963, %dma_wait3A_964] : memref<160x128xf32, #tpu.memory_space<vmem>> -> memref<80x128xf32, #tpu.memory_space<vmem>>
        %dma_wait3A_966 = arith.constant 0 : i32
        %dma_wait3A_967 = tpu.memref_slice %arg9[%add3A_894, %dma_wait3A_966] : memref<128x80xi32, #tpu.memory_space<vmem>> -> memref<1x80xi32, #tpu.memory_space<vmem>>
        %dma_wait3A_968 = tpu.memref_squeeze %dma_wait3A_967 : memref<1x80xi32, #tpu.memory_space<vmem>> -> memref<80xi32, #tpu.memory_space<vmem>>
        %dma_wait3A_969 = arith.constant 0 : i32
        %dma_wait3A_970 = arith.constant 0 : i32
        %dma_wait3A_971 = tpu.memref_slice %arg11[%dma_wait3A_969, %dma_wait3A_970] : memref<10112x128xf32, #tpu.memory_space<vmem_shared>> -> memref<10112x128xf32, #tpu.memory_space<vmem_shared>>
        tpu.wait_indirect_dma semaphore(%run_scoped3A_953 : memref<!tpu.dma_semaphore, #tpu.memory_space<semaphore_mem>>) src(%dma_wait3A_965 : memref<80x128xf32, #tpu.memory_space<vmem>>) dst(%dma_wait3A_971 : memref<10112x128xf32, #tpu.memory_space<vmem_shared>>)
        tpu.yield
      }) : () -> ()
      %add3A_934 = arith.constant 1 : i32
      %add3A_935 = arith.addi %add3A_708, %add3A_934 : i32
      %dma_start3A_936 = arith.constant 1 : i32
      %dma_start3A_937 = arith.constant 0 : i32
      %dma_start3A_938 = arith.constant 0 : i32
      %dma_start3A_939 = tpu.memref_slice %arg8[%dma_start3A_936, %dma_start3A_937, %dma_start3A_938] : memref<2x8x80xi32, #tpu.memory_space<vmem>> -> memref<1x8x80xi32, #tpu.memory_space<vmem>>
      %dma_start3A_940 = tpu.memref_squeeze %dma_start3A_939 : memref<1x8x80xi32, #tpu.memory_space<vmem>> -> memref<8x80xi32, #tpu.memory_space<vmem>>
      %dma_start3A_941 = arith.constant 0 : i32
      %dma_start3A_942 = arith.constant 0 : i32
      %dma_start3A_943 = tpu.memref_slice %arg2[%add3A, %add3A_935, %dma_start3A_941, %dma_start3A_942] : memref<32x16x8x80xi32, #tpu.memory_space<hbm>> -> memref<1x1x8x80xi32, #tpu.memory_space<hbm>>
      %dma_start3A_944 = tpu.memref_squeeze %dma_start3A_943 : memref<1x1x8x80xi32, #tpu.memory_space<hbm>> -> memref<8x80xi32, #tpu.memory_space<hbm>>
      %dma_start3A_945 = arith.constant 0 : i32
      %dma_start3A_946 = arith.constant 0 : i32
      %dma_start3A_947 = tpu.memref_slice %arg8[%dma_start3A_936, %dma_start3A_945, %dma_start3A_946] : memref<2x8x80xi32, #tpu.memory_space<vmem>> -> memref<1x8x80xi32, #tpu.memory_space<vmem>>
      %dma_start3A_948 = tpu.memref_squeeze %dma_start3A_947 : memref<1x8x80xi32, #tpu.memory_space<vmem>> -> memref<8x80xi32, #tpu.memory_space<vmem>>
      %dma_start3A_949 = arith.constant 0 : i32
      %dma_start3A_950 = arith.constant 0 : i32
      %dma_start3A_951 = tpu.memref_slice %arg2[%add3A, %add3A_935, %dma_start3A_949, %dma_start3A_950] : memref<32x16x8x80xi32, #tpu.memory_space<hbm>> -> memref<1x1x8x80xi32, #tpu.memory_space<hbm>>
      %dma_start3A_952 = tpu.memref_squeeze %dma_start3A_951 : memref<1x1x8x80xi32, #tpu.memory_space<hbm>> -> memref<8x80xi32, #tpu.memory_space<hbm>>
      tpu.enqueue_dma source(%dma_start3A_952 : memref<8x80xi32, #tpu.memory_space<hbm>>) target(%dma_start3A_948 : memref<8x80xi32, #tpu.memory_space<vmem>>) target_semaphore(%arg13 : memref<!tpu.dma_semaphore, #tpu.memory_space<semaphore_mem>>)
    }
    %scan3A_69 = arith.constant 7 : i32
    %dma_start3A_70 = arith.constant 0 : i32
    %dma_start3A_71 = arith.constant 1 : i32
    %dma_start3A_72 = arith.constant 80 : i32
    %dma_start3A_73 = arith.constant 0 : i32
    %dma_start3A_74 = tpu.memref_slice %arg10[%dma_start3A_72, %dma_start3A_73] : memref<160x128xf32, #tpu.memory_space<vmem>> -> memref<80x128xf32, #tpu.memory_space<vmem>>
    %dma_start3A_75 = arith.constant 0 : i32
    %dma_start3A_76 = tpu.memref_slice %arg8[%dma_start3A_70, %dma_start3A_71, %dma_start3A_75] : memref<2x8x80xi32, #tpu.memory_space<vmem>> -> memref<1x1x80xi32, #tpu.memory_space<vmem>>
    %dma_start3A_77 = tpu.memref_squeeze %dma_start3A_76 : memref<1x1x80xi32, #tpu.memory_space<vmem>> -> memref<80xi32, #tpu.memory_space<vmem>>
    %dma_start3A_78 = arith.constant 0 : i32
    %dma_start3A_79 = arith.constant 0 : i32
    %dma_start3A_80 = tpu.memref_slice %arg4[%dma_start3A_78, %dma_start3A_79] : memref<10112x128xf32, #tpu.memory_space<hbm>> -> memref<10112x128xf32, #tpu.memory_space<hbm>>
    tpu.enqueue_indirect_dma source(%dma_start3A_80 : memref<10112x128xf32, #tpu.memory_space<hbm>>) target(%dma_start3A_74 : memref<80x128xf32, #tpu.memory_space<vmem>>) offsets(%dma_start3A_77 : memref<80xi32, #tpu.memory_space<vmem>>) semaphore(%arg15 : memref<!tpu.dma_semaphore, #tpu.memory_space<semaphore_mem>>)
    %dma_wait3A_81 = arith.constant 0 : i32
    %dma_wait3A_82 = arith.constant 0 : i32
    %dma_wait3A_83 = arith.constant 0 : i32
    %dma_wait3A_84 = arith.constant 0 : i32
    %dma_wait3A_85 = tpu.memref_slice %arg10[%dma_wait3A_83, %dma_wait3A_84] : memref<160x128xf32, #tpu.memory_space<vmem>> -> memref<80x128xf32, #tpu.memory_space<vmem>>
    %dma_wait3A_86 = arith.constant 0 : i32
    %dma_wait3A_87 = tpu.memref_slice %arg8[%dma_wait3A_81, %dma_wait3A_82, %dma_wait3A_86] : memref<2x8x80xi32, #tpu.memory_space<vmem>> -> memref<1x1x80xi32, #tpu.memory_space<vmem>>
    %dma_wait3A_88 = tpu.memref_squeeze %dma_wait3A_87 : memref<1x1x80xi32, #tpu.memory_space<vmem>> -> memref<80xi32, #tpu.memory_space<vmem>>
    %dma_wait3A_89 = arith.constant 0 : i32
    %dma_wait3A_90 = arith.constant 0 : i32
    %dma_wait3A_91 = tpu.memref_slice %arg4[%dma_wait3A_89, %dma_wait3A_90] : memref<10112x128xf32, #tpu.memory_space<hbm>> -> memref<10112x128xf32, #tpu.memory_space<hbm>>
    tpu.wait_indirect_dma semaphore(%arg14 : memref<!tpu.dma_semaphore, #tpu.memory_space<semaphore_mem>>) src(%dma_wait3A_91 : memref<10112x128xf32, #tpu.memory_space<hbm>>) dst(%dma_wait3A_85 : memref<80x128xf32, #tpu.memory_space<vmem>>)
    %run_scoped3A = arith.constant 112 : i32
    "tpu.region"() ({
      %run_scoped3A_452 = tpu.sem_alloc : memref<!tpu.dma_semaphore, #tpu.memory_space<semaphore_mem>>
      %dma_start3A_453 = arith.constant 0 : i32
      %dma_start3A_454 = arith.constant 0 : i32
      %dma_start3A_455 = tpu.memref_slice %arg10[%dma_start3A_453, %dma_start3A_454] : memref<160x128xf32, #tpu.memory_space<vmem>> -> memref<80x128xf32, #tpu.memory_space<vmem>>
      %dma_start3A_456 = arith.constant 0 : i32
      %dma_start3A_457 = tpu.memref_slice %arg9[%run_scoped3A, %dma_start3A_456] : memref<128x80xi32, #tpu.memory_space<vmem>> -> memref<1x80xi32, #tpu.memory_space<vmem>>
      %dma_start3A_458 = tpu.memref_squeeze %dma_start3A_457 : memref<1x80xi32, #tpu.memory_space<vmem>> -> memref<80xi32, #tpu.memory_space<vmem>>
      %dma_start3A_459 = arith.constant 0 : i32
      %dma_start3A_460 = arith.constant 0 : i32
      %dma_start3A_461 = tpu.memref_slice %arg11[%dma_start3A_459, %dma_start3A_460] : memref<10112x128xf32, #tpu.memory_space<vmem_shared>> -> memref<10112x128xf32, #tpu.memory_space<vmem_shared>>
      tpu.enqueue_indirect_dma source(%dma_start3A_455 : memref<80x128xf32, #tpu.memory_space<vmem>>) target(%dma_start3A_461 : memref<10112x128xf32, #tpu.memory_space<vmem_shared>>) offsets(%dma_start3A_458 : memref<80xi32, #tpu.memory_space<vmem>>) semaphore(%run_scoped3A_452 : memref<!tpu.dma_semaphore, #tpu.memory_space<semaphore_mem>>) {add = true}
      %dma_wait3A_462 = arith.constant 0 : i32
      %dma_wait3A_463 = arith.constant 0 : i32
      %dma_wait3A_464 = tpu.memref_slice %arg10[%dma_wait3A_462, %dma_wait3A_463] : memref<160x128xf32, #tpu.memory_space<vmem>> -> memref<80x128xf32, #tpu.memory_space<vmem>>
      %dma_wait3A_465 = arith.constant 0 : i32
      %dma_wait3A_466 = tpu.memref_slice %arg9[%run_scoped3A, %dma_wait3A_465] : memref<128x80xi32, #tpu.memory_space<vmem>> -> memref<1x80xi32, #tpu.memory_space<vmem>>
      %dma_wait3A_467 = tpu.memref_squeeze %dma_wait3A_466 : memref<1x80xi32, #tpu.memory_space<vmem>> -> memref<80xi32, #tpu.memory_space<vmem>>
      %dma_wait3A_468 = arith.constant 0 : i32
      %dma_wait3A_469 = arith.constant 0 : i32
      %dma_wait3A_470 = tpu.memref_slice %arg11[%dma_wait3A_468, %dma_wait3A_469] : memref<10112x128xf32, #tpu.memory_space<vmem_shared>> -> memref<10112x128xf32, #tpu.memory_space<vmem_shared>>
      tpu.wait_indirect_dma semaphore(%run_scoped3A_452 : memref<!tpu.dma_semaphore, #tpu.memory_space<semaphore_mem>>) src(%dma_wait3A_464 : memref<80x128xf32, #tpu.memory_space<vmem>>) dst(%dma_wait3A_470 : memref<10112x128xf32, #tpu.memory_space<vmem_shared>>)
      tpu.yield
    }) : () -> ()
    %dma_start3A_92 = arith.constant 0 : i32
    %dma_start3A_93 = arith.constant 2 : i32
    %dma_start3A_94 = arith.constant 0 : i32
    %dma_start3A_95 = arith.constant 0 : i32
    %dma_start3A_96 = tpu.memref_slice %arg10[%dma_start3A_94, %dma_start3A_95] : memref<160x128xf32, #tpu.memory_space<vmem>> -> memref<80x128xf32, #tpu.memory_space<vmem>>
    %dma_start3A_97 = arith.constant 0 : i32
    %dma_start3A_98 = tpu.memref_slice %arg8[%dma_start3A_92, %dma_start3A_93, %dma_start3A_97] : memref<2x8x80xi32, #tpu.memory_space<vmem>> -> memref<1x1x80xi32, #tpu.memory_space<vmem>>
    %dma_start3A_99 = tpu.memref_squeeze %dma_start3A_98 : memref<1x1x80xi32, #tpu.memory_space<vmem>> -> memref<80xi32, #tpu.memory_space<vmem>>
    %dma_start3A_100 = arith.constant 0 : i32
    %dma_start3A_101 = arith.constant 0 : i32
    %dma_start3A_102 = tpu.memref_slice %arg4[%dma_start3A_100, %dma_start3A_101] : memref<10112x128xf32, #tpu.memory_space<hbm>> -> memref<10112x128xf32, #tpu.memory_space<hbm>>
    tpu.enqueue_indirect_dma source(%dma_start3A_102 : memref<10112x128xf32, #tpu.memory_space<hbm>>) target(%dma_start3A_96 : memref<80x128xf32, #tpu.memory_space<vmem>>) offsets(%dma_start3A_99 : memref<80xi32, #tpu.memory_space<vmem>>) semaphore(%arg14 : memref<!tpu.dma_semaphore, #tpu.memory_space<semaphore_mem>>)
    %dma_wait3A_103 = arith.constant 0 : i32
    %dma_wait3A_104 = arith.constant 1 : i32
    %dma_wait3A_105 = arith.constant 80 : i32
    %dma_wait3A_106 = arith.constant 0 : i32
    %dma_wait3A_107 = tpu.memref_slice %arg10[%dma_wait3A_105, %dma_wait3A_106] : memref<160x128xf32, #tpu.memory_space<vmem>> -> memref<80x128xf32, #tpu.memory_space<vmem>>
    %dma_wait3A_108 = arith.constant 0 : i32
    %dma_wait3A_109 = tpu.memref_slice %arg8[%dma_wait3A_103, %dma_wait3A_104, %dma_wait3A_108] : memref<2x8x80xi32, #tpu.memory_space<vmem>> -> memref<1x1x80xi32, #tpu.memory_space<vmem>>
    %dma_wait3A_110 = tpu.memref_squeeze %dma_wait3A_109 : memref<1x1x80xi32, #tpu.memory_space<vmem>> -> memref<80xi32, #tpu.memory_space<vmem>>
    %dma_wait3A_111 = arith.constant 0 : i32
    %dma_wait3A_112 = arith.constant 0 : i32
    %dma_wait3A_113 = tpu.memref_slice %arg4[%dma_wait3A_111, %dma_wait3A_112] : memref<10112x128xf32, #tpu.memory_space<hbm>> -> memref<10112x128xf32, #tpu.memory_space<hbm>>
    tpu.wait_indirect_dma semaphore(%arg15 : memref<!tpu.dma_semaphore, #tpu.memory_space<semaphore_mem>>) src(%dma_wait3A_113 : memref<10112x128xf32, #tpu.memory_space<hbm>>) dst(%dma_wait3A_107 : memref<80x128xf32, #tpu.memory_space<vmem>>)
    %run_scoped3A_114 = arith.constant 113 : i32
    "tpu.region"() ({
      %run_scoped3A_452 = tpu.sem_alloc : memref<!tpu.dma_semaphore, #tpu.memory_space<semaphore_mem>>
      %dma_start3A_453 = arith.constant 80 : i32
      %dma_start3A_454 = arith.constant 0 : i32
      %dma_start3A_455 = tpu.memref_slice %arg10[%dma_start3A_453, %dma_start3A_454] : memref<160x128xf32, #tpu.memory_space<vmem>> -> memref<80x128xf32, #tpu.memory_space<vmem>>
      %dma_start3A_456 = arith.constant 0 : i32
      %dma_start3A_457 = tpu.memref_slice %arg9[%run_scoped3A_114, %dma_start3A_456] : memref<128x80xi32, #tpu.memory_space<vmem>> -> memref<1x80xi32, #tpu.memory_space<vmem>>
      %dma_start3A_458 = tpu.memref_squeeze %dma_start3A_457 : memref<1x80xi32, #tpu.memory_space<vmem>> -> memref<80xi32, #tpu.memory_space<vmem>>
      %dma_start3A_459 = arith.constant 0 : i32
      %dma_start3A_460 = arith.constant 0 : i32
      %dma_start3A_461 = tpu.memref_slice %arg11[%dma_start3A_459, %dma_start3A_460] : memref<10112x128xf32, #tpu.memory_space<vmem_shared>> -> memref<10112x128xf32, #tpu.memory_space<vmem_shared>>
      tpu.enqueue_indirect_dma source(%dma_start3A_455 : memref<80x128xf32, #tpu.memory_space<vmem>>) target(%dma_start3A_461 : memref<10112x128xf32, #tpu.memory_space<vmem_shared>>) offsets(%dma_start3A_458 : memref<80xi32, #tpu.memory_space<vmem>>) semaphore(%run_scoped3A_452 : memref<!tpu.dma_semaphore, #tpu.memory_space<semaphore_mem>>) {add = true}
      %dma_wait3A_462 = arith.constant 80 : i32
      %dma_wait3A_463 = arith.constant 0 : i32
      %dma_wait3A_464 = tpu.memref_slice %arg10[%dma_wait3A_462, %dma_wait3A_463] : memref<160x128xf32, #tpu.memory_space<vmem>> -> memref<80x128xf32, #tpu.memory_space<vmem>>
      %dma_wait3A_465 = arith.constant 0 : i32
      %dma_wait3A_466 = tpu.memref_slice %arg9[%run_scoped3A_114, %dma_wait3A_465] : memref<128x80xi32, #tpu.memory_space<vmem>> -> memref<1x80xi32, #tpu.memory_space<vmem>>
      %dma_wait3A_467 = tpu.memref_squeeze %dma_wait3A_466 : memref<1x80xi32, #tpu.memory_space<vmem>> -> memref<80xi32, #tpu.memory_space<vmem>>
      %dma_wait3A_468 = arith.constant 0 : i32
      %dma_wait3A_469 = arith.constant 0 : i32
      %dma_wait3A_470 = tpu.memref_slice %arg11[%dma_wait3A_468, %dma_wait3A_469] : memref<10112x128xf32, #tpu.memory_space<vmem_shared>> -> memref<10112x128xf32, #tpu.memory_space<vmem_shared>>
      tpu.wait_indirect_dma semaphore(%run_scoped3A_452 : memref<!tpu.dma_semaphore, #tpu.memory_space<semaphore_mem>>) src(%dma_wait3A_464 : memref<80x128xf32, #tpu.memory_space<vmem>>) dst(%dma_wait3A_470 : memref<10112x128xf32, #tpu.memory_space<vmem_shared>>)
      tpu.yield
    }) : () -> ()
    %dma_start3A_115 = arith.constant 0 : i32
    %dma_start3A_116 = arith.constant 3 : i32
    %dma_start3A_117 = arith.constant 80 : i32
    %dma_start3A_118 = arith.constant 0 : i32
    %dma_start3A_119 = tpu.memref_slice %arg10[%dma_start3A_117, %dma_start3A_118] : memref<160x128xf32, #tpu.memory_space<vmem>> -> memref<80x128xf32, #tpu.memory_space<vmem>>
    %dma_start3A_120 = arith.constant 0 : i32
    %dma_start3A_121 = tpu.memref_slice %arg8[%dma_start3A_115, %dma_start3A_116, %dma_start3A_120] : memref<2x8x80xi32, #tpu.memory_space<vmem>> -> memref<1x1x80xi32, #tpu.memory_space<vmem>>
    %dma_start3A_122 = tpu.memref_squeeze %dma_start3A_121 : memref<1x1x80xi32, #tpu.memory_space<vmem>> -> memref<80xi32, #tpu.memory_space<vmem>>
    %dma_start3A_123 = arith.constant 0 : i32
    %dma_start3A_124 = arith.constant 0 : i32
    %dma_start3A_125 = tpu.memref_slice %arg4[%dma_start3A_123, %dma_start3A_124] : memref<10112x128xf32, #tpu.memory_space<hbm>> -> memref<10112x128xf32, #tpu.memory_space<hbm>>
    tpu.enqueue_indirect_dma source(%dma_start3A_125 : memref<10112x128xf32, #tpu.memory_space<hbm>>) target(%dma_start3A_119 : memref<80x128xf32, #tpu.memory_space<vmem>>) offsets(%dma_start3A_122 : memref<80xi32, #tpu.memory_space<vmem>>) semaphore(%arg15 : memref<!tpu.dma_semaphore, #tpu.memory_space<semaphore_mem>>)
    %dma_wait3A_126 = arith.constant 0 : i32
    %dma_wait3A_127 = arith.constant 2 : i32
    %dma_wait3A_128 = arith.constant 0 : i32
    %dma_wait3A_129 = arith.constant 0 : i32
    %dma_wait3A_130 = tpu.memref_slice %arg10[%dma_wait3A_128, %dma_wait3A_129] : memref<160x128xf32, #tpu.memory_space<vmem>> -> memref<80x128xf32, #tpu.memory_space<vmem>>
    %dma_wait3A_131 = arith.constant 0 : i32
    %dma_wait3A_132 = tpu.memref_slice %arg8[%dma_wait3A_126, %dma_wait3A_127, %dma_wait3A_131] : memref<2x8x80xi32, #tpu.memory_space<vmem>> -> memref<1x1x80xi32, #tpu.memory_space<vmem>>
    %dma_wait3A_133 = tpu.memref_squeeze %dma_wait3A_132 : memref<1x1x80xi32, #tpu.memory_space<vmem>> -> memref<80xi32, #tpu.memory_space<vmem>>
    %dma_wait3A_134 = arith.constant 0 : i32
    %dma_wait3A_135 = arith.constant 0 : i32
    %dma_wait3A_136 = tpu.memref_slice %arg4[%dma_wait3A_134, %dma_wait3A_135] : memref<10112x128xf32, #tpu.memory_space<hbm>> -> memref<10112x128xf32, #tpu.memory_space<hbm>>
    tpu.wait_indirect_dma semaphore(%arg14 : memref<!tpu.dma_semaphore, #tpu.memory_space<semaphore_mem>>) src(%dma_wait3A_136 : memref<10112x128xf32, #tpu.memory_space<hbm>>) dst(%dma_wait3A_130 : memref<80x128xf32, #tpu.memory_space<vmem>>)
    %run_scoped3A_137 = arith.constant 114 : i32
    "tpu.region"() ({
      %run_scoped3A_452 = tpu.sem_alloc : memref<!tpu.dma_semaphore, #tpu.memory_space<semaphore_mem>>
      %dma_start3A_453 = arith.constant 0 : i32
      %dma_start3A_454 = arith.constant 0 : i32
      %dma_start3A_455 = tpu.memref_slice %arg10[%dma_start3A_453, %dma_start3A_454] : memref<160x128xf32, #tpu.memory_space<vmem>> -> memref<80x128xf32, #tpu.memory_space<vmem>>
      %dma_start3A_456 = arith.constant 0 : i32
      %dma_start3A_457 = tpu.memref_slice %arg9[%run_scoped3A_137, %dma_start3A_456] : memref<128x80xi32, #tpu.memory_space<vmem>> -> memref<1x80xi32, #tpu.memory_space<vmem>>
      %dma_start3A_458 = tpu.memref_squeeze %dma_start3A_457 : memref<1x80xi32, #tpu.memory_space<vmem>> -> memref<80xi32, #tpu.memory_space<vmem>>
      %dma_start3A_459 = arith.constant 0 : i32
      %dma_start3A_460 = arith.constant 0 : i32
      %dma_start3A_461 = tpu.memref_slice %arg11[%dma_start3A_459, %dma_start3A_460] : memref<10112x128xf32, #tpu.memory_space<vmem_shared>> -> memref<10112x128xf32, #tpu.memory_space<vmem_shared>>
      tpu.enqueue_indirect_dma source(%dma_start3A_455 : memref<80x128xf32, #tpu.memory_space<vmem>>) target(%dma_start3A_461 : memref<10112x128xf32, #tpu.memory_space<vmem_shared>>) offsets(%dma_start3A_458 : memref<80xi32, #tpu.memory_space<vmem>>) semaphore(%run_scoped3A_452 : memref<!tpu.dma_semaphore, #tpu.memory_space<semaphore_mem>>) {add = true}
      %dma_wait3A_462 = arith.constant 0 : i32
      %dma_wait3A_463 = arith.constant 0 : i32
      %dma_wait3A_464 = tpu.memref_slice %arg10[%dma_wait3A_462, %dma_wait3A_463] : memref<160x128xf32, #tpu.memory_space<vmem>> -> memref<80x128xf32, #tpu.memory_space<vmem>>
      %dma_wait3A_465 = arith.constant 0 : i32
      %dma_wait3A_466 = tpu.memref_slice %arg9[%run_scoped3A_137, %dma_wait3A_465] : memref<128x80xi32, #tpu.memory_space<vmem>> -> memref<1x80xi32, #tpu.memory_space<vmem>>
      %dma_wait3A_467 = tpu.memref_squeeze %dma_wait3A_466 : memref<1x80xi32, #tpu.memory_space<vmem>> -> memref<80xi32, #tpu.memory_space<vmem>>
      %dma_wait3A_468 = arith.constant 0 : i32
      %dma_wait3A_469 = arith.constant 0 : i32
      %dma_wait3A_470 = tpu.memref_slice %arg11[%dma_wait3A_468, %dma_wait3A_469] : memref<10112x128xf32, #tpu.memory_space<vmem_shared>> -> memref<10112x128xf32, #tpu.memory_space<vmem_shared>>
      tpu.wait_indirect_dma semaphore(%run_scoped3A_452 : memref<!tpu.dma_semaphore, #tpu.memory_space<semaphore_mem>>) src(%dma_wait3A_464 : memref<80x128xf32, #tpu.memory_space<vmem>>) dst(%dma_wait3A_470 : memref<10112x128xf32, #tpu.memory_space<vmem_shared>>)
      tpu.yield
    }) : () -> ()
    %dma_start3A_138 = arith.constant 0 : i32
    %dma_start3A_139 = arith.constant 4 : i32
    %dma_start3A_140 = arith.constant 0 : i32
    %dma_start3A_141 = arith.constant 0 : i32
    %dma_start3A_142 = tpu.memref_slice %arg10[%dma_start3A_140, %dma_start3A_141] : memref<160x128xf32, #tpu.memory_space<vmem>> -> memref<80x128xf32, #tpu.memory_space<vmem>>
    %dma_start3A_143 = arith.constant 0 : i32
    %dma_start3A_144 = tpu.memref_slice %arg8[%dma_start3A_138, %dma_start3A_139, %dma_start3A_143] : memref<2x8x80xi32, #tpu.memory_space<vmem>> -> memref<1x1x80xi32, #tpu.memory_space<vmem>>
    %dma_start3A_145 = tpu.memref_squeeze %dma_start3A_144 : memref<1x1x80xi32, #tpu.memory_space<vmem>> -> memref<80xi32, #tpu.memory_space<vmem>>
    %dma_start3A_146 = arith.constant 0 : i32
    %dma_start3A_147 = arith.constant 0 : i32
    %dma_start3A_148 = tpu.memref_slice %arg4[%dma_start3A_146, %dma_start3A_147] : memref<10112x128xf32, #tpu.memory_space<hbm>> -> memref<10112x128xf32, #tpu.memory_space<hbm>>
    tpu.enqueue_indirect_dma source(%dma_start3A_148 : memref<10112x128xf32, #tpu.memory_space<hbm>>) target(%dma_start3A_142 : memref<80x128xf32, #tpu.memory_space<vmem>>) offsets(%dma_start3A_145 : memref<80xi32, #tpu.memory_space<vmem>>) semaphore(%arg14 : memref<!tpu.dma_semaphore, #tpu.memory_space<semaphore_mem>>)
    %dma_wait3A_149 = arith.constant 0 : i32
    %dma_wait3A_150 = arith.constant 3 : i32
    %dma_wait3A_151 = arith.constant 80 : i32
    %dma_wait3A_152 = arith.constant 0 : i32
    %dma_wait3A_153 = tpu.memref_slice %arg10[%dma_wait3A_151, %dma_wait3A_152] : memref<160x128xf32, #tpu.memory_space<vmem>> -> memref<80x128xf32, #tpu.memory_space<vmem>>
    %dma_wait3A_154 = arith.constant 0 : i32
    %dma_wait3A_155 = tpu.memref_slice %arg8[%dma_wait3A_149, %dma_wait3A_150, %dma_wait3A_154] : memref<2x8x80xi32, #tpu.memory_space<vmem>> -> memref<1x1x80xi32, #tpu.memory_space<vmem>>
    %dma_wait3A_156 = tpu.memref_squeeze %dma_wait3A_155 : memref<1x1x80xi32, #tpu.memory_space<vmem>> -> memref<80xi32, #tpu.memory_space<vmem>>
    %dma_wait3A_157 = arith.constant 0 : i32
    %dma_wait3A_158 = arith.constant 0 : i32
    %dma_wait3A_159 = tpu.memref_slice %arg4[%dma_wait3A_157, %dma_wait3A_158] : memref<10112x128xf32, #tpu.memory_space<hbm>> -> memref<10112x128xf32, #tpu.memory_space<hbm>>
    tpu.wait_indirect_dma semaphore(%arg15 : memref<!tpu.dma_semaphore, #tpu.memory_space<semaphore_mem>>) src(%dma_wait3A_159 : memref<10112x128xf32, #tpu.memory_space<hbm>>) dst(%dma_wait3A_153 : memref<80x128xf32, #tpu.memory_space<vmem>>)
    %run_scoped3A_160 = arith.constant 115 : i32
    "tpu.region"() ({
      %run_scoped3A_452 = tpu.sem_alloc : memref<!tpu.dma_semaphore, #tpu.memory_space<semaphore_mem>>
      %dma_start3A_453 = arith.constant 80 : i32
      %dma_start3A_454 = arith.constant 0 : i32
      %dma_start3A_455 = tpu.memref_slice %arg10[%dma_start3A_453, %dma_start3A_454] : memref<160x128xf32, #tpu.memory_space<vmem>> -> memref<80x128xf32, #tpu.memory_space<vmem>>
      %dma_start3A_456 = arith.constant 0 : i32
      %dma_start3A_457 = tpu.memref_slice %arg9[%run_scoped3A_160, %dma_start3A_456] : memref<128x80xi32, #tpu.memory_space<vmem>> -> memref<1x80xi32, #tpu.memory_space<vmem>>
      %dma_start3A_458 = tpu.memref_squeeze %dma_start3A_457 : memref<1x80xi32, #tpu.memory_space<vmem>> -> memref<80xi32, #tpu.memory_space<vmem>>
      %dma_start3A_459 = arith.constant 0 : i32
      %dma_start3A_460 = arith.constant 0 : i32
      %dma_start3A_461 = tpu.memref_slice %arg11[%dma_start3A_459, %dma_start3A_460] : memref<10112x128xf32, #tpu.memory_space<vmem_shared>> -> memref<10112x128xf32, #tpu.memory_space<vmem_shared>>
      tpu.enqueue_indirect_dma source(%dma_start3A_455 : memref<80x128xf32, #tpu.memory_space<vmem>>) target(%dma_start3A_461 : memref<10112x128xf32, #tpu.memory_space<vmem_shared>>) offsets(%dma_start3A_458 : memref<80xi32, #tpu.memory_space<vmem>>) semaphore(%run_scoped3A_452 : memref<!tpu.dma_semaphore, #tpu.memory_space<semaphore_mem>>) {add = true}
      %dma_wait3A_462 = arith.constant 80 : i32
      %dma_wait3A_463 = arith.constant 0 : i32
      %dma_wait3A_464 = tpu.memref_slice %arg10[%dma_wait3A_462, %dma_wait3A_463] : memref<160x128xf32, #tpu.memory_space<vmem>> -> memref<80x128xf32, #tpu.memory_space<vmem>>
      %dma_wait3A_465 = arith.constant 0 : i32
      %dma_wait3A_466 = tpu.memref_slice %arg9[%run_scoped3A_160, %dma_wait3A_465] : memref<128x80xi32, #tpu.memory_space<vmem>> -> memref<1x80xi32, #tpu.memory_space<vmem>>
      %dma_wait3A_467 = tpu.memref_squeeze %dma_wait3A_466 : memref<1x80xi32, #tpu.memory_space<vmem>> -> memref<80xi32, #tpu.memory_space<vmem>>
      %dma_wait3A_468 = arith.constant 0 : i32
      %dma_wait3A_469 = arith.constant 0 : i32
      %dma_wait3A_470 = tpu.memref_slice %arg11[%dma_wait3A_468, %dma_wait3A_469] : memref<10112x128xf32, #tpu.memory_space<vmem_shared>> -> memref<10112x128xf32, #tpu.memory_space<vmem_shared>>
      tpu.wait_indirect_dma semaphore(%run_scoped3A_452 : memref<!tpu.dma_semaphore, #tpu.memory_space<semaphore_mem>>) src(%dma_wait3A_464 : memref<80x128xf32, #tpu.memory_space<vmem>>) dst(%dma_wait3A_470 : memref<10112x128xf32, #tpu.memory_space<vmem_shared>>)
      tpu.yield
    }) : () -> ()
    %dma_start3A_161 = arith.constant 0 : i32
    %dma_start3A_162 = arith.constant 5 : i32
    %dma_start3A_163 = arith.constant 80 : i32
    %dma_start3A_164 = arith.constant 0 : i32
    %dma_start3A_165 = tpu.memref_slice %arg10[%dma_start3A_163, %dma_start3A_164] : memref<160x128xf32, #tpu.memory_space<vmem>> -> memref<80x128xf32, #tpu.memory_space<vmem>>
    %dma_start3A_166 = arith.constant 0 : i32
    %dma_start3A_167 = tpu.memref_slice %arg8[%dma_start3A_161, %dma_start3A_162, %dma_start3A_166] : memref<2x8x80xi32, #tpu.memory_space<vmem>> -> memref<1x1x80xi32, #tpu.memory_space<vmem>>
    %dma_start3A_168 = tpu.memref_squeeze %dma_start3A_167 : memref<1x1x80xi32, #tpu.memory_space<vmem>> -> memref<80xi32, #tpu.memory_space<vmem>>
    %dma_start3A_169 = arith.constant 0 : i32
    %dma_start3A_170 = arith.constant 0 : i32
    %dma_start3A_171 = tpu.memref_slice %arg4[%dma_start3A_169, %dma_start3A_170] : memref<10112x128xf32, #tpu.memory_space<hbm>> -> memref<10112x128xf32, #tpu.memory_space<hbm>>
    tpu.enqueue_indirect_dma source(%dma_start3A_171 : memref<10112x128xf32, #tpu.memory_space<hbm>>) target(%dma_start3A_165 : memref<80x128xf32, #tpu.memory_space<vmem>>) offsets(%dma_start3A_168 : memref<80xi32, #tpu.memory_space<vmem>>) semaphore(%arg15 : memref<!tpu.dma_semaphore, #tpu.memory_space<semaphore_mem>>)
    %dma_wait3A_172 = arith.constant 0 : i32
    %dma_wait3A_173 = arith.constant 4 : i32
    %dma_wait3A_174 = arith.constant 0 : i32
    %dma_wait3A_175 = arith.constant 0 : i32
    %dma_wait3A_176 = tpu.memref_slice %arg10[%dma_wait3A_174, %dma_wait3A_175] : memref<160x128xf32, #tpu.memory_space<vmem>> -> memref<80x128xf32, #tpu.memory_space<vmem>>
    %dma_wait3A_177 = arith.constant 0 : i32
    %dma_wait3A_178 = tpu.memref_slice %arg8[%dma_wait3A_172, %dma_wait3A_173, %dma_wait3A_177] : memref<2x8x80xi32, #tpu.memory_space<vmem>> -> memref<1x1x80xi32, #tpu.memory_space<vmem>>
    %dma_wait3A_179 = tpu.memref_squeeze %dma_wait3A_178 : memref<1x1x80xi32, #tpu.memory_space<vmem>> -> memref<80xi32, #tpu.memory_space<vmem>>
    %dma_wait3A_180 = arith.constant 0 : i32
    %dma_wait3A_181 = arith.constant 0 : i32
    %dma_wait3A_182 = tpu.memref_slice %arg4[%dma_wait3A_180, %dma_wait3A_181] : memref<10112x128xf32, #tpu.memory_space<hbm>> -> memref<10112x128xf32, #tpu.memory_space<hbm>>
    tpu.wait_indirect_dma semaphore(%arg14 : memref<!tpu.dma_semaphore, #tpu.memory_space<semaphore_mem>>) src(%dma_wait3A_182 : memref<10112x128xf32, #tpu.memory_space<hbm>>) dst(%dma_wait3A_176 : memref<80x128xf32, #tpu.memory_space<vmem>>)
    %run_scoped3A_183 = arith.constant 116 : i32
    "tpu.region"() ({
      %run_scoped3A_452 = tpu.sem_alloc : memref<!tpu.dma_semaphore, #tpu.memory_space<semaphore_mem>>
      %dma_start3A_453 = arith.constant 0 : i32
      %dma_start3A_454 = arith.constant 0 : i32
      %dma_start3A_455 = tpu.memref_slice %arg10[%dma_start3A_453, %dma_start3A_454] : memref<160x128xf32, #tpu.memory_space<vmem>> -> memref<80x128xf32, #tpu.memory_space<vmem>>
      %dma_start3A_456 = arith.constant 0 : i32
      %dma_start3A_457 = tpu.memref_slice %arg9[%run_scoped3A_183, %dma_start3A_456] : memref<128x80xi32, #tpu.memory_space<vmem>> -> memref<1x80xi32, #tpu.memory_space<vmem>>
      %dma_start3A_458 = tpu.memref_squeeze %dma_start3A_457 : memref<1x80xi32, #tpu.memory_space<vmem>> -> memref<80xi32, #tpu.memory_space<vmem>>
      %dma_start3A_459 = arith.constant 0 : i32
      %dma_start3A_460 = arith.constant 0 : i32
      %dma_start3A_461 = tpu.memref_slice %arg11[%dma_start3A_459, %dma_start3A_460] : memref<10112x128xf32, #tpu.memory_space<vmem_shared>> -> memref<10112x128xf32, #tpu.memory_space<vmem_shared>>
      tpu.enqueue_indirect_dma source(%dma_start3A_455 : memref<80x128xf32, #tpu.memory_space<vmem>>) target(%dma_start3A_461 : memref<10112x128xf32, #tpu.memory_space<vmem_shared>>) offsets(%dma_start3A_458 : memref<80xi32, #tpu.memory_space<vmem>>) semaphore(%run_scoped3A_452 : memref<!tpu.dma_semaphore, #tpu.memory_space<semaphore_mem>>) {add = true}
      %dma_wait3A_462 = arith.constant 0 : i32
      %dma_wait3A_463 = arith.constant 0 : i32
      %dma_wait3A_464 = tpu.memref_slice %arg10[%dma_wait3A_462, %dma_wait3A_463] : memref<160x128xf32, #tpu.memory_space<vmem>> -> memref<80x128xf32, #tpu.memory_space<vmem>>
      %dma_wait3A_465 = arith.constant 0 : i32
      %dma_wait3A_466 = tpu.memref_slice %arg9[%run_scoped3A_183, %dma_wait3A_465] : memref<128x80xi32, #tpu.memory_space<vmem>> -> memref<1x80xi32, #tpu.memory_space<vmem>>
      %dma_wait3A_467 = tpu.memref_squeeze %dma_wait3A_466 : memref<1x80xi32, #tpu.memory_space<vmem>> -> memref<80xi32, #tpu.memory_space<vmem>>
      %dma_wait3A_468 = arith.constant 0 : i32
      %dma_wait3A_469 = arith.constant 0 : i32
      %dma_wait3A_470 = tpu.memref_slice %arg11[%dma_wait3A_468, %dma_wait3A_469] : memref<10112x128xf32, #tpu.memory_space<vmem_shared>> -> memref<10112x128xf32, #tpu.memory_space<vmem_shared>>
      tpu.wait_indirect_dma semaphore(%run_scoped3A_452 : memref<!tpu.dma_semaphore, #tpu.memory_space<semaphore_mem>>) src(%dma_wait3A_464 : memref<80x128xf32, #tpu.memory_space<vmem>>) dst(%dma_wait3A_470 : memref<10112x128xf32, #tpu.memory_space<vmem_shared>>)
      tpu.yield
    }) : () -> ()
    %dma_start3A_184 = arith.constant 0 : i32
    %dma_start3A_185 = arith.constant 6 : i32
    %dma_start3A_186 = arith.constant 0 : i32
    %dma_start3A_187 = arith.constant 0 : i32
    %dma_start3A_188 = tpu.memref_slice %arg10[%dma_start3A_186, %dma_start3A_187] : memref<160x128xf32, #tpu.memory_space<vmem>> -> memref<80x128xf32, #tpu.memory_space<vmem>>
    %dma_start3A_189 = arith.constant 0 : i32
    %dma_start3A_190 = tpu.memref_slice %arg8[%dma_start3A_184, %dma_start3A_185, %dma_start3A_189] : memref<2x8x80xi32, #tpu.memory_space<vmem>> -> memref<1x1x80xi32, #tpu.memory_space<vmem>>
    %dma_start3A_191 = tpu.memref_squeeze %dma_start3A_190 : memref<1x1x80xi32, #tpu.memory_space<vmem>> -> memref<80xi32, #tpu.memory_space<vmem>>
    %dma_start3A_192 = arith.constant 0 : i32
    %dma_start3A_193 = arith.constant 0 : i32
    %dma_start3A_194 = tpu.memref_slice %arg4[%dma_start3A_192, %dma_start3A_193] : memref<10112x128xf32, #tpu.memory_space<hbm>> -> memref<10112x128xf32, #tpu.memory_space<hbm>>
    tpu.enqueue_indirect_dma source(%dma_start3A_194 : memref<10112x128xf32, #tpu.memory_space<hbm>>) target(%dma_start3A_188 : memref<80x128xf32, #tpu.memory_space<vmem>>) offsets(%dma_start3A_191 : memref<80xi32, #tpu.memory_space<vmem>>) semaphore(%arg14 : memref<!tpu.dma_semaphore, #tpu.memory_space<semaphore_mem>>)
    %dma_wait3A_195 = arith.constant 0 : i32
    %dma_wait3A_196 = arith.constant 5 : i32
    %dma_wait3A_197 = arith.constant 80 : i32
    %dma_wait3A_198 = arith.constant 0 : i32
    %dma_wait3A_199 = tpu.memref_slice %arg10[%dma_wait3A_197, %dma_wait3A_198] : memref<160x128xf32, #tpu.memory_space<vmem>> -> memref<80x128xf32, #tpu.memory_space<vmem>>
    %dma_wait3A_200 = arith.constant 0 : i32
    %dma_wait3A_201 = tpu.memref_slice %arg8[%dma_wait3A_195, %dma_wait3A_196, %dma_wait3A_200] : memref<2x8x80xi32, #tpu.memory_space<vmem>> -> memref<1x1x80xi32, #tpu.memory_space<vmem>>
    %dma_wait3A_202 = tpu.memref_squeeze %dma_wait3A_201 : memref<1x1x80xi32, #tpu.memory_space<vmem>> -> memref<80xi32, #tpu.memory_space<vmem>>
    %dma_wait3A_203 = arith.constant 0 : i32
    %dma_wait3A_204 = arith.constant 0 : i32
    %dma_wait3A_205 = tpu.memref_slice %arg4[%dma_wait3A_203, %dma_wait3A_204] : memref<10112x128xf32, #tpu.memory_space<hbm>> -> memref<10112x128xf32, #tpu.memory_space<hbm>>
    tpu.wait_indirect_dma semaphore(%arg15 : memref<!tpu.dma_semaphore, #tpu.memory_space<semaphore_mem>>) src(%dma_wait3A_205 : memref<10112x128xf32, #tpu.memory_space<hbm>>) dst(%dma_wait3A_199 : memref<80x128xf32, #tpu.memory_space<vmem>>)
    %run_scoped3A_206 = arith.constant 117 : i32
    "tpu.region"() ({
      %run_scoped3A_452 = tpu.sem_alloc : memref<!tpu.dma_semaphore, #tpu.memory_space<semaphore_mem>>
      %dma_start3A_453 = arith.constant 80 : i32
      %dma_start3A_454 = arith.constant 0 : i32
      %dma_start3A_455 = tpu.memref_slice %arg10[%dma_start3A_453, %dma_start3A_454] : memref<160x128xf32, #tpu.memory_space<vmem>> -> memref<80x128xf32, #tpu.memory_space<vmem>>
      %dma_start3A_456 = arith.constant 0 : i32
      %dma_start3A_457 = tpu.memref_slice %arg9[%run_scoped3A_206, %dma_start3A_456] : memref<128x80xi32, #tpu.memory_space<vmem>> -> memref<1x80xi32, #tpu.memory_space<vmem>>
      %dma_start3A_458 = tpu.memref_squeeze %dma_start3A_457 : memref<1x80xi32, #tpu.memory_space<vmem>> -> memref<80xi32, #tpu.memory_space<vmem>>
      %dma_start3A_459 = arith.constant 0 : i32
      %dma_start3A_460 = arith.constant 0 : i32
      %dma_start3A_461 = tpu.memref_slice %arg11[%dma_start3A_459, %dma_start3A_460] : memref<10112x128xf32, #tpu.memory_space<vmem_shared>> -> memref<10112x128xf32, #tpu.memory_space<vmem_shared>>
      tpu.enqueue_indirect_dma source(%dma_start3A_455 : memref<80x128xf32, #tpu.memory_space<vmem>>) target(%dma_start3A_461 : memref<10112x128xf32, #tpu.memory_space<vmem_shared>>) offsets(%dma_start3A_458 : memref<80xi32, #tpu.memory_space<vmem>>) semaphore(%run_scoped3A_452 : memref<!tpu.dma_semaphore, #tpu.memory_space<semaphore_mem>>) {add = true}
      %dma_wait3A_462 = arith.constant 80 : i32
      %dma_wait3A_463 = arith.constant 0 : i32
      %dma_wait3A_464 = tpu.memref_slice %arg10[%dma_wait3A_462, %dma_wait3A_463] : memref<160x128xf32, #tpu.memory_space<vmem>> -> memref<80x128xf32, #tpu.memory_space<vmem>>
      %dma_wait3A_465 = arith.constant 0 : i32
      %dma_wait3A_466 = tpu.memref_slice %arg9[%run_scoped3A_206, %dma_wait3A_465] : memref<128x80xi32, #tpu.memory_space<vmem>> -> memref<1x80xi32, #tpu.memory_space<vmem>>
      %dma_wait3A_467 = tpu.memref_squeeze %dma_wait3A_466 : memref<1x80xi32, #tpu.memory_space<vmem>> -> memref<80xi32, #tpu.memory_space<vmem>>
      %dma_wait3A_468 = arith.constant 0 : i32
      %dma_wait3A_469 = arith.constant 0 : i32
      %dma_wait3A_470 = tpu.memref_slice %arg11[%dma_wait3A_468, %dma_wait3A_469] : memref<10112x128xf32, #tpu.memory_space<vmem_shared>> -> memref<10112x128xf32, #tpu.memory_space<vmem_shared>>
      tpu.wait_indirect_dma semaphore(%run_scoped3A_452 : memref<!tpu.dma_semaphore, #tpu.memory_space<semaphore_mem>>) src(%dma_wait3A_464 : memref<80x128xf32, #tpu.memory_space<vmem>>) dst(%dma_wait3A_470 : memref<10112x128xf32, #tpu.memory_space<vmem_shared>>)
      tpu.yield
    }) : () -> ()
    %dma_start3A_207 = arith.constant 0 : i32
    %dma_start3A_208 = arith.constant 7 : i32
    %dma_start3A_209 = arith.constant 80 : i32
    %dma_start3A_210 = arith.constant 0 : i32
    %dma_start3A_211 = tpu.memref_slice %arg10[%dma_start3A_209, %dma_start3A_210] : memref<160x128xf32, #tpu.memory_space<vmem>> -> memref<80x128xf32, #tpu.memory_space<vmem>>
    %dma_start3A_212 = arith.constant 0 : i32
    %dma_start3A_213 = tpu.memref_slice %arg8[%dma_start3A_207, %dma_start3A_208, %dma_start3A_212] : memref<2x8x80xi32, #tpu.memory_space<vmem>> -> memref<1x1x80xi32, #tpu.memory_space<vmem>>
    %dma_start3A_214 = tpu.memref_squeeze %dma_start3A_213 : memref<1x1x80xi32, #tpu.memory_space<vmem>> -> memref<80xi32, #tpu.memory_space<vmem>>
    %dma_start3A_215 = arith.constant 0 : i32
    %dma_start3A_216 = arith.constant 0 : i32
    %dma_start3A_217 = tpu.memref_slice %arg4[%dma_start3A_215, %dma_start3A_216] : memref<10112x128xf32, #tpu.memory_space<hbm>> -> memref<10112x128xf32, #tpu.memory_space<hbm>>
    tpu.enqueue_indirect_dma source(%dma_start3A_217 : memref<10112x128xf32, #tpu.memory_space<hbm>>) target(%dma_start3A_211 : memref<80x128xf32, #tpu.memory_space<vmem>>) offsets(%dma_start3A_214 : memref<80xi32, #tpu.memory_space<vmem>>) semaphore(%arg15 : memref<!tpu.dma_semaphore, #tpu.memory_space<semaphore_mem>>)
    %dma_wait3A_218 = arith.constant 0 : i32
    %dma_wait3A_219 = arith.constant 6 : i32
    %dma_wait3A_220 = arith.constant 0 : i32
    %dma_wait3A_221 = arith.constant 0 : i32
    %dma_wait3A_222 = tpu.memref_slice %arg10[%dma_wait3A_220, %dma_wait3A_221] : memref<160x128xf32, #tpu.memory_space<vmem>> -> memref<80x128xf32, #tpu.memory_space<vmem>>
    %dma_wait3A_223 = arith.constant 0 : i32
    %dma_wait3A_224 = tpu.memref_slice %arg8[%dma_wait3A_218, %dma_wait3A_219, %dma_wait3A_223] : memref<2x8x80xi32, #tpu.memory_space<vmem>> -> memref<1x1x80xi32, #tpu.memory_space<vmem>>
    %dma_wait3A_225 = tpu.memref_squeeze %dma_wait3A_224 : memref<1x1x80xi32, #tpu.memory_space<vmem>> -> memref<80xi32, #tpu.memory_space<vmem>>
    %dma_wait3A_226 = arith.constant 0 : i32
    %dma_wait3A_227 = arith.constant 0 : i32
    %dma_wait3A_228 = tpu.memref_slice %arg4[%dma_wait3A_226, %dma_wait3A_227] : memref<10112x128xf32, #tpu.memory_space<hbm>> -> memref<10112x128xf32, #tpu.memory_space<hbm>>
    tpu.wait_indirect_dma semaphore(%arg14 : memref<!tpu.dma_semaphore, #tpu.memory_space<semaphore_mem>>) src(%dma_wait3A_228 : memref<10112x128xf32, #tpu.memory_space<hbm>>) dst(%dma_wait3A_222 : memref<80x128xf32, #tpu.memory_space<vmem>>)
    %run_scoped3A_229 = arith.constant 118 : i32
    "tpu.region"() ({
      %run_scoped3A_452 = tpu.sem_alloc : memref<!tpu.dma_semaphore, #tpu.memory_space<semaphore_mem>>
      %dma_start3A_453 = arith.constant 0 : i32
      %dma_start3A_454 = arith.constant 0 : i32
      %dma_start3A_455 = tpu.memref_slice %arg10[%dma_start3A_453, %dma_start3A_454] : memref<160x128xf32, #tpu.memory_space<vmem>> -> memref<80x128xf32, #tpu.memory_space<vmem>>
      %dma_start3A_456 = arith.constant 0 : i32
      %dma_start3A_457 = tpu.memref_slice %arg9[%run_scoped3A_229, %dma_start3A_456] : memref<128x80xi32, #tpu.memory_space<vmem>> -> memref<1x80xi32, #tpu.memory_space<vmem>>
      %dma_start3A_458 = tpu.memref_squeeze %dma_start3A_457 : memref<1x80xi32, #tpu.memory_space<vmem>> -> memref<80xi32, #tpu.memory_space<vmem>>
      %dma_start3A_459 = arith.constant 0 : i32
      %dma_start3A_460 = arith.constant 0 : i32
      %dma_start3A_461 = tpu.memref_slice %arg11[%dma_start3A_459, %dma_start3A_460] : memref<10112x128xf32, #tpu.memory_space<vmem_shared>> -> memref<10112x128xf32, #tpu.memory_space<vmem_shared>>
      tpu.enqueue_indirect_dma source(%dma_start3A_455 : memref<80x128xf32, #tpu.memory_space<vmem>>) target(%dma_start3A_461 : memref<10112x128xf32, #tpu.memory_space<vmem_shared>>) offsets(%dma_start3A_458 : memref<80xi32, #tpu.memory_space<vmem>>) semaphore(%run_scoped3A_452 : memref<!tpu.dma_semaphore, #tpu.memory_space<semaphore_mem>>) {add = true}
      %dma_wait3A_462 = arith.constant 0 : i32
      %dma_wait3A_463 = arith.constant 0 : i32
      %dma_wait3A_464 = tpu.memref_slice %arg10[%dma_wait3A_462, %dma_wait3A_463] : memref<160x128xf32, #tpu.memory_space<vmem>> -> memref<80x128xf32, #tpu.memory_space<vmem>>
      %dma_wait3A_465 = arith.constant 0 : i32
      %dma_wait3A_466 = tpu.memref_slice %arg9[%run_scoped3A_229, %dma_wait3A_465] : memref<128x80xi32, #tpu.memory_space<vmem>> -> memref<1x80xi32, #tpu.memory_space<vmem>>
      %dma_wait3A_467 = tpu.memref_squeeze %dma_wait3A_466 : memref<1x80xi32, #tpu.memory_space<vmem>> -> memref<80xi32, #tpu.memory_space<vmem>>
      %dma_wait3A_468 = arith.constant 0 : i32
      %dma_wait3A_469 = arith.constant 0 : i32
      %dma_wait3A_470 = tpu.memref_slice %arg11[%dma_wait3A_468, %dma_wait3A_469] : memref<10112x128xf32, #tpu.memory_space<vmem_shared>> -> memref<10112x128xf32, #tpu.memory_space<vmem_shared>>
      tpu.wait_indirect_dma semaphore(%run_scoped3A_452 : memref<!tpu.dma_semaphore, #tpu.memory_space<semaphore_mem>>) src(%dma_wait3A_464 : memref<80x128xf32, #tpu.memory_space<vmem>>) dst(%dma_wait3A_470 : memref<10112x128xf32, #tpu.memory_space<vmem_shared>>)
      tpu.yield
    }) : () -> ()
    %dma_wait3A_230 = arith.constant 15 : i32
    %dma_wait3A_231 = arith.constant 1 : i32
    %dma_wait3A_232 = arith.constant 0 : i32
    %dma_wait3A_233 = arith.constant 0 : i32
    %dma_wait3A_234 = tpu.memref_slice %arg8[%dma_wait3A_231, %dma_wait3A_232, %dma_wait3A_233] : memref<2x8x80xi32, #tpu.memory_space<vmem>> -> memref<1x8x80xi32, #tpu.memory_space<vmem>>
    %dma_wait3A_235 = tpu.memref_squeeze %dma_wait3A_234 : memref<1x8x80xi32, #tpu.memory_space<vmem>> -> memref<8x80xi32, #tpu.memory_space<vmem>>
    %dma_wait3A_236 = arith.constant 0 : i32
    %dma_wait3A_237 = arith.constant 0 : i32
    %dma_wait3A_238 = tpu.memref_slice %arg2[%add3A, %dma_wait3A_230, %dma_wait3A_236, %dma_wait3A_237] : memref<32x16x8x80xi32, #tpu.memory_space<hbm>> -> memref<1x1x8x80xi32, #tpu.memory_space<hbm>>
    %dma_wait3A_239 = tpu.memref_squeeze %dma_wait3A_238 : memref<1x1x8x80xi32, #tpu.memory_space<hbm>> -> memref<8x80xi32, #tpu.memory_space<hbm>>
    %dma_wait3A_240 = arith.constant 0 : i32
    %dma_wait3A_241 = arith.constant 0 : i32
    %dma_wait3A_242 = tpu.memref_slice %arg8[%dma_wait3A_231, %dma_wait3A_240, %dma_wait3A_241] : memref<2x8x80xi32, #tpu.memory_space<vmem>> -> memref<1x8x80xi32, #tpu.memory_space<vmem>>
    %dma_wait3A_243 = tpu.memref_squeeze %dma_wait3A_242 : memref<1x8x80xi32, #tpu.memory_space<vmem>> -> memref<8x80xi32, #tpu.memory_space<vmem>>
    %dma_wait3A_244 = arith.constant 0 : i32
    %dma_wait3A_245 = arith.constant 0 : i32
    %dma_wait3A_246 = tpu.memref_slice %arg2[%add3A, %dma_wait3A_230, %dma_wait3A_244, %dma_wait3A_245] : memref<32x16x8x80xi32, #tpu.memory_space<hbm>> -> memref<1x1x8x80xi32, #tpu.memory_space<hbm>>
    %dma_wait3A_247 = tpu.memref_squeeze %dma_wait3A_246 : memref<1x1x8x80xi32, #tpu.memory_space<hbm>> -> memref<8x80xi32, #tpu.memory_space<hbm>>
    tpu.wait_dma2 semaphore(%arg13 : memref<!tpu.dma_semaphore, #tpu.memory_space<semaphore_mem>>) src(%dma_wait3A_247 : memref<8x80xi32, #tpu.memory_space<hbm>>) dst(%dma_wait3A_243 : memref<8x80xi32, #tpu.memory_space<vmem>>)
    %dma_start3A_248 = arith.constant 1 : i32
    %dma_start3A_249 = arith.constant 0 : i32
    %dma_start3A_250 = arith.constant 0 : i32
    %dma_start3A_251 = arith.constant 0 : i32
    %dma_start3A_252 = tpu.memref_slice %arg10[%dma_start3A_250, %dma_start3A_251] : memref<160x128xf32, #tpu.memory_space<vmem>> -> memref<80x128xf32, #tpu.memory_space<vmem>>
    %dma_start3A_253 = arith.constant 0 : i32
    %dma_start3A_254 = tpu.memref_slice %arg8[%dma_start3A_248, %dma_start3A_249, %dma_start3A_253] : memref<2x8x80xi32, #tpu.memory_space<vmem>> -> memref<1x1x80xi32, #tpu.memory_space<vmem>>
    %dma_start3A_255 = tpu.memref_squeeze %dma_start3A_254 : memref<1x1x80xi32, #tpu.memory_space<vmem>> -> memref<80xi32, #tpu.memory_space<vmem>>
    %dma_start3A_256 = arith.constant 0 : i32
    %dma_start3A_257 = arith.constant 0 : i32
    %dma_start3A_258 = tpu.memref_slice %arg4[%dma_start3A_256, %dma_start3A_257] : memref<10112x128xf32, #tpu.memory_space<hbm>> -> memref<10112x128xf32, #tpu.memory_space<hbm>>
    tpu.enqueue_indirect_dma source(%dma_start3A_258 : memref<10112x128xf32, #tpu.memory_space<hbm>>) target(%dma_start3A_252 : memref<80x128xf32, #tpu.memory_space<vmem>>) offsets(%dma_start3A_255 : memref<80xi32, #tpu.memory_space<vmem>>) semaphore(%arg14 : memref<!tpu.dma_semaphore, #tpu.memory_space<semaphore_mem>>)
    %dma_wait3A_259 = arith.constant 0 : i32
    %dma_wait3A_260 = arith.constant 7 : i32
    %dma_wait3A_261 = arith.constant 80 : i32
    %dma_wait3A_262 = arith.constant 0 : i32
    %dma_wait3A_263 = tpu.memref_slice %arg10[%dma_wait3A_261, %dma_wait3A_262] : memref<160x128xf32, #tpu.memory_space<vmem>> -> memref<80x128xf32, #tpu.memory_space<vmem>>
    %dma_wait3A_264 = arith.constant 0 : i32
    %dma_wait3A_265 = tpu.memref_slice %arg8[%dma_wait3A_259, %dma_wait3A_260, %dma_wait3A_264] : memref<2x8x80xi32, #tpu.memory_space<vmem>> -> memref<1x1x80xi32, #tpu.memory_space<vmem>>
    %dma_wait3A_266 = tpu.memref_squeeze %dma_wait3A_265 : memref<1x1x80xi32, #tpu.memory_space<vmem>> -> memref<80xi32, #tpu.memory_space<vmem>>
    %dma_wait3A_267 = arith.constant 0 : i32
    %dma_wait3A_268 = arith.constant 0 : i32
    %dma_wait3A_269 = tpu.memref_slice %arg4[%dma_wait3A_267, %dma_wait3A_268] : memref<10112x128xf32, #tpu.memory_space<hbm>> -> memref<10112x128xf32, #tpu.memory_space<hbm>>
    tpu.wait_indirect_dma semaphore(%arg15 : memref<!tpu.dma_semaphore, #tpu.memory_space<semaphore_mem>>) src(%dma_wait3A_269 : memref<10112x128xf32, #tpu.memory_space<hbm>>) dst(%dma_wait3A_263 : memref<80x128xf32, #tpu.memory_space<vmem>>)
    %run_scoped3A_270 = arith.constant 119 : i32
    "tpu.region"() ({
      %run_scoped3A_452 = tpu.sem_alloc : memref<!tpu.dma_semaphore, #tpu.memory_space<semaphore_mem>>
      %dma_start3A_453 = arith.constant 80 : i32
      %dma_start3A_454 = arith.constant 0 : i32
      %dma_start3A_455 = tpu.memref_slice %arg10[%dma_start3A_453, %dma_start3A_454] : memref<160x128xf32, #tpu.memory_space<vmem>> -> memref<80x128xf32, #tpu.memory_space<vmem>>
      %dma_start3A_456 = arith.constant 0 : i32
      %dma_start3A_457 = tpu.memref_slice %arg9[%run_scoped3A_270, %dma_start3A_456] : memref<128x80xi32, #tpu.memory_space<vmem>> -> memref<1x80xi32, #tpu.memory_space<vmem>>
      %dma_start3A_458 = tpu.memref_squeeze %dma_start3A_457 : memref<1x80xi32, #tpu.memory_space<vmem>> -> memref<80xi32, #tpu.memory_space<vmem>>
      %dma_start3A_459 = arith.constant 0 : i32
      %dma_start3A_460 = arith.constant 0 : i32
      %dma_start3A_461 = tpu.memref_slice %arg11[%dma_start3A_459, %dma_start3A_460] : memref<10112x128xf32, #tpu.memory_space<vmem_shared>> -> memref<10112x128xf32, #tpu.memory_space<vmem_shared>>
      tpu.enqueue_indirect_dma source(%dma_start3A_455 : memref<80x128xf32, #tpu.memory_space<vmem>>) target(%dma_start3A_461 : memref<10112x128xf32, #tpu.memory_space<vmem_shared>>) offsets(%dma_start3A_458 : memref<80xi32, #tpu.memory_space<vmem>>) semaphore(%run_scoped3A_452 : memref<!tpu.dma_semaphore, #tpu.memory_space<semaphore_mem>>) {add = true}
      %dma_wait3A_462 = arith.constant 80 : i32
      %dma_wait3A_463 = arith.constant 0 : i32
      %dma_wait3A_464 = tpu.memref_slice %arg10[%dma_wait3A_462, %dma_wait3A_463] : memref<160x128xf32, #tpu.memory_space<vmem>> -> memref<80x128xf32, #tpu.memory_space<vmem>>
      %dma_wait3A_465 = arith.constant 0 : i32
      %dma_wait3A_466 = tpu.memref_slice %arg9[%run_scoped3A_270, %dma_wait3A_465] : memref<128x80xi32, #tpu.memory_space<vmem>> -> memref<1x80xi32, #tpu.memory_space<vmem>>
      %dma_wait3A_467 = tpu.memref_squeeze %dma_wait3A_466 : memref<1x80xi32, #tpu.memory_space<vmem>> -> memref<80xi32, #tpu.memory_space<vmem>>
      %dma_wait3A_468 = arith.constant 0 : i32
      %dma_wait3A_469 = arith.constant 0 : i32
      %dma_wait3A_470 = tpu.memref_slice %arg11[%dma_wait3A_468, %dma_wait3A_469] : memref<10112x128xf32, #tpu.memory_space<vmem_shared>> -> memref<10112x128xf32, #tpu.memory_space<vmem_shared>>
      tpu.wait_indirect_dma semaphore(%run_scoped3A_452 : memref<!tpu.dma_semaphore, #tpu.memory_space<semaphore_mem>>) src(%dma_wait3A_464 : memref<80x128xf32, #tpu.memory_space<vmem>>) dst(%dma_wait3A_470 : memref<10112x128xf32, #tpu.memory_space<vmem_shared>>)
      tpu.yield
    }) : () -> ()
    %dma_start3A_271 = arith.constant 1 : i32
    %dma_start3A_272 = arith.constant 1 : i32
    %dma_start3A_273 = arith.constant 80 : i32
    %dma_start3A_274 = arith.constant 0 : i32
    %dma_start3A_275 = tpu.memref_slice %arg10[%dma_start3A_273, %dma_start3A_274] : memref<160x128xf32, #tpu.memory_space<vmem>> -> memref<80x128xf32, #tpu.memory_space<vmem>>
    %dma_start3A_276 = arith.constant 0 : i32
    %dma_start3A_277 = tpu.memref_slice %arg8[%dma_start3A_271, %dma_start3A_272, %dma_start3A_276] : memref<2x8x80xi32, #tpu.memory_space<vmem>> -> memref<1x1x80xi32, #tpu.memory_space<vmem>>
    %dma_start3A_278 = tpu.memref_squeeze %dma_start3A_277 : memref<1x1x80xi32, #tpu.memory_space<vmem>> -> memref<80xi32, #tpu.memory_space<vmem>>
    %dma_start3A_279 = arith.constant 0 : i32
    %dma_start3A_280 = arith.constant 0 : i32
    %dma_start3A_281 = tpu.memref_slice %arg4[%dma_start3A_279, %dma_start3A_280] : memref<10112x128xf32, #tpu.memory_space<hbm>> -> memref<10112x128xf32, #tpu.memory_space<hbm>>
    tpu.enqueue_indirect_dma source(%dma_start3A_281 : memref<10112x128xf32, #tpu.memory_space<hbm>>) target(%dma_start3A_275 : memref<80x128xf32, #tpu.memory_space<vmem>>) offsets(%dma_start3A_278 : memref<80xi32, #tpu.memory_space<vmem>>) semaphore(%arg15 : memref<!tpu.dma_semaphore, #tpu.memory_space<semaphore_mem>>)
    %dma_wait3A_282 = arith.constant 1 : i32
    %dma_wait3A_283 = arith.constant 0 : i32
    %dma_wait3A_284 = arith.constant 0 : i32
    %dma_wait3A_285 = arith.constant 0 : i32
    %dma_wait3A_286 = tpu.memref_slice %arg10[%dma_wait3A_284, %dma_wait3A_285] : memref<160x128xf32, #tpu.memory_space<vmem>> -> memref<80x128xf32, #tpu.memory_space<vmem>>
    %dma_wait3A_287 = arith.constant 0 : i32
    %dma_wait3A_288 = tpu.memref_slice %arg8[%dma_wait3A_282, %dma_wait3A_283, %dma_wait3A_287] : memref<2x8x80xi32, #tpu.memory_space<vmem>> -> memref<1x1x80xi32, #tpu.memory_space<vmem>>
    %dma_wait3A_289 = tpu.memref_squeeze %dma_wait3A_288 : memref<1x1x80xi32, #tpu.memory_space<vmem>> -> memref<80xi32, #tpu.memory_space<vmem>>
    %dma_wait3A_290 = arith.constant 0 : i32
    %dma_wait3A_291 = arith.constant 0 : i32
    %dma_wait3A_292 = tpu.memref_slice %arg4[%dma_wait3A_290, %dma_wait3A_291] : memref<10112x128xf32, #tpu.memory_space<hbm>> -> memref<10112x128xf32, #tpu.memory_space<hbm>>
    tpu.wait_indirect_dma semaphore(%arg14 : memref<!tpu.dma_semaphore, #tpu.memory_space<semaphore_mem>>) src(%dma_wait3A_292 : memref<10112x128xf32, #tpu.memory_space<hbm>>) dst(%dma_wait3A_286 : memref<80x128xf32, #tpu.memory_space<vmem>>)
    %run_scoped3A_293 = arith.constant 120 : i32
    "tpu.region"() ({
      %run_scoped3A_452 = tpu.sem_alloc : memref<!tpu.dma_semaphore, #tpu.memory_space<semaphore_mem>>
      %dma_start3A_453 = arith.constant 0 : i32
      %dma_start3A_454 = arith.constant 0 : i32
      %dma_start3A_455 = tpu.memref_slice %arg10[%dma_start3A_453, %dma_start3A_454] : memref<160x128xf32, #tpu.memory_space<vmem>> -> memref<80x128xf32, #tpu.memory_space<vmem>>
      %dma_start3A_456 = arith.constant 0 : i32
      %dma_start3A_457 = tpu.memref_slice %arg9[%run_scoped3A_293, %dma_start3A_456] : memref<128x80xi32, #tpu.memory_space<vmem>> -> memref<1x80xi32, #tpu.memory_space<vmem>>
      %dma_start3A_458 = tpu.memref_squeeze %dma_start3A_457 : memref<1x80xi32, #tpu.memory_space<vmem>> -> memref<80xi32, #tpu.memory_space<vmem>>
      %dma_start3A_459 = arith.constant 0 : i32
      %dma_start3A_460 = arith.constant 0 : i32
      %dma_start3A_461 = tpu.memref_slice %arg11[%dma_start3A_459, %dma_start3A_460] : memref<10112x128xf32, #tpu.memory_space<vmem_shared>> -> memref<10112x128xf32, #tpu.memory_space<vmem_shared>>
      tpu.enqueue_indirect_dma source(%dma_start3A_455 : memref<80x128xf32, #tpu.memory_space<vmem>>) target(%dma_start3A_461 : memref<10112x128xf32, #tpu.memory_space<vmem_shared>>) offsets(%dma_start3A_458 : memref<80xi32, #tpu.memory_space<vmem>>) semaphore(%run_scoped3A_452 : memref<!tpu.dma_semaphore, #tpu.memory_space<semaphore_mem>>) {add = true}
      %dma_wait3A_462 = arith.constant 0 : i32
      %dma_wait3A_463 = arith.constant 0 : i32
      %dma_wait3A_464 = tpu.memref_slice %arg10[%dma_wait3A_462, %dma_wait3A_463] : memref<160x128xf32, #tpu.memory_space<vmem>> -> memref<80x128xf32, #tpu.memory_space<vmem>>
      %dma_wait3A_465 = arith.constant 0 : i32
      %dma_wait3A_466 = tpu.memref_slice %arg9[%run_scoped3A_293, %dma_wait3A_465] : memref<128x80xi32, #tpu.memory_space<vmem>> -> memref<1x80xi32, #tpu.memory_space<vmem>>
      %dma_wait3A_467 = tpu.memref_squeeze %dma_wait3A_466 : memref<1x80xi32, #tpu.memory_space<vmem>> -> memref<80xi32, #tpu.memory_space<vmem>>
      %dma_wait3A_468 = arith.constant 0 : i32
      %dma_wait3A_469 = arith.constant 0 : i32
      %dma_wait3A_470 = tpu.memref_slice %arg11[%dma_wait3A_468, %dma_wait3A_469] : memref<10112x128xf32, #tpu.memory_space<vmem_shared>> -> memref<10112x128xf32, #tpu.memory_space<vmem_shared>>
      tpu.wait_indirect_dma semaphore(%run_scoped3A_452 : memref<!tpu.dma_semaphore, #tpu.memory_space<semaphore_mem>>) src(%dma_wait3A_464 : memref<80x128xf32, #tpu.memory_space<vmem>>) dst(%dma_wait3A_470 : memref<10112x128xf32, #tpu.memory_space<vmem_shared>>)
      tpu.yield
    }) : () -> ()
    %dma_start3A_294 = arith.constant 1 : i32
    %dma_start3A_295 = arith.constant 2 : i32
    %dma_start3A_296 = arith.constant 0 : i32
    %dma_start3A_297 = arith.constant 0 : i32
    %dma_start3A_298 = tpu.memref_slice %arg10[%dma_start3A_296, %dma_start3A_297] : memref<160x128xf32, #tpu.memory_space<vmem>> -> memref<80x128xf32, #tpu.memory_space<vmem>>
    %dma_start3A_299 = arith.constant 0 : i32
    %dma_start3A_300 = tpu.memref_slice %arg8[%dma_start3A_294, %dma_start3A_295, %dma_start3A_299] : memref<2x8x80xi32, #tpu.memory_space<vmem>> -> memref<1x1x80xi32, #tpu.memory_space<vmem>>
    %dma_start3A_301 = tpu.memref_squeeze %dma_start3A_300 : memref<1x1x80xi32, #tpu.memory_space<vmem>> -> memref<80xi32, #tpu.memory_space<vmem>>
    %dma_start3A_302 = arith.constant 0 : i32
    %dma_start3A_303 = arith.constant 0 : i32
    %dma_start3A_304 = tpu.memref_slice %arg4[%dma_start3A_302, %dma_start3A_303] : memref<10112x128xf32, #tpu.memory_space<hbm>> -> memref<10112x128xf32, #tpu.memory_space<hbm>>
    tpu.enqueue_indirect_dma source(%dma_start3A_304 : memref<10112x128xf32, #tpu.memory_space<hbm>>) target(%dma_start3A_298 : memref<80x128xf32, #tpu.memory_space<vmem>>) offsets(%dma_start3A_301 : memref<80xi32, #tpu.memory_space<vmem>>) semaphore(%arg14 : memref<!tpu.dma_semaphore, #tpu.memory_space<semaphore_mem>>)
    %dma_wait3A_305 = arith.constant 1 : i32
    %dma_wait3A_306 = arith.constant 1 : i32
    %dma_wait3A_307 = arith.constant 80 : i32
    %dma_wait3A_308 = arith.constant 0 : i32
    %dma_wait3A_309 = tpu.memref_slice %arg10[%dma_wait3A_307, %dma_wait3A_308] : memref<160x128xf32, #tpu.memory_space<vmem>> -> memref<80x128xf32, #tpu.memory_space<vmem>>
    %dma_wait3A_310 = arith.constant 0 : i32
    %dma_wait3A_311 = tpu.memref_slice %arg8[%dma_wait3A_305, %dma_wait3A_306, %dma_wait3A_310] : memref<2x8x80xi32, #tpu.memory_space<vmem>> -> memref<1x1x80xi32, #tpu.memory_space<vmem>>
    %dma_wait3A_312 = tpu.memref_squeeze %dma_wait3A_311 : memref<1x1x80xi32, #tpu.memory_space<vmem>> -> memref<80xi32, #tpu.memory_space<vmem>>
    %dma_wait3A_313 = arith.constant 0 : i32
    %dma_wait3A_314 = arith.constant 0 : i32
    %dma_wait3A_315 = tpu.memref_slice %arg4[%dma_wait3A_313, %dma_wait3A_314] : memref<10112x128xf32, #tpu.memory_space<hbm>> -> memref<10112x128xf32, #tpu.memory_space<hbm>>
    tpu.wait_indirect_dma semaphore(%arg15 : memref<!tpu.dma_semaphore, #tpu.memory_space<semaphore_mem>>) src(%dma_wait3A_315 : memref<10112x128xf32, #tpu.memory_space<hbm>>) dst(%dma_wait3A_309 : memref<80x128xf32, #tpu.memory_space<vmem>>)
    %run_scoped3A_316 = arith.constant 121 : i32
    "tpu.region"() ({
      %run_scoped3A_452 = tpu.sem_alloc : memref<!tpu.dma_semaphore, #tpu.memory_space<semaphore_mem>>
      %dma_start3A_453 = arith.constant 80 : i32
      %dma_start3A_454 = arith.constant 0 : i32
      %dma_start3A_455 = tpu.memref_slice %arg10[%dma_start3A_453, %dma_start3A_454] : memref<160x128xf32, #tpu.memory_space<vmem>> -> memref<80x128xf32, #tpu.memory_space<vmem>>
      %dma_start3A_456 = arith.constant 0 : i32
      %dma_start3A_457 = tpu.memref_slice %arg9[%run_scoped3A_316, %dma_start3A_456] : memref<128x80xi32, #tpu.memory_space<vmem>> -> memref<1x80xi32, #tpu.memory_space<vmem>>
      %dma_start3A_458 = tpu.memref_squeeze %dma_start3A_457 : memref<1x80xi32, #tpu.memory_space<vmem>> -> memref<80xi32, #tpu.memory_space<vmem>>
      %dma_start3A_459 = arith.constant 0 : i32
      %dma_start3A_460 = arith.constant 0 : i32
      %dma_start3A_461 = tpu.memref_slice %arg11[%dma_start3A_459, %dma_start3A_460] : memref<10112x128xf32, #tpu.memory_space<vmem_shared>> -> memref<10112x128xf32, #tpu.memory_space<vmem_shared>>
      tpu.enqueue_indirect_dma source(%dma_start3A_455 : memref<80x128xf32, #tpu.memory_space<vmem>>) target(%dma_start3A_461 : memref<10112x128xf32, #tpu.memory_space<vmem_shared>>) offsets(%dma_start3A_458 : memref<80xi32, #tpu.memory_space<vmem>>) semaphore(%run_scoped3A_452 : memref<!tpu.dma_semaphore, #tpu.memory_space<semaphore_mem>>) {add = true}
      %dma_wait3A_462 = arith.constant 80 : i32
      %dma_wait3A_463 = arith.constant 0 : i32
      %dma_wait3A_464 = tpu.memref_slice %arg10[%dma_wait3A_462, %dma_wait3A_463] : memref<160x128xf32, #tpu.memory_space<vmem>> -> memref<80x128xf32, #tpu.memory_space<vmem>>
      %dma_wait3A_465 = arith.constant 0 : i32
      %dma_wait3A_466 = tpu.memref_slice %arg9[%run_scoped3A_316, %dma_wait3A_465] : memref<128x80xi32, #tpu.memory_space<vmem>> -> memref<1x80xi32, #tpu.memory_space<vmem>>
      %dma_wait3A_467 = tpu.memref_squeeze %dma_wait3A_466 : memref<1x80xi32, #tpu.memory_space<vmem>> -> memref<80xi32, #tpu.memory_space<vmem>>
      %dma_wait3A_468 = arith.constant 0 : i32
      %dma_wait3A_469 = arith.constant 0 : i32
      %dma_wait3A_470 = tpu.memref_slice %arg11[%dma_wait3A_468, %dma_wait3A_469] : memref<10112x128xf32, #tpu.memory_space<vmem_shared>> -> memref<10112x128xf32, #tpu.memory_space<vmem_shared>>
      tpu.wait_indirect_dma semaphore(%run_scoped3A_452 : memref<!tpu.dma_semaphore, #tpu.memory_space<semaphore_mem>>) src(%dma_wait3A_464 : memref<80x128xf32, #tpu.memory_space<vmem>>) dst(%dma_wait3A_470 : memref<10112x128xf32, #tpu.memory_space<vmem_shared>>)
      tpu.yield
    }) : () -> ()
    %dma_start3A_317 = arith.constant 1 : i32
    %dma_start3A_318 = arith.constant 3 : i32
    %dma_start3A_319 = arith.constant 80 : i32
    %dma_start3A_320 = arith.constant 0 : i32
    %dma_start3A_321 = tpu.memref_slice %arg10[%dma_start3A_319, %dma_start3A_320] : memref<160x128xf32, #tpu.memory_space<vmem>> -> memref<80x128xf32, #tpu.memory_space<vmem>>
    %dma_start3A_322 = arith.constant 0 : i32
    %dma_start3A_323 = tpu.memref_slice %arg8[%dma_start3A_317, %dma_start3A_318, %dma_start3A_322] : memref<2x8x80xi32, #tpu.memory_space<vmem>> -> memref<1x1x80xi32, #tpu.memory_space<vmem>>
    %dma_start3A_324 = tpu.memref_squeeze %dma_start3A_323 : memref<1x1x80xi32, #tpu.memory_space<vmem>> -> memref<80xi32, #tpu.memory_space<vmem>>
    %dma_start3A_325 = arith.constant 0 : i32
    %dma_start3A_326 = arith.constant 0 : i32
    %dma_start3A_327 = tpu.memref_slice %arg4[%dma_start3A_325, %dma_start3A_326] : memref<10112x128xf32, #tpu.memory_space<hbm>> -> memref<10112x128xf32, #tpu.memory_space<hbm>>
    tpu.enqueue_indirect_dma source(%dma_start3A_327 : memref<10112x128xf32, #tpu.memory_space<hbm>>) target(%dma_start3A_321 : memref<80x128xf32, #tpu.memory_space<vmem>>) offsets(%dma_start3A_324 : memref<80xi32, #tpu.memory_space<vmem>>) semaphore(%arg15 : memref<!tpu.dma_semaphore, #tpu.memory_space<semaphore_mem>>)
    %dma_wait3A_328 = arith.constant 1 : i32
    %dma_wait3A_329 = arith.constant 2 : i32
    %dma_wait3A_330 = arith.constant 0 : i32
    %dma_wait3A_331 = arith.constant 0 : i32
    %dma_wait3A_332 = tpu.memref_slice %arg10[%dma_wait3A_330, %dma_wait3A_331] : memref<160x128xf32, #tpu.memory_space<vmem>> -> memref<80x128xf32, #tpu.memory_space<vmem>>
    %dma_wait3A_333 = arith.constant 0 : i32
    %dma_wait3A_334 = tpu.memref_slice %arg8[%dma_wait3A_328, %dma_wait3A_329, %dma_wait3A_333] : memref<2x8x80xi32, #tpu.memory_space<vmem>> -> memref<1x1x80xi32, #tpu.memory_space<vmem>>
    %dma_wait3A_335 = tpu.memref_squeeze %dma_wait3A_334 : memref<1x1x80xi32, #tpu.memory_space<vmem>> -> memref<80xi32, #tpu.memory_space<vmem>>
    %dma_wait3A_336 = arith.constant 0 : i32
    %dma_wait3A_337 = arith.constant 0 : i32
    %dma_wait3A_338 = tpu.memref_slice %arg4[%dma_wait3A_336, %dma_wait3A_337] : memref<10112x128xf32, #tpu.memory_space<hbm>> -> memref<10112x128xf32, #tpu.memory_space<hbm>>
    tpu.wait_indirect_dma semaphore(%arg14 : memref<!tpu.dma_semaphore, #tpu.memory_space<semaphore_mem>>) src(%dma_wait3A_338 : memref<10112x128xf32, #tpu.memory_space<hbm>>) dst(%dma_wait3A_332 : memref<80x128xf32, #tpu.memory_space<vmem>>)
    %run_scoped3A_339 = arith.constant 122 : i32
    "tpu.region"() ({
      %run_scoped3A_452 = tpu.sem_alloc : memref<!tpu.dma_semaphore, #tpu.memory_space<semaphore_mem>>
      %dma_start3A_453 = arith.constant 0 : i32
      %dma_start3A_454 = arith.constant 0 : i32
      %dma_start3A_455 = tpu.memref_slice %arg10[%dma_start3A_453, %dma_start3A_454] : memref<160x128xf32, #tpu.memory_space<vmem>> -> memref<80x128xf32, #tpu.memory_space<vmem>>
      %dma_start3A_456 = arith.constant 0 : i32
      %dma_start3A_457 = tpu.memref_slice %arg9[%run_scoped3A_339, %dma_start3A_456] : memref<128x80xi32, #tpu.memory_space<vmem>> -> memref<1x80xi32, #tpu.memory_space<vmem>>
      %dma_start3A_458 = tpu.memref_squeeze %dma_start3A_457 : memref<1x80xi32, #tpu.memory_space<vmem>> -> memref<80xi32, #tpu.memory_space<vmem>>
      %dma_start3A_459 = arith.constant 0 : i32
      %dma_start3A_460 = arith.constant 0 : i32
      %dma_start3A_461 = tpu.memref_slice %arg11[%dma_start3A_459, %dma_start3A_460] : memref<10112x128xf32, #tpu.memory_space<vmem_shared>> -> memref<10112x128xf32, #tpu.memory_space<vmem_shared>>
      tpu.enqueue_indirect_dma source(%dma_start3A_455 : memref<80x128xf32, #tpu.memory_space<vmem>>) target(%dma_start3A_461 : memref<10112x128xf32, #tpu.memory_space<vmem_shared>>) offsets(%dma_start3A_458 : memref<80xi32, #tpu.memory_space<vmem>>) semaphore(%run_scoped3A_452 : memref<!tpu.dma_semaphore, #tpu.memory_space<semaphore_mem>>) {add = true}
      %dma_wait3A_462 = arith.constant 0 : i32
      %dma_wait3A_463 = arith.constant 0 : i32
      %dma_wait3A_464 = tpu.memref_slice %arg10[%dma_wait3A_462, %dma_wait3A_463] : memref<160x128xf32, #tpu.memory_space<vmem>> -> memref<80x128xf32, #tpu.memory_space<vmem>>
      %dma_wait3A_465 = arith.constant 0 : i32
      %dma_wait3A_466 = tpu.memref_slice %arg9[%run_scoped3A_339, %dma_wait3A_465] : memref<128x80xi32, #tpu.memory_space<vmem>> -> memref<1x80xi32, #tpu.memory_space<vmem>>
      %dma_wait3A_467 = tpu.memref_squeeze %dma_wait3A_466 : memref<1x80xi32, #tpu.memory_space<vmem>> -> memref<80xi32, #tpu.memory_space<vmem>>
      %dma_wait3A_468 = arith.constant 0 : i32
      %dma_wait3A_469 = arith.constant 0 : i32
      %dma_wait3A_470 = tpu.memref_slice %arg11[%dma_wait3A_468, %dma_wait3A_469] : memref<10112x128xf32, #tpu.memory_space<vmem_shared>> -> memref<10112x128xf32, #tpu.memory_space<vmem_shared>>
      tpu.wait_indirect_dma semaphore(%run_scoped3A_452 : memref<!tpu.dma_semaphore, #tpu.memory_space<semaphore_mem>>) src(%dma_wait3A_464 : memref<80x128xf32, #tpu.memory_space<vmem>>) dst(%dma_wait3A_470 : memref<10112x128xf32, #tpu.memory_space<vmem_shared>>)
      tpu.yield
    }) : () -> ()
    %dma_start3A_340 = arith.constant 1 : i32
    %dma_start3A_341 = arith.constant 4 : i32
    %dma_start3A_342 = arith.constant 0 : i32
    %dma_start3A_343 = arith.constant 0 : i32
    %dma_start3A_344 = tpu.memref_slice %arg10[%dma_start3A_342, %dma_start3A_343] : memref<160x128xf32, #tpu.memory_space<vmem>> -> memref<80x128xf32, #tpu.memory_space<vmem>>
    %dma_start3A_345 = arith.constant 0 : i32
    %dma_start3A_346 = tpu.memref_slice %arg8[%dma_start3A_340, %dma_start3A_341, %dma_start3A_345] : memref<2x8x80xi32, #tpu.memory_space<vmem>> -> memref<1x1x80xi32, #tpu.memory_space<vmem>>
    %dma_start3A_347 = tpu.memref_squeeze %dma_start3A_346 : memref<1x1x80xi32, #tpu.memory_space<vmem>> -> memref<80xi32, #tpu.memory_space<vmem>>
    %dma_start3A_348 = arith.constant 0 : i32
    %dma_start3A_349 = arith.constant 0 : i32
    %dma_start3A_350 = tpu.memref_slice %arg4[%dma_start3A_348, %dma_start3A_349] : memref<10112x128xf32, #tpu.memory_space<hbm>> -> memref<10112x128xf32, #tpu.memory_space<hbm>>
    tpu.enqueue_indirect_dma source(%dma_start3A_350 : memref<10112x128xf32, #tpu.memory_space<hbm>>) target(%dma_start3A_344 : memref<80x128xf32, #tpu.memory_space<vmem>>) offsets(%dma_start3A_347 : memref<80xi32, #tpu.memory_space<vmem>>) semaphore(%arg14 : memref<!tpu.dma_semaphore, #tpu.memory_space<semaphore_mem>>)
    %dma_wait3A_351 = arith.constant 1 : i32
    %dma_wait3A_352 = arith.constant 3 : i32
    %dma_wait3A_353 = arith.constant 80 : i32
    %dma_wait3A_354 = arith.constant 0 : i32
    %dma_wait3A_355 = tpu.memref_slice %arg10[%dma_wait3A_353, %dma_wait3A_354] : memref<160x128xf32, #tpu.memory_space<vmem>> -> memref<80x128xf32, #tpu.memory_space<vmem>>
    %dma_wait3A_356 = arith.constant 0 : i32
    %dma_wait3A_357 = tpu.memref_slice %arg8[%dma_wait3A_351, %dma_wait3A_352, %dma_wait3A_356] : memref<2x8x80xi32, #tpu.memory_space<vmem>> -> memref<1x1x80xi32, #tpu.memory_space<vmem>>
    %dma_wait3A_358 = tpu.memref_squeeze %dma_wait3A_357 : memref<1x1x80xi32, #tpu.memory_space<vmem>> -> memref<80xi32, #tpu.memory_space<vmem>>
    %dma_wait3A_359 = arith.constant 0 : i32
    %dma_wait3A_360 = arith.constant 0 : i32
    %dma_wait3A_361 = tpu.memref_slice %arg4[%dma_wait3A_359, %dma_wait3A_360] : memref<10112x128xf32, #tpu.memory_space<hbm>> -> memref<10112x128xf32, #tpu.memory_space<hbm>>
    tpu.wait_indirect_dma semaphore(%arg15 : memref<!tpu.dma_semaphore, #tpu.memory_space<semaphore_mem>>) src(%dma_wait3A_361 : memref<10112x128xf32, #tpu.memory_space<hbm>>) dst(%dma_wait3A_355 : memref<80x128xf32, #tpu.memory_space<vmem>>)
    %run_scoped3A_362 = arith.constant 123 : i32
    "tpu.region"() ({
      %run_scoped3A_452 = tpu.sem_alloc : memref<!tpu.dma_semaphore, #tpu.memory_space<semaphore_mem>>
      %dma_start3A_453 = arith.constant 80 : i32
      %dma_start3A_454 = arith.constant 0 : i32
      %dma_start3A_455 = tpu.memref_slice %arg10[%dma_start3A_453, %dma_start3A_454] : memref<160x128xf32, #tpu.memory_space<vmem>> -> memref<80x128xf32, #tpu.memory_space<vmem>>
      %dma_start3A_456 = arith.constant 0 : i32
      %dma_start3A_457 = tpu.memref_slice %arg9[%run_scoped3A_362, %dma_start3A_456] : memref<128x80xi32, #tpu.memory_space<vmem>> -> memref<1x80xi32, #tpu.memory_space<vmem>>
      %dma_start3A_458 = tpu.memref_squeeze %dma_start3A_457 : memref<1x80xi32, #tpu.memory_space<vmem>> -> memref<80xi32, #tpu.memory_space<vmem>>
      %dma_start3A_459 = arith.constant 0 : i32
      %dma_start3A_460 = arith.constant 0 : i32
      %dma_start3A_461 = tpu.memref_slice %arg11[%dma_start3A_459, %dma_start3A_460] : memref<10112x128xf32, #tpu.memory_space<vmem_shared>> -> memref<10112x128xf32, #tpu.memory_space<vmem_shared>>
      tpu.enqueue_indirect_dma source(%dma_start3A_455 : memref<80x128xf32, #tpu.memory_space<vmem>>) target(%dma_start3A_461 : memref<10112x128xf32, #tpu.memory_space<vmem_shared>>) offsets(%dma_start3A_458 : memref<80xi32, #tpu.memory_space<vmem>>) semaphore(%run_scoped3A_452 : memref<!tpu.dma_semaphore, #tpu.memory_space<semaphore_mem>>) {add = true}
      %dma_wait3A_462 = arith.constant 80 : i32
      %dma_wait3A_463 = arith.constant 0 : i32
      %dma_wait3A_464 = tpu.memref_slice %arg10[%dma_wait3A_462, %dma_wait3A_463] : memref<160x128xf32, #tpu.memory_space<vmem>> -> memref<80x128xf32, #tpu.memory_space<vmem>>
      %dma_wait3A_465 = arith.constant 0 : i32
      %dma_wait3A_466 = tpu.memref_slice %arg9[%run_scoped3A_362, %dma_wait3A_465] : memref<128x80xi32, #tpu.memory_space<vmem>> -> memref<1x80xi32, #tpu.memory_space<vmem>>
      %dma_wait3A_467 = tpu.memref_squeeze %dma_wait3A_466 : memref<1x80xi32, #tpu.memory_space<vmem>> -> memref<80xi32, #tpu.memory_space<vmem>>
      %dma_wait3A_468 = arith.constant 0 : i32
      %dma_wait3A_469 = arith.constant 0 : i32
      %dma_wait3A_470 = tpu.memref_slice %arg11[%dma_wait3A_468, %dma_wait3A_469] : memref<10112x128xf32, #tpu.memory_space<vmem_shared>> -> memref<10112x128xf32, #tpu.memory_space<vmem_shared>>
      tpu.wait_indirect_dma semaphore(%run_scoped3A_452 : memref<!tpu.dma_semaphore, #tpu.memory_space<semaphore_mem>>) src(%dma_wait3A_464 : memref<80x128xf32, #tpu.memory_space<vmem>>) dst(%dma_wait3A_470 : memref<10112x128xf32, #tpu.memory_space<vmem_shared>>)
      tpu.yield
    }) : () -> ()
    %dma_start3A_363 = arith.constant 1 : i32
    %dma_start3A_364 = arith.constant 5 : i32
    %dma_start3A_365 = arith.constant 80 : i32
    %dma_start3A_366 = arith.constant 0 : i32
    %dma_start3A_367 = tpu.memref_slice %arg10[%dma_start3A_365, %dma_start3A_366] : memref<160x128xf32, #tpu.memory_space<vmem>> -> memref<80x128xf32, #tpu.memory_space<vmem>>
    %dma_start3A_368 = arith.constant 0 : i32
    %dma_start3A_369 = tpu.memref_slice %arg8[%dma_start3A_363, %dma_start3A_364, %dma_start3A_368] : memref<2x8x80xi32, #tpu.memory_space<vmem>> -> memref<1x1x80xi32, #tpu.memory_space<vmem>>
    %dma_start3A_370 = tpu.memref_squeeze %dma_start3A_369 : memref<1x1x80xi32, #tpu.memory_space<vmem>> -> memref<80xi32, #tpu.memory_space<vmem>>
    %dma_start3A_371 = arith.constant 0 : i32
    %dma_start3A_372 = arith.constant 0 : i32
    %dma_start3A_373 = tpu.memref_slice %arg4[%dma_start3A_371, %dma_start3A_372] : memref<10112x128xf32, #tpu.memory_space<hbm>> -> memref<10112x128xf32, #tpu.memory_space<hbm>>
    tpu.enqueue_indirect_dma source(%dma_start3A_373 : memref<10112x128xf32, #tpu.memory_space<hbm>>) target(%dma_start3A_367 : memref<80x128xf32, #tpu.memory_space<vmem>>) offsets(%dma_start3A_370 : memref<80xi32, #tpu.memory_space<vmem>>) semaphore(%arg15 : memref<!tpu.dma_semaphore, #tpu.memory_space<semaphore_mem>>)
    %dma_wait3A_374 = arith.constant 1 : i32
    %dma_wait3A_375 = arith.constant 4 : i32
    %dma_wait3A_376 = arith.constant 0 : i32
    %dma_wait3A_377 = arith.constant 0 : i32
    %dma_wait3A_378 = tpu.memref_slice %arg10[%dma_wait3A_376, %dma_wait3A_377] : memref<160x128xf32, #tpu.memory_space<vmem>> -> memref<80x128xf32, #tpu.memory_space<vmem>>
    %dma_wait3A_379 = arith.constant 0 : i32
    %dma_wait3A_380 = tpu.memref_slice %arg8[%dma_wait3A_374, %dma_wait3A_375, %dma_wait3A_379] : memref<2x8x80xi32, #tpu.memory_space<vmem>> -> memref<1x1x80xi32, #tpu.memory_space<vmem>>
    %dma_wait3A_381 = tpu.memref_squeeze %dma_wait3A_380 : memref<1x1x80xi32, #tpu.memory_space<vmem>> -> memref<80xi32, #tpu.memory_space<vmem>>
    %dma_wait3A_382 = arith.constant 0 : i32
    %dma_wait3A_383 = arith.constant 0 : i32
    %dma_wait3A_384 = tpu.memref_slice %arg4[%dma_wait3A_382, %dma_wait3A_383] : memref<10112x128xf32, #tpu.memory_space<hbm>> -> memref<10112x128xf32, #tpu.memory_space<hbm>>
    tpu.wait_indirect_dma semaphore(%arg14 : memref<!tpu.dma_semaphore, #tpu.memory_space<semaphore_mem>>) src(%dma_wait3A_384 : memref<10112x128xf32, #tpu.memory_space<hbm>>) dst(%dma_wait3A_378 : memref<80x128xf32, #tpu.memory_space<vmem>>)
    %run_scoped3A_385 = arith.constant 124 : i32
    "tpu.region"() ({
      %run_scoped3A_452 = tpu.sem_alloc : memref<!tpu.dma_semaphore, #tpu.memory_space<semaphore_mem>>
      %dma_start3A_453 = arith.constant 0 : i32
      %dma_start3A_454 = arith.constant 0 : i32
      %dma_start3A_455 = tpu.memref_slice %arg10[%dma_start3A_453, %dma_start3A_454] : memref<160x128xf32, #tpu.memory_space<vmem>> -> memref<80x128xf32, #tpu.memory_space<vmem>>
      %dma_start3A_456 = arith.constant 0 : i32
      %dma_start3A_457 = tpu.memref_slice %arg9[%run_scoped3A_385, %dma_start3A_456] : memref<128x80xi32, #tpu.memory_space<vmem>> -> memref<1x80xi32, #tpu.memory_space<vmem>>
      %dma_start3A_458 = tpu.memref_squeeze %dma_start3A_457 : memref<1x80xi32, #tpu.memory_space<vmem>> -> memref<80xi32, #tpu.memory_space<vmem>>
      %dma_start3A_459 = arith.constant 0 : i32
      %dma_start3A_460 = arith.constant 0 : i32
      %dma_start3A_461 = tpu.memref_slice %arg11[%dma_start3A_459, %dma_start3A_460] : memref<10112x128xf32, #tpu.memory_space<vmem_shared>> -> memref<10112x128xf32, #tpu.memory_space<vmem_shared>>
      tpu.enqueue_indirect_dma source(%dma_start3A_455 : memref<80x128xf32, #tpu.memory_space<vmem>>) target(%dma_start3A_461 : memref<10112x128xf32, #tpu.memory_space<vmem_shared>>) offsets(%dma_start3A_458 : memref<80xi32, #tpu.memory_space<vmem>>) semaphore(%run_scoped3A_452 : memref<!tpu.dma_semaphore, #tpu.memory_space<semaphore_mem>>) {add = true}
      %dma_wait3A_462 = arith.constant 0 : i32
      %dma_wait3A_463 = arith.constant 0 : i32
      %dma_wait3A_464 = tpu.memref_slice %arg10[%dma_wait3A_462, %dma_wait3A_463] : memref<160x128xf32, #tpu.memory_space<vmem>> -> memref<80x128xf32, #tpu.memory_space<vmem>>
      %dma_wait3A_465 = arith.constant 0 : i32
      %dma_wait3A_466 = tpu.memref_slice %arg9[%run_scoped3A_385, %dma_wait3A_465] : memref<128x80xi32, #tpu.memory_space<vmem>> -> memref<1x80xi32, #tpu.memory_space<vmem>>
      %dma_wait3A_467 = tpu.memref_squeeze %dma_wait3A_466 : memref<1x80xi32, #tpu.memory_space<vmem>> -> memref<80xi32, #tpu.memory_space<vmem>>
      %dma_wait3A_468 = arith.constant 0 : i32
      %dma_wait3A_469 = arith.constant 0 : i32
      %dma_wait3A_470 = tpu.memref_slice %arg11[%dma_wait3A_468, %dma_wait3A_469] : memref<10112x128xf32, #tpu.memory_space<vmem_shared>> -> memref<10112x128xf32, #tpu.memory_space<vmem_shared>>
      tpu.wait_indirect_dma semaphore(%run_scoped3A_452 : memref<!tpu.dma_semaphore, #tpu.memory_space<semaphore_mem>>) src(%dma_wait3A_464 : memref<80x128xf32, #tpu.memory_space<vmem>>) dst(%dma_wait3A_470 : memref<10112x128xf32, #tpu.memory_space<vmem_shared>>)
      tpu.yield
    }) : () -> ()
    %dma_start3A_386 = arith.constant 1 : i32
    %dma_start3A_387 = arith.constant 6 : i32
    %dma_start3A_388 = arith.constant 0 : i32
    %dma_start3A_389 = arith.constant 0 : i32
    %dma_start3A_390 = tpu.memref_slice %arg10[%dma_start3A_388, %dma_start3A_389] : memref<160x128xf32, #tpu.memory_space<vmem>> -> memref<80x128xf32, #tpu.memory_space<vmem>>
    %dma_start3A_391 = arith.constant 0 : i32
    %dma_start3A_392 = tpu.memref_slice %arg8[%dma_start3A_386, %dma_start3A_387, %dma_start3A_391] : memref<2x8x80xi32, #tpu.memory_space<vmem>> -> memref<1x1x80xi32, #tpu.memory_space<vmem>>
    %dma_start3A_393 = tpu.memref_squeeze %dma_start3A_392 : memref<1x1x80xi32, #tpu.memory_space<vmem>> -> memref<80xi32, #tpu.memory_space<vmem>>
    %dma_start3A_394 = arith.constant 0 : i32
    %dma_start3A_395 = arith.constant 0 : i32
    %dma_start3A_396 = tpu.memref_slice %arg4[%dma_start3A_394, %dma_start3A_395] : memref<10112x128xf32, #tpu.memory_space<hbm>> -> memref<10112x128xf32, #tpu.memory_space<hbm>>
    tpu.enqueue_indirect_dma source(%dma_start3A_396 : memref<10112x128xf32, #tpu.memory_space<hbm>>) target(%dma_start3A_390 : memref<80x128xf32, #tpu.memory_space<vmem>>) offsets(%dma_start3A_393 : memref<80xi32, #tpu.memory_space<vmem>>) semaphore(%arg14 : memref<!tpu.dma_semaphore, #tpu.memory_space<semaphore_mem>>)
    %dma_wait3A_397 = arith.constant 1 : i32
    %dma_wait3A_398 = arith.constant 5 : i32
    %dma_wait3A_399 = arith.constant 80 : i32
    %dma_wait3A_400 = arith.constant 0 : i32
    %dma_wait3A_401 = tpu.memref_slice %arg10[%dma_wait3A_399, %dma_wait3A_400] : memref<160x128xf32, #tpu.memory_space<vmem>> -> memref<80x128xf32, #tpu.memory_space<vmem>>
    %dma_wait3A_402 = arith.constant 0 : i32
    %dma_wait3A_403 = tpu.memref_slice %arg8[%dma_wait3A_397, %dma_wait3A_398, %dma_wait3A_402] : memref<2x8x80xi32, #tpu.memory_space<vmem>> -> memref<1x1x80xi32, #tpu.memory_space<vmem>>
    %dma_wait3A_404 = tpu.memref_squeeze %dma_wait3A_403 : memref<1x1x80xi32, #tpu.memory_space<vmem>> -> memref<80xi32, #tpu.memory_space<vmem>>
    %dma_wait3A_405 = arith.constant 0 : i32
    %dma_wait3A_406 = arith.constant 0 : i32
    %dma_wait3A_407 = tpu.memref_slice %arg4[%dma_wait3A_405, %dma_wait3A_406] : memref<10112x128xf32, #tpu.memory_space<hbm>> -> memref<10112x128xf32, #tpu.memory_space<hbm>>
    tpu.wait_indirect_dma semaphore(%arg15 : memref<!tpu.dma_semaphore, #tpu.memory_space<semaphore_mem>>) src(%dma_wait3A_407 : memref<10112x128xf32, #tpu.memory_space<hbm>>) dst(%dma_wait3A_401 : memref<80x128xf32, #tpu.memory_space<vmem>>)
    %run_scoped3A_408 = arith.constant 125 : i32
    "tpu.region"() ({
      %run_scoped3A_452 = tpu.sem_alloc : memref<!tpu.dma_semaphore, #tpu.memory_space<semaphore_mem>>
      %dma_start3A_453 = arith.constant 80 : i32
      %dma_start3A_454 = arith.constant 0 : i32
      %dma_start3A_455 = tpu.memref_slice %arg10[%dma_start3A_453, %dma_start3A_454] : memref<160x128xf32, #tpu.memory_space<vmem>> -> memref<80x128xf32, #tpu.memory_space<vmem>>
      %dma_start3A_456 = arith.constant 0 : i32
      %dma_start3A_457 = tpu.memref_slice %arg9[%run_scoped3A_408, %dma_start3A_456] : memref<128x80xi32, #tpu.memory_space<vmem>> -> memref<1x80xi32, #tpu.memory_space<vmem>>
      %dma_start3A_458 = tpu.memref_squeeze %dma_start3A_457 : memref<1x80xi32, #tpu.memory_space<vmem>> -> memref<80xi32, #tpu.memory_space<vmem>>
      %dma_start3A_459 = arith.constant 0 : i32
      %dma_start3A_460 = arith.constant 0 : i32
      %dma_start3A_461 = tpu.memref_slice %arg11[%dma_start3A_459, %dma_start3A_460] : memref<10112x128xf32, #tpu.memory_space<vmem_shared>> -> memref<10112x128xf32, #tpu.memory_space<vmem_shared>>
      tpu.enqueue_indirect_dma source(%dma_start3A_455 : memref<80x128xf32, #tpu.memory_space<vmem>>) target(%dma_start3A_461 : memref<10112x128xf32, #tpu.memory_space<vmem_shared>>) offsets(%dma_start3A_458 : memref<80xi32, #tpu.memory_space<vmem>>) semaphore(%run_scoped3A_452 : memref<!tpu.dma_semaphore, #tpu.memory_space<semaphore_mem>>) {add = true}
      %dma_wait3A_462 = arith.constant 80 : i32
      %dma_wait3A_463 = arith.constant 0 : i32
      %dma_wait3A_464 = tpu.memref_slice %arg10[%dma_wait3A_462, %dma_wait3A_463] : memref<160x128xf32, #tpu.memory_space<vmem>> -> memref<80x128xf32, #tpu.memory_space<vmem>>
      %dma_wait3A_465 = arith.constant 0 : i32
      %dma_wait3A_466 = tpu.memref_slice %arg9[%run_scoped3A_408, %dma_wait3A_465] : memref<128x80xi32, #tpu.memory_space<vmem>> -> memref<1x80xi32, #tpu.memory_space<vmem>>
      %dma_wait3A_467 = tpu.memref_squeeze %dma_wait3A_466 : memref<1x80xi32, #tpu.memory_space<vmem>> -> memref<80xi32, #tpu.memory_space<vmem>>
      %dma_wait3A_468 = arith.constant 0 : i32
      %dma_wait3A_469 = arith.constant 0 : i32
      %dma_wait3A_470 = tpu.memref_slice %arg11[%dma_wait3A_468, %dma_wait3A_469] : memref<10112x128xf32, #tpu.memory_space<vmem_shared>> -> memref<10112x128xf32, #tpu.memory_space<vmem_shared>>
      tpu.wait_indirect_dma semaphore(%run_scoped3A_452 : memref<!tpu.dma_semaphore, #tpu.memory_space<semaphore_mem>>) src(%dma_wait3A_464 : memref<80x128xf32, #tpu.memory_space<vmem>>) dst(%dma_wait3A_470 : memref<10112x128xf32, #tpu.memory_space<vmem_shared>>)
      tpu.yield
    }) : () -> ()
    %dma_start3A_409 = arith.constant 1 : i32
    %dma_start3A_410 = arith.constant 7 : i32
    %dma_start3A_411 = arith.constant 80 : i32
    %dma_start3A_412 = arith.constant 0 : i32
    %dma_start3A_413 = tpu.memref_slice %arg10[%dma_start3A_411, %dma_start3A_412] : memref<160x128xf32, #tpu.memory_space<vmem>> -> memref<80x128xf32, #tpu.memory_space<vmem>>
    %dma_start3A_414 = arith.constant 0 : i32
    %dma_start3A_415 = tpu.memref_slice %arg8[%dma_start3A_409, %dma_start3A_410, %dma_start3A_414] : memref<2x8x80xi32, #tpu.memory_space<vmem>> -> memref<1x1x80xi32, #tpu.memory_space<vmem>>
    %dma_start3A_416 = tpu.memref_squeeze %dma_start3A_415 : memref<1x1x80xi32, #tpu.memory_space<vmem>> -> memref<80xi32, #tpu.memory_space<vmem>>
    %dma_start3A_417 = arith.constant 0 : i32
    %dma_start3A_418 = arith.constant 0 : i32
    %dma_start3A_419 = tpu.memref_slice %arg4[%dma_start3A_417, %dma_start3A_418] : memref<10112x128xf32, #tpu.memory_space<hbm>> -> memref<10112x128xf32, #tpu.memory_space<hbm>>
    tpu.enqueue_indirect_dma source(%dma_start3A_419 : memref<10112x128xf32, #tpu.memory_space<hbm>>) target(%dma_start3A_413 : memref<80x128xf32, #tpu.memory_space<vmem>>) offsets(%dma_start3A_416 : memref<80xi32, #tpu.memory_space<vmem>>) semaphore(%arg15 : memref<!tpu.dma_semaphore, #tpu.memory_space<semaphore_mem>>)
    %dma_wait3A_420 = arith.constant 1 : i32
    %dma_wait3A_421 = arith.constant 6 : i32
    %dma_wait3A_422 = arith.constant 0 : i32
    %dma_wait3A_423 = arith.constant 0 : i32
    %dma_wait3A_424 = tpu.memref_slice %arg10[%dma_wait3A_422, %dma_wait3A_423] : memref<160x128xf32, #tpu.memory_space<vmem>> -> memref<80x128xf32, #tpu.memory_space<vmem>>
    %dma_wait3A_425 = arith.constant 0 : i32
    %dma_wait3A_426 = tpu.memref_slice %arg8[%dma_wait3A_420, %dma_wait3A_421, %dma_wait3A_425] : memref<2x8x80xi32, #tpu.memory_space<vmem>> -> memref<1x1x80xi32, #tpu.memory_space<vmem>>
    %dma_wait3A_427 = tpu.memref_squeeze %dma_wait3A_426 : memref<1x1x80xi32, #tpu.memory_space<vmem>> -> memref<80xi32, #tpu.memory_space<vmem>>
    %dma_wait3A_428 = arith.constant 0 : i32
    %dma_wait3A_429 = arith.constant 0 : i32
    %dma_wait3A_430 = tpu.memref_slice %arg4[%dma_wait3A_428, %dma_wait3A_429] : memref<10112x128xf32, #tpu.memory_space<hbm>> -> memref<10112x128xf32, #tpu.memory_space<hbm>>
    tpu.wait_indirect_dma semaphore(%arg14 : memref<!tpu.dma_semaphore, #tpu.memory_space<semaphore_mem>>) src(%dma_wait3A_430 : memref<10112x128xf32, #tpu.memory_space<hbm>>) dst(%dma_wait3A_424 : memref<80x128xf32, #tpu.memory_space<vmem>>)
    %run_scoped3A_431 = arith.constant 126 : i32
    "tpu.region"() ({
      %run_scoped3A_452 = tpu.sem_alloc : memref<!tpu.dma_semaphore, #tpu.memory_space<semaphore_mem>>
      %dma_start3A_453 = arith.constant 0 : i32
      %dma_start3A_454 = arith.constant 0 : i32
      %dma_start3A_455 = tpu.memref_slice %arg10[%dma_start3A_453, %dma_start3A_454] : memref<160x128xf32, #tpu.memory_space<vmem>> -> memref<80x128xf32, #tpu.memory_space<vmem>>
      %dma_start3A_456 = arith.constant 0 : i32
      %dma_start3A_457 = tpu.memref_slice %arg9[%run_scoped3A_431, %dma_start3A_456] : memref<128x80xi32, #tpu.memory_space<vmem>> -> memref<1x80xi32, #tpu.memory_space<vmem>>
      %dma_start3A_458 = tpu.memref_squeeze %dma_start3A_457 : memref<1x80xi32, #tpu.memory_space<vmem>> -> memref<80xi32, #tpu.memory_space<vmem>>
      %dma_start3A_459 = arith.constant 0 : i32
      %dma_start3A_460 = arith.constant 0 : i32
      %dma_start3A_461 = tpu.memref_slice %arg11[%dma_start3A_459, %dma_start3A_460] : memref<10112x128xf32, #tpu.memory_space<vmem_shared>> -> memref<10112x128xf32, #tpu.memory_space<vmem_shared>>
      tpu.enqueue_indirect_dma source(%dma_start3A_455 : memref<80x128xf32, #tpu.memory_space<vmem>>) target(%dma_start3A_461 : memref<10112x128xf32, #tpu.memory_space<vmem_shared>>) offsets(%dma_start3A_458 : memref<80xi32, #tpu.memory_space<vmem>>) semaphore(%run_scoped3A_452 : memref<!tpu.dma_semaphore, #tpu.memory_space<semaphore_mem>>) {add = true}
      %dma_wait3A_462 = arith.constant 0 : i32
      %dma_wait3A_463 = arith.constant 0 : i32
      %dma_wait3A_464 = tpu.memref_slice %arg10[%dma_wait3A_462, %dma_wait3A_463] : memref<160x128xf32, #tpu.memory_space<vmem>> -> memref<80x128xf32, #tpu.memory_space<vmem>>
      %dma_wait3A_465 = arith.constant 0 : i32
      %dma_wait3A_466 = tpu.memref_slice %arg9[%run_scoped3A_431, %dma_wait3A_465] : memref<128x80xi32, #tpu.memory_space<vmem>> -> memref<1x80xi32, #tpu.memory_space<vmem>>
      %dma_wait3A_467 = tpu.memref_squeeze %dma_wait3A_466 : memref<1x80xi32, #tpu.memory_space<vmem>> -> memref<80xi32, #tpu.memory_space<vmem>>
      %dma_wait3A_468 = arith.constant 0 : i32
      %dma_wait3A_469 = arith.constant 0 : i32
      %dma_wait3A_470 = tpu.memref_slice %arg11[%dma_wait3A_468, %dma_wait3A_469] : memref<10112x128xf32, #tpu.memory_space<vmem_shared>> -> memref<10112x128xf32, #tpu.memory_space<vmem_shared>>
      tpu.wait_indirect_dma semaphore(%run_scoped3A_452 : memref<!tpu.dma_semaphore, #tpu.memory_space<semaphore_mem>>) src(%dma_wait3A_464 : memref<80x128xf32, #tpu.memory_space<vmem>>) dst(%dma_wait3A_470 : memref<10112x128xf32, #tpu.memory_space<vmem_shared>>)
      tpu.yield
    }) : () -> ()
    %dma_wait3A_432 = arith.constant 1 : i32
    %dma_wait3A_433 = arith.constant 7 : i32
    %dma_wait3A_434 = arith.constant 80 : i32
    %dma_wait3A_435 = arith.constant 0 : i32
    %dma_wait3A_436 = tpu.memref_slice %arg10[%dma_wait3A_434, %dma_wait3A_435] : memref<160x128xf32, #tpu.memory_space<vmem>> -> memref<80x128xf32, #tpu.memory_space<vmem>>
    %dma_wait3A_437 = arith.constant 0 : i32
    %dma_wait3A_438 = tpu.memref_slice %arg8[%dma_wait3A_432, %dma_wait3A_433, %dma_wait3A_437] : memref<2x8x80xi32, #tpu.memory_space<vmem>> -> memref<1x1x80xi32, #tpu.memory_space<vmem>>
    %dma_wait3A_439 = tpu.memref_squeeze %dma_wait3A_438 : memref<1x1x80xi32, #tpu.memory_space<vmem>> -> memref<80xi32, #tpu.memory_space<vmem>>
    %dma_wait3A_440 = arith.constant 0 : i32
    %dma_wait3A_441 = arith.constant 0 : i32
    %dma_wait3A_442 = tpu.memref_slice %arg4[%dma_wait3A_440, %dma_wait3A_441] : memref<10112x128xf32, #tpu.memory_space<hbm>> -> memref<10112x128xf32, #tpu.memory_space<hbm>>
    tpu.wait_indirect_dma semaphore(%arg15 : memref<!tpu.dma_semaphore, #tpu.memory_space<semaphore_mem>>) src(%dma_wait3A_442 : memref<10112x128xf32, #tpu.memory_space<hbm>>) dst(%dma_wait3A_436 : memref<80x128xf32, #tpu.memory_space<vmem>>)
    %run_scoped3A_443 = arith.constant 127 : i32
    "tpu.region"() ({
      %run_scoped3A_452 = tpu.sem_alloc : memref<!tpu.dma_semaphore, #tpu.memory_space<semaphore_mem>>
      %dma_start3A_453 = arith.constant 80 : i32
      %dma_start3A_454 = arith.constant 0 : i32
      %dma_start3A_455 = tpu.memref_slice %arg10[%dma_start3A_453, %dma_start3A_454] : memref<160x128xf32, #tpu.memory_space<vmem>> -> memref<80x128xf32, #tpu.memory_space<vmem>>
      %dma_start3A_456 = arith.constant 0 : i32
      %dma_start3A_457 = tpu.memref_slice %arg9[%run_scoped3A_443, %dma_start3A_456] : memref<128x80xi32, #tpu.memory_space<vmem>> -> memref<1x80xi32, #tpu.memory_space<vmem>>
      %dma_start3A_458 = tpu.memref_squeeze %dma_start3A_457 : memref<1x80xi32, #tpu.memory_space<vmem>> -> memref<80xi32, #tpu.memory_space<vmem>>
      %dma_start3A_459 = arith.constant 0 : i32
      %dma_start3A_460 = arith.constant 0 : i32
      %dma_start3A_461 = tpu.memref_slice %arg11[%dma_start3A_459, %dma_start3A_460] : memref<10112x128xf32, #tpu.memory_space<vmem_shared>> -> memref<10112x128xf32, #tpu.memory_space<vmem_shared>>
      tpu.enqueue_indirect_dma source(%dma_start3A_455 : memref<80x128xf32, #tpu.memory_space<vmem>>) target(%dma_start3A_461 : memref<10112x128xf32, #tpu.memory_space<vmem_shared>>) offsets(%dma_start3A_458 : memref<80xi32, #tpu.memory_space<vmem>>) semaphore(%run_scoped3A_452 : memref<!tpu.dma_semaphore, #tpu.memory_space<semaphore_mem>>) {add = true}
      %dma_wait3A_462 = arith.constant 80 : i32
      %dma_wait3A_463 = arith.constant 0 : i32
      %dma_wait3A_464 = tpu.memref_slice %arg10[%dma_wait3A_462, %dma_wait3A_463] : memref<160x128xf32, #tpu.memory_space<vmem>> -> memref<80x128xf32, #tpu.memory_space<vmem>>
      %dma_wait3A_465 = arith.constant 0 : i32
      %dma_wait3A_466 = tpu.memref_slice %arg9[%run_scoped3A_443, %dma_wait3A_465] : memref<128x80xi32, #tpu.memory_space<vmem>> -> memref<1x80xi32, #tpu.memory_space<vmem>>
      %dma_wait3A_467 = tpu.memref_squeeze %dma_wait3A_466 : memref<1x80xi32, #tpu.memory_space<vmem>> -> memref<80xi32, #tpu.memory_space<vmem>>
      %dma_wait3A_468 = arith.constant 0 : i32
      %dma_wait3A_469 = arith.constant 0 : i32
      %dma_wait3A_470 = tpu.memref_slice %arg11[%dma_wait3A_468, %dma_wait3A_469] : memref<10112x128xf32, #tpu.memory_space<vmem_shared>> -> memref<10112x128xf32, #tpu.memory_space<vmem_shared>>
      tpu.wait_indirect_dma semaphore(%run_scoped3A_452 : memref<!tpu.dma_semaphore, #tpu.memory_space<semaphore_mem>>) src(%dma_wait3A_464 : memref<80x128xf32, #tpu.memory_space<vmem>>) dst(%dma_wait3A_470 : memref<10112x128xf32, #tpu.memory_space<vmem_shared>>)
      tpu.yield
    }) : () -> ()
    %barrier3A_444 = arith.constant 0 : index
    tpu.barrier barrier_id(%barrier3A_444)
    %eq3A = arith.constant 0 : i32
    %eq3A_445 = arith.cmpi eq, %arg0, %eq3A : i32
    %convert_element_type3A = arith.extui %eq3A_445 : i1 to i32
    %cond3A = arith.constant 0 : i32
    %cond3A_446 = arith.cmpi ne, %convert_element_type3A, %cond3A : i32
    scf.if %cond3A_446 {
      %mul3A_452 = arith.constant 632 : i32
      %mul3A_453 = arith.muli %arg1, %mul3A_452 : i32
      %mul3A_454 = arith.constant 632 : i32
      %mul3A_455 = arith.muli %arg1, %mul3A_454 : i32
      "tpu.region"() ({
        %run_scoped3A_456 = tpu.sem_alloc : memref<!tpu.dma_semaphore, #tpu.memory_space<semaphore_mem>>
        %dma_start3A_457 = arith.constant 0 : i32
        %dma_start3A_458 = tpu.memref_slice %arg6[%mul3A_455, %dma_start3A_457] : memref<10112x128xf32, #tpu.memory_space<hbm>> -> memref<632x128xf32, #tpu.memory_space<hbm>>
        %dma_start3A_459 = arith.constant 0 : i32
        %dma_start3A_460 = tpu.memref_slice %arg11[%mul3A_453, %dma_start3A_459] : memref<10112x128xf32, #tpu.memory_space<vmem_shared>> -> memref<632x128xf32, #tpu.memory_space<vmem_shared>>
        tpu.enqueue_dma source(%dma_start3A_460 : memref<632x128xf32, #tpu.memory_space<vmem_shared>>) target(%dma_start3A_458 : memref<632x128xf32, #tpu.memory_space<hbm>>) target_semaphore(%run_scoped3A_456 : memref<!tpu.dma_semaphore, #tpu.memory_space<semaphore_mem>>)
        %dma_wait3A_461 = arith.constant 0 : i32
        %dma_wait3A_462 = tpu.memref_slice %arg6[%mul3A_455, %dma_wait3A_461] : memref<10112x128xf32, #tpu.memory_space<hbm>> -> memref<632x128xf32, #tpu.memory_space<hbm>>
        %dma_wait3A_463 = arith.constant 0 : i32
        %dma_wait3A_464 = tpu.memref_slice %arg11[%mul3A_453, %dma_wait3A_463] : memref<10112x128xf32, #tpu.memory_space<vmem_shared>> -> memref<632x128xf32, #tpu.memory_space<vmem_shared>>
        tpu.wait_dma2 semaphore(%run_scoped3A_456 : memref<!tpu.dma_semaphore, #tpu.memory_space<semaphore_mem>>) src(%dma_wait3A_464 : memref<632x128xf32, #tpu.memory_space<vmem_shared>>) dst(%dma_wait3A_462 : memref<632x128xf32, #tpu.memory_space<hbm>>)
        tpu.yield
      }) : () -> ()
    } else {
    }
    %eq3A_447 = arith.constant 1 : i32
    %eq3A_448 = arith.cmpi eq, %arg0, %eq3A_447 : i32
    %convert_element_type3A_449 = arith.extui %eq3A_448 : i1 to i32
    %cond3A_450 = arith.constant 0 : i32
    %cond3A_451 = arith.cmpi ne, %convert_element_type3A_449, %cond3A_450 : i32
    scf.if %cond3A_451 {
      %mul3A_452 = arith.constant 632 : i32
      %mul3A_453 = arith.muli %arg1, %mul3A_452 : i32
      %mul3A_454 = arith.constant 632 : i32
      %mul3A_455 = arith.muli %arg1, %mul3A_454 : i32
      "tpu.region"() ({
        %run_scoped3A_456 = tpu.sem_alloc : memref<!tpu.dma_semaphore, #tpu.memory_space<semaphore_mem>>
        %dma_start3A_457 = arith.constant 0 : i32
        %dma_start3A_458 = tpu.memref_slice %arg7[%mul3A_455, %dma_start3A_457] : memref<10112x128xf32, #tpu.memory_space<hbm>> -> memref<632x128xf32, #tpu.memory_space<hbm>>
        %dma_start3A_459 = arith.constant 0 : i32
        %dma_start3A_460 = tpu.memref_slice %arg11[%mul3A_453, %dma_start3A_459] : memref<10112x128xf32, #tpu.memory_space<vmem_shared>> -> memref<632x128xf32, #tpu.memory_space<vmem_shared>>
        tpu.enqueue_dma source(%dma_start3A_460 : memref<632x128xf32, #tpu.memory_space<vmem_shared>>) target(%dma_start3A_458 : memref<632x128xf32, #tpu.memory_space<hbm>>) target_semaphore(%run_scoped3A_456 : memref<!tpu.dma_semaphore, #tpu.memory_space<semaphore_mem>>)
        %dma_wait3A_461 = arith.constant 0 : i32
        %dma_wait3A_462 = tpu.memref_slice %arg7[%mul3A_455, %dma_wait3A_461] : memref<10112x128xf32, #tpu.memory_space<hbm>> -> memref<632x128xf32, #tpu.memory_space<hbm>>
        %dma_wait3A_463 = arith.constant 0 : i32
        %dma_wait3A_464 = tpu.memref_slice %arg11[%mul3A_453, %dma_wait3A_463] : memref<10112x128xf32, #tpu.memory_space<vmem_shared>> -> memref<632x128xf32, #tpu.memory_space<vmem_shared>>
        tpu.wait_dma2 semaphore(%run_scoped3A_456 : memref<!tpu.dma_semaphore, #tpu.memory_space<semaphore_mem>>) src(%dma_wait3A_464 : memref<632x128xf32, #tpu.memory_space<vmem_shared>>) dst(%dma_wait3A_462 : memref<632x128xf32, #tpu.memory_space<hbm>>)
        tpu.yield
      }) : () -> ()
    } else {
    }
    return
  }
}

module attributes {stable_mosaic.version = 14 : i64} {
  func.func @_tc_first_body(%arg0: i32, %arg1: memref<32x1024xf32, #tpu.memory_space<vmem>>, %arg2: memref<1024x128xf32, #tpu.memory_space<vmem>>, %arg3: memref<128x128xf32, #tpu.memory_space<vmem>>, %arg4: memref<1024x128xf32, #tpu.memory_space<vmem>>, %arg5: memref<1024x1xf32, #tpu.memory_space<vmem>>) attributes {dimension_semantics = [#tpu.dimension_semantics<arbitrary>], iteration_bounds = array<i64: 10>, scalar_prefetch = 0 : i64, scratch_operands = 0 : i64, tpu.core_type = #tpu.core_type<tc>, window_params = [{transform_indices = @transform_0, window_bounds = array<i64: 32, 1024>}, {transform_indices = @transform_1, window_bounds = array<i64: 1024, 128>}, {pipeline_mode = #tpu.pipeline_mode<synchronous>, transform_indices = @transform_2, window_bounds = array<i64: 128, 128>}, {transform_indices = @transform_3, window_bounds = array<i64: 1024, 128>}, {transform_indices = @transform_4, window_bounds = array<i64: 1024, 1>}]} {
    %get3A = arith.constant 0 : index
    %get3A_0 = arith.constant 0 : index
    %get3A_1 = vector.load %arg1[%get3A, %get3A_0] : memref<32x1024xf32, #tpu.memory_space<vmem>>, vector<32x1024xf32>
    %reduce_sum3A = arith.constant dense<0.000000e+00> : vector<1024xf32>
    %reduce_sum3A_2 = vector.multi_reduction <add>, %get3A_1, %reduce_sum3A [0] : vector<32x1024xf32> to vector<1024xf32>
    %add3A = arith.constant 1.000000e+00 : f32
    %add3A_3 = vector.broadcast %add3A : f32 to vector<1024xf32>
    %add3A_4 = arith.addf %reduce_sum3A_2, %add3A_3 : vector<1024xf32>
    %rsqrt3A = math.rsqrt %add3A_4 : vector<1024xf32>
    %broadcast_in_dim3A = vector.shape_cast %rsqrt3A : vector<1024xf32> to vector<1024x1xf32>
    %get3A_5 = arith.constant 0 : index
    %get3A_6 = arith.constant 0 : index
    %get3A_7 = vector.load %arg2[%get3A_5, %get3A_6] : memref<1024x128xf32, #tpu.memory_space<vmem>>, vector<1024x128xf32>
    %get3A_8 = arith.constant 0 : index
    %get3A_9 = arith.constant 0 : index
    %get3A_10 = vector.load %arg3[%get3A_8, %get3A_9] : memref<128x128xf32, #tpu.memory_space<vmem>>, vector<128x128xf32>
    %dot_general3A = arith.constant dense<0.000000e+00> : vector<1024x128xf32>
    %dot_general3A_11 = tpu.matmul %get3A_7, %get3A_10, %dot_general3A {dimension_numbers = #tpu.dot_dimension_numbers<[1], [0], [0], [1], [0, 0, 1, 1], [], []>, transpose_lhs_hint = false} : vector<1024x128xf32>, vector<128x128xf32>, vector<1024x128xf32> -> vector<1024x128xf32>
    %iota3A = tpu.iota {dimensions = array<i32: 0>} : vector<1024x1xi32>
    %mul3A = arith.constant 1024 : i32
    %mul3A_12 = arith.muli %arg0, %mul3A : i32
    %add3A_13 = vector.broadcast %mul3A_12 : i32 to vector<1024x1xi32>
    %add3A_14 = arith.addi %iota3A, %add3A_13 : vector<1024x1xi32>
    %lt3A = arith.constant 10000 : i32
    %lt3A_15 = vector.broadcast %lt3A : i32 to vector<1024x1xi32>
    %lt3A_16 = arith.cmpi slt, %add3A_14, %lt3A_15 : vector<1024x1xi32>
    %mul3A_17 = vector.broadcast %broadcast_in_dim3A : vector<1024x1xf32> to vector<1024x128xf32>
    %mul3A_18 = arith.mulf %dot_general3A_11, %mul3A_17 : vector<1024x128xf32>
    %jit3A = arith.constant 0.000000e+00 : f32
    %broadcast_in_dim3A_19 = vector.shape_cast %lt3A_16 : vector<1024x1xi1> to vector<1024x1xi1>
    %broadcast_in_dim3A_20 = vector.broadcast %broadcast_in_dim3A_19 : vector<1024x1xi1> to vector<1024x128xi1>
    %broadcast_in_dim3A_21 = vector.broadcast %jit3A : f32 to vector<1024x128xf32>
    %select_n3A = arith.select %broadcast_in_dim3A_20, %mul3A_18, %broadcast_in_dim3A_21 : vector<1024x128xi1>, vector<1024x128xf32>
    %swap3A = arith.constant 0 : index
    %swap3A_22 = arith.constant 0 : index
    %swap3A_23 = vector.load %arg4[%swap3A, %swap3A_22] : memref<1024x128xf32, #tpu.memory_space<vmem>>, vector<1024x128xf32>
    tpu.vector_store %arg4[%swap3A, %swap3A_22], %select_n3A {strides = array<i32>} : memref<1024x128xf32, #tpu.memory_space<vmem>>, vector<1024x128xf32>,
    %swap3A_24 = arith.constant 0 : index
    %swap3A_25 = arith.constant 0 : index
    %swap3A_26 = vector.load %arg5[%swap3A_24, %swap3A_25] : memref<1024x1xf32, #tpu.memory_space<vmem>>, vector<1024x1xf32>
    tpu.vector_store %arg5[%swap3A_24, %swap3A_25], %broadcast_in_dim3A {strides = array<i32>} : memref<1024x1xf32, #tpu.memory_space<vmem>>, vector<1024x1xf32>,
    return
  }
  func.func @transform_0(%arg0: i32) -> (i32, i32) {
    %c0_i32 = arith.constant 0 : i32
    %c0_i32_0 = arith.constant 0 : i32
    return %c0_i32, %arg0 : i32, i32
  }
  func.func @transform_1(%arg0: i32) -> (i32, i32) {
    %c0_i32 = arith.constant 0 : i32
    %c0_i32_0 = arith.constant 0 : i32
    return %arg0, %c0_i32 : i32, i32
  }
  func.func @transform_2(%arg0: i32) -> (i32, i32) {
    %c0_i32 = arith.constant 0 : i32
    %c0_i32_0 = arith.constant 0 : i32
    %c0_i32_1 = arith.constant 0 : i32
    return %c0_i32, %c0_i32_0 : i32, i32
  }
  func.func @transform_3(%arg0: i32) -> (i32, i32) {
    %c0_i32 = arith.constant 0 : i32
    %c0_i32_0 = arith.constant 0 : i32
    return %arg0, %c0_i32 : i32, i32
  }
  func.func @transform_4(%arg0: i32) -> (i32, i32) {
    %c0_i32 = arith.constant 0 : i32
    %c0_i32_0 = arith.constant 0 : i32
    return %arg0, %c0_i32 : i32, i32
  }
}

module attributes {stable_mosaic.version = 14 : i64} {
  func.func @_tc_mid_body(%arg0: i32, %arg1: memref<1024x128xf32, #tpu.memory_space<vmem>>, %arg2: memref<1024x128xf32, #tpu.memory_space<vmem>>, %arg3: memref<1024x128xf32, #tpu.memory_space<vmem>>, %arg4: memref<1024x1xf32, #tpu.memory_space<vmem>>, %arg5: memref<1x128xf32, #tpu.memory_space<vmem>>, %arg6: memref<128x128xf32, #tpu.memory_space<vmem>>, %arg7: memref<1024x128xf32, #tpu.memory_space<vmem>>) attributes {dimension_semantics = [#tpu.dimension_semantics<arbitrary>], iteration_bounds = array<i64: 10>, scalar_prefetch = 0 : i64, scratch_operands = 0 : i64, tpu.core_type = #tpu.core_type<tc>, window_params = [{transform_indices = @transform_0, window_bounds = array<i64: 1024, 128>}, {transform_indices = @transform_1, window_bounds = array<i64: 1024, 128>}, {transform_indices = @transform_2, window_bounds = array<i64: 1024, 128>}, {transform_indices = @transform_3, window_bounds = array<i64: 1024, 1>}, {pipeline_mode = #tpu.pipeline_mode<synchronous>, transform_indices = @transform_4, window_bounds = array<i64: 1, 128>}, {pipeline_mode = #tpu.pipeline_mode<synchronous>, transform_indices = @transform_5, window_bounds = array<i64: 128, 128>}, {transform_indices = @transform_6, window_bounds = array<i64: 1024, 128>}]} {
    %get3A = arith.constant 0 : index
    %get3A_0 = arith.constant 0 : index
    %get3A_1 = vector.load %arg4[%get3A, %get3A_0] : memref<1024x1xf32, #tpu.memory_space<vmem>>, vector<1024x1xf32>
    %get3A_2 = arith.constant 0 : index
    %get3A_3 = arith.constant 0 : index
    %get3A_4 = vector.load %arg1[%get3A_2, %get3A_3] : memref<1024x128xf32, #tpu.memory_space<vmem>>, vector<1024x128xf32>
    %get3A_5 = arith.constant 0 : index
    %get3A_6 = arith.constant 0 : index
    %get3A_7 = vector.load %arg2[%get3A_5, %get3A_6] : memref<1024x128xf32, #tpu.memory_space<vmem>>, vector<1024x128xf32>
    %add3A = arith.addf %get3A_4, %get3A_7 : vector<1024x128xf32>
    %get3A_8 = arith.constant 0 : index
    %get3A_9 = arith.constant 0 : index
    %get3A_10 = vector.load %arg3[%get3A_8, %get3A_9] : memref<1024x128xf32, #tpu.memory_space<vmem>>, vector<1024x128xf32>
    %add3A_11 = arith.addf %add3A, %get3A_10 : vector<1024x128xf32>
    %mul3A = vector.broadcast %get3A_1 : vector<1024x1xf32> to vector<1024x128xf32>
    %mul3A_12 = arith.mulf %mul3A, %add3A_11 : vector<1024x128xf32>
    %get3A_13 = arith.constant 0 : index
    %get3A_14 = arith.constant 0 : index
    %get3A_15 = vector.load %arg5[%get3A_13, %get3A_14] : memref<1x128xf32, #tpu.memory_space<vmem>>, vector<1x128xf32>
    %add3A_16 = vector.broadcast %get3A_15 : vector<1x128xf32> to vector<1024x128xf32>
    %add3A_17 = arith.addf %mul3A_12, %add3A_16 : vector<1024x128xf32>
    %max3A = arith.constant 0.000000e+00 : f32
    %max3A_18 = vector.broadcast %max3A : f32 to vector<1024x128xf32>
    %max3A_19 = arith.maximumf %add3A_17, %max3A_18 : vector<1024x128xf32>
    %iota3A = tpu.iota {dimensions = array<i32: 0>} : vector<1024x1xi32>
    %mul3A_20 = arith.constant 1024 : i32
    %mul3A_21 = arith.muli %arg0, %mul3A_20 : i32
    %add3A_22 = vector.broadcast %mul3A_21 : i32 to vector<1024x1xi32>
    %add3A_23 = arith.addi %iota3A, %add3A_22 : vector<1024x1xi32>
    %lt3A = arith.constant 10000 : i32
    %lt3A_24 = vector.broadcast %lt3A : i32 to vector<1024x1xi32>
    %lt3A_25 = arith.cmpi slt, %add3A_23, %lt3A_24 : vector<1024x1xi32>
    %get3A_26 = arith.constant 0 : index
    %get3A_27 = arith.constant 0 : index
    %get3A_28 = vector.load %arg6[%get3A_26, %get3A_27] : memref<128x128xf32, #tpu.memory_space<vmem>>, vector<128x128xf32>
    %dot_general3A = arith.constant dense<0.000000e+00> : vector<1024x128xf32>
    %dot_general3A_29 = tpu.matmul %max3A_19, %get3A_28, %dot_general3A {dimension_numbers = #tpu.dot_dimension_numbers<[1], [0], [0], [1], [0, 0, 1, 1], [], []>, transpose_lhs_hint = false} : vector<1024x128xf32>, vector<128x128xf32>, vector<1024x128xf32> -> vector<1024x128xf32>
    %mul3A_30 = vector.broadcast %get3A_1 : vector<1024x1xf32> to vector<1024x128xf32>
    %mul3A_31 = arith.mulf %dot_general3A_29, %mul3A_30 : vector<1024x128xf32>
    %jit3A = arith.constant 0.000000e+00 : f32
    %broadcast_in_dim3A = vector.shape_cast %lt3A_25 : vector<1024x1xi1> to vector<1024x1xi1>
    %broadcast_in_dim3A_32 = vector.broadcast %broadcast_in_dim3A : vector<1024x1xi1> to vector<1024x128xi1>
    %broadcast_in_dim3A_33 = vector.broadcast %jit3A : f32 to vector<1024x128xf32>
    %select_n3A = arith.select %broadcast_in_dim3A_32, %mul3A_31, %broadcast_in_dim3A_33 : vector<1024x128xi1>, vector<1024x128xf32>
    %swap3A = arith.constant 0 : index
    %swap3A_34 = arith.constant 0 : index
    %swap3A_35 = vector.load %arg7[%swap3A, %swap3A_34] : memref<1024x128xf32, #tpu.memory_space<vmem>>, vector<1024x128xf32>
    tpu.vector_store %arg7[%swap3A, %swap3A_34], %select_n3A {strides = array<i32>} : memref<1024x128xf32, #tpu.memory_space<vmem>>, vector<1024x128xf32>,
    return
  }
  func.func @transform_0(%arg0: i32) -> (i32, i32) {
    %c0_i32 = arith.constant 0 : i32
    %c0_i32_0 = arith.constant 0 : i32
    return %arg0, %c0_i32 : i32, i32
  }
  func.func @transform_1(%arg0: i32) -> (i32, i32) {
    %c0_i32 = arith.constant 0 : i32
    %c0_i32_0 = arith.constant 0 : i32
    return %arg0, %c0_i32 : i32, i32
  }
  func.func @transform_2(%arg0: i32) -> (i32, i32) {
    %c0_i32 = arith.constant 0 : i32
    %c0_i32_0 = arith.constant 0 : i32
    return %arg0, %c0_i32 : i32, i32
  }
  func.func @transform_3(%arg0: i32) -> (i32, i32) {
    %c0_i32 = arith.constant 0 : i32
    %c0_i32_0 = arith.constant 0 : i32
    return %arg0, %c0_i32 : i32, i32
  }
  func.func @transform_4(%arg0: i32) -> (i32, i32) {
    %c0_i32 = arith.constant 0 : i32
    %c0_i32_0 = arith.constant 0 : i32
    %c0_i32_1 = arith.constant 0 : i32
    return %c0_i32, %c0_i32_0 : i32, i32
  }
  func.func @transform_5(%arg0: i32) -> (i32, i32) {
    %c0_i32 = arith.constant 0 : i32
    %c0_i32_0 = arith.constant 0 : i32
    %c0_i32_1 = arith.constant 0 : i32
    return %c0_i32, %c0_i32_0 : i32, i32
  }
  func.func @transform_6(%arg0: i32) -> (i32, i32) {
    %c0_i32 = arith.constant 0 : i32
    %c0_i32_0 = arith.constant 0 : i32
    return %arg0, %c0_i32 : i32, i32
  }
}

module attributes {stable_mosaic.version = 14 : i64} {
  func.func @_tc_last_body(%arg0: i32, %arg1: memref<1024x128xf32, #tpu.memory_space<vmem>>, %arg2: memref<1024x128xf32, #tpu.memory_space<vmem>>, %arg3: memref<1024x128xf32, #tpu.memory_space<vmem>>, %arg4: memref<1024x1xf32, #tpu.memory_space<vmem>>, %arg5: memref<1x128xf32, #tpu.memory_space<vmem>>, %arg6: memref<1024x128xf32, #tpu.memory_space<vmem>>) attributes {dimension_semantics = [#tpu.dimension_semantics<arbitrary>], iteration_bounds = array<i64: 10>, scalar_prefetch = 0 : i64, scratch_operands = 0 : i64, tpu.core_type = #tpu.core_type<tc>, window_params = [{transform_indices = @transform_0, window_bounds = array<i64: 1024, 128>}, {transform_indices = @transform_1, window_bounds = array<i64: 1024, 128>}, {transform_indices = @transform_2, window_bounds = array<i64: 1024, 128>}, {transform_indices = @transform_3, window_bounds = array<i64: 1024, 1>}, {pipeline_mode = #tpu.pipeline_mode<synchronous>, transform_indices = @transform_4, window_bounds = array<i64: 1, 128>}, {transform_indices = @transform_5, window_bounds = array<i64: 1024, 128>}]} {
    %get3A = arith.constant 0 : index
    %get3A_0 = arith.constant 0 : index
    %get3A_1 = vector.load %arg4[%get3A, %get3A_0] : memref<1024x1xf32, #tpu.memory_space<vmem>>, vector<1024x1xf32>
    %get3A_2 = arith.constant 0 : index
    %get3A_3 = arith.constant 0 : index
    %get3A_4 = vector.load %arg1[%get3A_2, %get3A_3] : memref<1024x128xf32, #tpu.memory_space<vmem>>, vector<1024x128xf32>
    %get3A_5 = arith.constant 0 : index
    %get3A_6 = arith.constant 0 : index
    %get3A_7 = vector.load %arg2[%get3A_5, %get3A_6] : memref<1024x128xf32, #tpu.memory_space<vmem>>, vector<1024x128xf32>
    %add3A = arith.addf %get3A_4, %get3A_7 : vector<1024x128xf32>
    %get3A_8 = arith.constant 0 : index
    %get3A_9 = arith.constant 0 : index
    %get3A_10 = vector.load %arg3[%get3A_8, %get3A_9] : memref<1024x128xf32, #tpu.memory_space<vmem>>, vector<1024x128xf32>
    %add3A_11 = arith.addf %add3A, %get3A_10 : vector<1024x128xf32>
    %mul3A = vector.broadcast %get3A_1 : vector<1024x1xf32> to vector<1024x128xf32>
    %mul3A_12 = arith.mulf %mul3A, %add3A_11 : vector<1024x128xf32>
    %get3A_13 = arith.constant 0 : index
    %get3A_14 = arith.constant 0 : index
    %get3A_15 = vector.load %arg5[%get3A_13, %get3A_14] : memref<1x128xf32, #tpu.memory_space<vmem>>, vector<1x128xf32>
    %add3A_16 = vector.broadcast %get3A_15 : vector<1x128xf32> to vector<1024x128xf32>
    %add3A_17 = arith.addf %mul3A_12, %add3A_16 : vector<1024x128xf32>
    %swap3A = arith.constant 0 : index
    %swap3A_18 = arith.constant 0 : index
    %swap3A_19 = vector.load %arg6[%swap3A, %swap3A_18] : memref<1024x128xf32, #tpu.memory_space<vmem>>, vector<1024x128xf32>
    tpu.vector_store %arg6[%swap3A, %swap3A_18], %add3A_17 {strides = array<i32>} : memref<1024x128xf32, #tpu.memory_space<vmem>>, vector<1024x128xf32>,
    return
  }
  func.func @transform_0(%arg0: i32) -> (i32, i32) {
    %c0_i32 = arith.constant 0 : i32
    %c0_i32_0 = arith.constant 0 : i32
    return %arg0, %c0_i32 : i32, i32
  }
  func.func @transform_1(%arg0: i32) -> (i32, i32) {
    %c0_i32 = arith.constant 0 : i32
    %c0_i32_0 = arith.constant 0 : i32
    return %arg0, %c0_i32 : i32, i32
  }
  func.func @transform_2(%arg0: i32) -> (i32, i32) {
    %c0_i32 = arith.constant 0 : i32
    %c0_i32_0 = arith.constant 0 : i32
    return %arg0, %c0_i32 : i32, i32
  }
  func.func @transform_3(%arg0: i32) -> (i32, i32) {
    %c0_i32 = arith.constant 0 : i32
    %c0_i32_0 = arith.constant 0 : i32
    return %arg0, %c0_i32 : i32, i32
  }
  func.func @transform_4(%arg0: i32) -> (i32, i32) {
    %c0_i32 = arith.constant 0 : i32
    %c0_i32_0 = arith.constant 0 : i32
    %c0_i32_1 = arith.constant 0 : i32
    return %c0_i32, %c0_i32_0 : i32, i32
  }
  func.func @transform_5(%arg0: i32) -> (i32, i32) {
    %c0_i32 = arith.constant 0 : i32
    %c0_i32_0 = arith.constant 0 : i32
    return %arg0, %c0_i32 : i32, i32
  }
}

</mosaic_0001>

<sc_bundles>
// kernel: kernel.11.cloned.1.call-start
scs
__scs_entry_jumppad:
0x0: {  	(pc) =	sbr.rel $0x88, $3  }
0x1: {  	(tag) =	ssettag $0x0;
	lr =	simm.s32 $0x1  }
0x2: {  	[smem:$0x3F9B] =	sst lr;
	_ =	strace $0xD0000000  }
0x3: {  	_ = 	snop  }
0x4: {  	_ = 	snop  }
0x5: {  	_ = 	snop  }
0x6: {  	_ = 	snop  }
0x7: {  	_ = 	snop  }
__scs_overlays_trampoline_lowered:
0x8: {  	[smem:$0x3FAA] =	sst s0  }
0x9: {  	[smem:$0x3FAB] =	sst s1  }
0xa: {  	[smem:$0x3FAC] =	sst s2  }
0xb: {  	[smem:$0x3FAD] =	sst s3  }
0xc: {  	[smem:$0x3FAE] =	sst s4  }
0xd: {  	[smem:$0x3FAF] =	sst s5  }
0xe: {  	[smem:$0x3FB0] =	sst s6  }
0xf: {  	[smem:$0x3FB1] =	sst s7  }
0x10: {  	[smem:$0x3FB2] =	sst s8  }
0x11: {  	[smem:$0x3FB3] =	sst s9;
	s0 =	simm.s32 @!p0 $0x0  }
0x12: {  	s1 =	sld [smem:$0x3F99];
	s0 =	simm.s32 @p0 $0x1  }
0x13: {  	[smem:$0x3FB4] =	sst s0;
	s0 =	simm.s32 @!p1 $0x0  }
0x14: {  	s2 =	sld [smem:$0x3F98];
	s0 =	simm.s32 @p1 $0x1  }
0x15: {  	[smem:$0x3FB5] =	sst s0;
	s0 =	simm.s32 @!p2 $0x0  }
0x16: {  	s3 =	sld [smem:$0x3FDB];
	s0 =	simm.s32 @p2 $0x1  }
0x17: {  	s4 =	simm.s32 $0x1BF5;
	[smem:$0x3FB7] =	sst s0  }
0x18: {  	s0 =	sld [smem:$0x3F9A];
	_ =	swait.ge [sflag:s4], $0x0  }
0x19: {  	s7 =	sld [smem:$0x3F9B]  }
0x1a: {  	s8 =	sadd.s32 $0xFFFFE003, lr  }
0x1b: {  	s9 =	sadd.s32 $0xFFFFFEF7, lr;
	s5 =	simm.s32 $0xFFFFFFFF;
	p2 =	slt.u32 s8, $0xFFFFF086  }
0x1c: {  	p1 =	slt.u32 s9, $0xF7A;
	s5 =	simm.s32 @!p2 $0x0  }
0x1d: {  	s5 =	simm.s32 @p1 $0x1;
	p0 =	seq.s32 s7, s2  }
0x1e: {  	s7 =	smul.u32 @!p0 $0xF7A, s2;
	p2 =	seq.s32 @!p0 s5, $0x0  }
0x1f: {  	s9 =	smul.u32 $0xF7A, s1;
	s8 =	simm.s32 @!p0 $0x1BF5;
	p2 =	por !p2, p0  }
0x20: {  	[sflag:s8] =	ssyncset.s32 @!p0 $0xFFFFF086;
	s6 =	sadd.s32 @!p0 s3, s7;
	s7 =	simm.s32 @!p0 $0x108  }
0x21: {  	s3 =	sadd.s32 s3, s9;
	s6 =	sadd.s32 @!p0 $0x88, s6;
	s7 =	simm.s32 @p2 $0x1082  }
0x22: {  	[simem:s7], [sflag:s8] =	dma.local @!p0 [hbm:s6], $0xF7A  }
0x23: {  	s9 =	sor.u32 $0xD0000000, s2;
	s6 =	simm.s32 $0x108;
	_ =	swait.ge @!p0 [sflag:s8], $0x0  }
0x24: {  	s3 =	sadd.s32 $0x88, s3;
	s6 =	simm.s32 @!p1 $0x1082;
	[sflag:s4] =	ssyncset.s32 $0xFFFFF086  }
0x25: {  	[simem:s6], [sflag:s4] =	dma.local [hbm:s3], $0xF7A  }
0x26: {  	[smem:$0x3F9B] =	sst s1;
	(tag) =	ssettag s2;
	_ =	strace s9  }
0x27: {  	s1 =	sld [smem:$0x3FAB]  }
0x28: {  	s2 =	sld [smem:$0x3FAC]  }
0x29: {  	s4 =	sld [smem:$0x3FAE]  }
0x2a: {  	p0 =	seq.s32 s5, $0x0;
	s5 =	sld [smem:$0x3FAF]  }
0x2b: {  	s6 =	sld [smem:$0x3FB0]  }
0x2c: {  	s7 =	sld [smem:$0x3FB1]  }
0x2d: {  	s3 =	simm.s32 $0x108;
	s8 =	sld [smem:$0x3FB2]  }
0x2e: {  	s3 =	simm.s32 @!p0 $0x1082;
	s9 =	sld [smem:$0x3FB3]  }
0x2f: {  	lr =	sadd.s32 s0, s3;
	s0 =	sld [smem:$0x3FAA]  }
0x30: {  	s3 =	sld [smem:$0x3FAD]  }
0x31: {  	[smem:$0x3FB6] =	sst s10  }
0x32: {  	s10 =	sld [smem:$0x3FB4];
	_ =	sdelay $0x3  }
0x33: {  	p0 =	seq.s32 s10, $0x1;
	s10 =	sld [smem:$0x3FB6];
	_ =	sdelay $0x3  }
0x34: {  	[smem:$0x3FB6] =	sst s10  }
0x35: {  	s10 =	sld [smem:$0x3FB5];
	_ =	sdelay $0x3  }
0x36: {  	p1 =	seq.s32 s10, $0x1;
	s10 =	sld [smem:$0x3FB6];
	_ =	sdelay $0x3  }
0x37: {  	[smem:$0x3FB6] =	sst s10  }
0x38: {  	s10 =	sld [smem:$0x3FB7]  }
0x39: {  	_ = 	snop;
	(pc) =	sbr.ind lr, $3  }
0x3a: {  	_ = 	snop  }
0x3b: {  	_ = 	snop  }
0x3c: {  	p2 =	seq.s32 s10, $0x1;
	s10 =	sld [smem:$0x3FB6]  }
0x3d: {  	_ =	shalt  }
0x3e: {  	_ =	shalt  }
0x3f: {  	_ =	shalt  }
0x40: {  	_ =	shalt  }
0x41: {  	_ =	shalt  }
0x42: {  	_ =	shalt  }
0x43: {  	_ =	shalt  }
0x44: {  	_ =	shalt  }
0x45: {  	_ =	shalt  }
0x46: {  	_ =	shalt  }
0x47: {  	_ =	shalt  }
0x48: {  	_ =	shalt  }
0x49: {  	_ =	shalt  }
0x4a: {  	_ =	shalt  }
0x4b: {  	_ =	shalt  }
0x4c: {  	_ =	shalt  }
0x4d: {  	_ =	shalt  }
0x4e: {  	_ =	shalt  }
0x4f: {  	_ =	shalt  }
0x50: {  	_ =	shalt  }
0x51: {  	_ =	shalt  }
0x52: {  	_ =	shalt  }
0x53: {  	_ =	shalt  }
0x54: {  	_ =	shalt  }
0x55: {  	_ =	shalt  }
0x56: {  	_ =	shalt  }
0x57: {  	_ =	shalt  }
0x58: {  	_ =	shalt  }
0x59: {  	_ =	shalt  }
0x5a: {  	_ =	shalt  }
0x5b: {  	_ =	shalt  }
0x5c: {  	_ =	shalt  }
0x5d: {  	_ =	shalt  }
0x5e: {  	_ =	shalt  }
0x5f: {  	_ =	shalt  }
0x60: {  	_ =	shalt  }
0x61: {  	_ =	shalt  }
0x62: {  	_ =	shalt  }
0x63: {  	_ =	shalt  }
0x64: {  	_ =	shalt  }
0x65: {  	_ =	shalt  }
0x66: {  	_ =	shalt  }
0x67: {  	_ =	shalt  }
0x68: {  	_ =	shalt  }
0x69: {  	_ =	shalt  }
0x6a: {  	_ =	shalt  }
0x6b: {  	_ =	shalt  }
0x6c: {  	_ =	shalt  }
0x6d: {  	_ =	shalt  }
0x6e: {  	_ =	shalt  }
0x6f: {  	_ =	shalt  }
0x70: {  	_ =	shalt  }
0x71: {  	_ =	shalt  }
0x72: {  	_ =	shalt  }
0x73: {  	_ =	shalt  }
0x74: {  	_ =	shalt  }
0x75: {  	_ =	shalt  }
0x76: {  	_ =	shalt  }
0x77: {  	_ =	shalt  }
0x78: {  	_ =	shalt  }
0x79: {  	_ =	shalt  }
0x7a: {  	_ =	shalt  }
0x7b: {  	_ =	shalt  }
0x7c: {  	_ =	shalt  }
0x7d: {  	_ =	shalt  }
0x7e: {  	_ =	shalt  }
0x7f: {  	_ =	shalt  }
0x80: {  	_ =	shalt  }
0x81: {  	_ =	shalt  }
0x82: {  	_ =	shalt  }
0x83: {  	_ =	shalt  }
0x84: {  	_ =	shalt  }
0x85: {  	_ =	shalt  }
0x86: {  	_ =	shalt  }
0x87: {  	_ =	shalt  }
.Lfunc_end0:
.L_simem_size_0:
called_computation.1_lowered:
.L_overlay_start_0:
0x88: {  	s2 =	sld [smem:$0x3FD9]  }
0x89: {  	s3 =	sld [smem:$0x3FFE];
	_ =	sdelay $0x1  }
0x8a: {  	s1 =	srdreg.scid  }
0x8b: {  	s0 =	sand.u32 $0x1, s1  }
0x8c: {  	s17 =	sshll.u32 s0, $0xA;
	s2 =	sadd.s32 s3, s2  }
0x8d: {  	s2 =	sadd.s32 s2, s17  }
0x8e: {  	[smem:$0x3FC2] =	sst s2  }
0x8f: {  	_ = 	snop  }
0x90: {  	s2 =	sld [smem:$0x3FD0];
	(tm) =	ssettm $0x1  }
0x91: {  	s18 =	sld [smem:$0x3FFB];
	_ =	sdelay $0x3  }
0x92: {  	_ =	strace s18  }
0x93: {  	s3 =	sld [smem:$0x3FFC];
	_ =	sdelay $0x3  }
0x94: {  	_ =	strace s3  }
0x95: {  	s3 =	sld [smem:$0x3FFD];
	_ =	sdelay $0x3  }
0x96: {  	_ =	strace s3  }
0x97: {  	_ =	strace $0x8FFFFFFF  }
0x98: {  	s19 =	sld [smem:$0x3FDB];
	_ =	sdelay $0x1  }
0x99: {  	s4 =	simm.s32 $_scs_section_size  }
0x9a: {  	s5 =	simm.s32 $_size__tile_overlayer_lowered;
	s6 =	simm.s32 $_tile_overlayer_lowered  }
0x9b: {  	s22 =	simm.s32 $0x1BFF;
	s21 =	sshll.u32 s6, $0x1;
	s3 =	sadd.s32 s4, s19  }
0x9c: {  	s7 =	simm.s32 $0x0;
	s20 =	sshll.u32 s5, $0x1;
	s5 =	sadd.s32 s21, s3  }
0x9d: {  	[timem:s7], [sflag:s22] =	dma.local [hbm:s5], s20  }
0x9e: {  	_ =	swait.ge [sflag:s22], s20  }
0x9f: {  	s4 =	ssub.s32 $0x0, s20;
	[sflag:s22] =	ssyncset.done $0x0  }
0xa0: {  	[sflag:s22] =	ssyncadd.s32 s4;
	_ =	sdelay $0x1  }
0xa1: {  	s23 =	simm.s32 $0x1B8B  }
0xa2: {  	_ =	swait.ge [sflag:s23], $0x1  }
0xa3: {  	[sflag:s23] =	ssyncset.done $0x0  }
0xa4: {  	s25 =	simm.s32 $0x1B8E;
	s24 =	sld [smem:$0x3FFE];
	[sflag:s23] =	ssyncadd.s32 $0xFFFFFFFF  }
0xa5: {  	s26 =	simm.s32 $execute0_lowered;
	[smem:$0x3FD2] =	sst s25  }
0xa6: {  	s5 =	sshll.u32 s26, $0x1;
	_ =	strace $0x80000049;
	[dreg:$0x1] =	wrdreg $0xFFFFFFFF  }
0xa7: {  	s28 =	simm.s32 $_size_execute0_lowered;
	s3 =	sadd.s32 s3, s5;
	[dreg:$0x0] =	wrdreg $0x0  }
0xa8: {  	s5 =	sshll.u32 s28, $0x1;
	[dreg:$0x2] =	wrdreg s3  }
0xa9: {  	[dreg:$0x3] =	wrdreg s5  }
0xaa: {  	[dreg:$0x4] =	wrdreg $0xC0  }
0xab: {  	_ =	task [dreg:s7], $0x5FFFF  }
0xac: {  	[dreg:$0x1] =	wrdreg $0xFFFFFFFF  }
0xad: {  	[dreg:$0x0] =	wrdreg $0x60  }
0xae: {  	[dreg:$0x2] =	wrdreg s2  }
0xaf: {  	[dreg:$0x3] =	wrdreg s24  }
0xb0: {  	[dreg:$0x4] =	wrdreg $0x98000  }
0xb1: {  	[dreg:$0x5] =	wrdreg $0x9  }
0xb2: {  	_ =	task.clear_ibuf [dreg:s7], $0x6FFFF;
	_ =	strace $0x90000049  }
0xb3: {  	s29 =	simm.s32 $0x9;
	_ =	strace $0x8000004B  }
0xb4: {  	_ =	swait.ge [sflag:s29], $0x1  }
0xb5: {  	[sflag:s29] =	ssyncadd.s32 $0xFFFFFFFF  }
0xb6: {  	_ =	strace $0x9000004B  }
0xb7: {  	_ =	sfence  }
0xb8: {  	s30 =	sld [smem:$0x0];
	_ =	sdelay $0x2  }
0xb9: {  	s31 =	sshll.u32 s1, $0xD;
	s1 =	sshrl.u32 s1, $0x2  }
0xba: {  	s3 =	sand.u32 $0x4000, s31;
	s1 =	sadd.s32 s1, s30  }
0xbb: {  	s0 =	sor.u32 s3, s0;
	s1 =	sshll.u32 s1, $0x11  }
0xbc: {  	s0 =	sor.u32 s1, s0  }
0xbd: {  	s0 =	sadd.s32 $0x8F2B, s0  }
0xbe: {  	[sflag:s0] =	ssyncadd.remote.s32 $0x1  }
0xbf: {  	_ =	sfence.sel $0xFFFF  }
0xc0: {  	[dreg:$0x0] =	wrdreg $0xFFFFFFFF;
	(pc) =	sbr.abs _section_cstart, $3  }
0xc1: {  	[dreg:$0x1] =	wrdreg $0xFFFFFFFF  }
0xc2: {  	_ =	task.clear_ibuf [dreg:s7], $0x2FFFF;
	_ =	strace $0x9FFFFFFF  }
0xc3: {  	(tm) =	ssettm $0x7FFFFFFF  }
tec
execute0_lowered:
.L_overlay_start_1:
0x0: {  	(tag) =	ssettag $0x1  }
0x1: {  	s0 =	rddreg [dreg:$0x0]  }
0x2: {  	s1 =	rddreg [dreg:$0x1]  }
0x3: {  	s2 =	rddreg [dreg:$0x2]  }
0x4: {  	s3 =	srdreg.scid;
	s12 =	stileid.u32  }
0x5: {  	s14 =	simm.s32 $0x5;
	s28 =	simm.s32 $0x200;
	s29 =	simm.s32 $0x280  }
0x6: {  	s30 =	simm.s32 $0x300;
	s31 =	simm.s32 $0x380;
	s13 =	simm.s32 $0x500  }
0x7: {  	s5 =	sand.u32 $0x1, s3;
	s3 =	simm.s32 $0x0;
	s10 =	smul.u32 $0x4F000, s12  }
0x8: {  	s4 =	sshll.u32 s12, $0xF;
	s11 =	sadd.s32 $0x3000, s1;
	s21 =	smul.u32 $0x2780, s12  }
0x9: {  	s26 =	sshll.u32 s12, $0x6;
	s6 =	sshll.u32 s5, $0xE;
	[smem:$0x7FF] =	sst s3  }
0xa: {  	s9 =	ssub.s32 $0x2, s5;
	p0 =	seq.s32 s5, $0x1;
	s12 =	sor.u32 $0x1C05, s26  }
0xb: {  	s26 =	simm.s32 $0x180;
	s5 =	simm.s32 $0x580;
	s6 =	sor.u32 s6, s4  }
0xc: {  	_ =	strace $0x8000004A;
	s4 =	sadd.s32 $0x27200, s1;
	[dreg:$0x4] =	wrdreg s11  }
0xd: {  	s16 =	sshrl.u32 s9, $0x1;
	s10 =	sshrl.u32 s10, $0x2;
	s11 =	simm.s32 $0x0  }
0xe: {  	[dreg:$0xc] =	wrdreg s12;
	s7 =	sshrl.u32 s6, $0x3;
	s9 =	ssub.s32 s9, s16  }
0xf: {  	s19 =	sadd.s32 s10, s2;
	s22 =	sor.u32 $0xC00, s6;
	s6 =	sor.u32 $0x800, s6  }
0x10: {  	s10 =	simm.s32 $0x780;
	s8 =	sadd.s32 s7, s1;
	s17 =	sadd.s32 s0, s7  }
0x11: {  	s9 =	smax.u32 s9, $0x1;
	s23 =	sshrl.u32 s22, $0x3;
	s25 =	sshrl.u32 s6, $0x3  }
0x12: {  	s15 =	sshrl.u32 s19, $0x3;
	s19 =	simm.s32 $0x50;
	[dreg:$0x5] =	wrdreg s17  }
0x13: {  	s22 =	simm.s32 $0x7000;
	s7 =	simm.s32 $0x600;
	[dreg:$0x8] =	wrdreg s9  }
0x14: {  	s18 =	sadd.s32 $0x17200, s8;
	s20 =	sadd.s32 $0x80, s17;
	[dreg:$0xd] =	wrdreg s15  }
0x15: {  	s8 =	simm.s32 $0x76200;
	s24 =	sadd.s32 s23, s0;
	[dreg:$0x6] =	wrdreg s18  }
0x16: {  	s0 =	sadd.s32 s25, s0;
	s17 =	simm.s32 $0x1;
	[dreg:$0x7] =	wrdreg s20  }
0x17: {  	s23 =	simm.s32 $0x3;
	s25 =	simm.s32 $0x4;
	[dreg:$0xa] =	wrdreg s24  }
0x18: {  	s9 =	simm.s32 $0x700;
	s8 =	simm.s32 @!p0 $0x4EA00;
	[dreg:$0xb] =	wrdreg s0  }
0x19: {  	s18 =	simm.s32 $0x400;
	s20 =	simm.s32 $0x4800;
	s1 =	sadd.s32 s8, s1  }
0x1a: {  	s24 =	simm.s32 $0x100;
	s0 =	simm.s32 $0x2;
	s1 =	sadd.s32 s1, s21  }
0x1b: {  	s8 =	simm.s32 $0x680;
	[dreg:$0x9] =	wrdreg s1;
	s1 =	simm.s32 $0x480  }
.LBB2_1:
0x1c: {  	[dreg:$0xe] =	wrdreg s11  }
0x1d: {  	s6 =	rddreg [dreg:$0x6];
	s16 =	simm.s32 $0x800  }
0x1e: {  	[tilespmem:s16], [sflag:$0x5] =	stream.linear.gather [hbm4b:s6+s3], $0x4000, $0x38;
	[tilespmem:$0x1D400] =	vst v63  }
0x1f: {  	_ =	swait.ge [sflag:s14], $0x4000  }
0x20: {  	[sflag:s14] =	ssyncset.done $0x0  }
0x21: {  	s21 =	rddreg [dreg:$0x4];
	[sflag:s14] =	ssyncadd.s32 $0xFFFFC000  }
0x22: {  	[spmem:s15], [sflag:s12] =	dma.local [hbm:s21], $0x2780  }
0x23: {  	_ =	swait.ge [sflag:s14], $0x2780  }
0x24: {  	[sflag:s14] =	ssyncset.done $0x0  }
0x25: {  	[sflag:s14] =	ssyncadd.s32 $0xFFFFD880  }
0x26: {  	[bflag:$0x0] =	sbarrier.arrive $0xFFFF  }
0x27: {  	s11 =	rddreg [dreg:$0x5]  }
0x28: {  	[tilespmem:s3], [sflag:$0x1] =	stream.linear.gather [hbm4b:s11+s3], $0x400, $0x38;
	[tilespmem:$0x1D400] =	vst v63  }
0x29: {  	_ =	swait.ge [sflag:s17], $0x400  }
0x2a: {  	[sflag:s17] =	ssyncset.done $0x0  }
0x2b: {  	s12 =	rddreg [dreg:$0x7];
	[sflag:s17] =	ssyncadd.s32 $0xFFFFFC00  }
0x2c: {  	[tilespmem:s18], [sflag:$0x2] =	stream.linear.gather [hbm4b:s12+s3], $0x400, $0x38;
	[tilespmem:$0x1D400] =	vst v63  }
0x2d: {  	_ = 	snop  }
0x2e: {  	[tilespmem:s20], [sflag:$0x3] =	stream.indirect.gather [hbm4b:s4+s19], $0x80, s3, s19, $0xb8;
	[tilespmem:$0x1D400] =	vst v63  }
0x2f: {  	s15 =	simm.s32 $0x80  }
0x30: {  	[tilespmem:s22], [sflag:$0x4] =	stream.indirect.gather [hbm4b:s4+s19], $0x80, s15, s19, $0xb8;
	[tilespmem:$0x1D400] =	vst v63  }
0x31: {  	_ =	swait.ge [sflag:s23], $0x2800  }
0x32: {  	[sflag:s23] =	ssyncset.done $0x0  }
0x33: {  	s16 =	simm.s32 $0x800;
	[sflag:s23] =	ssyncadd.s32 $0xFFFFD800  }
0x34: {  	[spmem:s2] =	stream.indirect.scatter.add.f32 [tilespmem:s20], [sflag:$0x5], $0x80, s16, s19, $0xb8;
	[tilespmem:$0x1D400] =	vst v63  }
0x35: {  	_ =	swait.ge [sflag:s14], $0x2800  }
0x36: {  	[sflag:s14] =	ssyncset.done $0x0  }
0x37: {  	[sflag:s14] =	ssyncadd.s32 $0xFFFFD800  }
0x38: {  	[tilespmem:s20], [sflag:$0x3] =	stream.indirect.gather [hbm4b:s4+s19], $0x80, s24, s19, $0xb8;
	[tilespmem:$0x1D400] =	vst v63  }
0x39: {  	_ =	swait.ge [sflag:s25], $0x2800  }
0x3a: {  	[sflag:s25] =	ssyncset.done $0x0  }
0x3b: {  	s21 =	simm.s32 $0x880;
	[sflag:s25] =	ssyncadd.s32 $0xFFFFD800  }
0x3c: {  	[spmem:s2] =	stream.indirect.scatter.add.f32 [tilespmem:s22], [sflag:$0x5], $0x80, s21, s19, $0xb8;
	[tilespmem:$0x1D400] =	vst v63  }
0x3d: {  	_ =	swait.ge [sflag:s14], $0x2800  }
0x3e: {  	[sflag:s14] =	ssyncset.done $0x0  }
0x3f: {  	[sflag:s14] =	ssyncadd.s32 $0xFFFFD800  }
0x40: {  	[tilespmem:s22], [sflag:$0x4] =	stream.indirect.gather [hbm4b:s4+s19], $0x80, s26, s19, $0xb8;
	[tilespmem:$0x1D400] =	vst v63  }
0x41: {  	_ =	swait.ge [sflag:s23], $0x2800  }
0x42: {  	[sflag:s23] =	ssyncset.done $0x0  }
0x43: {  	s11 =	simm.s32 $0x900;
	[sflag:s23] =	ssyncadd.s32 $0xFFFFD800  }
0x44: {  	[spmem:s2] =	stream.indirect.scatter.add.f32 [tilespmem:s20], [sflag:$0x5], $0x80, s11, s19, $0xb8;
	[tilespmem:$0x1D400] =	vst v63  }
0x45: {  	_ =	swait.ge [sflag:s14], $0x2800  }
0x46: {  	[sflag:s14] =	ssyncset.done $0x0  }
0x47: {  	[sflag:s14] =	ssyncadd.s32 $0xFFFFD800  }
0x48: {  	[tilespmem:s20], [sflag:$0x3] =	stream.indirect.gather [hbm4b:s4+s19], $0x80, s28, s19, $0xb8;
	[tilespmem:$0x1D400] =	vst v63  }
0x49: {  	_ =	swait.ge [sflag:s25], $0x2800  }
0x4a: {  	[sflag:s25] =	ssyncset.done $0x0  }
0x4b: {  	s12 =	simm.s32 $0x980;
	[sflag:s25] =	ssyncadd.s32 $0xFFFFD800  }
0x4c: {  	[spmem:s2] =	stream.indirect.scatter.add.f32 [tilespmem:s22], [sflag:$0x5], $0x80, s12, s19, $0xb8;
	[tilespmem:$0x1D400] =	vst v63  }
0x4d: {  	_ =	swait.ge [sflag:s14], $0x2800  }
0x4e: {  	[sflag:s14] =	ssyncset.done $0x0  }
0x4f: {  	[sflag:s14] =	ssyncadd.s32 $0xFFFFD800  }
0x50: {  	[tilespmem:s22], [sflag:$0x4] =	stream.indirect.gather [hbm4b:s4+s19], $0x80, s29, s19, $0xb8;
	[tilespmem:$0x1D400] =	vst v63  }
0x51: {  	_ =	swait.ge [sflag:s23], $0x2800  }
0x52: {  	[sflag:s23] =	ssyncset.done $0x0  }
0x53: {  	s15 =	simm.s32 $0xA00;
	[sflag:s23] =	ssyncadd.s32 $0xFFFFD800  }
0x54: {  	[spmem:s2] =	stream.indirect.scatter.add.f32 [tilespmem:s20], [sflag:$0x5], $0x80, s15, s19, $0xb8;
	[tilespmem:$0x1D400] =	vst v63  }
0x55: {  	_ =	swait.ge [sflag:s14], $0x2800  }
0x56: {  	[sflag:s14] =	ssyncset.done $0x0  }
0x57: {  	[sflag:s14] =	ssyncadd.s32 $0xFFFFD800  }
0x58: {  	[tilespmem:s20], [sflag:$0x3] =	stream.indirect.gather [hbm4b:s4+s19], $0x80, s30, s19, $0xb8;
	[tilespmem:$0x1D400] =	vst v63  }
0x59: {  	_ =	swait.ge [sflag:s25], $0x2800  }
0x5a: {  	[sflag:s25] =	ssyncset.done $0x0  }
0x5b: {  	s16 =	simm.s32 $0xA80;
	[sflag:s25] =	ssyncadd.s32 $0xFFFFD800  }
0x5c: {  	[spmem:s2] =	stream.indirect.scatter.add.f32 [tilespmem:s22], [sflag:$0x5], $0x80, s16, s19, $0xb8;
	[tilespmem:$0x1D400] =	vst v63  }
0x5d: {  	_ =	swait.ge [sflag:s14], $0x2800  }
0x5e: {  	[sflag:s14] =	ssyncset.done $0x0  }
0x5f: {  	[sflag:s14] =	ssyncadd.s32 $0xFFFFD800  }
0x60: {  	[tilespmem:s22], [sflag:$0x4] =	stream.indirect.gather [hbm4b:s4+s19], $0x80, s31, s19, $0xb8;
	[tilespmem:$0x1D400] =	vst v63  }
0x61: {  	_ =	swait.ge [sflag:s23], $0x2800  }
0x62: {  	[sflag:s23] =	ssyncset.done $0x0  }
0x63: {  	s21 =	simm.s32 $0xB00;
	[sflag:s23] =	ssyncadd.s32 $0xFFFFD800  }
0x64: {  	[spmem:s2] =	stream.indirect.scatter.add.f32 [tilespmem:s20], [sflag:$0x5], $0x80, s21, s19, $0xb8;
	[tilespmem:$0x1D400] =	vst v63  }
0x65: {  	_ =	swait.ge [sflag:s14], $0x2800  }
0x66: {  	[sflag:s14] =	ssyncset.done $0x0  }
0x67: {  	[sflag:s14] =	ssyncadd.s32 $0xFFFFD800  }
0x68: {  	_ =	swait.ge [sflag:s0], $0x400  }
0x69: {  	[sflag:s0] =	ssyncset.done $0x0  }
0x6a: {  	[sflag:s0] =	ssyncadd.s32 $0xFFFFFC00  }
0x6b: {  	[tilespmem:s20], [sflag:$0x3] =	stream.indirect.gather [hbm4b:s4+s19], $0x80, s18, s19, $0xb8;
	[tilespmem:$0x1D400] =	vst v63  }
0x6c: {  	_ =	swait.ge [sflag:s25], $0x2800  }
0x6d: {  	[sflag:s25] =	ssyncset.done $0x0  }
0x6e: {  	s11 =	simm.s32 $0xB80;
	[sflag:s25] =	ssyncadd.s32 $0xFFFFD800  }
0x6f: {  	[spmem:s2] =	stream.indirect.scatter.add.f32 [tilespmem:s22], [sflag:$0x5], $0x80, s11, s19, $0xb8;
	[tilespmem:$0x1D400] =	vst v63  }
0x70: {  	_ =	swait.ge [sflag:s14], $0x2800  }
0x71: {  	[sflag:s14] =	ssyncset.done $0x0  }
0x72: {  	s11 =	rddreg [dreg:$0xb];
	[sflag:s14] =	ssyncadd.s32 $0xFFFFD800  }
0x73: {  	[tilespmem:s3], [sflag:$0x1] =	stream.linear.gather [hbm4b:s11+s3], $0x400, $0x38;
	[tilespmem:$0x1D400] =	vst v63  }
0x74: {  	_ = 	snop  }
0x75: {  	[tilespmem:s22], [sflag:$0x4] =	stream.indirect.gather [hbm4b:s4+s19], $0x80, s1, s19, $0xb8;
	[tilespmem:$0x1D400] =	vst v63  }
0x76: {  	_ =	swait.ge [sflag:s23], $0x2800  }
0x77: {  	[sflag:s23] =	ssyncset.done $0x0  }
0x78: {  	s12 =	simm.s32 $0xC00;
	[sflag:s23] =	ssyncadd.s32 $0xFFFFD800  }
0x79: {  	[spmem:s2] =	stream.indirect.scatter.add.f32 [tilespmem:s20], [sflag:$0x5], $0x80, s12, s19, $0xb8;
	[tilespmem:$0x1D400] =	vst v63  }
0x7a: {  	_ =	swait.ge [sflag:s14], $0x2800  }
0x7b: {  	[sflag:s14] =	ssyncset.done $0x0  }
0x7c: {  	[sflag:s14] =	ssyncadd.s32 $0xFFFFD800  }
0x7d: {  	[tilespmem:s20], [sflag:$0x3] =	stream.indirect.gather [hbm4b:s4+s19], $0x80, s13, s19, $0xb8;
	[tilespmem:$0x1D400] =	vst v63  }
0x7e: {  	_ =	swait.ge [sflag:s25], $0x2800  }
0x7f: {  	[sflag:s25] =	ssyncset.done $0x0  }
0x80: {  	s15 =	simm.s32 $0xC80;
	[sflag:s25] =	ssyncadd.s32 $0xFFFFD800  }
0x81: {  	[spmem:s2] =	stream.indirect.scatter.add.f32 [tilespmem:s22], [sflag:$0x5], $0x80, s15, s19, $0xb8;
	[tilespmem:$0x1D400] =	vst v63  }
0x82: {  	_ =	swait.ge [sflag:s14], $0x2800  }
0x83: {  	[sflag:s14] =	ssyncset.done $0x0  }
0x84: {  	[sflag:s14] =	ssyncadd.s32 $0xFFFFD800  }
0x85: {  	[tilespmem:s22], [sflag:$0x4] =	stream.indirect.gather [hbm4b:s4+s19], $0x80, s5, s19, $0xb8;
	[tilespmem:$0x1D400] =	vst v63  }
0x86: {  	_ =	swait.ge [sflag:s23], $0x2800  }
0x87: {  	[sflag:s23] =	ssyncset.done $0x0  }
0x88: {  	s16 =	simm.s32 $0xD00;
	[sflag:s23] =	ssyncadd.s32 $0xFFFFD800  }
0x89: {  	[spmem:s2] =	stream.indirect.scatter.add.f32 [tilespmem:s20], [sflag:$0x5], $0x80, s16, s19, $0xb8;
	[tilespmem:$0x1D400] =	vst v63  }
0x8a: {  	_ =	swait.ge [sflag:s14], $0x2800  }
0x8b: {  	[sflag:s14] =	ssyncset.done $0x0  }
0x8c: {  	[sflag:s14] =	ssyncadd.s32 $0xFFFFD800  }
0x8d: {  	[tilespmem:s20], [sflag:$0x3] =	stream.indirect.gather [hbm4b:s4+s19], $0x80, s7, s19, $0xb8;
	[tilespmem:$0x1D400] =	vst v63  }
0x8e: {  	_ =	swait.ge [sflag:s25], $0x2800  }
0x8f: {  	[sflag:s25] =	ssyncset.done $0x0  }
0x90: {  	s21 =	simm.s32 $0xD80;
	[sflag:s25] =	ssyncadd.s32 $0xFFFFD800  }
0x91: {  	[spmem:s2] =	stream.indirect.scatter.add.f32 [tilespmem:s22], [sflag:$0x5], $0x80, s21, s19, $0xb8;
	[tilespmem:$0x1D400] =	vst v63  }
0x92: {  	_ =	swait.ge [sflag:s14], $0x2800  }
0x93: {  	[sflag:s14] =	ssyncset.done $0x0  }
0x94: {  	[sflag:s14] =	ssyncadd.s32 $0xFFFFD800  }
0x95: {  	[tilespmem:s22], [sflag:$0x4] =	stream.indirect.gather [hbm4b:s4+s19], $0x80, s8, s19, $0xb8;
	[tilespmem:$0x1D400] =	vst v63  }
0x96: {  	_ =	swait.ge [sflag:s23], $0x2800  }
0x97: {  	[sflag:s23] =	ssyncset.done $0x0  }
0x98: {  	s12 =	simm.s32 $0xE00;
	[sflag:s23] =	ssyncadd.s32 $0xFFFFD800  }
0x99: {  	[spmem:s2] =	stream.indirect.scatter.add.f32 [tilespmem:s20], [sflag:$0x5], $0x80, s12, s19, $0xb8;
	[tilespmem:$0x1D400] =	vst v63  }
0x9a: {  	_ =	swait.ge [sflag:s14], $0x2800  }
0x9b: {  	[sflag:s14] =	ssyncset.done $0x0  }
0x9c: {  	[sflag:s14] =	ssyncadd.s32 $0xFFFFD800  }
0x9d: {  	[tilespmem:s20], [sflag:$0x3] =	stream.indirect.gather [hbm4b:s4+s19], $0x80, s9, s19, $0xb8;
	[tilespmem:$0x1D400] =	vst v63  }
0x9e: {  	_ =	swait.ge [sflag:s25], $0x2800  }
0x9f: {  	[sflag:s25] =	ssyncset.done $0x0  }
0xa0: {  	s15 =	simm.s32 $0xE80;
	[sflag:s25] =	ssyncadd.s32 $0xFFFFD800  }
0xa1: {  	[spmem:s2] =	stream.indirect.scatter.add.f32 [tilespmem:s22], [sflag:$0x5], $0x80, s15, s19, $0xb8;
	[tilespmem:$0x1D400] =	vst v63  }
0xa2: {  	_ =	swait.ge [sflag:s14], $0x2800  }
0xa3: {  	[sflag:s14] =	ssyncset.done $0x0  }
0xa4: {  	[sflag:s14] =	ssyncadd.s32 $0xFFFFD800  }
0xa5: {  	[tilespmem:s22], [sflag:$0x4] =	stream.indirect.gather [hbm4b:s4+s19], $0x80, s10, s19, $0xb8;
	[tilespmem:$0x1D400] =	vst v63  }
0xa6: {  	_ =	swait.ge [sflag:s23], $0x2800  }
0xa7: {  	[sflag:s23] =	ssyncset.done $0x0  }
0xa8: {  	s16 =	simm.s32 $0xF00;
	[sflag:s23] =	ssyncadd.s32 $0xFFFFD800  }
0xa9: {  	[spmem:s2] =	stream.indirect.scatter.add.f32 [tilespmem:s20], [sflag:$0x5], $0x80, s16, s19, $0xb8;
	[tilespmem:$0x1D400] =	vst v63  }
0xaa: {  	_ =	swait.ge [sflag:s14], $0x2800  }
0xab: {  	[sflag:s14] =	ssyncset.done $0x0  }
0xac: {  	[sflag:s14] =	ssyncadd.s32 $0xFFFFD800  }
0xad: {  	_ =	swait.ge [sflag:s17], $0x400  }
0xae: {  	[sflag:s17] =	ssyncset.done $0x0  }
0xaf: {  	[sflag:s17] =	ssyncadd.s32 $0xFFFFFC00  }
0xb0: {  	[tilespmem:s20], [sflag:$0x3] =	stream.indirect.gather [hbm4b:s4+s19], $0x80, s3, s19, $0xb8;
	[tilespmem:$0x1D400] =	vst v63  }
0xb1: {  	_ =	swait.ge [sflag:s25], $0x2800  }
0xb2: {  	[sflag:s25] =	ssyncset.done $0x0  }
0xb3: {  	s21 =	simm.s32 $0xF80;
	[sflag:s25] =	ssyncadd.s32 $0xFFFFD800  }
0xb4: {  	[spmem:s2] =	stream.indirect.scatter.add.f32 [tilespmem:s22], [sflag:$0x5], $0x80, s21, s19, $0xb8;
	[tilespmem:$0x1D400] =	vst v63  }
0xb5: {  	_ =	swait.ge [sflag:s14], $0x2800  }
0xb6: {  	s11 =	sadd.s32 $0x100, s11;
	[sflag:s14] =	ssyncset.done $0x0;
	s16 =	rddreg [dreg:$0xa]  }
0xb7: {  	s12 =	simm.s32 $0x2000;
	[sflag:s14] =	ssyncadd.s32 $0xFFFFD800;
	s15 =	sadd.s32 $0x100, s16  }
.LBB2_2:
0xb8: {  	[tilespmem:s18], [sflag:$0x2] =	stream.linear.gather [hbm4b:s16+s3], $0x400, $0x38;
	[tilespmem:$0x1D400] =	vst v63  }
0xb9: {  	p0 =	sne.s32 s12, $0xC000  }
0xba: {  	s6 =	smov.u32 s12;
	s12 =	sadd.s32 $0x2000, s12;
	s16 =	simm.s32 $0x80  }
0xbb: {  	[tilespmem:s22], [sflag:$0x4] =	stream.indirect.gather [hbm4b:s4+s19], $0x80, s16, s19, $0xb8;
	[tilespmem:$0x1D400] =	vst v63  }
0xbc: {  	s16 =	smov.u32 s15;
	_ =	swait.ge [sflag:s23], $0x2800  }
0xbd: {  	s6 =	sshra.s32 s6, $0x2;
	[sflag:s23] =	ssyncset.done $0x0  }
0xbe: {  	s21 =	sadd.s32 $0x800, s6;
	[sflag:s23] =	ssyncadd.s32 $0xFFFFD800  }
0xbf: {  	[spmem:s2] =	stream.indirect.scatter.add.f32 [tilespmem:s20], [sflag:$0x5], $0x80, s21, s19, $0xb8;
	[tilespmem:$0x1D400] =	vst v63  }
0xc0: {  	_ =	swait.ge [sflag:s14], $0x2800  }
0xc1: {  	[sflag:s14] =	ssyncset.done $0x0  }
0xc2: {  	[sflag:s14] =	ssyncadd.s32 $0xFFFFD800  }
0xc3: {  	[tilespmem:s20], [sflag:$0x3] =	stream.indirect.gather [hbm4b:s4+s19], $0x80, s24, s19, $0xb8;
	[tilespmem:$0x1D400] =	vst v63  }
0xc4: {  	_ =	swait.ge [sflag:s25], $0x2800  }
0xc5: {  	[sflag:s25] =	ssyncset.done $0x0  }
0xc6: {  	s21 =	sadd.s32 $0x880, s6;
	[sflag:s25] =	ssyncadd.s32 $0xFFFFD800  }
0xc7: {  	[spmem:s2] =	stream.indirect.scatter.add.f32 [tilespmem:s22], [sflag:$0x5], $0x80, s21, s19, $0xb8;
	[tilespmem:$0x1D400] =	vst v63  }
0xc8: {  	_ =	swait.ge [sflag:s14], $0x2800  }
0xc9: {  	[sflag:s14] =	ssyncset.done $0x0  }
0xca: {  	[sflag:s14] =	ssyncadd.s32 $0xFFFFD800  }
0xcb: {  	[tilespmem:s22], [sflag:$0x4] =	stream.indirect.gather [hbm4b:s4+s19], $0x80, s26, s19, $0xb8;
	[tilespmem:$0x1D400] =	vst v63  }
0xcc: {  	_ =	swait.ge [sflag:s23], $0x2800  }
0xcd: {  	[sflag:s23] =	ssyncset.done $0x0  }
0xce: {  	s21 =	sadd.s32 $0x900, s6;
	[sflag:s23] =	ssyncadd.s32 $0xFFFFD800  }
0xcf: {  	[spmem:s2] =	stream.indirect.scatter.add.f32 [tilespmem:s20], [sflag:$0x5], $0x80, s21, s19, $0xb8;
	[tilespmem:$0x1D400] =	vst v63  }
0xd0: {  	_ =	swait.ge [sflag:s14], $0x2800  }
0xd1: {  	[sflag:s14] =	ssyncset.done $0x0  }
0xd2: {  	[sflag:s14] =	ssyncadd.s32 $0xFFFFD800  }
0xd3: {  	[tilespmem:s20], [sflag:$0x3] =	stream.indirect.gather [hbm4b:s4+s19], $0x80, s28, s19, $0xb8;
	[tilespmem:$0x1D400] =	vst v63  }
0xd4: {  	_ =	swait.ge [sflag:s25], $0x2800  }
0xd5: {  	[sflag:s25] =	ssyncset.done $0x0  }
0xd6: {  	s21 =	sadd.s32 $0x980, s6;
	[sflag:s25] =	ssyncadd.s32 $0xFFFFD800  }
0xd7: {  	[spmem:s2] =	stream.indirect.scatter.add.f32 [tilespmem:s22], [sflag:$0x5], $0x80, s21, s19, $0xb8;
	[tilespmem:$0x1D400] =	vst v63  }
0xd8: {  	_ =	swait.ge [sflag:s14], $0x2800  }
0xd9: {  	[sflag:s14] =	ssyncset.done $0x0  }
0xda: {  	[sflag:s14] =	ssyncadd.s32 $0xFFFFD800  }
0xdb: {  	[tilespmem:s22], [sflag:$0x4] =	stream.indirect.gather [hbm4b:s4+s19], $0x80, s29, s19, $0xb8;
	[tilespmem:$0x1D400] =	vst v63  }
0xdc: {  	_ =	swait.ge [sflag:s23], $0x2800  }
0xdd: {  	[sflag:s23] =	ssyncset.done $0x0  }
0xde: {  	s21 =	sadd.s32 $0xA00, s6;
	[sflag:s23] =	ssyncadd.s32 $0xFFFFD800  }
0xdf: {  	[spmem:s2] =	stream.indirect.scatter.add.f32 [tilespmem:s20], [sflag:$0x5], $0x80, s21, s19, $0xb8;
	[tilespmem:$0x1D400] =	vst v63  }
0xe0: {  	_ =	swait.ge [sflag:s14], $0x2800  }
0xe1: {  	[sflag:s14] =	ssyncset.done $0x0  }
0xe2: {  	[sflag:s14] =	ssyncadd.s32 $0xFFFFD800  }
0xe3: {  	[tilespmem:s20], [sflag:$0x3] =	stream.indirect.gather [hbm4b:s4+s19], $0x80, s30, s19, $0xb8;
	[tilespmem:$0x1D400] =	vst v63  }
0xe4: {  	_ =	swait.ge [sflag:s25], $0x2800  }
0xe5: {  	[sflag:s25] =	ssyncset.done $0x0  }
0xe6: {  	s21 =	sadd.s32 $0xA80, s6;
	[sflag:s25] =	ssyncadd.s32 $0xFFFFD800  }
0xe7: {  	[spmem:s2] =	stream.indirect.scatter.add.f32 [tilespmem:s22], [sflag:$0x5], $0x80, s21, s19, $0xb8;
	[tilespmem:$0x1D400] =	vst v63  }
0xe8: {  	_ =	swait.ge [sflag:s14], $0x2800  }
0xe9: {  	[sflag:s14] =	ssyncset.done $0x0  }
0xea: {  	[sflag:s14] =	ssyncadd.s32 $0xFFFFD800  }
0xeb: {  	[tilespmem:s22], [sflag:$0x4] =	stream.indirect.gather [hbm4b:s4+s19], $0x80, s31, s19, $0xb8;
	[tilespmem:$0x1D400] =	vst v63  }
0xec: {  	_ =	swait.ge [sflag:s23], $0x2800  }
0xed: {  	[sflag:s23] =	ssyncset.done $0x0  }
0xee: {  	s21 =	sadd.s32 $0xB00, s6;
	[sflag:s23] =	ssyncadd.s32 $0xFFFFD800  }
0xef: {  	[spmem:s2] =	stream.indirect.scatter.add.f32 [tilespmem:s20], [sflag:$0x5], $0x80, s21, s19, $0xb8;
	[tilespmem:$0x1D400] =	vst v63  }
0xf0: {  	_ =	swait.ge [sflag:s14], $0x2800  }
0xf1: {  	[sflag:s14] =	ssyncset.done $0x0  }
0xf2: {  	[sflag:s14] =	ssyncadd.s32 $0xFFFFD800  }
0xf3: {  	_ =	swait.ge [sflag:s0], $0x400  }
0xf4: {  	[sflag:s0] =	ssyncset.done $0x0  }
0xf5: {  	[sflag:s0] =	ssyncadd.s32 $0xFFFFFC00  }
0xf6: {  	[tilespmem:s20], [sflag:$0x3] =	stream.indirect.gather [hbm4b:s4+s19], $0x80, s18, s19, $0xb8;
	[tilespmem:$0x1D400] =	vst v63  }
0xf7: {  	_ =	swait.ge [sflag:s25], $0x2800  }
0xf8: {  	[sflag:s25] =	ssyncset.done $0x0  }
0xf9: {  	s21 =	sadd.s32 $0xB80, s6;
	[sflag:s25] =	ssyncadd.s32 $0xFFFFD800  }
0xfa: {  	[spmem:s2] =	stream.indirect.scatter.add.f32 [tilespmem:s22], [sflag:$0x5], $0x80, s21, s19, $0xb8;
	[tilespmem:$0x1D400] =	vst v63  }
0xfb: {  	_ =	swait.ge [sflag:s14], $0x2800  }
0xfc: {  	[sflag:s14] =	ssyncset.done $0x0  }
0xfd: {  	[sflag:s14] =	ssyncadd.s32 $0xFFFFD800  }
0xfe: {  	[tilespmem:s3], [sflag:$0x1] =	stream.linear.gather [hbm4b:s11+s3], $0x400, $0x38;
	[tilespmem:$0x1D400] =	vst v63  }
0xff: {  	_ = 	snop  }
0x100: {  	[tilespmem:s22], [sflag:$0x4] =	stream.indirect.gather [hbm4b:s4+s19], $0x80, s1, s19, $0xb8;
	[tilespmem:$0x1D400] =	vst v63  }
0x101: {  	_ =	swait.ge [sflag:s23], $0x2800  }
0x102: {  	[sflag:s23] =	ssyncset.done $0x0  }
0x103: {  	s21 =	sadd.s32 $0xC00, s6;
	[sflag:s23] =	ssyncadd.s32 $0xFFFFD800  }
0x104: {  	[spmem:s2] =	stream.indirect.scatter.add.f32 [tilespmem:s20], [sflag:$0x5], $0x80, s21, s19, $0xb8;
	[tilespmem:$0x1D400] =	vst v63  }
0x105: {  	_ =	swait.ge [sflag:s14], $0x2800  }
0x106: {  	[sflag:s14] =	ssyncset.done $0x0  }
0x107: {  	[sflag:s14] =	ssyncadd.s32 $0xFFFFD800  }
0x108: {  	[tilespmem:s20], [sflag:$0x3] =	stream.indirect.gather [hbm4b:s4+s19], $0x80, s13, s19, $0xb8;
	[tilespmem:$0x1D400] =	vst v63  }
0x109: {  	_ =	swait.ge [sflag:s25], $0x2800  }
0x10a: {  	[sflag:s25] =	ssyncset.done $0x0  }
0x10b: {  	s21 =	sadd.s32 $0xC80, s6;
	[sflag:s25] =	ssyncadd.s32 $0xFFFFD800  }
0x10c: {  	[spmem:s2] =	stream.indirect.scatter.add.f32 [tilespmem:s22], [sflag:$0x5], $0x80, s21, s19, $0xb8;
	[tilespmem:$0x1D400] =	vst v63  }
0x10d: {  	_ =	swait.ge [sflag:s14], $0x2800  }
0x10e: {  	[sflag:s14] =	ssyncset.done $0x0  }
0x10f: {  	[sflag:s14] =	ssyncadd.s32 $0xFFFFD800  }
0x110: {  	[tilespmem:s22], [sflag:$0x4] =	stream.indirect.gather [hbm4b:s4+s19], $0x80, s5, s19, $0xb8;
	[tilespmem:$0x1D400] =	vst v63  }
0x111: {  	_ =	swait.ge [sflag:s23], $0x2800  }
0x112: {  	[sflag:s23] =	ssyncset.done $0x0  }
0x113: {  	s21 =	sadd.s32 $0xD00, s6;
	[sflag:s23] =	ssyncadd.s32 $0xFFFFD800  }
0x114: {  	[spmem:s2] =	stream.indirect.scatter.add.f32 [tilespmem:s20], [sflag:$0x5], $0x80, s21, s19, $0xb8;
	[tilespmem:$0x1D400] =	vst v63  }
0x115: {  	_ =	swait.ge [sflag:s14], $0x2800  }
0x116: {  	[sflag:s14] =	ssyncset.done $0x0  }
0x117: {  	[sflag:s14] =	ssyncadd.s32 $0xFFFFD800  }
0x118: {  	[tilespmem:s20], [sflag:$0x3] =	stream.indirect.gather [hbm4b:s4+s19], $0x80, s7, s19, $0xb8;
	[tilespmem:$0x1D400] =	vst v63  }
0x119: {  	_ =	swait.ge [sflag:s25], $0x2800  }
0x11a: {  	[sflag:s25] =	ssyncset.done $0x0  }
0x11b: {  	s21 =	sadd.s32 $0xD80, s6;
	[sflag:s25] =	ssyncadd.s32 $0xFFFFD800  }
0x11c: {  	[spmem:s2] =	stream.indirect.scatter.add.f32 [tilespmem:s22], [sflag:$0x5], $0x80, s21, s19, $0xb8;
	[tilespmem:$0x1D400] =	vst v63  }
0x11d: {  	_ =	swait.ge [sflag:s14], $0x2800  }
0x11e: {  	[sflag:s14] =	ssyncset.done $0x0  }
0x11f: {  	[sflag:s14] =	ssyncadd.s32 $0xFFFFD800  }
0x120: {  	[tilespmem:s22], [sflag:$0x4] =	stream.indirect.gather [hbm4b:s4+s19], $0x80, s8, s19, $0xb8;
	[tilespmem:$0x1D400] =	vst v63  }
0x121: {  	_ =	swait.ge [sflag:s23], $0x2800  }
0x122: {  	[sflag:s23] =	ssyncset.done $0x0  }
0x123: {  	s21 =	sadd.s32 $0xE00, s6;
	[sflag:s23] =	ssyncadd.s32 $0xFFFFD800  }
0x124: {  	[spmem:s2] =	stream.indirect.scatter.add.f32 [tilespmem:s20], [sflag:$0x5], $0x80, s21, s19, $0xb8;
	[tilespmem:$0x1D400] =	vst v63  }
0x125: {  	_ =	swait.ge [sflag:s14], $0x2800  }
0x126: {  	[sflag:s14] =	ssyncset.done $0x0  }
0x127: {  	[sflag:s14] =	ssyncadd.s32 $0xFFFFD800  }
0x128: {  	[tilespmem:s20], [sflag:$0x3] =	stream.indirect.gather [hbm4b:s4+s19], $0x80, s9, s19, $0xb8;
	[tilespmem:$0x1D400] =	vst v63  }
0x129: {  	_ =	swait.ge [sflag:s25], $0x2800  }
0x12a: {  	[sflag:s25] =	ssyncset.done $0x0  }
0x12b: {  	s21 =	sadd.s32 $0xE80, s6;
	[sflag:s25] =	ssyncadd.s32 $0xFFFFD800  }
0x12c: {  	[spmem:s2] =	stream.indirect.scatter.add.f32 [tilespmem:s22], [sflag:$0x5], $0x80, s21, s19, $0xb8;
	[tilespmem:$0x1D400] =	vst v63  }
0x12d: {  	_ =	swait.ge [sflag:s14], $0x2800  }
0x12e: {  	[sflag:s14] =	ssyncset.done $0x0  }
0x12f: {  	[sflag:s14] =	ssyncadd.s32 $0xFFFFD800  }
0x130: {  	[tilespmem:s22], [sflag:$0x4] =	stream.indirect.gather [hbm4b:s4+s19], $0x80, s10, s19, $0xb8;
	[tilespmem:$0x1D400] =	vst v63  }
0x131: {  	_ =	swait.ge [sflag:s23], $0x2800  }
0x132: {  	[sflag:s23] =	ssyncset.done $0x0  }
0x133: {  	s21 =	sadd.s32 $0xF00, s6;
	[sflag:s23] =	ssyncadd.s32 $0xFFFFD800  }
0x134: {  	[spmem:s2] =	stream.indirect.scatter.add.f32 [tilespmem:s20], [sflag:$0x5], $0x80, s21, s19, $0xb8;
	[tilespmem:$0x1D400] =	vst v63  }
0x135: {  	_ =	swait.ge [sflag:s14], $0x2800  }
0x136: {  	[sflag:s14] =	ssyncset.done $0x0  }
0x137: {  	[sflag:s14] =	ssyncadd.s32 $0xFFFFD800  }
0x138: {  	_ =	swait.ge [sflag:s17], $0x400  }
0x139: {  	[sflag:s17] =	ssyncset.done $0x0  }
0x13a: {  	[sflag:s17] =	ssyncadd.s32 $0xFFFFFC00  }
0x13b: {  	[tilespmem:s20], [sflag:$0x3] =	stream.indirect.gather [hbm4b:s4+s19], $0x80, s3, s19, $0xb8;
	[tilespmem:$0x1D400] =	vst v63  }
0x13c: {  	_ =	swait.ge [sflag:s25], $0x2800  }
0x13d: {  	[sflag:s25] =	ssyncset.done $0x0  }
.Ltmp0:
0x13e: {  	s6 =	sadd.s32 $0xF80, s6;
	[sflag:s25] =	ssyncadd.s32 $0xFFFFD800;
	(pc) =	sbr.rel @p0 .LBB2_2-.Ltmp0, $4  }
0x13f: {  	[spmem:s2] =	stream.indirect.scatter.add.f32 [tilespmem:s22], [sflag:$0x5], $0x80, s6, s19, $0xb8;
	[tilespmem:$0x1D400] =	vst v63  }
0x140: {  	_ =	swait.ge [sflag:s14], $0x2800  }
0x141: {  	[sflag:s14] =	ssyncset.done $0x0  }
0x142: {  	s15 =	sadd.s32 $0x100, s15;
	s11 =	sadd.s32 $0x100, s11;
	[sflag:s14] =	ssyncadd.s32 $0xFFFFD800  }
0x143: {  	[tilespmem:s18], [sflag:$0x2] =	stream.linear.gather [hbm4b:s16+s3], $0x400, $0x38;
	[tilespmem:$0x1D400] =	vst v63  }
0x144: {  	s6 =	simm.s32 $0x80  }
0x145: {  	[tilespmem:s22], [sflag:$0x4] =	stream.indirect.gather [hbm4b:s4+s19], $0x80, s6, s19, $0xb8;
	[tilespmem:$0x1D400] =	vst v63  }
0x146: {  	_ =	swait.ge [sflag:s23], $0x2800  }
0x147: {  	[sflag:s23] =	ssyncset.done $0x0  }
0x148: {  	s15 =	simm.s32 $0x4000;
	[sflag:s23] =	ssyncadd.s32 $0xFFFFD800  }
0x149: {  	[spmem:s2] =	stream.indirect.scatter.add.f32 [tilespmem:s20], [sflag:$0x5], $0x80, s15, s19, $0xb8;
	[tilespmem:$0x1D400] =	vst v63  }
0x14a: {  	_ =	swait.ge [sflag:s14], $0x2800  }
0x14b: {  	[sflag:s14] =	ssyncset.done $0x0  }
0x14c: {  	[sflag:s14] =	ssyncadd.s32 $0xFFFFD800  }
0x14d: {  	[tilespmem:s20], [sflag:$0x3] =	stream.indirect.gather [hbm4b:s4+s19], $0x80, s24, s19, $0xb8;
	[tilespmem:$0x1D400] =	vst v63  }
0x14e: {  	_ =	swait.ge [sflag:s25], $0x2800  }
0x14f: {  	[sflag:s25] =	ssyncset.done $0x0  }
0x150: {  	s16 =	simm.s32 $0x4080;
	[sflag:s25] =	ssyncadd.s32 $0xFFFFD800  }
0x151: {  	[spmem:s2] =	stream.indirect.scatter.add.f32 [tilespmem:s22], [sflag:$0x5], $0x80, s16, s19, $0xb8;
	[tilespmem:$0x1D400] =	vst v63  }
0x152: {  	_ =	swait.ge [sflag:s14], $0x2800  }
0x153: {  	[sflag:s14] =	ssyncset.done $0x0  }
0x154: {  	[sflag:s14] =	ssyncadd.s32 $0xFFFFD800  }
0x155: {  	[tilespmem:s22], [sflag:$0x4] =	stream.indirect.gather [hbm4b:s4+s19], $0x80, s26, s19, $0xb8;
	[tilespmem:$0x1D400] =	vst v63  }
0x156: {  	_ =	swait.ge [sflag:s23], $0x2800  }
0x157: {  	[sflag:s23] =	ssyncset.done $0x0  }
0x158: {  	s21 =	simm.s32 $0x4100;
	[sflag:s23] =	ssyncadd.s32 $0xFFFFD800  }
0x159: {  	[spmem:s2] =	stream.indirect.scatter.add.f32 [tilespmem:s20], [sflag:$0x5], $0x80, s21, s19, $0xb8;
	[tilespmem:$0x1D400] =	vst v63  }
0x15a: {  	_ =	swait.ge [sflag:s14], $0x2800  }
0x15b: {  	[sflag:s14] =	ssyncset.done $0x0  }
0x15c: {  	[sflag:s14] =	ssyncadd.s32 $0xFFFFD800  }
0x15d: {  	[tilespmem:s20], [sflag:$0x3] =	stream.indirect.gather [hbm4b:s4+s19], $0x80, s28, s19, $0xb8;
	[tilespmem:$0x1D400] =	vst v63  }
0x15e: {  	_ =	swait.ge [sflag:s25], $0x2800  }
0x15f: {  	[sflag:s25] =	ssyncset.done $0x0  }
0x160: {  	s11 =	simm.s32 $0x4180;
	[sflag:s25] =	ssyncadd.s32 $0xFFFFD800  }
0x161: {  	[spmem:s2] =	stream.indirect.scatter.add.f32 [tilespmem:s22], [sflag:$0x5], $0x80, s11, s19, $0xb8;
	[tilespmem:$0x1D400] =	vst v63  }
0x162: {  	_ =	swait.ge [sflag:s14], $0x2800  }
0x163: {  	[sflag:s14] =	ssyncset.done $0x0  }
0x164: {  	[sflag:s14] =	ssyncadd.s32 $0xFFFFD800  }
0x165: {  	[tilespmem:s22], [sflag:$0x4] =	stream.indirect.gather [hbm4b:s4+s19], $0x80, s29, s19, $0xb8;
	[tilespmem:$0x1D400] =	vst v63  }
0x166: {  	_ =	swait.ge [sflag:s23], $0x2800  }
0x167: {  	[sflag:s23] =	ssyncset.done $0x0  }
0x168: {  	s12 =	simm.s32 $0x4200;
	[sflag:s23] =	ssyncadd.s32 $0xFFFFD800  }
0x169: {  	[spmem:s2] =	stream.indirect.scatter.add.f32 [tilespmem:s20], [sflag:$0x5], $0x80, s12, s19, $0xb8;
	[tilespmem:$0x1D400] =	vst v63  }
0x16a: {  	_ =	swait.ge [sflag:s14], $0x2800  }
0x16b: {  	[sflag:s14] =	ssyncset.done $0x0  }
0x16c: {  	[sflag:s14] =	ssyncadd.s32 $0xFFFFD800  }
0x16d: {  	[tilespmem:s20], [sflag:$0x3] =	stream.indirect.gather [hbm4b:s4+s19], $0x80, s30, s19, $0xb8;
	[tilespmem:$0x1D400] =	vst v63  }
0x16e: {  	_ =	swait.ge [sflag:s25], $0x2800  }
0x16f: {  	[sflag:s25] =	ssyncset.done $0x0  }
0x170: {  	s15 =	simm.s32 $0x4280;
	[sflag:s25] =	ssyncadd.s32 $0xFFFFD800  }
0x171: {  	[spmem:s2] =	stream.indirect.scatter.add.f32 [tilespmem:s22], [sflag:$0x5], $0x80, s15, s19, $0xb8;
	[tilespmem:$0x1D400] =	vst v63  }
0x172: {  	_ =	swait.ge [sflag:s14], $0x2800  }
0x173: {  	[sflag:s14] =	ssyncset.done $0x0  }
0x174: {  	[sflag:s14] =	ssyncadd.s32 $0xFFFFD800  }
0x175: {  	[tilespmem:s22], [sflag:$0x4] =	stream.indirect.gather [hbm4b:s4+s19], $0x80, s31, s19, $0xb8;
	[tilespmem:$0x1D400] =	vst v63  }
0x176: {  	_ =	swait.ge [sflag:s23], $0x2800  }
0x177: {  	[sflag:s23] =	ssyncset.done $0x0  }
0x178: {  	s16 =	simm.s32 $0x4300;
	[sflag:s23] =	ssyncadd.s32 $0xFFFFD800  }
0x179: {  	[spmem:s2] =	stream.indirect.scatter.add.f32 [tilespmem:s20], [sflag:$0x5], $0x80, s16, s19, $0xb8;
	[tilespmem:$0x1D400] =	vst v63  }
0x17a: {  	_ =	swait.ge [sflag:s14], $0x2800  }
0x17b: {  	[sflag:s14] =	ssyncset.done $0x0  }
0x17c: {  	[sflag:s14] =	ssyncadd.s32 $0xFFFFD800  }
0x17d: {  	_ =	swait.ge [sflag:s0], $0x400  }
0x17e: {  	[sflag:s0] =	ssyncset.done $0x0  }
0x17f: {  	[sflag:s0] =	ssyncadd.s32 $0xFFFFFC00  }
0x180: {  	[tilespmem:s20], [sflag:$0x3] =	stream.indirect.gather [hbm4b:s4+s19], $0x80, s18, s19, $0xb8;
	[tilespmem:$0x1D400] =	vst v63  }
0x181: {  	_ =	swait.ge [sflag:s25], $0x2800  }
0x182: {  	[sflag:s25] =	ssyncset.done $0x0  }
0x183: {  	s21 =	simm.s32 $0x4380;
	[sflag:s25] =	ssyncadd.s32 $0xFFFFD800  }
0x184: {  	[spmem:s2] =	stream.indirect.scatter.add.f32 [tilespmem:s22], [sflag:$0x5], $0x80, s21, s19, $0xb8;
	[tilespmem:$0x1D400] =	vst v63  }
0x185: {  	_ =	swait.ge [sflag:s14], $0x2800  }
0x186: {  	[sflag:s14] =	ssyncset.done $0x0  }
0x187: {  	[sflag:s14] =	ssyncadd.s32 $0xFFFFD800  }
0x188: {  	[tilespmem:s22], [sflag:$0x4] =	stream.indirect.gather [hbm4b:s4+s19], $0x80, s1, s19, $0xb8;
	[tilespmem:$0x1D400] =	vst v63  }
0x189: {  	_ =	swait.ge [sflag:s23], $0x2800  }
0x18a: {  	[sflag:s23] =	ssyncset.done $0x0  }
0x18b: {  	s11 =	simm.s32 $0x4400;
	[sflag:s23] =	ssyncadd.s32 $0xFFFFD800  }
0x18c: {  	[spmem:s2] =	stream.indirect.scatter.add.f32 [tilespmem:s20], [sflag:$0x5], $0x80, s11, s19, $0xb8;
	[tilespmem:$0x1D400] =	vst v63  }
0x18d: {  	_ =	swait.ge [sflag:s14], $0x2800  }
0x18e: {  	[sflag:s14] =	ssyncset.done $0x0  }
0x18f: {  	[sflag:s14] =	ssyncadd.s32 $0xFFFFD800  }
0x190: {  	[tilespmem:s20], [sflag:$0x3] =	stream.indirect.gather [hbm4b:s4+s19], $0x80, s13, s19, $0xb8;
	[tilespmem:$0x1D400] =	vst v63  }
0x191: {  	_ =	swait.ge [sflag:s25], $0x2800  }
0x192: {  	[sflag:s25] =	ssyncset.done $0x0  }
0x193: {  	s12 =	simm.s32 $0x4480;
	[sflag:s25] =	ssyncadd.s32 $0xFFFFD800  }
0x194: {  	[spmem:s2] =	stream.indirect.scatter.add.f32 [tilespmem:s22], [sflag:$0x5], $0x80, s12, s19, $0xb8;
	[tilespmem:$0x1D400] =	vst v63  }
0x195: {  	_ =	swait.ge [sflag:s14], $0x2800  }
0x196: {  	[sflag:s14] =	ssyncset.done $0x0  }
0x197: {  	[sflag:s14] =	ssyncadd.s32 $0xFFFFD800  }
0x198: {  	[tilespmem:s22], [sflag:$0x4] =	stream.indirect.gather [hbm4b:s4+s19], $0x80, s5, s19, $0xb8;
	[tilespmem:$0x1D400] =	vst v63  }
0x199: {  	_ =	swait.ge [sflag:s23], $0x2800  }
0x19a: {  	[sflag:s23] =	ssyncset.done $0x0  }
0x19b: {  	s15 =	simm.s32 $0x4500;
	[sflag:s23] =	ssyncadd.s32 $0xFFFFD800  }
0x19c: {  	[spmem:s2] =	stream.indirect.scatter.add.f32 [tilespmem:s20], [sflag:$0x5], $0x80, s15, s19, $0xb8;
	[tilespmem:$0x1D400] =	vst v63  }
0x19d: {  	_ =	swait.ge [sflag:s14], $0x2800  }
0x19e: {  	[sflag:s14] =	ssyncset.done $0x0  }
0x19f: {  	[sflag:s14] =	ssyncadd.s32 $0xFFFFD800  }
0x1a0: {  	[tilespmem:s20], [sflag:$0x3] =	stream.indirect.gather [hbm4b:s4+s19], $0x80, s7, s19, $0xb8;
	[tilespmem:$0x1D400] =	vst v63  }
0x1a1: {  	_ =	swait.ge [sflag:s25], $0x2800  }
0x1a2: {  	[sflag:s25] =	ssyncset.done $0x0  }
0x1a3: {  	s16 =	simm.s32 $0x4580;
	[sflag:s25] =	ssyncadd.s32 $0xFFFFD800  }
0x1a4: {  	[spmem:s2] =	stream.indirect.scatter.add.f32 [tilespmem:s22], [sflag:$0x5], $0x80, s16, s19, $0xb8;
	[tilespmem:$0x1D400] =	vst v63  }
0x1a5: {  	_ =	swait.ge [sflag:s14], $0x2800  }
0x1a6: {  	[sflag:s14] =	ssyncset.done $0x0  }
0x1a7: {  	[sflag:s14] =	ssyncadd.s32 $0xFFFFD800  }
0x1a8: {  	[tilespmem:s22], [sflag:$0x4] =	stream.indirect.gather [hbm4b:s4+s19], $0x80, s8, s19, $0xb8;
	[tilespmem:$0x1D400] =	vst v63  }
0x1a9: {  	_ =	swait.ge [sflag:s23], $0x2800  }
0x1aa: {  	[sflag:s23] =	ssyncset.done $0x0  }
0x1ab: {  	s21 =	simm.s32 $0x4600;
	[sflag:s23] =	ssyncadd.s32 $0xFFFFD800  }
0x1ac: {  	[spmem:s2] =	stream.indirect.scatter.add.f32 [tilespmem:s20], [sflag:$0x5], $0x80, s21, s19, $0xb8;
	[tilespmem:$0x1D400] =	vst v63  }
0x1ad: {  	_ =	swait.ge [sflag:s14], $0x2800  }
0x1ae: {  	[sflag:s14] =	ssyncset.done $0x0  }
0x1af: {  	[sflag:s14] =	ssyncadd.s32 $0xFFFFD800  }
0x1b0: {  	[tilespmem:s20], [sflag:$0x3] =	stream.indirect.gather [hbm4b:s4+s19], $0x80, s9, s19, $0xb8;
	[tilespmem:$0x1D400] =	vst v63  }
0x1b1: {  	_ =	swait.ge [sflag:s25], $0x2800  }
0x1b2: {  	[sflag:s25] =	ssyncset.done $0x0  }
0x1b3: {  	s11 =	simm.s32 $0x4680;
	[sflag:s25] =	ssyncadd.s32 $0xFFFFD800  }
0x1b4: {  	[spmem:s2] =	stream.indirect.scatter.add.f32 [tilespmem:s22], [sflag:$0x5], $0x80, s11, s19, $0xb8;
	[tilespmem:$0x1D400] =	vst v63  }
0x1b5: {  	_ =	swait.ge [sflag:s14], $0x2800  }
0x1b6: {  	[sflag:s14] =	ssyncset.done $0x0  }
0x1b7: {  	[sflag:s14] =	ssyncadd.s32 $0xFFFFD800  }
0x1b8: {  	[tilespmem:s22], [sflag:$0x4] =	stream.indirect.gather [hbm4b:s4+s19], $0x80, s10, s19, $0xb8;
	[tilespmem:$0x1D400] =	vst v63  }
0x1b9: {  	_ =	swait.ge [sflag:s23], $0x2800  }
0x1ba: {  	[sflag:s23] =	ssyncset.done $0x0  }
0x1bb: {  	s12 =	simm.s32 $0x4700;
	[sflag:s23] =	ssyncadd.s32 $0xFFFFD800  }
0x1bc: {  	[spmem:s2] =	stream.indirect.scatter.add.f32 [tilespmem:s20], [sflag:$0x5], $0x80, s12, s19, $0xb8;
	[tilespmem:$0x1D400] =	vst v63  }
0x1bd: {  	_ =	swait.ge [sflag:s14], $0x2800  }
0x1be: {  	[sflag:s14] =	ssyncset.done $0x0  }
0x1bf: {  	[sflag:s14] =	ssyncadd.s32 $0xFFFFD800  }
0x1c0: {  	_ =	swait.ge [sflag:s25], $0x2800  }
0x1c1: {  	[sflag:s25] =	ssyncset.done $0x0  }
0x1c2: {  	s15 =	simm.s32 $0x4780;
	[sflag:s25] =	ssyncadd.s32 $0xFFFFD800  }
0x1c3: {  	[spmem:s2] =	stream.indirect.scatter.add.f32 [tilespmem:s22], [sflag:$0x5], $0x80, s15, s19, $0xb8;
	[tilespmem:$0x1D400] =	vst v63  }
0x1c4: {  	_ =	swait.ge [sflag:s14], $0x2800  }
0x1c5: {  	[sflag:s14] =	ssyncset.done $0x0  }
0x1c6: {  	[sflag:s14] =	ssyncadd.s32 $0xFFFFD800  }
0x1c7: {  	[bflag:$0x0] =	sbarrier.arrive $0xFFFF  }
0x1c8: {  	s16 =	rddreg [dreg:$0x9]  }
0x1c9: {  	s12 =	rddreg [dreg:$0xc]  }
0x1ca: {  	s15 =	rddreg [dreg:$0xd]  }
0x1cb: {  	[hbm:s16], [sflag:s12] =	dma.local [spmem:s15], $0x2780  }
0x1cc: {  	_ =	swait.ge [sflag:s14], $0x2780  }
0x1cd: {  	s11 =	rddreg [dreg:$0xe]  }
0x1ce: {  	s21 =	rddreg [dreg:$0x8];
	s11 =	sadd.s32 $0x1, s11  }
0x1cf: {  	p0 =	sne.s32 s11, s21  }
.Ltmp1:
0x1d0: {  	_ = 	snop;
	(pc) =	sbr.rel @p0 .LBB2_1-.Ltmp1, $3  }
0x1d1: {  	_ =	sdelay $0x1  }
0x1d2: {  	[sflag:s14] =	ssyncset.done $0x0  }
0x1d3: {  	[sflag:s14] =	ssyncadd.s32 $0xFFFFD880  }
0x1d4: {  	_ =	sfence.sel $0x180000  }
0x1d5: {  	[bflag:$0x0] =	sbarrier.arrive $0xFFFF  }
0x1d6: {  	_ =	strace $0x9000004A  }
0x1d7: {  	s0 =	stileid.u32;
	[bflag:$0x2] =	sbarrier.arrive $0xFFFF  }
0x1d8: {  	p0 =	sne.s32 s0, $0x0;
	s0 =	rddreg [dreg:$0x3]  }
0x1d9: {  	s0 =	sadd.s32 @!p0 $0x100000, s0  }
0x1da: {  	[sflag:s0] =	ssyncadd.tile.s32 @!p0 $0x1;
	_ =	shalt  }
.Lfunc_end2:
_tile_overlayer_lowered:
.L_overlay_start_2:
0x1db: {  	(tag) =	ssettag $0x2  }
0x1dc: {  	s0 =	rddreg [dreg:$0x0];
	s2 =	stileid.u32  }
0x1dd: {  	s1 =	rddreg [dreg:$0x1];
	p0 =	sne.s32 s2, $0x0  }
0x1de: {  	s3 =	rddreg [dreg:$0x2];
	[bflag:$0x3] =	sbarrier.arrive $0xFFFF;
	s2 =	simm.s32 @!p0 $0x1C05  }
0x1df: {  	[timem:s3], [sflag:s2] =	dma.local @!p0 [hbm:s0], s1  }
0x1e0: {  	s0 =	simm.s32 @!p0 $0x5  }
0x1e1: {  	_ =	swait.ge @!p0 [sflag:s0], s1  }
0x1e2: {  	s1 =	ssub.s32 @!p0 $0x0, s1;
	[sflag:s0] =	ssyncset.done @!p0 $0x0  }
0x1e3: {  	[sflag:s0] =	ssyncadd.s32 @!p0 s1  }
0x1e4: {  	[bflag:$0x3] =	sbarrier.arrive $0xFFFF  }
0x1e5: {  	_ =	shalt  }

// kernel: kernel.14.cloned.1.call-start
scs
__scs_entry_jumppad:
0x0: {  	(pc) =	sbr.rel $0x88, $3  }
0x1: {  	(tag) =	ssettag $0x0;
	lr =	simm.s32 $0x1  }
0x2: {  	[smem:$0x3F9B] =	sst lr;
	_ =	strace $0xD0000000  }
0x3: {  	_ = 	snop  }
0x4: {  	_ = 	snop  }
0x5: {  	_ = 	snop  }
0x6: {  	_ = 	snop  }
0x7: {  	_ = 	snop  }
__scs_overlays_trampoline_lowered:
0x8: {  	[smem:$0x3FAA] =	sst s0  }
0x9: {  	[smem:$0x3FAB] =	sst s1  }
0xa: {  	[smem:$0x3FAC] =	sst s2  }
0xb: {  	[smem:$0x3FAD] =	sst s3  }
0xc: {  	[smem:$0x3FAE] =	sst s4  }
0xd: {  	[smem:$0x3FAF] =	sst s5  }
0xe: {  	[smem:$0x3FB0] =	sst s6  }
0xf: {  	[smem:$0x3FB1] =	sst s7  }
0x10: {  	[smem:$0x3FB2] =	sst s8  }
0x11: {  	[smem:$0x3FB3] =	sst s9;
	s0 =	simm.s32 @!p0 $0x0  }
0x12: {  	s1 =	sld [smem:$0x3F99];
	s0 =	simm.s32 @p0 $0x1  }
0x13: {  	[smem:$0x3FB4] =	sst s0;
	s0 =	simm.s32 @!p1 $0x0  }
0x14: {  	s2 =	sld [smem:$0x3F98];
	s0 =	simm.s32 @p1 $0x1  }
0x15: {  	[smem:$0x3FB5] =	sst s0;
	s0 =	simm.s32 @!p2 $0x0  }
0x16: {  	s3 =	sld [smem:$0x3FDB];
	s0 =	simm.s32 @p2 $0x1  }
0x17: {  	s4 =	simm.s32 $0x1BF5;
	[smem:$0x3FB7] =	sst s0  }
0x18: {  	s0 =	sld [smem:$0x3F9A];
	_ =	swait.ge [sflag:s4], $0x0  }
0x19: {  	s7 =	sld [smem:$0x3F9B]  }
0x1a: {  	s8 =	sadd.s32 $0xFFFFE003, lr  }
0x1b: {  	s9 =	sadd.s32 $0xFFFFFEF7, lr;
	s5 =	simm.s32 $0xFFFFFFFF;
	p2 =	slt.u32 s8, $0xFFFFF086  }
0x1c: {  	p1 =	slt.u32 s9, $0xF7A;
	s5 =	simm.s32 @!p2 $0x0  }
0x1d: {  	s5 =	simm.s32 @p1 $0x1;
	p0 =	seq.s32 s7, s2  }
0x1e: {  	s7 =	smul.u32 @!p0 $0xF7A, s2;
	p2 =	seq.s32 @!p0 s5, $0x0  }
0x1f: {  	s9 =	smul.u32 $0xF7A, s1;
	s8 =	simm.s32 @!p0 $0x1BF5;
	p2 =	por !p2, p0  }
0x20: {  	[sflag:s8] =	ssyncset.s32 @!p0 $0xFFFFF086;
	s6 =	sadd.s32 @!p0 s3, s7;
	s7 =	simm.s32 @!p0 $0x108  }
0x21: {  	s3 =	sadd.s32 s3, s9;
	s6 =	sadd.s32 @!p0 $0x88, s6;
	s7 =	simm.s32 @p2 $0x1082  }
0x22: {  	[simem:s7], [sflag:s8] =	dma.local @!p0 [hbm:s6], $0xF7A  }
0x23: {  	s9 =	sor.u32 $0xD0000000, s2;
	s6 =	simm.s32 $0x108;
	_ =	swait.ge @!p0 [sflag:s8], $0x0  }
0x24: {  	s3 =	sadd.s32 $0x88, s3;
	s6 =	simm.s32 @!p1 $0x1082;
	[sflag:s4] =	ssyncset.s32 $0xFFFFF086  }
0x25: {  	[simem:s6], [sflag:s4] =	dma.local [hbm:s3], $0xF7A  }
0x26: {  	[smem:$0x3F9B] =	sst s1;
	(tag) =	ssettag s2;
	_ =	strace s9  }
0x27: {  	s1 =	sld [smem:$0x3FAB]  }
0x28: {  	s2 =	sld [smem:$0x3FAC]  }
0x29: {  	s4 =	sld [smem:$0x3FAE]  }
0x2a: {  	p0 =	seq.s32 s5, $0x0;
	s5 =	sld [smem:$0x3FAF]  }
0x2b: {  	s6 =	sld [smem:$0x3FB0]  }
0x2c: {  	s7 =	sld [smem:$0x3FB1]  }
0x2d: {  	s3 =	simm.s32 $0x108;
	s8 =	sld [smem:$0x3FB2]  }
0x2e: {  	s3 =	simm.s32 @!p0 $0x1082;
	s9 =	sld [smem:$0x3FB3]  }
0x2f: {  	lr =	sadd.s32 s0, s3;
	s0 =	sld [smem:$0x3FAA]  }
0x30: {  	s3 =	sld [smem:$0x3FAD]  }
0x31: {  	[smem:$0x3FB6] =	sst s10  }
0x32: {  	s10 =	sld [smem:$0x3FB4];
	_ =	sdelay $0x3  }
0x33: {  	p0 =	seq.s32 s10, $0x1;
	s10 =	sld [smem:$0x3FB6];
	_ =	sdelay $0x3  }
0x34: {  	[smem:$0x3FB6] =	sst s10  }
0x35: {  	s10 =	sld [smem:$0x3FB5];
	_ =	sdelay $0x3  }
0x36: {  	p1 =	seq.s32 s10, $0x1;
	s10 =	sld [smem:$0x3FB6];
	_ =	sdelay $0x3  }
0x37: {  	[smem:$0x3FB6] =	sst s10  }
0x38: {  	s10 =	sld [smem:$0x3FB7]  }
0x39: {  	_ = 	snop;
	(pc) =	sbr.ind lr, $3  }
0x3a: {  	_ = 	snop  }
0x3b: {  	_ = 	snop  }
0x3c: {  	p2 =	seq.s32 s10, $0x1;
	s10 =	sld [smem:$0x3FB6]  }
0x3d: {  	_ =	shalt  }
0x3e: {  	_ =	shalt  }
0x3f: {  	_ =	shalt  }
0x40: {  	_ =	shalt  }
0x41: {  	_ =	shalt  }
0x42: {  	_ =	shalt  }
0x43: {  	_ =	shalt  }
0x44: {  	_ =	shalt  }
0x45: {  	_ =	shalt  }
0x46: {  	_ =	shalt  }
0x47: {  	_ =	shalt  }
0x48: {  	_ =	shalt  }
0x49: {  	_ =	shalt  }
0x4a: {  	_ =	shalt  }
0x4b: {  	_ =	shalt  }
0x4c: {  	_ =	shalt  }
0x4d: {  	_ =	shalt  }
0x4e: {  	_ =	shalt  }
0x4f: {  	_ =	shalt  }
0x50: {  	_ =	shalt  }
0x51: {  	_ =	shalt  }
0x52: {  	_ =	shalt  }
0x53: {  	_ =	shalt  }
0x54: {  	_ =	shalt  }
0x55: {  	_ =	shalt  }
0x56: {  	_ =	shalt  }
0x57: {  	_ =	shalt  }
0x58: {  	_ =	shalt  }
0x59: {  	_ =	shalt  }
0x5a: {  	_ =	shalt  }
0x5b: {  	_ =	shalt  }
0x5c: {  	_ =	shalt  }
0x5d: {  	_ =	shalt  }
0x5e: {  	_ =	shalt  }
0x5f: {  	_ =	shalt  }
0x60: {  	_ =	shalt  }
0x61: {  	_ =	shalt  }
0x62: {  	_ =	shalt  }
0x63: {  	_ =	shalt  }
0x64: {  	_ =	shalt  }
0x65: {  	_ =	shalt  }
0x66: {  	_ =	shalt  }
0x67: {  	_ =	shalt  }
0x68: {  	_ =	shalt  }
0x69: {  	_ =	shalt  }
0x6a: {  	_ =	shalt  }
0x6b: {  	_ =	shalt  }
0x6c: {  	_ =	shalt  }
0x6d: {  	_ =	shalt  }
0x6e: {  	_ =	shalt  }
0x6f: {  	_ =	shalt  }
0x70: {  	_ =	shalt  }
0x71: {  	_ =	shalt  }
0x72: {  	_ =	shalt  }
0x73: {  	_ =	shalt  }
0x74: {  	_ =	shalt  }
0x75: {  	_ =	shalt  }
0x76: {  	_ =	shalt  }
0x77: {  	_ =	shalt  }
0x78: {  	_ =	shalt  }
0x79: {  	_ =	shalt  }
0x7a: {  	_ =	shalt  }
0x7b: {  	_ =	shalt  }
0x7c: {  	_ =	shalt  }
0x7d: {  	_ =	shalt  }
0x7e: {  	_ =	shalt  }
0x7f: {  	_ =	shalt  }
0x80: {  	_ =	shalt  }
0x81: {  	_ =	shalt  }
0x82: {  	_ =	shalt  }
0x83: {  	_ =	shalt  }
0x84: {  	_ =	shalt  }
0x85: {  	_ =	shalt  }
0x86: {  	_ =	shalt  }
0x87: {  	_ =	shalt  }
.Lfunc_end0:
.L_simem_size_0:
called_computation.2_lowered:
.L_overlay_start_0:
0x88: {  	s2 =	sld [smem:$0x3FD9]  }
0x89: {  	s3 =	sld [smem:$0x3FFE];
	_ =	sdelay $0x1  }
0x8a: {  	s1 =	srdreg.scid  }
0x8b: {  	s0 =	sand.u32 $0x1, s1  }
0x8c: {  	s17 =	sshll.u32 s0, $0xA;
	s2 =	sadd.s32 s3, s2  }
0x8d: {  	s2 =	sadd.s32 s2, s17  }
0x8e: {  	[smem:$0x3FC2] =	sst s2  }
0x8f: {  	_ = 	snop  }
0x90: {  	s2 =	sld [smem:$0x3FD0];
	(tm) =	ssettm $0x1  }
0x91: {  	s18 =	sld [smem:$0x3FFB];
	_ =	sdelay $0x3  }
0x92: {  	_ =	strace s18  }
0x93: {  	s3 =	sld [smem:$0x3FFC];
	_ =	sdelay $0x3  }
0x94: {  	_ =	strace s3  }
0x95: {  	s3 =	sld [smem:$0x3FFD];
	_ =	sdelay $0x3  }
0x96: {  	_ =	strace s3  }
0x97: {  	_ =	strace $0x8FFFFFFF  }
0x98: {  	s19 =	sld [smem:$0x3FDB];
	_ =	sdelay $0x1  }
0x99: {  	s4 =	simm.s32 $_scs_section_size  }
0x9a: {  	s5 =	simm.s32 $_size__tile_overlayer_lowered;
	s6 =	simm.s32 $_tile_overlayer_lowered  }
0x9b: {  	s22 =	simm.s32 $0x1BFF;
	s21 =	sshll.u32 s6, $0x1;
	s3 =	sadd.s32 s4, s19  }
0x9c: {  	s7 =	simm.s32 $0x0;
	s20 =	sshll.u32 s5, $0x1;
	s5 =	sadd.s32 s21, s3  }
0x9d: {  	[timem:s7], [sflag:s22] =	dma.local [hbm:s5], s20  }
0x9e: {  	_ =	swait.ge [sflag:s22], s20  }
0x9f: {  	s4 =	ssub.s32 $0x0, s20;
	[sflag:s22] =	ssyncset.done $0x0  }
0xa0: {  	[sflag:s22] =	ssyncadd.s32 s4;
	_ =	sdelay $0x1  }
0xa1: {  	s23 =	simm.s32 $0x1B8B  }
0xa2: {  	_ =	swait.ge [sflag:s23], $0x1  }
0xa3: {  	[sflag:s23] =	ssyncset.done $0x0  }
0xa4: {  	s25 =	simm.s32 $0x1B8E;
	s24 =	sld [smem:$0x3FFE];
	[sflag:s23] =	ssyncadd.s32 $0xFFFFFFFF  }
0xa5: {  	s26 =	simm.s32 $execute0_lowered;
	[smem:$0x3FD2] =	sst s25  }
0xa6: {  	s5 =	sshll.u32 s26, $0x1;
	_ =	strace $0x8000004C;
	[dreg:$0x1] =	wrdreg $0xFFFFFFFF  }
0xa7: {  	s28 =	simm.s32 $_size_execute0_lowered;
	s3 =	sadd.s32 s3, s5;
	[dreg:$0x0] =	wrdreg $0x0  }
0xa8: {  	s5 =	sshll.u32 s28, $0x1;
	[dreg:$0x2] =	wrdreg s3  }
0xa9: {  	[dreg:$0x3] =	wrdreg s5  }
0xaa: {  	[dreg:$0x4] =	wrdreg $0xC0  }
0xab: {  	_ =	task [dreg:s7], $0x5FFFF  }
0xac: {  	[dreg:$0x1] =	wrdreg $0xFFFFFFFF  }
0xad: {  	[dreg:$0x0] =	wrdreg $0x60  }
0xae: {  	[dreg:$0x2] =	wrdreg s2  }
0xaf: {  	[dreg:$0x3] =	wrdreg s24  }
0xb0: {  	[dreg:$0x4] =	wrdreg $0x98000  }
0xb1: {  	[dreg:$0x5] =	wrdreg $0x9  }
0xb2: {  	_ =	task.clear_ibuf [dreg:s7], $0x6FFFF;
	_ =	strace $0x9000004C  }
0xb3: {  	s29 =	simm.s32 $0x9;
	_ =	strace $0x8000004E  }
0xb4: {  	_ =	swait.ge [sflag:s29], $0x1  }
0xb5: {  	[sflag:s29] =	ssyncadd.s32 $0xFFFFFFFF  }
0xb6: {  	_ =	strace $0x9000004E  }
0xb7: {  	_ =	sfence  }
0xb8: {  	s30 =	sld [smem:$0x0];
	_ =	sdelay $0x2  }
0xb9: {  	s31 =	sshll.u32 s1, $0xD;
	s1 =	sshrl.u32 s1, $0x2  }
0xba: {  	s3 =	sand.u32 $0x4000, s31;
	s1 =	sadd.s32 s1, s30  }
0xbb: {  	s0 =	sor.u32 s3, s0;
	s1 =	sshll.u32 s1, $0x11  }
0xbc: {  	s0 =	sor.u32 s1, s0  }
0xbd: {  	s0 =	sadd.s32 $0x8F2B, s0  }
0xbe: {  	[sflag:s0] =	ssyncadd.remote.s32 $0x1  }
0xbf: {  	_ =	sfence.sel $0xFFFF  }
0xc0: {  	[dreg:$0x0] =	wrdreg $0xFFFFFFFF;
	(pc) =	sbr.abs _section_cstart, $3  }
0xc1: {  	[dreg:$0x1] =	wrdreg $0xFFFFFFFF  }
0xc2: {  	_ =	task.clear_ibuf [dreg:s7], $0x2FFFF;
	_ =	strace $0x9FFFFFFF  }
0xc3: {  	(tm) =	ssettm $0x7FFFFFFF  }
tec
execute0_lowered:
.L_overlay_start_1:
0x0: {  	(tag) =	ssettag $0x1  }
0x1: {  	s0 =	rddreg [dreg:$0x0]  }
0x2: {  	s1 =	rddreg [dreg:$0x1]  }
0x3: {  	s2 =	rddreg [dreg:$0x2]  }
0x4: {  	s3 =	srdreg.scid;
	s12 =	stileid.u32  }
0x5: {  	s14 =	simm.s32 $0x5;
	s28 =	simm.s32 $0x200;
	s29 =	simm.s32 $0x280  }
0x6: {  	s30 =	simm.s32 $0x300;
	s31 =	simm.s32 $0x380;
	s13 =	simm.s32 $0x500  }
0x7: {  	s5 =	sand.u32 $0x1, s3;
	s3 =	simm.s32 $0x0;
	s10 =	smul.u32 $0x4F000, s12  }
0x8: {  	s4 =	sshll.u32 s12, $0xF;
	s11 =	sadd.s32 $0x3000, s1;
	s21 =	smul.u32 $0x2780, s12  }
0x9: {  	s26 =	sshll.u32 s12, $0x6;
	s6 =	sshll.u32 s5, $0xE;
	[smem:$0x7FF] =	sst s3  }
0xa: {  	s9 =	ssub.s32 $0x2, s5;
	p0 =	seq.s32 s5, $0x1;
	s12 =	sor.u32 $0x1C05, s26  }
0xb: {  	s26 =	simm.s32 $0x180;
	s5 =	simm.s32 $0x580;
	s6 =	sor.u32 s6, s4  }
0xc: {  	_ =	strace $0x8000004D;
	s4 =	sadd.s32 $0x27200, s1;
	[dreg:$0x4] =	wrdreg s11  }
0xd: {  	s16 =	sshrl.u32 s9, $0x1;
	s10 =	sshrl.u32 s10, $0x2;
	s11 =	simm.s32 $0x0  }
0xe: {  	[dreg:$0xc] =	wrdreg s12;
	s7 =	sshrl.u32 s6, $0x3;
	s9 =	ssub.s32 s9, s16  }
0xf: {  	s19 =	sadd.s32 s10, s2;
	s22 =	sor.u32 $0xC00, s6;
	s6 =	sor.u32 $0x800, s6  }
0x10: {  	s10 =	simm.s32 $0x780;
	s8 =	sadd.s32 s7, s1;
	s17 =	sadd.s32 s0, s7  }
0x11: {  	s9 =	smax.u32 s9, $0x1;
	s23 =	sshrl.u32 s22, $0x3;
	s25 =	sshrl.u32 s6, $0x3  }
0x12: {  	s15 =	sshrl.u32 s19, $0x3;
	s19 =	simm.s32 $0x50;
	[dreg:$0x5] =	wrdreg s17  }
0x13: {  	s22 =	simm.s32 $0x7000;
	s7 =	simm.s32 $0x600;
	[dreg:$0x8] =	wrdreg s9  }
0x14: {  	s18 =	sadd.s32 $0x17200, s8;
	s20 =	sadd.s32 $0x80, s17;
	[dreg:$0xd] =	wrdreg s15  }
0x15: {  	s8 =	simm.s32 $0x76200;
	s24 =	sadd.s32 s23, s0;
	[dreg:$0x6] =	wrdreg s18  }
0x16: {  	s0 =	sadd.s32 s25, s0;
	s17 =	simm.s32 $0x1;
	[dreg:$0x7] =	wrdreg s20  }
0x17: {  	s23 =	simm.s32 $0x3;
	s25 =	simm.s32 $0x4;
	[dreg:$0xa] =	wrdreg s24  }
0x18: {  	s9 =	simm.s32 $0x700;
	s8 =	simm.s32 @!p0 $0x4EA00;
	[dreg:$0xb] =	wrdreg s0  }
0x19: {  	s18 =	simm.s32 $0x400;
	s20 =	simm.s32 $0x4800;
	s1 =	sadd.s32 s8, s1  }
0x1a: {  	s24 =	simm.s32 $0x100;
	s0 =	simm.s32 $0x2;
	s1 =	sadd.s32 s1, s21  }
0x1b: {  	s8 =	simm.s32 $0x680;
	[dreg:$0x9] =	wrdreg s1;
	s1 =	simm.s32 $0x480  }
.LBB2_1:
0x1c: {  	[dreg:$0xe] =	wrdreg s11  }
0x1d: {  	s6 =	rddreg [dreg:$0x6];
	s16 =	simm.s32 $0x800  }
0x1e: {  	[tilespmem:s16], [sflag:$0x5] =	stream.linear.gather [hbm4b:s6+s3], $0x4000, $0x38;
	[tilespmem:$0x1D400] =	vst v63  }
0x1f: {  	_ =	swait.ge [sflag:s14], $0x4000  }
0x20: {  	[sflag:s14] =	ssyncset.done $0x0  }
0x21: {  	s21 =	rddreg [dreg:$0x4];
	[sflag:s14] =	ssyncadd.s32 $0xFFFFC000  }
0x22: {  	[spmem:s15], [sflag:s12] =	dma.local [hbm:s21], $0x2780  }
0x23: {  	_ =	swait.ge [sflag:s14], $0x2780  }
0x24: {  	[sflag:s14] =	ssyncset.done $0x0  }
0x25: {  	[sflag:s14] =	ssyncadd.s32 $0xFFFFD880  }
0x26: {  	[bflag:$0x0] =	sbarrier.arrive $0xFFFF  }
0x27: {  	s11 =	rddreg [dreg:$0x5]  }
0x28: {  	[tilespmem:s3], [sflag:$0x1] =	stream.linear.gather [hbm4b:s11+s3], $0x400, $0x38;
	[tilespmem:$0x1D400] =	vst v63  }
0x29: {  	_ =	swait.ge [sflag:s17], $0x400  }
0x2a: {  	[sflag:s17] =	ssyncset.done $0x0  }
0x2b: {  	s12 =	rddreg [dreg:$0x7];
	[sflag:s17] =	ssyncadd.s32 $0xFFFFFC00  }
0x2c: {  	[tilespmem:s18], [sflag:$0x2] =	stream.linear.gather [hbm4b:s12+s3], $0x400, $0x38;
	[tilespmem:$0x1D400] =	vst v63  }
0x2d: {  	_ = 	snop  }
0x2e: {  	[tilespmem:s20], [sflag:$0x3] =	stream.indirect.gather [hbm4b:s4+s19], $0x80, s3, s19, $0xb8;
	[tilespmem:$0x1D400] =	vst v63  }
0x2f: {  	s15 =	simm.s32 $0x80  }
0x30: {  	[tilespmem:s22], [sflag:$0x4] =	stream.indirect.gather [hbm4b:s4+s19], $0x80, s15, s19, $0xb8;
	[tilespmem:$0x1D400] =	vst v63  }
0x31: {  	_ =	swait.ge [sflag:s23], $0x2800  }
0x32: {  	[sflag:s23] =	ssyncset.done $0x0  }
0x33: {  	s16 =	simm.s32 $0x800;
	[sflag:s23] =	ssyncadd.s32 $0xFFFFD800  }
0x34: {  	[spmem:s2] =	stream.indirect.scatter.add.f32 [tilespmem:s20], [sflag:$0x5], $0x80, s16, s19, $0xb8;
	[tilespmem:$0x1D400] =	vst v63  }
0x35: {  	_ =	swait.ge [sflag:s14], $0x2800  }
0x36: {  	[sflag:s14] =	ssyncset.done $0x0  }
0x37: {  	[sflag:s14] =	ssyncadd.s32 $0xFFFFD800  }
0x38: {  	[tilespmem:s20], [sflag:$0x3] =	stream.indirect.gather [hbm4b:s4+s19], $0x80, s24, s19, $0xb8;
	[tilespmem:$0x1D400] =	vst v63  }
0x39: {  	_ =	swait.ge [sflag:s25], $0x2800  }
0x3a: {  	[sflag:s25] =	ssyncset.done $0x0  }
0x3b: {  	s21 =	simm.s32 $0x880;
	[sflag:s25] =	ssyncadd.s32 $0xFFFFD800  }
0x3c: {  	[spmem:s2] =	stream.indirect.scatter.add.f32 [tilespmem:s22], [sflag:$0x5], $0x80, s21, s19, $0xb8;
	[tilespmem:$0x1D400] =	vst v63  }
0x3d: {  	_ =	swait.ge [sflag:s14], $0x2800  }
0x3e: {  	[sflag:s14] =	ssyncset.done $0x0  }
0x3f: {  	[sflag:s14] =	ssyncadd.s32 $0xFFFFD800  }
0x40: {  	[tilespmem:s22], [sflag:$0x4] =	stream.indirect.gather [hbm4b:s4+s19], $0x80, s26, s19, $0xb8;
	[tilespmem:$0x1D400] =	vst v63  }
0x41: {  	_ =	swait.ge [sflag:s23], $0x2800  }
0x42: {  	[sflag:s23] =	ssyncset.done $0x0  }
0x43: {  	s11 =	simm.s32 $0x900;
	[sflag:s23] =	ssyncadd.s32 $0xFFFFD800  }
0x44: {  	[spmem:s2] =	stream.indirect.scatter.add.f32 [tilespmem:s20], [sflag:$0x5], $0x80, s11, s19, $0xb8;
	[tilespmem:$0x1D400] =	vst v63  }
0x45: {  	_ =	swait.ge [sflag:s14], $0x2800  }
0x46: {  	[sflag:s14] =	ssyncset.done $0x0  }
0x47: {  	[sflag:s14] =	ssyncadd.s32 $0xFFFFD800  }
0x48: {  	[tilespmem:s20], [sflag:$0x3] =	stream.indirect.gather [hbm4b:s4+s19], $0x80, s28, s19, $0xb8;
	[tilespmem:$0x1D400] =	vst v63  }
0x49: {  	_ =	swait.ge [sflag:s25], $0x2800  }
0x4a: {  	[sflag:s25] =	ssyncset.done $0x0  }
0x4b: {  	s12 =	simm.s32 $0x980;
	[sflag:s25] =	ssyncadd.s32 $0xFFFFD800  }
0x4c: {  	[spmem:s2] =	stream.indirect.scatter.add.f32 [tilespmem:s22], [sflag:$0x5], $0x80, s12, s19, $0xb8;
	[tilespmem:$0x1D400] =	vst v63  }
0x4d: {  	_ =	swait.ge [sflag:s14], $0x2800  }
0x4e: {  	[sflag:s14] =	ssyncset.done $0x0  }
0x4f: {  	[sflag:s14] =	ssyncadd.s32 $0xFFFFD800  }
0x50: {  	[tilespmem:s22], [sflag:$0x4] =	stream.indirect.gather [hbm4b:s4+s19], $0x80, s29, s19, $0xb8;
	[tilespmem:$0x1D400] =	vst v63  }
0x51: {  	_ =	swait.ge [sflag:s23], $0x2800  }
0x52: {  	[sflag:s23] =	ssyncset.done $0x0  }
0x53: {  	s15 =	simm.s32 $0xA00;
	[sflag:s23] =	ssyncadd.s32 $0xFFFFD800  }
0x54: {  	[spmem:s2] =	stream.indirect.scatter.add.f32 [tilespmem:s20], [sflag:$0x5], $0x80, s15, s19, $0xb8;
	[tilespmem:$0x1D400] =	vst v63  }
0x55: {  	_ =	swait.ge [sflag:s14], $0x2800  }
0x56: {  	[sflag:s14] =	ssyncset.done $0x0  }
0x57: {  	[sflag:s14] =	ssyncadd.s32 $0xFFFFD800  }
0x58: {  	[tilespmem:s20], [sflag:$0x3] =	stream.indirect.gather [hbm4b:s4+s19], $0x80, s30, s19, $0xb8;
	[tilespmem:$0x1D400] =	vst v63  }
0x59: {  	_ =	swait.ge [sflag:s25], $0x2800  }
0x5a: {  	[sflag:s25] =	ssyncset.done $0x0  }
0x5b: {  	s16 =	simm.s32 $0xA80;
	[sflag:s25] =	ssyncadd.s32 $0xFFFFD800  }
0x5c: {  	[spmem:s2] =	stream.indirect.scatter.add.f32 [tilespmem:s22], [sflag:$0x5], $0x80, s16, s19, $0xb8;
	[tilespmem:$0x1D400] =	vst v63  }
0x5d: {  	_ =	swait.ge [sflag:s14], $0x2800  }
0x5e: {  	[sflag:s14] =	ssyncset.done $0x0  }
0x5f: {  	[sflag:s14] =	ssyncadd.s32 $0xFFFFD800  }
0x60: {  	[tilespmem:s22], [sflag:$0x4] =	stream.indirect.gather [hbm4b:s4+s19], $0x80, s31, s19, $0xb8;
	[tilespmem:$0x1D400] =	vst v63  }
0x61: {  	_ =	swait.ge [sflag:s23], $0x2800  }
0x62: {  	[sflag:s23] =	ssyncset.done $0x0  }
0x63: {  	s21 =	simm.s32 $0xB00;
	[sflag:s23] =	ssyncadd.s32 $0xFFFFD800  }
0x64: {  	[spmem:s2] =	stream.indirect.scatter.add.f32 [tilespmem:s20], [sflag:$0x5], $0x80, s21, s19, $0xb8;
	[tilespmem:$0x1D400] =	vst v63  }
0x65: {  	_ =	swait.ge [sflag:s14], $0x2800  }
0x66: {  	[sflag:s14] =	ssyncset.done $0x0  }
0x67: {  	[sflag:s14] =	ssyncadd.s32 $0xFFFFD800  }
0x68: {  	_ =	swait.ge [sflag:s0], $0x400  }
0x69: {  	[sflag:s0] =	ssyncset.done $0x0  }
0x6a: {  	[sflag:s0] =	ssyncadd.s32 $0xFFFFFC00  }
0x6b: {  	[tilespmem:s20], [sflag:$0x3] =	stream.indirect.gather [hbm4b:s4+s19], $0x80, s18, s19, $0xb8;
	[tilespmem:$0x1D400] =	vst v63  }
0x6c: {  	_ =	swait.ge [sflag:s25], $0x2800  }
0x6d: {  	[sflag:s25] =	ssyncset.done $0x0  }
0x6e: {  	s11 =	simm.s32 $0xB80;
	[sflag:s25] =	ssyncadd.s32 $0xFFFFD800  }
0x6f: {  	[spmem:s2] =	stream.indirect.scatter.add.f32 [tilespmem:s22], [sflag:$0x5], $0x80, s11, s19, $0xb8;
	[tilespmem:$0x1D400] =	vst v63  }
0x70: {  	_ =	swait.ge [sflag:s14], $0x2800  }
0x71: {  	[sflag:s14] =	ssyncset.done $0x0  }
0x72: {  	s11 =	rddreg [dreg:$0xb];
	[sflag:s14] =	ssyncadd.s32 $0xFFFFD800  }
0x73: {  	[tilespmem:s3], [sflag:$0x1] =	stream.linear.gather [hbm4b:s11+s3], $0x400, $0x38;
	[tilespmem:$0x1D400] =	vst v63  }
0x74: {  	_ = 	snop  }
0x75: {  	[tilespmem:s22], [sflag:$0x4] =	stream.indirect.gather [hbm4b:s4+s19], $0x80, s1, s19, $0xb8;
	[tilespmem:$0x1D400] =	vst v63  }
0x76: {  	_ =	swait.ge [sflag:s23], $0x2800  }
0x77: {  	[sflag:s23] =	ssyncset.done $0x0  }
0x78: {  	s12 =	simm.s32 $0xC00;
	[sflag:s23] =	ssyncadd.s32 $0xFFFFD800  }
0x79: {  	[spmem:s2] =	stream.indirect.scatter.add.f32 [tilespmem:s20], [sflag:$0x5], $0x80, s12, s19, $0xb8;
	[tilespmem:$0x1D400] =	vst v63  }
0x7a: {  	_ =	swait.ge [sflag:s14], $0x2800  }
0x7b: {  	[sflag:s14] =	ssyncset.done $0x0  }
0x7c: {  	[sflag:s14] =	ssyncadd.s32 $0xFFFFD800  }
0x7d: {  	[tilespmem:s20], [sflag:$0x3] =	stream.indirect.gather [hbm4b:s4+s19], $0x80, s13, s19, $0xb8;
	[tilespmem:$0x1D400] =	vst v63  }
0x7e: {  	_ =	swait.ge [sflag:s25], $0x2800  }
0x7f: {  	[sflag:s25] =	ssyncset.done $0x0  }
0x80: {  	s15 =	simm.s32 $0xC80;
	[sflag:s25] =	ssyncadd.s32 $0xFFFFD800  }
0x81: {  	[spmem:s2] =	stream.indirect.scatter.add.f32 [tilespmem:s22], [sflag:$0x5], $0x80, s15, s19, $0xb8;
	[tilespmem:$0x1D400] =	vst v63  }
0x82: {  	_ =	swait.ge [sflag:s14], $0x2800  }
0x83: {  	[sflag:s14] =	ssyncset.done $0x0  }
0x84: {  	[sflag:s14] =	ssyncadd.s32 $0xFFFFD800  }
0x85: {  	[tilespmem:s22], [sflag:$0x4] =	stream.indirect.gather [hbm4b:s4+s19], $0x80, s5, s19, $0xb8;
	[tilespmem:$0x1D400] =	vst v63  }
0x86: {  	_ =	swait.ge [sflag:s23], $0x2800  }
0x87: {  	[sflag:s23] =	ssyncset.done $0x0  }
0x88: {  	s16 =	simm.s32 $0xD00;
	[sflag:s23] =	ssyncadd.s32 $0xFFFFD800  }
0x89: {  	[spmem:s2] =	stream.indirect.scatter.add.f32 [tilespmem:s20], [sflag:$0x5], $0x80, s16, s19, $0xb8;
	[tilespmem:$0x1D400] =	vst v63  }
0x8a: {  	_ =	swait.ge [sflag:s14], $0x2800  }
0x8b: {  	[sflag:s14] =	ssyncset.done $0x0  }
0x8c: {  	[sflag:s14] =	ssyncadd.s32 $0xFFFFD800  }
0x8d: {  	[tilespmem:s20], [sflag:$0x3] =	stream.indirect.gather [hbm4b:s4+s19], $0x80, s7, s19, $0xb8;
	[tilespmem:$0x1D400] =	vst v63  }
0x8e: {  	_ =	swait.ge [sflag:s25], $0x2800  }
0x8f: {  	[sflag:s25] =	ssyncset.done $0x0  }
0x90: {  	s21 =	simm.s32 $0xD80;
	[sflag:s25] =	ssyncadd.s32 $0xFFFFD800  }
0x91: {  	[spmem:s2] =	stream.indirect.scatter.add.f32 [tilespmem:s22], [sflag:$0x5], $0x80, s21, s19, $0xb8;
	[tilespmem:$0x1D400] =	vst v63  }
0x92: {  	_ =	swait.ge [sflag:s14], $0x2800  }
0x93: {  	[sflag:s14] =	ssyncset.done $0x0  }
0x94: {  	[sflag:s14] =	ssyncadd.s32 $0xFFFFD800  }
0x95: {  	[tilespmem:s22], [sflag:$0x4] =	stream.indirect.gather [hbm4b:s4+s19], $0x80, s8, s19, $0xb8;
	[tilespmem:$0x1D400] =	vst v63  }
0x96: {  	_ =	swait.ge [sflag:s23], $0x2800  }
0x97: {  	[sflag:s23] =	ssyncset.done $0x0  }
0x98: {  	s12 =	simm.s32 $0xE00;
	[sflag:s23] =	ssyncadd.s32 $0xFFFFD800  }
0x99: {  	[spmem:s2] =	stream.indirect.scatter.add.f32 [tilespmem:s20], [sflag:$0x5], $0x80, s12, s19, $0xb8;
	[tilespmem:$0x1D400] =	vst v63  }
0x9a: {  	_ =	swait.ge [sflag:s14], $0x2800  }
0x9b: {  	[sflag:s14] =	ssyncset.done $0x0  }
0x9c: {  	[sflag:s14] =	ssyncadd.s32 $0xFFFFD800  }
0x9d: {  	[tilespmem:s20], [sflag:$0x3] =	stream.indirect.gather [hbm4b:s4+s19], $0x80, s9, s19, $0xb8;
	[tilespmem:$0x1D400] =	vst v63  }
0x9e: {  	_ =	swait.ge [sflag:s25], $0x2800  }
0x9f: {  	[sflag:s25] =	ssyncset.done $0x0  }
0xa0: {  	s15 =	simm.s32 $0xE80;
	[sflag:s25] =	ssyncadd.s32 $0xFFFFD800  }
0xa1: {  	[spmem:s2] =	stream.indirect.scatter.add.f32 [tilespmem:s22], [sflag:$0x5], $0x80, s15, s19, $0xb8;
	[tilespmem:$0x1D400] =	vst v63  }
0xa2: {  	_ =	swait.ge [sflag:s14], $0x2800  }
0xa3: {  	[sflag:s14] =	ssyncset.done $0x0  }
0xa4: {  	[sflag:s14] =	ssyncadd.s32 $0xFFFFD800  }
0xa5: {  	[tilespmem:s22], [sflag:$0x4] =	stream.indirect.gather [hbm4b:s4+s19], $0x80, s10, s19, $0xb8;
	[tilespmem:$0x1D400] =	vst v63  }
0xa6: {  	_ =	swait.ge [sflag:s23], $0x2800  }
0xa7: {  	[sflag:s23] =	ssyncset.done $0x0  }
0xa8: {  	s16 =	simm.s32 $0xF00;
	[sflag:s23] =	ssyncadd.s32 $0xFFFFD800  }
0xa9: {  	[spmem:s2] =	stream.indirect.scatter.add.f32 [tilespmem:s20], [sflag:$0x5], $0x80, s16, s19, $0xb8;
	[tilespmem:$0x1D400] =	vst v63  }
0xaa: {  	_ =	swait.ge [sflag:s14], $0x2800  }
0xab: {  	[sflag:s14] =	ssyncset.done $0x0  }
0xac: {  	[sflag:s14] =	ssyncadd.s32 $0xFFFFD800  }
0xad: {  	_ =	swait.ge [sflag:s17], $0x400  }
0xae: {  	[sflag:s17] =	ssyncset.done $0x0  }
0xaf: {  	[sflag:s17] =	ssyncadd.s32 $0xFFFFFC00  }
0xb0: {  	[tilespmem:s20], [sflag:$0x3] =	stream.indirect.gather [hbm4b:s4+s19], $0x80, s3, s19, $0xb8;
	[tilespmem:$0x1D400] =	vst v63  }
0xb1: {  	_ =	swait.ge [sflag:s25], $0x2800  }
0xb2: {  	[sflag:s25] =	ssyncset.done $0x0  }
0xb3: {  	s21 =	simm.s32 $0xF80;
	[sflag:s25] =	ssyncadd.s32 $0xFFFFD800  }
0xb4: {  	[spmem:s2] =	stream.indirect.scatter.add.f32 [tilespmem:s22], [sflag:$0x5], $0x80, s21, s19, $0xb8;
	[tilespmem:$0x1D400] =	vst v63  }
0xb5: {  	_ =	swait.ge [sflag:s14], $0x2800  }
0xb6: {  	s11 =	sadd.s32 $0x100, s11;
	[sflag:s14] =	ssyncset.done $0x0;
	s16 =	rddreg [dreg:$0xa]  }
0xb7: {  	s12 =	simm.s32 $0x2000;
	[sflag:s14] =	ssyncadd.s32 $0xFFFFD800;
	s15 =	sadd.s32 $0x100, s16  }
.LBB2_2:
0xb8: {  	[tilespmem:s18], [sflag:$0x2] =	stream.linear.gather [hbm4b:s16+s3], $0x400, $0x38;
	[tilespmem:$0x1D400] =	vst v63  }
0xb9: {  	p0 =	sne.s32 s12, $0xC000  }
0xba: {  	s6 =	smov.u32 s12;
	s12 =	sadd.s32 $0x2000, s12;
	s16 =	simm.s32 $0x80  }
0xbb: {  	[tilespmem:s22], [sflag:$0x4] =	stream.indirect.gather [hbm4b:s4+s19], $0x80, s16, s19, $0xb8;
	[tilespmem:$0x1D400] =	vst v63  }
0xbc: {  	s16 =	smov.u32 s15;
	_ =	swait.ge [sflag:s23], $0x2800  }
0xbd: {  	s6 =	sshra.s32 s6, $0x2;
	[sflag:s23] =	ssyncset.done $0x0  }
0xbe: {  	s21 =	sadd.s32 $0x800, s6;
	[sflag:s23] =	ssyncadd.s32 $0xFFFFD800  }
0xbf: {  	[spmem:s2] =	stream.indirect.scatter.add.f32 [tilespmem:s20], [sflag:$0x5], $0x80, s21, s19, $0xb8;
	[tilespmem:$0x1D400] =	vst v63  }
0xc0: {  	_ =	swait.ge [sflag:s14], $0x2800  }
0xc1: {  	[sflag:s14] =	ssyncset.done $0x0  }
0xc2: {  	[sflag:s14] =	ssyncadd.s32 $0xFFFFD800  }
0xc3: {  	[tilespmem:s20], [sflag:$0x3] =	stream.indirect.gather [hbm4b:s4+s19], $0x80, s24, s19, $0xb8;
	[tilespmem:$0x1D400] =	vst v63  }
0xc4: {  	_ =	swait.ge [sflag:s25], $0x2800  }
0xc5: {  	[sflag:s25] =	ssyncset.done $0x0  }
0xc6: {  	s21 =	sadd.s32 $0x880, s6;
	[sflag:s25] =	ssyncadd.s32 $0xFFFFD800  }
0xc7: {  	[spmem:s2] =	stream.indirect.scatter.add.f32 [tilespmem:s22], [sflag:$0x5], $0x80, s21, s19, $0xb8;
	[tilespmem:$0x1D400] =	vst v63  }
0xc8: {  	_ =	swait.ge [sflag:s14], $0x2800  }
0xc9: {  	[sflag:s14] =	ssyncset.done $0x0  }
0xca: {  	[sflag:s14] =	ssyncadd.s32 $0xFFFFD800  }
0xcb: {  	[tilespmem:s22], [sflag:$0x4] =	stream.indirect.gather [hbm4b:s4+s19], $0x80, s26, s19, $0xb8;
	[tilespmem:$0x1D400] =	vst v63  }
0xcc: {  	_ =	swait.ge [sflag:s23], $0x2800  }
0xcd: {  	[sflag:s23] =	ssyncset.done $0x0  }
0xce: {  	s21 =	sadd.s32 $0x900, s6;
	[sflag:s23] =	ssyncadd.s32 $0xFFFFD800  }
0xcf: {  	[spmem:s2] =	stream.indirect.scatter.add.f32 [tilespmem:s20], [sflag:$0x5], $0x80, s21, s19, $0xb8;
	[tilespmem:$0x1D400] =	vst v63  }
0xd0: {  	_ =	swait.ge [sflag:s14], $0x2800  }
0xd1: {  	[sflag:s14] =	ssyncset.done $0x0  }
0xd2: {  	[sflag:s14] =	ssyncadd.s32 $0xFFFFD800  }
0xd3: {  	[tilespmem:s20], [sflag:$0x3] =	stream.indirect.gather [hbm4b:s4+s19], $0x80, s28, s19, $0xb8;
	[tilespmem:$0x1D400] =	vst v63  }
0xd4: {  	_ =	swait.ge [sflag:s25], $0x2800  }
0xd5: {  	[sflag:s25] =	ssyncset.done $0x0  }
0xd6: {  	s21 =	sadd.s32 $0x980, s6;
	[sflag:s25] =	ssyncadd.s32 $0xFFFFD800  }
0xd7: {  	[spmem:s2] =	stream.indirect.scatter.add.f32 [tilespmem:s22], [sflag:$0x5], $0x80, s21, s19, $0xb8;
	[tilespmem:$0x1D400] =	vst v63  }
0xd8: {  	_ =	swait.ge [sflag:s14], $0x2800  }
0xd9: {  	[sflag:s14] =	ssyncset.done $0x0  }
0xda: {  	[sflag:s14] =	ssyncadd.s32 $0xFFFFD800  }
0xdb: {  	[tilespmem:s22], [sflag:$0x4] =	stream.indirect.gather [hbm4b:s4+s19], $0x80, s29, s19, $0xb8;
	[tilespmem:$0x1D400] =	vst v63  }
0xdc: {  	_ =	swait.ge [sflag:s23], $0x2800  }
0xdd: {  	[sflag:s23] =	ssyncset.done $0x0  }
0xde: {  	s21 =	sadd.s32 $0xA00, s6;
	[sflag:s23] =	ssyncadd.s32 $0xFFFFD800  }
0xdf: {  	[spmem:s2] =	stream.indirect.scatter.add.f32 [tilespmem:s20], [sflag:$0x5], $0x80, s21, s19, $0xb8;
	[tilespmem:$0x1D400] =	vst v63  }
0xe0: {  	_ =	swait.ge [sflag:s14], $0x2800  }
0xe1: {  	[sflag:s14] =	ssyncset.done $0x0  }
0xe2: {  	[sflag:s14] =	ssyncadd.s32 $0xFFFFD800  }
0xe3: {  	[tilespmem:s20], [sflag:$0x3] =	stream.indirect.gather [hbm4b:s4+s19], $0x80, s30, s19, $0xb8;
	[tilespmem:$0x1D400] =	vst v63  }
0xe4: {  	_ =	swait.ge [sflag:s25], $0x2800  }
0xe5: {  	[sflag:s25] =	ssyncset.done $0x0  }
0xe6: {  	s21 =	sadd.s32 $0xA80, s6;
	[sflag:s25] =	ssyncadd.s32 $0xFFFFD800  }
0xe7: {  	[spmem:s2] =	stream.indirect.scatter.add.f32 [tilespmem:s22], [sflag:$0x5], $0x80, s21, s19, $0xb8;
	[tilespmem:$0x1D400] =	vst v63  }
0xe8: {  	_ =	swait.ge [sflag:s14], $0x2800  }
0xe9: {  	[sflag:s14] =	ssyncset.done $0x0  }
0xea: {  	[sflag:s14] =	ssyncadd.s32 $0xFFFFD800  }
0xeb: {  	[tilespmem:s22], [sflag:$0x4] =	stream.indirect.gather [hbm4b:s4+s19], $0x80, s31, s19, $0xb8;
	[tilespmem:$0x1D400] =	vst v63  }
0xec: {  	_ =	swait.ge [sflag:s23], $0x2800  }
0xed: {  	[sflag:s23] =	ssyncset.done $0x0  }
0xee: {  	s21 =	sadd.s32 $0xB00, s6;
	[sflag:s23] =	ssyncadd.s32 $0xFFFFD800  }
0xef: {  	[spmem:s2] =	stream.indirect.scatter.add.f32 [tilespmem:s20], [sflag:$0x5], $0x80, s21, s19, $0xb8;
	[tilespmem:$0x1D400] =	vst v63  }
0xf0: {  	_ =	swait.ge [sflag:s14], $0x2800  }
0xf1: {  	[sflag:s14] =	ssyncset.done $0x0  }
0xf2: {  	[sflag:s14] =	ssyncadd.s32 $0xFFFFD800  }
0xf3: {  	_ =	swait.ge [sflag:s0], $0x400  }
0xf4: {  	[sflag:s0] =	ssyncset.done $0x0  }
0xf5: {  	[sflag:s0] =	ssyncadd.s32 $0xFFFFFC00  }
0xf6: {  	[tilespmem:s20], [sflag:$0x3] =	stream.indirect.gather [hbm4b:s4+s19], $0x80, s18, s19, $0xb8;
	[tilespmem:$0x1D400] =	vst v63  }
0xf7: {  	_ =	swait.ge [sflag:s25], $0x2800  }
0xf8: {  	[sflag:s25] =	ssyncset.done $0x0  }
0xf9: {  	s21 =	sadd.s32 $0xB80, s6;
	[sflag:s25] =	ssyncadd.s32 $0xFFFFD800  }
0xfa: {  	[spmem:s2] =	stream.indirect.scatter.add.f32 [tilespmem:s22], [sflag:$0x5], $0x80, s21, s19, $0xb8;
	[tilespmem:$0x1D400] =	vst v63  }
0xfb: {  	_ =	swait.ge [sflag:s14], $0x2800  }
0xfc: {  	[sflag:s14] =	ssyncset.done $0x0  }
0xfd: {  	[sflag:s14] =	ssyncadd.s32 $0xFFFFD800  }
0xfe: {  	[tilespmem:s3], [sflag:$0x1] =	stream.linear.gather [hbm4b:s11+s3], $0x400, $0x38;
	[tilespmem:$0x1D400] =	vst v63  }
0xff: {  	_ = 	snop  }
0x100: {  	[tilespmem:s22], [sflag:$0x4] =	stream.indirect.gather [hbm4b:s4+s19], $0x80, s1, s19, $0xb8;
	[tilespmem:$0x1D400] =	vst v63  }
0x101: {  	_ =	swait.ge [sflag:s23], $0x2800  }
0x102: {  	[sflag:s23] =	ssyncset.done $0x0  }
0x103: {  	s21 =	sadd.s32 $0xC00, s6;
	[sflag:s23] =	ssyncadd.s32 $0xFFFFD800  }
0x104: {  	[spmem:s2] =	stream.indirect.scatter.add.f32 [tilespmem:s20], [sflag:$0x5], $0x80, s21, s19, $0xb8;
	[tilespmem:$0x1D400] =	vst v63  }
0x105: {  	_ =	swait.ge [sflag:s14], $0x2800  }
0x106: {  	[sflag:s14] =	ssyncset.done $0x0  }
0x107: {  	[sflag:s14] =	ssyncadd.s32 $0xFFFFD800  }
0x108: {  	[tilespmem:s20], [sflag:$0x3] =	stream.indirect.gather [hbm4b:s4+s19], $0x80, s13, s19, $0xb8;
	[tilespmem:$0x1D400] =	vst v63  }
0x109: {  	_ =	swait.ge [sflag:s25], $0x2800  }
0x10a: {  	[sflag:s25] =	ssyncset.done $0x0  }
0x10b: {  	s21 =	sadd.s32 $0xC80, s6;
	[sflag:s25] =	ssyncadd.s32 $0xFFFFD800  }
0x10c: {  	[spmem:s2] =	stream.indirect.scatter.add.f32 [tilespmem:s22], [sflag:$0x5], $0x80, s21, s19, $0xb8;
	[tilespmem:$0x1D400] =	vst v63  }
0x10d: {  	_ =	swait.ge [sflag:s14], $0x2800  }
0x10e: {  	[sflag:s14] =	ssyncset.done $0x0  }
0x10f: {  	[sflag:s14] =	ssyncadd.s32 $0xFFFFD800  }
0x110: {  	[tilespmem:s22], [sflag:$0x4] =	stream.indirect.gather [hbm4b:s4+s19], $0x80, s5, s19, $0xb8;
	[tilespmem:$0x1D400] =	vst v63  }
0x111: {  	_ =	swait.ge [sflag:s23], $0x2800  }
0x112: {  	[sflag:s23] =	ssyncset.done $0x0  }
0x113: {  	s21 =	sadd.s32 $0xD00, s6;
	[sflag:s23] =	ssyncadd.s32 $0xFFFFD800  }
0x114: {  	[spmem:s2] =	stream.indirect.scatter.add.f32 [tilespmem:s20], [sflag:$0x5], $0x80, s21, s19, $0xb8;
	[tilespmem:$0x1D400] =	vst v63  }
0x115: {  	_ =	swait.ge [sflag:s14], $0x2800  }
0x116: {  	[sflag:s14] =	ssyncset.done $0x0  }
0x117: {  	[sflag:s14] =	ssyncadd.s32 $0xFFFFD800  }
0x118: {  	[tilespmem:s20], [sflag:$0x3] =	stream.indirect.gather [hbm4b:s4+s19], $0x80, s7, s19, $0xb8;
	[tilespmem:$0x1D400] =	vst v63  }
0x119: {  	_ =	swait.ge [sflag:s25], $0x2800  }
0x11a: {  	[sflag:s25] =	ssyncset.done $0x0  }
0x11b: {  	s21 =	sadd.s32 $0xD80, s6;
	[sflag:s25] =	ssyncadd.s32 $0xFFFFD800  }
0x11c: {  	[spmem:s2] =	stream.indirect.scatter.add.f32 [tilespmem:s22], [sflag:$0x5], $0x80, s21, s19, $0xb8;
	[tilespmem:$0x1D400] =	vst v63  }
0x11d: {  	_ =	swait.ge [sflag:s14], $0x2800  }
0x11e: {  	[sflag:s14] =	ssyncset.done $0x0  }
0x11f: {  	[sflag:s14] =	ssyncadd.s32 $0xFFFFD800  }
0x120: {  	[tilespmem:s22], [sflag:$0x4] =	stream.indirect.gather [hbm4b:s4+s19], $0x80, s8, s19, $0xb8;
	[tilespmem:$0x1D400] =	vst v63  }
0x121: {  	_ =	swait.ge [sflag:s23], $0x2800  }
0x122: {  	[sflag:s23] =	ssyncset.done $0x0  }
0x123: {  	s21 =	sadd.s32 $0xE00, s6;
	[sflag:s23] =	ssyncadd.s32 $0xFFFFD800  }
0x124: {  	[spmem:s2] =	stream.indirect.scatter.add.f32 [tilespmem:s20], [sflag:$0x5], $0x80, s21, s19, $0xb8;
	[tilespmem:$0x1D400] =	vst v63  }
0x125: {  	_ =	swait.ge [sflag:s14], $0x2800  }
0x126: {  	[sflag:s14] =	ssyncset.done $0x0  }
0x127: {  	[sflag:s14] =	ssyncadd.s32 $0xFFFFD800  }
0x128: {  	[tilespmem:s20], [sflag:$0x3] =	stream.indirect.gather [hbm4b:s4+s19], $0x80, s9, s19, $0xb8;
	[tilespmem:$0x1D400] =	vst v63  }
0x129: {  	_ =	swait.ge [sflag:s25], $0x2800  }
0x12a: {  	[sflag:s25] =	ssyncset.done $0x0  }
0x12b: {  	s21 =	sadd.s32 $0xE80, s6;
	[sflag:s25] =	ssyncadd.s32 $0xFFFFD800  }
0x12c: {  	[spmem:s2] =	stream.indirect.scatter.add.f32 [tilespmem:s22], [sflag:$0x5], $0x80, s21, s19, $0xb8;
	[tilespmem:$0x1D400] =	vst v63  }
0x12d: {  	_ =	swait.ge [sflag:s14], $0x2800  }
0x12e: {  	[sflag:s14] =	ssyncset.done $0x0  }
0x12f: {  	[sflag:s14] =	ssyncadd.s32 $0xFFFFD800  }
0x130: {  	[tilespmem:s22], [sflag:$0x4] =	stream.indirect.gather [hbm4b:s4+s19], $0x80, s10, s19, $0xb8;
	[tilespmem:$0x1D400] =	vst v63  }
0x131: {  	_ =	swait.ge [sflag:s23], $0x2800  }
0x132: {  	[sflag:s23] =	ssyncset.done $0x0  }
0x133: {  	s21 =	sadd.s32 $0xF00, s6;
	[sflag:s23] =	ssyncadd.s32 $0xFFFFD800  }
0x134: {  	[spmem:s2] =	stream.indirect.scatter.add.f32 [tilespmem:s20], [sflag:$0x5], $0x80, s21, s19, $0xb8;
	[tilespmem:$0x1D400] =	vst v63  }
0x135: {  	_ =	swait.ge [sflag:s14], $0x2800  }
0x136: {  	[sflag:s14] =	ssyncset.done $0x0  }
0x137: {  	[sflag:s14] =	ssyncadd.s32 $0xFFFFD800  }
0x138: {  	_ =	swait.ge [sflag:s17], $0x400  }
0x139: {  	[sflag:s17] =	ssyncset.done $0x0  }
0x13a: {  	[sflag:s17] =	ssyncadd.s32 $0xFFFFFC00  }
0x13b: {  	[tilespmem:s20], [sflag:$0x3] =	stream.indirect.gather [hbm4b:s4+s19], $0x80, s3, s19, $0xb8;
	[tilespmem:$0x1D400] =	vst v63  }
0x13c: {  	_ =	swait.ge [sflag:s25], $0x2800  }
0x13d: {  	[sflag:s25] =	ssyncset.done $0x0  }
.Ltmp0:
0x13e: {  	s6 =	sadd.s32 $0xF80, s6;
	[sflag:s25] =	ssyncadd.s32 $0xFFFFD800;
	(pc) =	sbr.rel @p0 .LBB2_2-.Ltmp0, $4  }
0x13f: {  	[spmem:s2] =	stream.indirect.scatter.add.f32 [tilespmem:s22], [sflag:$0x5], $0x80, s6, s19, $0xb8;
	[tilespmem:$0x1D400] =	vst v63  }
0x140: {  	_ =	swait.ge [sflag:s14], $0x2800  }
0x141: {  	[sflag:s14] =	ssyncset.done $0x0  }
0x142: {  	s15 =	sadd.s32 $0x100, s15;
	s11 =	sadd.s32 $0x100, s11;
	[sflag:s14] =	ssyncadd.s32 $0xFFFFD800  }
0x143: {  	[tilespmem:s18], [sflag:$0x2] =	stream.linear.gather [hbm4b:s16+s3], $0x400, $0x38;
	[tilespmem:$0x1D400] =	vst v63  }
0x144: {  	s6 =	simm.s32 $0x80  }
0x145: {  	[tilespmem:s22], [sflag:$0x4] =	stream.indirect.gather [hbm4b:s4+s19], $0x80, s6, s19, $0xb8;
	[tilespmem:$0x1D400] =	vst v63  }
0x146: {  	_ =	swait.ge [sflag:s23], $0x2800  }
0x147: {  	[sflag:s23] =	ssyncset.done $0x0  }
0x148: {  	s15 =	simm.s32 $0x4000;
	[sflag:s23] =	ssyncadd.s32 $0xFFFFD800  }
0x149: {  	[spmem:s2] =	stream.indirect.scatter.add.f32 [tilespmem:s20], [sflag:$0x5], $0x80, s15, s19, $0xb8;
	[tilespmem:$0x1D400] =	vst v63  }
0x14a: {  	_ =	swait.ge [sflag:s14], $0x2800  }
0x14b: {  	[sflag:s14] =	ssyncset.done $0x0  }
0x14c: {  	[sflag:s14] =	ssyncadd.s32 $0xFFFFD800  }
0x14d: {  	[tilespmem:s20], [sflag:$0x3] =	stream.indirect.gather [hbm4b:s4+s19], $0x80, s24, s19, $0xb8;
	[tilespmem:$0x1D400] =	vst v63  }
0x14e: {  	_ =	swait.ge [sflag:s25], $0x2800  }
0x14f: {  	[sflag:s25] =	ssyncset.done $0x0  }
0x150: {  	s16 =	simm.s32 $0x4080;
	[sflag:s25] =	ssyncadd.s32 $0xFFFFD800  }
0x151: {  	[spmem:s2] =	stream.indirect.scatter.add.f32 [tilespmem:s22], [sflag:$0x5], $0x80, s16, s19, $0xb8;
	[tilespmem:$0x1D400] =	vst v63  }
0x152: {  	_ =	swait.ge [sflag:s14], $0x2800  }
0x153: {  	[sflag:s14] =	ssyncset.done $0x0  }
0x154: {  	[sflag:s14] =	ssyncadd.s32 $0xFFFFD800  }
0x155: {  	[tilespmem:s22], [sflag:$0x4] =	stream.indirect.gather [hbm4b:s4+s19], $0x80, s26, s19, $0xb8;
	[tilespmem:$0x1D400] =	vst v63  }
0x156: {  	_ =	swait.ge [sflag:s23], $0x2800  }
0x157: {  	[sflag:s23] =	ssyncset.done $0x0  }
0x158: {  	s21 =	simm.s32 $0x4100;
	[sflag:s23] =	ssyncadd.s32 $0xFFFFD800  }
0x159: {  	[spmem:s2] =	stream.indirect.scatter.add.f32 [tilespmem:s20], [sflag:$0x5], $0x80, s21, s19, $0xb8;
	[tilespmem:$0x1D400] =	vst v63  }
0x15a: {  	_ =	swait.ge [sflag:s14], $0x2800  }
0x15b: {  	[sflag:s14] =	ssyncset.done $0x0  }
0x15c: {  	[sflag:s14] =	ssyncadd.s32 $0xFFFFD800  }
0x15d: {  	[tilespmem:s20], [sflag:$0x3] =	stream.indirect.gather [hbm4b:s4+s19], $0x80, s28, s19, $0xb8;
	[tilespmem:$0x1D400] =	vst v63  }
0x15e: {  	_ =	swait.ge [sflag:s25], $0x2800  }
0x15f: {  	[sflag:s25] =	ssyncset.done $0x0  }
0x160: {  	s11 =	simm.s32 $0x4180;
	[sflag:s25] =	ssyncadd.s32 $0xFFFFD800  }
0x161: {  	[spmem:s2] =	stream.indirect.scatter.add.f32 [tilespmem:s22], [sflag:$0x5], $0x80, s11, s19, $0xb8;
	[tilespmem:$0x1D400] =	vst v63  }
0x162: {  	_ =	swait.ge [sflag:s14], $0x2800  }
0x163: {  	[sflag:s14] =	ssyncset.done $0x0  }
0x164: {  	[sflag:s14] =	ssyncadd.s32 $0xFFFFD800  }
0x165: {  	[tilespmem:s22], [sflag:$0x4] =	stream.indirect.gather [hbm4b:s4+s19], $0x80, s29, s19, $0xb8;
	[tilespmem:$0x1D400] =	vst v63  }
0x166: {  	_ =	swait.ge [sflag:s23], $0x2800  }
0x167: {  	[sflag:s23] =	ssyncset.done $0x0  }
0x168: {  	s12 =	simm.s32 $0x4200;
	[sflag:s23] =	ssyncadd.s32 $0xFFFFD800  }
0x169: {  	[spmem:s2] =	stream.indirect.scatter.add.f32 [tilespmem:s20], [sflag:$0x5], $0x80, s12, s19, $0xb8;
	[tilespmem:$0x1D400] =	vst v63  }
0x16a: {  	_ =	swait.ge [sflag:s14], $0x2800  }
0x16b: {  	[sflag:s14] =	ssyncset.done $0x0  }
0x16c: {  	[sflag:s14] =	ssyncadd.s32 $0xFFFFD800  }
0x16d: {  	[tilespmem:s20], [sflag:$0x3] =	stream.indirect.gather [hbm4b:s4+s19], $0x80, s30, s19, $0xb8;
	[tilespmem:$0x1D400] =	vst v63  }
0x16e: {  	_ =	swait.ge [sflag:s25], $0x2800  }
0x16f: {  	[sflag:s25] =	ssyncset.done $0x0  }
0x170: {  	s15 =	simm.s32 $0x4280;
	[sflag:s25] =	ssyncadd.s32 $0xFFFFD800  }
0x171: {  	[spmem:s2] =	stream.indirect.scatter.add.f32 [tilespmem:s22], [sflag:$0x5], $0x80, s15, s19, $0xb8;
	[tilespmem:$0x1D400] =	vst v63  }
0x172: {  	_ =	swait.ge [sflag:s14], $0x2800  }
0x173: {  	[sflag:s14] =	ssyncset.done $0x0  }
0x174: {  	[sflag:s14] =	ssyncadd.s32 $0xFFFFD800  }
0x175: {  	[tilespmem:s22], [sflag:$0x4] =	stream.indirect.gather [hbm4b:s4+s19], $0x80, s31, s19, $0xb8;
	[tilespmem:$0x1D400] =	vst v63  }
0x176: {  	_ =	swait.ge [sflag:s23], $0x2800  }
0x177: {  	[sflag:s23] =	ssyncset.done $0x0  }
0x178: {  	s16 =	simm.s32 $0x4300;
	[sflag:s23] =	ssyncadd.s32 $0xFFFFD800  }
0x179: {  	[spmem:s2] =	stream.indirect.scatter.add.f32 [tilespmem:s20], [sflag:$0x5], $0x80, s16, s19, $0xb8;
	[tilespmem:$0x1D400] =	vst v63  }
0x17a: {  	_ =	swait.ge [sflag:s14], $0x2800  }
0x17b: {  	[sflag:s14] =	ssyncset.done $0x0  }
0x17c: {  	[sflag:s14] =	ssyncadd.s32 $0xFFFFD800  }
0x17d: {  	_ =	swait.ge [sflag:s0], $0x400  }
0x17e: {  	[sflag:s0] =	ssyncset.done $0x0  }
0x17f: {  	[sflag:s0] =	ssyncadd.s32 $0xFFFFFC00  }
0x180: {  	[tilespmem:s20], [sflag:$0x3] =	stream.indirect.gather [hbm4b:s4+s19], $0x80, s18, s19, $0xb8;
	[tilespmem:$0x1D400] =	vst v63  }
0x181: {  	_ =	swait.ge [sflag:s25], $0x2800  }
0x182: {  	[sflag:s25] =	ssyncset.done $0x0  }
0x183: {  	s21 =	simm.s32 $0x4380;
	[sflag:s25] =	ssyncadd.s32 $0xFFFFD800  }
0x184: {  	[spmem:s2] =	stream.indirect.scatter.add.f32 [tilespmem:s22], [sflag:$0x5], $0x80, s21, s19, $0xb8;
	[tilespmem:$0x1D400] =	vst v63  }
0x185: {  	_ =	swait.ge [sflag:s14], $0x2800  }
0x186: {  	[sflag:s14] =	ssyncset.done $0x0  }
0x187: {  	[sflag:s14] =	ssyncadd.s32 $0xFFFFD800  }
0x188: {  	[tilespmem:s22], [sflag:$0x4] =	stream.indirect.gather [hbm4b:s4+s19], $0x80, s1, s19, $0xb8;
	[tilespmem:$0x1D400] =	vst v63  }
0x189: {  	_ =	swait.ge [sflag:s23], $0x2800  }
0x18a: {  	[sflag:s23] =	ssyncset.done $0x0  }
0x18b: {  	s11 =	simm.s32 $0x4400;
	[sflag:s23] =	ssyncadd.s32 $0xFFFFD800  }
0x18c: {  	[spmem:s2] =	stream.indirect.scatter.add.f32 [tilespmem:s20], [sflag:$0x5], $0x80, s11, s19, $0xb8;
	[tilespmem:$0x1D400] =	vst v63  }
0x18d: {  	_ =	swait.ge [sflag:s14], $0x2800  }
0x18e: {  	[sflag:s14] =	ssyncset.done $0x0  }
0x18f: {  	[sflag:s14] =	ssyncadd.s32 $0xFFFFD800  }
0x190: {  	[tilespmem:s20], [sflag:$0x3] =	stream.indirect.gather [hbm4b:s4+s19], $0x80, s13, s19, $0xb8;
	[tilespmem:$0x1D400] =	vst v63  }
0x191: {  	_ =	swait.ge [sflag:s25], $0x2800  }
0x192: {  	[sflag:s25] =	ssyncset.done $0x0  }
0x193: {  	s12 =	simm.s32 $0x4480;
	[sflag:s25] =	ssyncadd.s32 $0xFFFFD800  }
0x194: {  	[spmem:s2] =	stream.indirect.scatter.add.f32 [tilespmem:s22], [sflag:$0x5], $0x80, s12, s19, $0xb8;
	[tilespmem:$0x1D400] =	vst v63  }
0x195: {  	_ =	swait.ge [sflag:s14], $0x2800  }
0x196: {  	[sflag:s14] =	ssyncset.done $0x0  }
0x197: {  	[sflag:s14] =	ssyncadd.s32 $0xFFFFD800  }
0x198: {  	[tilespmem:s22], [sflag:$0x4] =	stream.indirect.gather [hbm4b:s4+s19], $0x80, s5, s19, $0xb8;
	[tilespmem:$0x1D400] =	vst v63  }
0x199: {  	_ =	swait.ge [sflag:s23], $0x2800  }
0x19a: {  	[sflag:s23] =	ssyncset.done $0x0  }
0x19b: {  	s15 =	simm.s32 $0x4500;
	[sflag:s23] =	ssyncadd.s32 $0xFFFFD800  }
0x19c: {  	[spmem:s2] =	stream.indirect.scatter.add.f32 [tilespmem:s20], [sflag:$0x5], $0x80, s15, s19, $0xb8;
	[tilespmem:$0x1D400] =	vst v63  }
0x19d: {  	_ =	swait.ge [sflag:s14], $0x2800  }
0x19e: {  	[sflag:s14] =	ssyncset.done $0x0  }
0x19f: {  	[sflag:s14] =	ssyncadd.s32 $0xFFFFD800  }
0x1a0: {  	[tilespmem:s20], [sflag:$0x3] =	stream.indirect.gather [hbm4b:s4+s19], $0x80, s7, s19, $0xb8;
	[tilespmem:$0x1D400] =	vst v63  }
0x1a1: {  	_ =	swait.ge [sflag:s25], $0x2800  }
0x1a2: {  	[sflag:s25] =	ssyncset.done $0x0  }
0x1a3: {  	s16 =	simm.s32 $0x4580;
	[sflag:s25] =	ssyncadd.s32 $0xFFFFD800  }
0x1a4: {  	[spmem:s2] =	stream.indirect.scatter.add.f32 [tilespmem:s22], [sflag:$0x5], $0x80, s16, s19, $0xb8;
	[tilespmem:$0x1D400] =	vst v63  }
0x1a5: {  	_ =	swait.ge [sflag:s14], $0x2800  }
0x1a6: {  	[sflag:s14] =	ssyncset.done $0x0  }
0x1a7: {  	[sflag:s14] =	ssyncadd.s32 $0xFFFFD800  }
0x1a8: {  	[tilespmem:s22], [sflag:$0x4] =	stream.indirect.gather [hbm4b:s4+s19], $0x80, s8, s19, $0xb8;
	[tilespmem:$0x1D400] =	vst v63  }
0x1a9: {  	_ =	swait.ge [sflag:s23], $0x2800  }
0x1aa: {  	[sflag:s23] =	ssyncset.done $0x0  }
0x1ab: {  	s21 =	simm.s32 $0x4600;
	[sflag:s23] =	ssyncadd.s32 $0xFFFFD800  }
0x1ac: {  	[spmem:s2] =	stream.indirect.scatter.add.f32 [tilespmem:s20], [sflag:$0x5], $0x80, s21, s19, $0xb8;
	[tilespmem:$0x1D400] =	vst v63  }
0x1ad: {  	_ =	swait.ge [sflag:s14], $0x2800  }
0x1ae: {  	[sflag:s14] =	ssyncset.done $0x0  }
0x1af: {  	[sflag:s14] =	ssyncadd.s32 $0xFFFFD800  }
0x1b0: {  	[tilespmem:s20], [sflag:$0x3] =	stream.indirect.gather [hbm4b:s4+s19], $0x80, s9, s19, $0xb8;
	[tilespmem:$0x1D400] =	vst v63  }
0x1b1: {  	_ =	swait.ge [sflag:s25], $0x2800  }
0x1b2: {  	[sflag:s25] =	ssyncset.done $0x0  }
0x1b3: {  	s11 =	simm.s32 $0x4680;
	[sflag:s25] =	ssyncadd.s32 $0xFFFFD800  }
0x1b4: {  	[spmem:s2] =	stream.indirect.scatter.add.f32 [tilespmem:s22], [sflag:$0x5], $0x80, s11, s19, $0xb8;
	[tilespmem:$0x1D400] =	vst v63  }
0x1b5: {  	_ =	swait.ge [sflag:s14], $0x2800  }
0x1b6: {  	[sflag:s14] =	ssyncset.done $0x0  }
0x1b7: {  	[sflag:s14] =	ssyncadd.s32 $0xFFFFD800  }
0x1b8: {  	[tilespmem:s22], [sflag:$0x4] =	stream.indirect.gather [hbm4b:s4+s19], $0x80, s10, s19, $0xb8;
	[tilespmem:$0x1D400] =	vst v63  }
0x1b9: {  	_ =	swait.ge [sflag:s23], $0x2800  }
0x1ba: {  	[sflag:s23] =	ssyncset.done $0x0  }
0x1bb: {  	s12 =	simm.s32 $0x4700;
	[sflag:s23] =	ssyncadd.s32 $0xFFFFD800  }
0x1bc: {  	[spmem:s2] =	stream.indirect.scatter.add.f32 [tilespmem:s20], [sflag:$0x5], $0x80, s12, s19, $0xb8;
	[tilespmem:$0x1D400] =	vst v63  }
0x1bd: {  	_ =	swait.ge [sflag:s14], $0x2800  }
0x1be: {  	[sflag:s14] =	ssyncset.done $0x0  }
0x1bf: {  	[sflag:s14] =	ssyncadd.s32 $0xFFFFD800  }
0x1c0: {  	_ =	swait.ge [sflag:s25], $0x2800  }
0x1c1: {  	[sflag:s25] =	ssyncset.done $0x0  }
0x1c2: {  	s15 =	simm.s32 $0x4780;
	[sflag:s25] =	ssyncadd.s32 $0xFFFFD800  }
0x1c3: {  	[spmem:s2] =	stream.indirect.scatter.add.f32 [tilespmem:s22], [sflag:$0x5], $0x80, s15, s19, $0xb8;
	[tilespmem:$0x1D400] =	vst v63  }
0x1c4: {  	_ =	swait.ge [sflag:s14], $0x2800  }
0x1c5: {  	[sflag:s14] =	ssyncset.done $0x0  }
0x1c6: {  	[sflag:s14] =	ssyncadd.s32 $0xFFFFD800  }
0x1c7: {  	[bflag:$0x0] =	sbarrier.arrive $0xFFFF  }
0x1c8: {  	s16 =	rddreg [dreg:$0x9]  }
0x1c9: {  	s12 =	rddreg [dreg:$0xc]  }
0x1ca: {  	s15 =	rddreg [dreg:$0xd]  }
0x1cb: {  	[hbm:s16], [sflag:s12] =	dma.local [spmem:s15], $0x2780  }
0x1cc: {  	_ =	swait.ge [sflag:s14], $0x2780  }
0x1cd: {  	s11 =	rddreg [dreg:$0xe]  }
0x1ce: {  	s21 =	rddreg [dreg:$0x8];
	s11 =	sadd.s32 $0x1, s11  }
0x1cf: {  	p0 =	sne.s32 s11, s21  }
.Ltmp1:
0x1d0: {  	_ = 	snop;
	(pc) =	sbr.rel @p0 .LBB2_1-.Ltmp1, $3  }
0x1d1: {  	_ =	sdelay $0x1  }
0x1d2: {  	[sflag:s14] =	ssyncset.done $0x0  }
0x1d3: {  	[sflag:s14] =	ssyncadd.s32 $0xFFFFD880  }
0x1d4: {  	_ =	sfence.sel $0x180000  }
0x1d5: {  	[bflag:$0x0] =	sbarrier.arrive $0xFFFF  }
0x1d6: {  	_ =	strace $0x9000004D  }
0x1d7: {  	s0 =	stileid.u32;
	[bflag:$0x2] =	sbarrier.arrive $0xFFFF  }
0x1d8: {  	p0 =	sne.s32 s0, $0x0;
	s0 =	rddreg [dreg:$0x3]  }
0x1d9: {  	s0 =	sadd.s32 @!p0 $0x100000, s0  }
0x1da: {  	[sflag:s0] =	ssyncadd.tile.s32 @!p0 $0x1;
	_ =	shalt  }
.Lfunc_end2:
_tile_overlayer_lowered:
.L_overlay_start_2:
0x1db: {  	(tag) =	ssettag $0x2  }
0x1dc: {  	s0 =	rddreg [dreg:$0x0];
	s2 =	stileid.u32  }
0x1dd: {  	s1 =	rddreg [dreg:$0x1];
	p0 =	sne.s32 s2, $0x0  }
0x1de: {  	s3 =	rddreg [dreg:$0x2];
	[bflag:$0x3] =	sbarrier.arrive $0xFFFF;
	s2 =	simm.s32 @!p0 $0x1C05  }
0x1df: {  	[timem:s3], [sflag:s2] =	dma.local @!p0 [hbm:s0], s1  }
0x1e0: {  	s0 =	simm.s32 @!p0 $0x5  }
0x1e1: {  	_ =	swait.ge @!p0 [sflag:s0], s1  }
0x1e2: {  	s1 =	ssub.s32 @!p0 $0x0, s1;
	[sflag:s0] =	ssyncset.done @!p0 $0x0  }
0x1e3: {  	[sflag:s0] =	ssyncadd.s32 @!p0 s1  }
0x1e4: {  	[bflag:$0x3] =	sbarrier.arrive $0xFFFF  }
0x1e5: {  	_ =	shalt  }

// kernel: kernel.8.cloned.1.call-start
scs
__scs_entry_jumppad:
0x0: {  	(pc) =	sbr.rel $0x88, $3  }
0x1: {  	(tag) =	ssettag $0x0;
	lr =	simm.s32 $0x1  }
0x2: {  	[smem:$0x3F9B] =	sst lr;
	_ =	strace $0xD0000000  }
0x3: {  	_ = 	snop  }
0x4: {  	_ = 	snop  }
0x5: {  	_ = 	snop  }
0x6: {  	_ = 	snop  }
0x7: {  	_ = 	snop  }
__scs_overlays_trampoline_lowered:
0x8: {  	[smem:$0x3FAA] =	sst s0  }
0x9: {  	[smem:$0x3FAB] =	sst s1  }
0xa: {  	[smem:$0x3FAC] =	sst s2  }
0xb: {  	[smem:$0x3FAD] =	sst s3  }
0xc: {  	[smem:$0x3FAE] =	sst s4  }
0xd: {  	[smem:$0x3FAF] =	sst s5  }
0xe: {  	[smem:$0x3FB0] =	sst s6  }
0xf: {  	[smem:$0x3FB1] =	sst s7  }
0x10: {  	[smem:$0x3FB2] =	sst s8  }
0x11: {  	[smem:$0x3FB3] =	sst s9;
	s0 =	simm.s32 @!p0 $0x0  }
0x12: {  	s1 =	sld [smem:$0x3F99];
	s0 =	simm.s32 @p0 $0x1  }
0x13: {  	[smem:$0x3FB4] =	sst s0;
	s0 =	simm.s32 @!p1 $0x0  }
0x14: {  	s2 =	sld [smem:$0x3F98];
	s0 =	simm.s32 @p1 $0x1  }
0x15: {  	[smem:$0x3FB5] =	sst s0;
	s0 =	simm.s32 @!p2 $0x0  }
0x16: {  	s3 =	sld [smem:$0x3FDB];
	s0 =	simm.s32 @p2 $0x1  }
0x17: {  	s4 =	simm.s32 $0x1BF5;
	[smem:$0x3FB7] =	sst s0  }
0x18: {  	s0 =	sld [smem:$0x3F9A];
	_ =	swait.ge [sflag:s4], $0x0  }
0x19: {  	s7 =	sld [smem:$0x3F9B]  }
0x1a: {  	s8 =	sadd.s32 $0xFFFFE003, lr  }
0x1b: {  	s9 =	sadd.s32 $0xFFFFFEF7, lr;
	s5 =	simm.s32 $0xFFFFFFFF;
	p2 =	slt.u32 s8, $0xFFFFF086  }
0x1c: {  	p1 =	slt.u32 s9, $0xF7A;
	s5 =	simm.s32 @!p2 $0x0  }
0x1d: {  	s5 =	simm.s32 @p1 $0x1;
	p0 =	seq.s32 s7, s2  }
0x1e: {  	s7 =	smul.u32 @!p0 $0xF7A, s2;
	p2 =	seq.s32 @!p0 s5, $0x0  }
0x1f: {  	s9 =	smul.u32 $0xF7A, s1;
	s8 =	simm.s32 @!p0 $0x1BF5;
	p2 =	por !p2, p0  }
0x20: {  	[sflag:s8] =	ssyncset.s32 @!p0 $0xFFFFF086;
	s6 =	sadd.s32 @!p0 s3, s7;
	s7 =	simm.s32 @!p0 $0x108  }
0x21: {  	s3 =	sadd.s32 s3, s9;
	s6 =	sadd.s32 @!p0 $0x88, s6;
	s7 =	simm.s32 @p2 $0x1082  }
0x22: {  	[simem:s7], [sflag:s8] =	dma.local @!p0 [hbm:s6], $0xF7A  }
0x23: {  	s9 =	sor.u32 $0xD0000000, s2;
	s6 =	simm.s32 $0x108;
	_ =	swait.ge @!p0 [sflag:s8], $0x0  }
0x24: {  	s3 =	sadd.s32 $0x88, s3;
	s6 =	simm.s32 @!p1 $0x1082;
	[sflag:s4] =	ssyncset.s32 $0xFFFFF086  }
0x25: {  	[simem:s6], [sflag:s4] =	dma.local [hbm:s3], $0xF7A  }
0x26: {  	[smem:$0x3F9B] =	sst s1;
	(tag) =	ssettag s2;
	_ =	strace s9  }
0x27: {  	s1 =	sld [smem:$0x3FAB]  }
0x28: {  	s2 =	sld [smem:$0x3FAC]  }
0x29: {  	s4 =	sld [smem:$0x3FAE]  }
0x2a: {  	p0 =	seq.s32 s5, $0x0;
	s5 =	sld [smem:$0x3FAF]  }
0x2b: {  	s6 =	sld [smem:$0x3FB0]  }
0x2c: {  	s7 =	sld [smem:$0x3FB1]  }
0x2d: {  	s3 =	simm.s32 $0x108;
	s8 =	sld [smem:$0x3FB2]  }
0x2e: {  	s3 =	simm.s32 @!p0 $0x1082;
	s9 =	sld [smem:$0x3FB3]  }
0x2f: {  	lr =	sadd.s32 s0, s3;
	s0 =	sld [smem:$0x3FAA]  }
0x30: {  	s3 =	sld [smem:$0x3FAD]  }
0x31: {  	[smem:$0x3FB6] =	sst s10  }
0x32: {  	s10 =	sld [smem:$0x3FB4];
	_ =	sdelay $0x3  }
0x33: {  	p0 =	seq.s32 s10, $0x1;
	s10 =	sld [smem:$0x3FB6];
	_ =	sdelay $0x3  }
0x34: {  	[smem:$0x3FB6] =	sst s10  }
0x35: {  	s10 =	sld [smem:$0x3FB5];
	_ =	sdelay $0x3  }
0x36: {  	p1 =	seq.s32 s10, $0x1;
	s10 =	sld [smem:$0x3FB6];
	_ =	sdelay $0x3  }
0x37: {  	[smem:$0x3FB6] =	sst s10  }
0x38: {  	s10 =	sld [smem:$0x3FB7]  }
0x39: {  	_ = 	snop;
	(pc) =	sbr.ind lr, $3  }
0x3a: {  	_ = 	snop  }
0x3b: {  	_ = 	snop  }
0x3c: {  	p2 =	seq.s32 s10, $0x1;
	s10 =	sld [smem:$0x3FB6]  }
0x3d: {  	_ =	shalt  }
0x3e: {  	_ =	shalt  }
0x3f: {  	_ =	shalt  }
0x40: {  	_ =	shalt  }
0x41: {  	_ =	shalt  }
0x42: {  	_ =	shalt  }
0x43: {  	_ =	shalt  }
0x44: {  	_ =	shalt  }
0x45: {  	_ =	shalt  }
0x46: {  	_ =	shalt  }
0x47: {  	_ =	shalt  }
0x48: {  	_ =	shalt  }
0x49: {  	_ =	shalt  }
0x4a: {  	_ =	shalt  }
0x4b: {  	_ =	shalt  }
0x4c: {  	_ =	shalt  }
0x4d: {  	_ =	shalt  }
0x4e: {  	_ =	shalt  }
0x4f: {  	_ =	shalt  }
0x50: {  	_ =	shalt  }
0x51: {  	_ =	shalt  }
0x52: {  	_ =	shalt  }
0x53: {  	_ =	shalt  }
0x54: {  	_ =	shalt  }
0x55: {  	_ =	shalt  }
0x56: {  	_ =	shalt  }
0x57: {  	_ =	shalt  }
0x58: {  	_ =	shalt  }
0x59: {  	_ =	shalt  }
0x5a: {  	_ =	shalt  }
0x5b: {  	_ =	shalt  }
0x5c: {  	_ =	shalt  }
0x5d: {  	_ =	shalt  }
0x5e: {  	_ =	shalt  }
0x5f: {  	_ =	shalt  }
0x60: {  	_ =	shalt  }
0x61: {  	_ =	shalt  }
0x62: {  	_ =	shalt  }
0x63: {  	_ =	shalt  }
0x64: {  	_ =	shalt  }
0x65: {  	_ =	shalt  }
0x66: {  	_ =	shalt  }
0x67: {  	_ =	shalt  }
0x68: {  	_ =	shalt  }
0x69: {  	_ =	shalt  }
0x6a: {  	_ =	shalt  }
0x6b: {  	_ =	shalt  }
0x6c: {  	_ =	shalt  }
0x6d: {  	_ =	shalt  }
0x6e: {  	_ =	shalt  }
0x6f: {  	_ =	shalt  }
0x70: {  	_ =	shalt  }
0x71: {  	_ =	shalt  }
0x72: {  	_ =	shalt  }
0x73: {  	_ =	shalt  }
0x74: {  	_ =	shalt  }
0x75: {  	_ =	shalt  }
0x76: {  	_ =	shalt  }
0x77: {  	_ =	shalt  }
0x78: {  	_ =	shalt  }
0x79: {  	_ =	shalt  }
0x7a: {  	_ =	shalt  }
0x7b: {  	_ =	shalt  }
0x7c: {  	_ =	shalt  }
0x7d: {  	_ =	shalt  }
0x7e: {  	_ =	shalt  }
0x7f: {  	_ =	shalt  }
0x80: {  	_ =	shalt  }
0x81: {  	_ =	shalt  }
0x82: {  	_ =	shalt  }
0x83: {  	_ =	shalt  }
0x84: {  	_ =	shalt  }
0x85: {  	_ =	shalt  }
0x86: {  	_ =	shalt  }
0x87: {  	_ =	shalt  }
.Lfunc_end0:
.L_simem_size_0:
called_computation_lowered:
.L_overlay_start_0:
0x88: {  	s2 =	sld [smem:$0x3FD9]  }
0x89: {  	s3 =	sld [smem:$0x3FFE];
	_ =	sdelay $0x1  }
0x8a: {  	s1 =	srdreg.scid  }
0x8b: {  	s0 =	sand.u32 $0x1, s1  }
0x8c: {  	s16 =	sshll.u32 s0, $0xA;
	s2 =	sadd.s32 s3, s2  }
0x8d: {  	s2 =	sadd.s32 s2, s16  }
0x8e: {  	[smem:$0x3FC2] =	sst s2  }
0x8f: {  	_ = 	snop  }
0x90: {  	(tm) =	ssettm $0x1  }
0x91: {  	s17 =	sld [smem:$0x3FFB];
	_ =	sdelay $0x3  }
0x92: {  	_ =	strace s17  }
0x93: {  	s2 =	sld [smem:$0x3FFC];
	_ =	sdelay $0x3  }
0x94: {  	_ =	strace s2  }
0x95: {  	s2 =	sld [smem:$0x3FFD];
	_ =	sdelay $0x3  }
0x96: {  	_ =	strace s2  }
0x97: {  	_ =	strace $0x8FFFFFFF  }
0x98: {  	s18 =	sld [smem:$0x3FDB];
	_ =	sdelay $0x1  }
0x99: {  	s19 =	simm.s32 $_scs_section_size  }
0x9a: {  	s4 =	simm.s32 $_size__tile_overlayer_lowered;
	s5 =	simm.s32 $_tile_overlayer_lowered  }
0x9b: {  	s22 =	simm.s32 $0x1BFF;
	s21 =	sshll.u32 s5, $0x1;
	s2 =	sadd.s32 s19, s18  }
0x9c: {  	s6 =	simm.s32 $0x0;
	s20 =	sshll.u32 s4, $0x1;
	s4 =	sadd.s32 s21, s2  }
0x9d: {  	[timem:s6], [sflag:s22] =	dma.local [hbm:s4], s20  }
0x9e: {  	_ =	swait.ge [sflag:s22], s20  }
0x9f: {  	s3 =	ssub.s32 $0x0, s20;
	[sflag:s22] =	ssyncset.done $0x0  }
0xa0: {  	[sflag:s22] =	ssyncadd.s32 s3;
	_ =	sdelay $0x1  }
0xa1: {  	s23 =	simm.s32 $0x1B8B  }
0xa2: {  	_ =	swait.ge [sflag:s23], $0x1  }
0xa3: {  	[sflag:s23] =	ssyncset.done $0x0  }
0xa4: {  	s25 =	simm.s32 $0x1B8E;
	s24 =	sld [smem:$0x3FFE];
	[sflag:s23] =	ssyncadd.s32 $0xFFFFFFFF  }
0xa5: {  	s26 =	simm.s32 $execute0_lowered;
	[smem:$0x3FD2] =	sst s25  }
0xa6: {  	s4 =	sshll.u32 s26, $0x1;
	_ =	strace $0x80000046;
	[dreg:$0x1] =	wrdreg $0xFFFFFFFF  }
0xa7: {  	s28 =	simm.s32 $_size_execute0_lowered;
	s2 =	sadd.s32 s2, s4;
	[dreg:$0x0] =	wrdreg $0x0  }
0xa8: {  	s4 =	sshll.u32 s28, $0x1;
	[dreg:$0x2] =	wrdreg s2  }
0xa9: {  	[dreg:$0x3] =	wrdreg s4  }
0xaa: {  	[dreg:$0x4] =	wrdreg $0xC0  }
0xab: {  	_ =	task [dreg:s6], $0x5FFFF  }
0xac: {  	[dreg:$0x1] =	wrdreg $0xFFFFFFFF  }
0xad: {  	[dreg:$0x0] =	wrdreg $0x60  }
0xae: {  	[dreg:$0x2] =	wrdreg s24  }
0xaf: {  	[dreg:$0x3] =	wrdreg $0x9  }
0xb0: {  	_ =	task.clear_ibuf [dreg:s6], $0x4FFFF;
	_ =	strace $0x90000046  }
0xb1: {  	s29 =	simm.s32 $0x9;
	_ =	strace $0x80000048  }
0xb2: {  	_ =	swait.ge [sflag:s29], $0x1  }
0xb3: {  	[sflag:s29] =	ssyncadd.s32 $0xFFFFFFFF  }
0xb4: {  	_ =	strace $0x90000048  }
0xb5: {  	_ =	sfence  }
0xb6: {  	s30 =	sld [smem:$0x0];
	_ =	sdelay $0x2  }
0xb7: {  	s31 =	sshll.u32 s1, $0xD;
	s1 =	sshrl.u32 s1, $0x2  }
0xb8: {  	s3 =	sand.u32 $0x4000, s31;
	s1 =	sadd.s32 s1, s30  }
0xb9: {  	s0 =	sor.u32 s3, s0;
	s1 =	sshll.u32 s1, $0x11  }
0xba: {  	s0 =	sor.u32 s1, s0  }
0xbb: {  	s0 =	sadd.s32 $0x8F2B, s0  }
0xbc: {  	[sflag:s0] =	ssyncadd.remote.s32 $0x1  }
0xbd: {  	_ =	sfence.sel $0xFFFF  }
0xbe: {  	[dreg:$0x0] =	wrdreg $0xFFFFFFFF;
	(pc) =	sbr.abs _section_cstart, $3  }
0xbf: {  	[dreg:$0x1] =	wrdreg $0xFFFFFFFF  }
0xc0: {  	_ =	task.clear_ibuf [dreg:s6], $0x2FFFF;
	_ =	strace $0x9FFFFFFF  }
0xc1: {  	(tm) =	ssettm $0x7FFFFFFF  }
tec
execute0_lowered:
.L_overlay_start_1:
0x0: {  	(tag) =	ssettag $0x1  }
0x1: {  	s4 =	rddreg [dreg:$0x0];
	s1 =	srdreg.scid  }
0x2: {  	s0 =	stileid.u32;
	s8 =	simm.s32 $0x400;
	s9 =	simm.s32 $0x1  }
0x3: {  	s10 =	simm.s32 $0x2780;
	s11 =	simm.s32 $0x0;
	s3 =	sand.u32 $0x1, s1  }
0x4: {  	s29 =	sshrl.u32 s0, $0x2;
	s2 =	sshll.u32 s0, $0x8;
	s1 =	rddreg [dreg:$0x1]  }
0x5: {  	s5 =	smul.u32 $0x13C00, s29;
	s6 =	sshll.u32 s3, $0x7;
	s7 =	sand.u32 $0x300, s2  }
0x6: {  	s2 =	simm.s32 $0x0;
	s30 =	ssub.s32 $0x2, s3;
	s6 =	sor.u32 s6, s7  }
0x7: {  	s3 =	sadd.s32 $0xCE00, s4;
	[smem:$0x7FF] =	sst s2;
	s5 =	sor.u32 s5, s6  }
0x8: {  	s31 =	sshrl.u32 s30, $0x1;
	s7 =	simm.s32 $0x80;
	s5 =	sshrl.u32 s5, $0x3  }
0x9: {  	_ =	strace $0x80000047;
	s6 =	ssub.s32 s30, s31;
	s5 =	sadd.s32 s5, s4  }
0xa: {  	v0 =	vimm.f32 $1.000000000e+00;
	s6 =	smax.u32 s6, $0x1;
	s4 =	sadd.s32 $0x3000, s5;
	s5 =	sadd.s32 $0xD400, s5  }
.LBB2_1:
0xb: {  	[tilespmem:s2], [sflag:$0x1] =	stream.strided.gather [hbm4b:s4+s7], $0x2780, s8, s7, $0x38;
	[tilespmem:$0x4F00] =	vst v63  }
0xc: {  	_ =	swait.ge [sflag:s9], $0x2780  }
0xd: {  	[sflag:s9] =	ssyncset.done $0x0  }
0xe: {  	[sflag:s9] =	ssyncadd.s32 $0xFFFFD880  }
0xf: {  	[tilespmem:s10], [sflag:$0x1] =	stream.linear.gather [hbm4b:s3+s2], $0x2780, $0x38;
	[tilespmem:$0x4F00] =	vst v63  }
0x10: {  	_ =	swait.ge [sflag:s9], $0x2780  }
0x11: {  	[sflag:s9] =	ssyncset.done $0x0  }
0x12: {  	s13 =	simm.s32 $0x0;
	s12 =	simm.s32 $0x40;
	[sflag:s9] =	ssyncadd.s32 $0xFFFFD880  }
.LBB2_2:
0x13: {  	p0 =	sne.s32 s12, $0x9C00;
	v1 =	vld [tilespmem:s13+$0x0];
	_ =	sdelay $0x3  }
.Ltmp0:
0x14: {  	(pc) =	sbr.rel @p0 .LBB2_2-.Ltmp0, $2  }
0x15: {  	_ =	sdelay $0x2  }
0x16: {  	s13 =	sshra.s32 s12, $0x2;
	s12 =	sadd.s32 $0x40, s12;
	[tilespmem:v1+s10+$0x0] =	vst.idx.add.f32.msk $0xffff, v0  }
0x17: {  	v1 =	vld [tilespmem:s13+$0x0];
	_ =	sdelay $0x5  }
0x18: {  	s11 =	sadd.s32 $0x1, s11  }
0x19: {  	p0 =	sne.s32 s11, s6  }
.Ltmp1:
0x1a: {  	[tilespmem:v1+s10+$0x0] =	vst.idx.add.f32.msk $0xffff, v0;
	(pc) =	sbr.rel @p0 .LBB2_1-.Ltmp1, $4  }
0x1b: {  	[hbm4b:s5+s7] =	stream.strided.scatter [tilespmem:s10], [sflag:$0x1], $0x2780, s8, s7, $0x38;
	[tilespmem:$0x4F00] =	vst v63  }
0x1c: {  	_ =	swait.ge [sflag:s9], $0x2780  }
0x1d: {  	[sflag:s9] =	ssyncset.done $0x0  }
0x1e: {  	[sflag:s9] =	ssyncadd.s32 $0xFFFFD880  }
0x1f: {  	_ =	sfence.sel $0x180000  }
0x20: {  	[bflag:$0x0] =	sbarrier.arrive $0xFFFF  }
0x21: {  	p0 =	sne.s32 s0, $0x0;
	_ =	strace $0x90000047  }
0x22: {  	s0 =	sadd.s32 @!p0 $0x100000, s1;
	[bflag:$0x2] =	sbarrier.arrive $0xFFFF  }
0x23: {  	[sflag:s0] =	ssyncadd.tile.s32 @!p0 $0x1;
	_ =	shalt  }
.Lfunc_end2:
_tile_overlayer_lowered:
.L_overlay_start_2:
0x24: {  	(tag) =	ssettag $0x2  }
0x25: {  	s0 =	rddreg [dreg:$0x0];
	s2 =	stileid.u32  }
0x26: {  	s1 =	rddreg [dreg:$0x1];
	p0 =	sne.s32 s2, $0x0  }
0x27: {  	s3 =	rddreg [dreg:$0x2];
	[bflag:$0x3] =	sbarrier.arrive $0xFFFF;
	s2 =	simm.s32 @!p0 $0x1C01  }
0x28: {  	[timem:s3], [sflag:s2] =	dma.local @!p0 [hbm:s0], s1  }
0x29: {  	s0 =	simm.s32 @!p0 $0x1  }
0x2a: {  	_ =	swait.ge @!p0 [sflag:s0], s1  }
0x2b: {  	s1 =	ssub.s32 @!p0 $0x0, s1;
	[sflag:s0] =	ssyncset.done @!p0 $0x0  }
0x2c: {  	[sflag:s0] =	ssyncadd.s32 @!p0 s1  }
0x2d: {  	[bflag:$0x3] =	sbarrier.arrive $0xFFFF  }
0x2e: {  	_ =	shalt  }

</sc_bundles>
